<compile_context>
chip_gen: v7x
topology: tpu7x:2x2x1
jax: 0.10.2.dev20260603
libtpu: 0.0.44.dev20260713+nightly
codegen_flags: <defaults>
</compile_context>

<pallas_src>
import functools

import jax
import jax.numpy as jnp
from jax import lax
from jax.experimental import pallas as pl
from jax.experimental.pallas import tpu as pltpu
from jax.experimental.pallas import tpu_sc as plsc

NN = 10000
EE = 320000
DD = 128

NC = 2
NS = 16
NW = NC * NS
EW = EE // NW
CH = 80
NCH = EW // CH
RW8 = (NN // NS) // 8 * 8



def _tc1_body(x_ref, w_ref, as_ref, ad_ref, h_ref, aux_ref, gm_ref):
    xb = x_ref[...]
    hb = jnp.dot(xb, w_ref[...], preferred_element_type=jnp.float32)
    h_ref[...] = hb
    asr = lax.dot_general(as_ref[...], hb, (((1,), (1,)), ((), ())),
                          preferred_element_type=jnp.float32)
    adr = lax.dot_general(ad_ref[...], hb, (((1,), (1,)), ((), ())),
                          preferred_element_type=jnp.float32)
    aux_ref[...] = jnp.concatenate(
        [asr, adr, jnp.zeros((6, NN), jnp.float32)], axis=0)
    gm_ref[...] = jnp.stack(
        [jnp.full((8, 128), jnp.max(asr), jnp.float32),
         jnp.full((8, 128), jnp.max(adr), jnp.float32)])


def _tc_phase1(x, w, att_s, att_d):
    return pl.pallas_call(
        _tc1_body,
        grid=(1,),
        in_specs=[
            pl.BlockSpec((NN, DD), lambda i: (0, 0)),
            pl.BlockSpec((DD, DD), lambda i: (0, 0)),
            pl.BlockSpec((1, DD), lambda i: (0, 0)),
            pl.BlockSpec((1, DD), lambda i: (0, 0)),
        ],
        out_specs=[
            pl.BlockSpec((NN, DD), lambda i: (0, 0)),
            pl.BlockSpec((8, NN), lambda i: (0, 0)),
            pl.BlockSpec((2, 8, 128), lambda i: (0, 0, 0)),
        ],
        out_shape=[
            jax.ShapeDtypeStruct((NN, DD), jnp.float32),
            jax.ShapeDtypeStruct((8, NN), jnp.float32),
            jax.ShapeDtypeStruct((2, 8, 128), jnp.float32),
        ],
    )(x, w, att_s, att_d)




def _sc_mesh():
    return plsc.VectorSubcoreMesh(core_axis_name="c", subcore_axis_name="s")


@functools.partial(
    pl.kernel,
    mesh=_sc_mesh(),
    compiler_params=pltpu.CompilerParams(needs_layout_passes=False),
    out_type=[
        jax.ShapeDtypeStruct((EE,), jnp.float32),
        jax.ShapeDtypeStruct((NW * NN,), jnp.float32),
    ],
    scratch_types=[
        pltpu.VMEM((NN,), jnp.float32),
        pltpu.VMEM((NN,), jnp.float32),
        pltpu.VMEM((EW,), jnp.int32),
        pltpu.VMEM((EW,), jnp.int32),
        pltpu.VMEM((NN,), jnp.float32),
        pltpu.VMEM((EW,), jnp.float32),
        pltpu.VMEM((16,), jnp.float32),
        pltpu.SemaphoreType.DMA,
    ],
)
def _sc_phase2(asf_hbm, adf_hbm, src_hbm, dst_hbm, g_hbm,
               ex_hbm, denp_hbm,
               as_v, ad_v, se_v, de_v, den_v, ex_v, g_v, sem):
    wid = lax.axis_index("s") * NC + lax.axis_index("c")
    base = wid * EW
    pltpu.async_copy(asf_hbm, as_v, sem)
    pltpu.async_copy(adf_hbm, ad_v, sem)
    pltpu.async_copy(src_hbm.at[pl.ds(base, EW)], se_v, sem)
    pltpu.async_copy(dst_hbm.at[pl.ds(base, EW)], de_v, sem)
    pltpu.async_copy(g_hbm, g_v, sem)
    pltpu.make_async_copy(asf_hbm, as_v, sem).wait()
    pltpu.make_async_copy(adf_hbm, ad_v, sem).wait()
    pltpu.make_async_copy(src_hbm.at[pl.ds(base, EW)], se_v, sem).wait()
    pltpu.make_async_copy(dst_hbm.at[pl.ds(base, EW)], de_v, sem).wait()
    pltpu.make_async_copy(g_hbm, g_v, sem).wait()
    gv = g_v[...]
    zero = jnp.zeros((16,), jnp.float32)

    def zbody(i, _):
        den_v[pl.ds(i * 16, 16)] = zero
        return 0

    lax.fori_loop(0, NN // 16, zbody, 0)

    @plsc.parallel_loop(0, EW // 16, unroll=4)
    def _(i):
        sl = pl.ds(i * 16, 16)
        sv = se_v[sl]
        dv = de_v[sl]
        a = plsc.load_gather(as_v, [sv]) + plsc.load_gather(ad_v, [dv])
        a = jnp.where(a >= 0.0, a, a * jnp.float32(0.2))
        e = jnp.exp(a - gv)
        ex_v[sl] = e
        plsc.addupdate_scatter(den_v, [dv], e)
    pltpu.sync_copy(ex_v, ex_hbm.at[pl.ds(base, EW)])
    pltpu.sync_copy(den_v, denp_hbm.at[pl.ds(wid * NN, NN)])




def _tc3_body(dp_ref, dinv_ref):
    s = jnp.sum(dp_ref[...], axis=0, keepdims=True)
    dinv_ref[...] = jnp.broadcast_to(1.0 / (s + 1e-16), dinv_ref.shape)


def _tc_phase3(denp):
    return pl.pallas_call(
        _tc3_body,
        grid=(1,),
        in_specs=[pl.BlockSpec((NW, NN), lambda i: (0, 0))],
        out_specs=pl.BlockSpec((8, NN), lambda i: (0, 0)),
        out_shape=jax.ShapeDtypeStruct((8, NN), jnp.float32),
    )(denp)




@functools.partial(
    pl.kernel,
    mesh=_sc_mesh(),
    compiler_params=pltpu.CompilerParams(needs_layout_passes=False),
    out_type=[
        jax.ShapeDtypeStruct((EE,), jnp.float32),
        jax.ShapeDtypeStruct((NC, NN, DD), jnp.float32),
    ],
    scratch_types=[
        pltpu.VMEM((NN,), jnp.float32),
        pltpu.VMEM((CH,), jnp.int32),
        pltpu.VMEM((CH,), jnp.int32),
        pltpu.VMEM((CH,), jnp.int32),
        pltpu.VMEM((CH,), jnp.int32),
        pltpu.VMEM((CH,), jnp.int32),
        pltpu.VMEM((CH,), jnp.int32),
        pltpu.VMEM((CH,), jnp.float32),
        pltpu.VMEM((CH,), jnp.float32),
        pltpu.VMEM((CH,), jnp.float32),
        pltpu.VMEM((CH,), jnp.float32),
        pltpu.VMEM((CH,), jnp.float32),
        pltpu.VMEM((CH,), jnp.float32),
        pltpu.VMEM((CH, DD), jnp.float32),
        pltpu.VMEM((CH, DD), jnp.float32),
        pltpu.VMEM((CH, DD), jnp.float32),
        pltpu.VMEM_SHARED((NN, DD), jnp.float32),
        pltpu.SemaphoreType.DMA,
        pltpu.SemaphoreType.DMA,
        pltpu.SemaphoreType.DMA,
        pltpu.SemaphoreType.DMA,
        pltpu.SemaphoreType.DMA,
        pltpu.SemaphoreType.DMA,
        pltpu.SemaphoreType.DMA,
        pltpu.SemaphoreType.DMA,
        pltpu.SemaphoreType.DMA,
        pltpu.SemaphoreType.DMA,
        pltpu.SemaphoreType.DMA,
        pltpu.SemaphoreType.DMA,
    ],
)
def _sc_phase4(h_hbm, dinv_hbm, src_hbm, dst_hbm, ex_hbm,
               al_hbm, outp_hbm,
               dinv_v, sidx0, sidx1, sidx2, didx0, didx1, didx2,
               exch0, exch1, exch2, alch0, alch1, alch2,
               rows0_v, rows1_v, rows2_v, acc_sh,
               semi0, semi1, semi2, semg0, semg1, semg2,
               sema0, sema1, sema2, semsc0, semsc1, semsc2):
    cid = lax.axis_index("c")
    tid = lax.axis_index("s")
    wid = tid * NC + cid
    base = wid * EW
    pltpu.sync_copy(dinv_hbm.at[0], dinv_v)
    rows_bufs = (rows0_v, rows1_v, rows2_v)
    sidx_bufs = (sidx0, sidx1, sidx2)
    didx_bufs = (didx0, didx1, didx2)
    exch_bufs = (exch0, exch1, exch2)
    alch_bufs = (alch0, alch1, alch2)
    semis = (semi0, semi1, semi2)
    semgs = (semg0, semg1, semg2)
    semas = (sema0, sema1, sema2)
    semscs = (semsc0, semsc1, semsc2)

    zero = jnp.zeros((16,), jnp.float32)

    def zrow(r, _):
        for k in range(DD // 16):
            rows0_v[r, pl.ds(k * 16, 16)] = zero
        return 0

    lax.fori_loop(0, CH, zrow, 0)
    rstart = tid * RW8
    for q in range(RW8 // CH):
        pltpu.sync_copy(rows0_v, acc_sh.at[pl.ds(rstart + q * CH, CH)])
    rem = RW8 - (RW8 // CH) * CH
    pltpu.sync_copy(rows0_v.at[pl.ds(0, rem)],
                    acc_sh.at[pl.ds(rstart + (RW8 // CH) * CH, rem)])

    @pl.when(tid == NS - 1)
    def _():
        pltpu.sync_copy(rows0_v.at[pl.ds(0, NN - NS * RW8)],
                        acc_sh.at[pl.ds(NS * RW8, NN - NS * RW8)])

    plsc.subcore_barrier()

    def issue_idx(c, b):
        sl = pl.ds(base + c * CH, CH)
        pltpu.async_copy(src_hbm.at[sl], sidx_bufs[b], semis[b])
        pltpu.async_copy(dst_hbm.at[sl], didx_bufs[b], semis[b])
        pltpu.async_copy(ex_hbm.at[sl], exch_bufs[b], semis[b])

    def wait_idx(c, b):
        sl = pl.ds(base + c * CH, CH)
        pltpu.make_async_copy(src_hbm.at[sl], sidx_bufs[b], semis[b]).wait()
        pltpu.make_async_copy(dst_hbm.at[sl], didx_bufs[b], semis[b]).wait()
        pltpu.make_async_copy(ex_hbm.at[sl], exch_bufs[b], semis[b]).wait()

    def issue_gather(b):
        pltpu.async_copy(h_hbm.at[sidx_bufs[b]], rows_bufs[b], semgs[b])

    def wait_gather(b):
        pltpu.make_async_copy(h_hbm.at[sidx_bufs[b]], rows_bufs[b],
                              semgs[b]).wait()

    def wait_scatter(b):
        pltpu.make_async_copy(rows_bufs[b], acc_sh.at[didx_bufs[b]],
                              semscs[b]).wait()

    def wait_alpha(c, b):
        pltpu.make_async_copy(alch_bufs[b],
                              al_hbm.at[pl.ds(base + c * CH, CH)],
                              semas[b]).wait()

    def step(c, b):
        c = jnp.asarray(c, jnp.int32)
        b1 = (b + 1) % 3
        b2 = (b + 2) % 3

        @pl.when(c >= 1)
        def _():
            wait_scatter(b2)

        @pl.when(c + 2 <= NCH - 1)
        def _():
            issue_idx(c + 2, b2)

        @pl.when(c + 1 <= NCH - 1)
        def _():
            wait_idx(c + 1, b1)
            issue_gather(b1)

        @pl.when(c >= 3)
        def _():
            wait_alpha(c - 3, b)

        rows_v = rows_bufs[b]
        didx_v = didx_bufs[b]
        exch_v = exch_bufs[b]
        alch_v = alch_bufs[b]
        for k in range(CH // 16):
            k16 = pl.ds(k * 16, 16)
            alch_v[k16] = exch_v[k16] * plsc.load_gather(dinv_v,
                                                         [didx_v[k16]])
        pltpu.async_copy(alch_v, al_hbm.at[pl.ds(base + c * CH, CH)],
                         semas[b])
        wait_gather(b)

        @plsc.parallel_loop(0, CH, unroll=4)
        def _(r):
            asp = plsc.load_gather(alch_v, [jnp.full((16,), r, jnp.int32)])
            for k in range(DD // 16):
                k16 = pl.ds(k * 16, 16)
                rows_v[r, k16] = rows_v[r, k16] * asp

        pltpu.async_copy(rows_v, acc_sh.at[didx_v], semscs[b], add=True)

    issue_idx(0, 0)
    issue_idx(1, 1)
    wait_idx(0, 0)
    issue_gather(0)

    def chunk3(c3, _):
        for bb in range(3):
            step(c3 * 3 + bb, bb)
        return 0

    lax.fori_loop(0, NCH // 3, chunk3, 0)
    for cc in range((NCH // 3) * 3, NCH):
        step(cc, cc % 3)
    wait_scatter((NCH - 1) % 3)
    for cc in range(NCH - 3, NCH):
        wait_alpha(cc, cc % 3)
    plsc.subcore_barrier()
    pltpu.sync_copy(acc_sh.at[pl.ds(rstart, RW8)],
                    outp_hbm.at[cid, pl.ds(rstart, RW8)])

    @pl.when(tid == NS - 1)
    def _():
        pltpu.sync_copy(acc_sh.at[pl.ds(NS * RW8, NN - NS * RW8)],
                        outp_hbm.at[cid, pl.ds(NS * RW8, NN - NS * RW8)])




def _tc5_body(p_ref, b_ref, o_ref):
    o_ref[...] = p_ref[0] + p_ref[1] + b_ref[...]


def _tc_phase5(outp, bias2):
    blk = 1000
    grid = NN // blk
    return pl.pallas_call(
        _tc5_body,
        grid=(grid,),
        in_specs=[
            pl.BlockSpec((NC, blk, DD), lambda i: (0, i, 0)),
            pl.BlockSpec((1, DD), lambda i: (0, 0)),
        ],
        out_specs=pl.BlockSpec((blk, DD), lambda i: (i, 0)),
        out_shape=jax.ShapeDtypeStruct((NN, DD), jnp.float32),
    )(outp, bias2)




def kernel(x, edge_index, W, att_src, att_dst, bias):
    att_s = att_src.reshape(1, DD)
    att_d = att_dst.reshape(1, DD)
    src = edge_index[0]
    dst = edge_index[1]

    h, aux, gm = _tc_phase1(x, W, att_s, att_d)
    g = gm[0, 0, 0] + gm[1, 0, 0]
    g = jnp.where(g >= 0.0, g, g * jnp.float32(0.2))
    gvec = jnp.full((16,), g, jnp.float32)

    ex, denp = _sc_phase2(aux[0], aux[1], src, dst, gvec)
    dinv = _tc_phase3(denp.reshape(NW, NN))

    alpha, outp = _sc_phase4(h, dinv, src, dst, ex)

    out = _tc_phase5(outp, bias.reshape(1, DD))
    return out, edge_index, alpha.reshape(EE, 1)

# --- scband reference (transcript-rebuilt; emitter-appended) ---
"""Pipeline reference for scband-gat-24592982737083 (READ-ONLY COPY).

The authoritative reference and input builder live on the scoring server;
editing this copy changes nothing except your own understanding.
"""

import jax, jax.numpy as jnp
import numpy as np

N = 10000
E = 320000
D_IN = 128
HID = 128
HEADS = 1


def setup_inputs(seed: int = 0) -> dict:
    key = jax.random.key(seed)
    k1, k2, k3, k4, k5 = jax.random.split(key, 5)
    x = jax.random.normal(k1, (N, D_IN), dtype=jnp.float32)
    edge_index = jax.random.randint(k2, (2, E), 0, N, dtype=jnp.int32)
    # GATConv(conv1) learned parameters: lin weight, att_src, att_dst, bias
    W = jax.random.normal(k3, (D_IN, HEADS * HID), dtype=jnp.float32) * (1.0 / np.sqrt(D_IN))
    att_src = jax.random.normal(k4, (1, HEADS, HID), dtype=jnp.float32) * 0.1
    att_dst = jax.random.normal(k5, (1, HEADS, HID), dtype=jnp.float32) * 0.1
    bias = jnp.zeros((HEADS * HID,), dtype=jnp.float32)
    return {"x": x, "edge_index": edge_index, "W": W, "att_src": att_src, "att_dst": att_dst, "bias": bias}


def reference(x, edge_index, W, att_src, att_dst, bias):
    # Faithful translation of GAT.forward: only conv1 is applied,
    # and (since return_attention_weights is a bool in PyG) the conv
    # returns (out, (edge_index, alpha)). add_self_loops=False.
    src = edge_index[0]
    dst = edge_index[1]
    h = (x @ W).reshape(N, HEADS, HID)                      # [N, H, C]
    alpha_src = jnp.sum(h * att_src, axis=-1)               # [N, H]
    alpha_dst = jnp.sum(h * att_dst, axis=-1)               # [N, H]
    alpha = alpha_src[src] + alpha_dst[dst]                 # [E, H] gather
    alpha = jax.nn.leaky_relu(alpha, negative_slope=0.2)
    # softmax over incoming edges grouped by dst node
    amax = jax.ops.segment_max(alpha, dst, num_segments=N)  # [N, H]
    amax = jnp.where(jnp.isfinite(amax), amax, 0.0)
    ex = jnp.exp(alpha - amax[dst])
    denom = jax.ops.segment_sum(ex, dst, num_segments=N)
    alpha_n = ex / (denom[dst] + 1e-16)                     # [E, H]
    msg = h[src] * alpha_n[:, :, None]                      # [E, H, C]
    out = jax.ops.segment_sum(msg, dst, num_segments=N)     # [N, H, C]
    out = out.reshape(N, HEADS * HID) + bias                # concat heads + bias
    return out, edge_index, alpha_n

if __name__ == "__main__":
    import jax
    _d = setup_inputs()
    print(jax.jit(kernel)(*tuple(_d.values())))

</pallas_src>

<mosaic_0001>
#map = affine_map<(d0, d1) -> (0)>
module attributes {stable_mosaic.version = 14 : i64} {
  func.func @_sc_phase2(%arg0: i32, %arg1: i32, %arg2: memref<10000xf32, #tpu.memory_space<hbm>>, %arg3: memref<10000xf32, #tpu.memory_space<hbm>>, %arg4: memref<320000xi32, #tpu.memory_space<hbm>>, %arg5: memref<320000xi32, #tpu.memory_space<hbm>>, %arg6: memref<16xf32, #tpu.memory_space<hbm>>, %arg7: memref<320000xf32, #tpu.memory_space<hbm>>, %arg8: memref<320000xf32, #tpu.memory_space<hbm>>, %arg9: memref<10000xf32, #tpu.memory_space<vmem>>, %arg10: memref<10000xf32, #tpu.memory_space<vmem>>, %arg11: memref<10000xi32, #tpu.memory_space<vmem>>, %arg12: memref<10000xi32, #tpu.memory_space<vmem>>, %arg13: memref<10000xf32, #tpu.memory_space<vmem>>, %arg14: memref<10000xf32, #tpu.memory_space<vmem>>, %arg15: memref<16xf32, #tpu.memory_space<vmem>>, %arg16: memref<!tpu.dma_semaphore, #tpu.memory_space<semaphore_mem>>) attributes {dimension_semantics = [#tpu.dimension_semantics<core_parallel>, #tpu.dimension_semantics<subcore_parallel>], iteration_bounds = array<i64: 2, 16>, scalar_prefetch = 0 : i64, scratch_operands = 8 : i64, tpu.core_type = #tpu.core_type<sc_vector_subcore>, window_params = [{transform_indices = #map}, {transform_indices = #map}, {transform_indices = #map}, {transform_indices = #map}, {transform_indices = #map}, {transform_indices = #map}, {transform_indices = #map}]} {
    %mul3A = arith.constant 2 : i32
    %mul3A_0 = arith.muli %arg1, %mul3A : i32
    %add3A = arith.addi %mul3A_0, %arg0 : i32
    %mul3A_1 = arith.constant 10000 : i32
    %mul3A_2 = arith.muli %add3A, %mul3A_1 : i32
    tpu.enqueue_dma source(%arg2 : memref<10000xf32, #tpu.memory_space<hbm>>) target(%arg9 : memref<10000xf32, #tpu.memory_space<vmem>>) target_semaphore(%arg16 : memref<!tpu.dma_semaphore, #tpu.memory_space<semaphore_mem>>)
    tpu.enqueue_dma source(%arg3 : memref<10000xf32, #tpu.memory_space<hbm>>) target(%arg10 : memref<10000xf32, #tpu.memory_space<vmem>>) target_semaphore(%arg16 : memref<!tpu.dma_semaphore, #tpu.memory_space<semaphore_mem>>)
    %dma_start3A = tpu.memref_slice %arg4[%mul3A_2] : memref<320000xi32, #tpu.memory_space<hbm>> -> memref<10000xi32, #tpu.memory_space<hbm>>
    %dma_start3A_3 = tpu.memref_slice %arg4[%mul3A_2] : memref<320000xi32, #tpu.memory_space<hbm>> -> memref<10000xi32, #tpu.memory_space<hbm>>
    tpu.enqueue_dma source(%dma_start3A_3 : memref<10000xi32, #tpu.memory_space<hbm>>) target(%arg11 : memref<10000xi32, #tpu.memory_space<vmem>>) target_semaphore(%arg16 : memref<!tpu.dma_semaphore, #tpu.memory_space<semaphore_mem>>)
    %dma_start3A_4 = tpu.memref_slice %arg5[%mul3A_2] : memref<320000xi32, #tpu.memory_space<hbm>> -> memref<10000xi32, #tpu.memory_space<hbm>>
    %dma_start3A_5 = tpu.memref_slice %arg5[%mul3A_2] : memref<320000xi32, #tpu.memory_space<hbm>> -> memref<10000xi32, #tpu.memory_space<hbm>>
    tpu.enqueue_dma source(%dma_start3A_5 : memref<10000xi32, #tpu.memory_space<hbm>>) target(%arg12 : memref<10000xi32, #tpu.memory_space<vmem>>) target_semaphore(%arg16 : memref<!tpu.dma_semaphore, #tpu.memory_space<semaphore_mem>>)
    tpu.enqueue_dma source(%arg6 : memref<16xf32, #tpu.memory_space<hbm>>) target(%arg15 : memref<16xf32, #tpu.memory_space<vmem>>) target_semaphore(%arg16 : memref<!tpu.dma_semaphore, #tpu.memory_space<semaphore_mem>>)
    tpu.wait_dma2 semaphore(%arg16 : memref<!tpu.dma_semaphore, #tpu.memory_space<semaphore_mem>>) src(%arg2 : memref<10000xf32, #tpu.memory_space<hbm>>) dst(%arg9 : memref<10000xf32, #tpu.memory_space<vmem>>)
    tpu.wait_dma2 semaphore(%arg16 : memref<!tpu.dma_semaphore, #tpu.memory_space<semaphore_mem>>) src(%arg3 : memref<10000xf32, #tpu.memory_space<hbm>>) dst(%arg10 : memref<10000xf32, #tpu.memory_space<vmem>>)
    %dma_wait3A = tpu.memref_slice %arg4[%mul3A_2] : memref<320000xi32, #tpu.memory_space<hbm>> -> memref<10000xi32, #tpu.memory_space<hbm>>
    %dma_wait3A_6 = tpu.memref_slice %arg4[%mul3A_2] : memref<320000xi32, #tpu.memory_space<hbm>> -> memref<10000xi32, #tpu.memory_space<hbm>>
    tpu.wait_dma2 semaphore(%arg16 : memref<!tpu.dma_semaphore, #tpu.memory_space<semaphore_mem>>) src(%dma_wait3A_6 : memref<10000xi32, #tpu.memory_space<hbm>>) dst(%arg11 : memref<10000xi32, #tpu.memory_space<vmem>>)
    %dma_wait3A_7 = tpu.memref_slice %arg5[%mul3A_2] : memref<320000xi32, #tpu.memory_space<hbm>> -> memref<10000xi32, #tpu.memory_space<hbm>>
    %dma_wait3A_8 = tpu.memref_slice %arg5[%mul3A_2] : memref<320000xi32, #tpu.memory_space<hbm>> -> memref<10000xi32, #tpu.memory_space<hbm>>
    tpu.wait_dma2 semaphore(%arg16 : memref<!tpu.dma_semaphore, #tpu.memory_space<semaphore_mem>>) src(%dma_wait3A_8 : memref<10000xi32, #tpu.memory_space<hbm>>) dst(%arg12 : memref<10000xi32, #tpu.memory_space<vmem>>)
    tpu.wait_dma2 semaphore(%arg16 : memref<!tpu.dma_semaphore, #tpu.memory_space<semaphore_mem>>) src(%arg6 : memref<16xf32, #tpu.memory_space<hbm>>) dst(%arg15 : memref<16xf32, #tpu.memory_space<vmem>>)
    %get3A = arith.constant 0 : index
    %get3A_9 = tpu.vector_load %arg15[%get3A] {strides = array<i32>} : memref<16xf32, #tpu.memory_space<vmem>>, vector<16xf32>,
    %broadcast_in_dim3A = arith.constant 0.000000e+00 : f32
    %broadcast_in_dim3A_10 = vector.broadcast %broadcast_in_dim3A : f32 to vector<16xf32>
    %scan3A = arith.constant 0 : i32
    %scan3A_11 = arith.constant 0 : i32
    %scan3A_12 = arith.constant 625 : i32
    %scan3A_13 = arith.addi %scan3A_11, %scan3A_12 : i32
    %scan3A_14 = arith.constant 1 : i32
    %scan3A_15 = scf.for %scan3A_21 = %scan3A_11 to %scan3A_13 step %scan3A_14 iter_args(%scan3A_22 = %scan3A) -> (i32)  : i32 {
      %mul3A_23 = arith.constant 16 : i32
      %mul3A_24 = arith.muli %scan3A_21, %mul3A_23 : i32
      %swap3A = arith.index_cast %mul3A_24 : i32 to index
      %swap3A_25 = tpu.vector_load %arg13[%swap3A] {strides = array<i32>} : memref<10000xf32, #tpu.memory_space<vmem>>, vector<16xf32>,
      tpu.vector_store %arg13[%swap3A], %broadcast_in_dim3A_10 {strides = array<i32>} : memref<10000xf32, #tpu.memory_space<vmem>>, vector<16xf32>,
      %scan3A_26 = arith.constant 0 : i32
      scf.yield %scan3A_26 : i32
    }
    %scan3A_16 = arith.constant 625 : i32
    %parallel_loop3A = arith.constant 0 : i32
    %parallel_loop3A_17 = arith.constant 625 : i32
    %parallel_loop3A_18 = arith.constant 1 : i32
    scf.for %parallel_loop3A_21 = %parallel_loop3A to %parallel_loop3A_17 step %parallel_loop3A_18  : i32 {
      %parallel_loop3A_22 = arith.constant 16 : i32
      %parallel_loop3A_23 = arith.muli %parallel_loop3A_21, %parallel_loop3A_22 : i32
      %parallel_loop3A_24 = arith.index_cast %parallel_loop3A_23 : i32 to index
      %parallel_loop3A_25 = tpu.vector_load %arg11[%parallel_loop3A_24] {strides = array<i32>} : memref<10000xi32, #tpu.memory_space<vmem>>, vector<16xi32>,
      %parallel_loop3A_26 = arith.index_cast %parallel_loop3A_23 : i32 to index
      %parallel_loop3A_27 = tpu.vector_load %arg12[%parallel_loop3A_26] {strides = array<i32>} : memref<10000xi32, #tpu.memory_space<vmem>>, vector<16xi32>,
      %parallel_loop3A_28 = tpu.vector_load_idx %arg9[%parallel_loop3A_25] : memref<10000xf32, #tpu.memory_space<vmem>>[vector<16xi32>], vector<16xf32>,
      %parallel_loop3A_29 = tpu.vector_load_idx %arg10[%parallel_loop3A_27] : memref<10000xf32, #tpu.memory_space<vmem>>[vector<16xi32>], vector<16xf32>,
      %parallel_loop3A_30 = arith.addf %parallel_loop3A_28, %parallel_loop3A_29 : vector<16xf32>
      %parallel_loop3A_31 = arith.constant 0.000000e+00 : f32
      %parallel_loop3A_32 = vector.broadcast %parallel_loop3A_31 : f32 to vector<16xf32>
      %parallel_loop3A_33 = arith.cmpf oge, %parallel_loop3A_30, %parallel_loop3A_32 : vector<16xf32>
      %parallel_loop3A_34 = arith.constant 2.000000e-01 : f32
      %parallel_loop3A_35 = vector.broadcast %parallel_loop3A_34 : f32 to vector<16xf32>
      %parallel_loop3A_36 = arith.mulf %parallel_loop3A_30, %parallel_loop3A_35 : vector<16xf32>
      %parallel_loop3A_37 = arith.select %parallel_loop3A_33, %parallel_loop3A_30, %parallel_loop3A_36 : vector<16xi1>, vector<16xf32>
      %parallel_loop3A_38 = arith.subf %parallel_loop3A_37, %get3A_9 : vector<16xf32>
      %parallel_loop3A_39 = math.exp %parallel_loop3A_38 : vector<16xf32>
      %parallel_loop3A_40 = arith.index_cast %parallel_loop3A_23 : i32 to index
      %parallel_loop3A_41 = tpu.vector_load %arg14[%parallel_loop3A_40] {strides = array<i32>} : memref<10000xf32, #tpu.memory_space<vmem>>, vector<16xf32>,
      tpu.vector_store %arg14[%parallel_loop3A_40], %parallel_loop3A_39 {strides = array<i32>} : memref<10000xf32, #tpu.memory_space<vmem>>, vector<16xf32>,
      tpu.vector_store_idx %arg13[%parallel_loop3A_27], %parallel_loop3A_39 {add = true} : memref<10000xf32, #tpu.memory_space<vmem>>[vector<16xi32>], vector<16xf32>,
    } {sc.loop_unroll_factor = 4 : i64, sc.parallel_access}
    "tpu.region"() ({
      %run_scoped3A = tpu.sem_alloc : memref<!tpu.dma_semaphore, #tpu.memory_space<semaphore_mem>>
      %dma_start3A_21 = tpu.memref_slice %arg7[%mul3A_2] : memref<320000xf32, #tpu.memory_space<hbm>> -> memref<10000xf32, #tpu.memory_space<hbm>>
      %dma_start3A_22 = tpu.memref_slice %arg7[%mul3A_2] : memref<320000xf32, #tpu.memory_space<hbm>> -> memref<10000xf32, #tpu.memory_space<hbm>>
      tpu.enqueue_dma source(%arg14 : memref<10000xf32, #tpu.memory_space<vmem>>) target(%dma_start3A_22 : memref<10000xf32, #tpu.memory_space<hbm>>) target_semaphore(%run_scoped3A : memref<!tpu.dma_semaphore, #tpu.memory_space<semaphore_mem>>)
      %dma_wait3A_23 = tpu.memref_slice %arg7[%mul3A_2] : memref<320000xf32, #tpu.memory_space<hbm>> -> memref<10000xf32, #tpu.memory_space<hbm>>
      %dma_wait3A_24 = tpu.memref_slice %arg7[%mul3A_2] : memref<320000xf32, #tpu.memory_space<hbm>> -> memref<10000xf32, #tpu.memory_space<hbm>>
      tpu.wait_dma2 semaphore(%run_scoped3A : memref<!tpu.dma_semaphore, #tpu.memory_space<semaphore_mem>>) src(%arg14 : memref<10000xf32, #tpu.memory_space<vmem>>) dst(%dma_wait3A_24 : memref<10000xf32, #tpu.memory_space<hbm>>)
      tpu.yield
    }) : () -> ()
    %mul3A_19 = arith.constant 10000 : i32
    %mul3A_20 = arith.muli %add3A, %mul3A_19 : i32
    "tpu.region"() ({
      %run_scoped3A = tpu.sem_alloc : memref<!tpu.dma_semaphore, #tpu.memory_space<semaphore_mem>>
      %dma_start3A_21 = tpu.memref_slice %arg8[%mul3A_20] : memref<320000xf32, #tpu.memory_space<hbm>> -> memref<10000xf32, #tpu.memory_space<hbm>>
      %dma_start3A_22 = tpu.memref_slice %arg8[%mul3A_20] : memref<320000xf32, #tpu.memory_space<hbm>> -> memref<10000xf32, #tpu.memory_space<hbm>>
      tpu.enqueue_dma source(%arg13 : memref<10000xf32, #tpu.memory_space<vmem>>) target(%dma_start3A_22 : memref<10000xf32, #tpu.memory_space<hbm>>) target_semaphore(%run_scoped3A : memref<!tpu.dma_semaphore, #tpu.memory_space<semaphore_mem>>)
      %dma_wait3A_23 = tpu.memref_slice %arg8[%mul3A_20] : memref<320000xf32, #tpu.memory_space<hbm>> -> memref<10000xf32, #tpu.memory_space<hbm>>
      %dma_wait3A_24 = tpu.memref_slice %arg8[%mul3A_20] : memref<320000xf32, #tpu.memory_space<hbm>> -> memref<10000xf32, #tpu.memory_space<hbm>>
      tpu.wait_dma2 semaphore(%run_scoped3A : memref<!tpu.dma_semaphore, #tpu.memory_space<semaphore_mem>>) src(%arg13 : memref<10000xf32, #tpu.memory_space<vmem>>) dst(%dma_wait3A_24 : memref<10000xf32, #tpu.memory_space<hbm>>)
      tpu.yield
    }) : () -> ()
    return
  }
}

#map = affine_map<(d0, d1) -> (0, 0)>
#map1 = affine_map<(d0, d1) -> (0)>
#map2 = affine_map<(d0, d1) -> (0, 0, 0)>
module attributes {stable_mosaic.version = 14 : i64} {
  func.func @_sc_phase4(%arg0: i32, %arg1: i32, %arg2: memref<10000x128xf32, #tpu.memory_space<hbm>>, %arg3: memref<8x10000xf32, #tpu.memory_space<hbm>>, %arg4: memref<320000xi32, #tpu.memory_space<hbm>>, %arg5: memref<320000xi32, #tpu.memory_space<hbm>>, %arg6: memref<320000xf32, #tpu.memory_space<hbm>>, %arg7: memref<320000xf32, #tpu.memory_space<hbm>>, %arg8: memref<2x10000x128xf32, #tpu.memory_space<hbm>>, %arg9: memref<10000xf32, #tpu.memory_space<vmem>>, %arg10: memref<80xi32, #tpu.memory_space<vmem>>, %arg11: memref<80xi32, #tpu.memory_space<vmem>>, %arg12: memref<80xi32, #tpu.memory_space<vmem>>, %arg13: memref<80xi32, #tpu.memory_space<vmem>>, %arg14: memref<80xi32, #tpu.memory_space<vmem>>, %arg15: memref<80xi32, #tpu.memory_space<vmem>>, %arg16: memref<80xf32, #tpu.memory_space<vmem>>, %arg17: memref<80xf32, #tpu.memory_space<vmem>>, %arg18: memref<80xf32, #tpu.memory_space<vmem>>, %arg19: memref<80xf32, #tpu.memory_space<vmem>>, %arg20: memref<80xf32, #tpu.memory_space<vmem>>, %arg21: memref<80xf32, #tpu.memory_space<vmem>>, %arg22: memref<80x128xf32, #tpu.memory_space<vmem>>, %arg23: memref<80x128xf32, #tpu.memory_space<vmem>>, %arg24: memref<80x128xf32, #tpu.memory_space<vmem>>, %arg25: memref<10000x128xf32, #tpu.memory_space<vmem_shared>>, %arg26: memref<!tpu.dma_semaphore, #tpu.memory_space<semaphore_mem>>, %arg27: memref<!tpu.dma_semaphore, #tpu.memory_space<semaphore_mem>>, %arg28: memref<!tpu.dma_semaphore, #tpu.memory_space<semaphore_mem>>, %arg29: memref<!tpu.dma_semaphore, #tpu.memory_space<semaphore_mem>>, %arg30: memref<!tpu.dma_semaphore, #tpu.memory_space<semaphore_mem>>, %arg31: memref<!tpu.dma_semaphore, #tpu.memory_space<semaphore_mem>>, %arg32: memref<!tpu.dma_semaphore, #tpu.memory_space<semaphore_mem>>, %arg33: memref<!tpu.dma_semaphore, #tpu.memory_space<semaphore_mem>>, %arg34: memref<!tpu.dma_semaphore, #tpu.memory_space<semaphore_mem>>, %arg35: memref<!tpu.dma_semaphore, #tpu.memory_space<semaphore_mem>>, %arg36: memref<!tpu.dma_semaphore, #tpu.memory_space<semaphore_mem>>, %arg37: memref<!tpu.dma_semaphore, #tpu.memory_space<semaphore_mem>>) attributes {dimension_semantics = [#tpu.dimension_semantics<core_parallel>, #tpu.dimension_semantics<subcore_parallel>], iteration_bounds = array<i64: 2, 16>, scalar_prefetch = 0 : i64, scratch_operands = 29 : i64, tpu.core_type = #tpu.core_type<sc_vector_subcore>, window_params = [{transform_indices = #map}, {transform_indices = #map}, {transform_indices = #map1}, {transform_indices = #map1}, {transform_indices = #map1}, {transform_indices = #map1}, {transform_indices = #map2}]} {
    %mul3A = arith.constant 2 : i32
    %mul3A_0 = arith.muli %arg1, %mul3A : i32
    %add3A = arith.addi %mul3A_0, %arg0 : i32
    %mul3A_1 = arith.constant 10000 : i32
    %mul3A_2 = arith.muli %add3A, %mul3A_1 : i32
    %run_scoped3A = arith.constant 0 : i32
    "tpu.region"() ({
      %run_scoped3A_249 = tpu.sem_alloc : memref<!tpu.dma_semaphore, #tpu.memory_space<semaphore_mem>>
      %dma_start3A_250 = arith.constant 0 : i32
      %dma_start3A_251 = tpu.memref_slice %arg3[%run_scoped3A, %dma_start3A_250] : memref<8x10000xf32, #tpu.memory_space<hbm>> -> memref<1x10000xf32, #tpu.memory_space<hbm>>
      %dma_start3A_252 = tpu.memref_squeeze %dma_start3A_251 : memref<1x10000xf32, #tpu.memory_space<hbm>> -> memref<10000xf32, #tpu.memory_space<hbm>>
      %dma_start3A_253 = arith.constant 0 : i32
      %dma_start3A_254 = tpu.memref_slice %arg3[%run_scoped3A, %dma_start3A_253] : memref<8x10000xf32, #tpu.memory_space<hbm>> -> memref<1x10000xf32, #tpu.memory_space<hbm>>
      %dma_start3A_255 = tpu.memref_squeeze %dma_start3A_254 : memref<1x10000xf32, #tpu.memory_space<hbm>> -> memref<10000xf32, #tpu.memory_space<hbm>>
      tpu.enqueue_dma source(%dma_start3A_255 : memref<10000xf32, #tpu.memory_space<hbm>>) target(%arg9 : memref<10000xf32, #tpu.memory_space<vmem>>) target_semaphore(%run_scoped3A_249 : memref<!tpu.dma_semaphore, #tpu.memory_space<semaphore_mem>>)
      %dma_wait3A_256 = arith.constant 0 : i32
      %dma_wait3A_257 = tpu.memref_slice %arg3[%run_scoped3A, %dma_wait3A_256] : memref<8x10000xf32, #tpu.memory_space<hbm>> -> memref<1x10000xf32, #tpu.memory_space<hbm>>
      %dma_wait3A_258 = tpu.memref_squeeze %dma_wait3A_257 : memref<1x10000xf32, #tpu.memory_space<hbm>> -> memref<10000xf32, #tpu.memory_space<hbm>>
      %dma_wait3A_259 = arith.constant 0 : i32
      %dma_wait3A_260 = tpu.memref_slice %arg3[%run_scoped3A, %dma_wait3A_259] : memref<8x10000xf32, #tpu.memory_space<hbm>> -> memref<1x10000xf32, #tpu.memory_space<hbm>>
      %dma_wait3A_261 = tpu.memref_squeeze %dma_wait3A_260 : memref<1x10000xf32, #tpu.memory_space<hbm>> -> memref<10000xf32, #tpu.memory_space<hbm>>
      tpu.wait_dma2 semaphore(%run_scoped3A_249 : memref<!tpu.dma_semaphore, #tpu.memory_space<semaphore_mem>>) src(%dma_wait3A_261 : memref<10000xf32, #tpu.memory_space<hbm>>) dst(%arg9 : memref<10000xf32, #tpu.memory_space<vmem>>)
      tpu.yield
    }) : () -> ()
    %broadcast_in_dim3A = arith.constant 0.000000e+00 : f32
    %broadcast_in_dim3A_3 = vector.broadcast %broadcast_in_dim3A : f32 to vector<16xf32>
    %scan3A = arith.constant 0 : i32
    %scan3A_4 = arith.constant 0 : i32
    %scan3A_5 = arith.constant 80 : i32
    %scan3A_6 = arith.addi %scan3A_4, %scan3A_5 : i32
    %scan3A_7 = arith.constant 1 : i32
    %scan3A_8 = scf.for %scan3A_249 = %scan3A_4 to %scan3A_6 step %scan3A_7 iter_args(%scan3A_250 = %scan3A) -> (i32)  : i32 {
      %swap3A_251 = arith.index_cast %scan3A_249 : i32 to index
      %swap3A_252 = arith.constant 0 : index
      %swap3A_253 = tpu.vector_load %arg22[%swap3A_251, %swap3A_252] {strides = array<i32>} : memref<80x128xf32, #tpu.memory_space<vmem>>, vector<16xf32>,
      tpu.vector_store %arg22[%swap3A_251, %swap3A_252], %broadcast_in_dim3A_3 {strides = array<i32>} : memref<80x128xf32, #tpu.memory_space<vmem>>, vector<16xf32>,
      %swap3A_254 = arith.index_cast %scan3A_249 : i32 to index
      %swap3A_255 = arith.constant 16 : index
      %swap3A_256 = tpu.vector_load %arg22[%swap3A_254, %swap3A_255] {strides = array<i32>} : memref<80x128xf32, #tpu.memory_space<vmem>>, vector<16xf32>,
      tpu.vector_store %arg22[%swap3A_254, %swap3A_255], %broadcast_in_dim3A_3 {strides = array<i32>} : memref<80x128xf32, #tpu.memory_space<vmem>>, vector<16xf32>,
      %swap3A_257 = arith.index_cast %scan3A_249 : i32 to index
      %swap3A_258 = arith.constant 32 : index
      %swap3A_259 = tpu.vector_load %arg22[%swap3A_257, %swap3A_258] {strides = array<i32>} : memref<80x128xf32, #tpu.memory_space<vmem>>, vector<16xf32>,
      tpu.vector_store %arg22[%swap3A_257, %swap3A_258], %broadcast_in_dim3A_3 {strides = array<i32>} : memref<80x128xf32, #tpu.memory_space<vmem>>, vector<16xf32>,
      %swap3A_260 = arith.index_cast %scan3A_249 : i32 to index
      %swap3A_261 = arith.constant 48 : index
      %swap3A_262 = tpu.vector_load %arg22[%swap3A_260, %swap3A_261] {strides = array<i32>} : memref<80x128xf32, #tpu.memory_space<vmem>>, vector<16xf32>,
      tpu.vector_store %arg22[%swap3A_260, %swap3A_261], %broadcast_in_dim3A_3 {strides = array<i32>} : memref<80x128xf32, #tpu.memory_space<vmem>>, vector<16xf32>,
      %swap3A_263 = arith.index_cast %scan3A_249 : i32 to index
      %swap3A_264 = arith.constant 64 : index
      %swap3A_265 = tpu.vector_load %arg22[%swap3A_263, %swap3A_264] {strides = array<i32>} : memref<80x128xf32, #tpu.memory_space<vmem>>, vector<16xf32>,
      tpu.vector_store %arg22[%swap3A_263, %swap3A_264], %broadcast_in_dim3A_3 {strides = array<i32>} : memref<80x128xf32, #tpu.memory_space<vmem>>, vector<16xf32>,
      %swap3A_266 = arith.index_cast %scan3A_249 : i32 to index
      %swap3A_267 = arith.constant 80 : index
      %swap3A_268 = tpu.vector_load %arg22[%swap3A_266, %swap3A_267] {strides = array<i32>} : memref<80x128xf32, #tpu.memory_space<vmem>>, vector<16xf32>,
      tpu.vector_store %arg22[%swap3A_266, %swap3A_267], %broadcast_in_dim3A_3 {strides = array<i32>} : memref<80x128xf32, #tpu.memory_space<vmem>>, vector<16xf32>,
      %swap3A_269 = arith.index_cast %scan3A_249 : i32 to index
      %swap3A_270 = arith.constant 96 : index
      %swap3A_271 = tpu.vector_load %arg22[%swap3A_269, %swap3A_270] {strides = array<i32>} : memref<80x128xf32, #tpu.memory_space<vmem>>, vector<16xf32>,
      tpu.vector_store %arg22[%swap3A_269, %swap3A_270], %broadcast_in_dim3A_3 {strides = array<i32>} : memref<80x128xf32, #tpu.memory_space<vmem>>, vector<16xf32>,
      %swap3A_272 = arith.index_cast %scan3A_249 : i32 to index
      %swap3A_273 = arith.constant 112 : index
      %swap3A_274 = tpu.vector_load %arg22[%swap3A_272, %swap3A_273] {strides = array<i32>} : memref<80x128xf32, #tpu.memory_space<vmem>>, vector<16xf32>,
      tpu.vector_store %arg22[%swap3A_272, %swap3A_273], %broadcast_in_dim3A_3 {strides = array<i32>} : memref<80x128xf32, #tpu.memory_space<vmem>>, vector<16xf32>,
      %scan3A_275 = arith.constant 0 : i32
      scf.yield %scan3A_275 : i32
    }
    %scan3A_9 = arith.constant 80 : i32
    %mul3A_10 = arith.constant 624 : i32
    %mul3A_11 = arith.muli %arg1, %mul3A_10 : i32
    %add3A_12 = arith.constant 0 : i32
    %add3A_13 = arith.addi %mul3A_11, %add3A_12 : i32
    "tpu.region"() ({
      %run_scoped3A_249 = tpu.sem_alloc : memref<!tpu.dma_semaphore, #tpu.memory_space<semaphore_mem>>
      %dma_start3A_250 = arith.constant 0 : i32
      %dma_start3A_251 = tpu.memref_slice %arg25[%add3A_13, %dma_start3A_250] : memref<10000x128xf32, #tpu.memory_space<vmem_shared>> -> memref<80x128xf32, #tpu.memory_space<vmem_shared>>
      %dma_start3A_252 = arith.constant 0 : i32
      %dma_start3A_253 = tpu.memref_slice %arg25[%add3A_13, %dma_start3A_252] : memref<10000x128xf32, #tpu.memory_space<vmem_shared>> -> memref<80x128xf32, #tpu.memory_space<vmem_shared>>
      tpu.enqueue_dma source(%arg22 : memref<80x128xf32, #tpu.memory_space<vmem>>) target(%dma_start3A_253 : memref<80x128xf32, #tpu.memory_space<vmem_shared>>) target_semaphore(%run_scoped3A_249 : memref<!tpu.dma_semaphore, #tpu.memory_space<semaphore_mem>>)
      %dma_wait3A_254 = arith.constant 0 : i32
      %dma_wait3A_255 = tpu.memref_slice %arg25[%add3A_13, %dma_wait3A_254] : memref<10000x128xf32, #tpu.memory_space<vmem_shared>> -> memref<80x128xf32, #tpu.memory_space<vmem_shared>>
      %dma_wait3A_256 = arith.constant 0 : i32
      %dma_wait3A_257 = tpu.memref_slice %arg25[%add3A_13, %dma_wait3A_256] : memref<10000x128xf32, #tpu.memory_space<vmem_shared>> -> memref<80x128xf32, #tpu.memory_space<vmem_shared>>
      tpu.wait_dma2 semaphore(%run_scoped3A_249 : memref<!tpu.dma_semaphore, #tpu.memory_space<semaphore_mem>>) src(%arg22 : memref<80x128xf32, #tpu.memory_space<vmem>>) dst(%dma_wait3A_257 : memref<80x128xf32, #tpu.memory_space<vmem_shared>>)
      tpu.yield
    }) : () -> ()
    %add3A_14 = arith.constant 80 : i32
    %add3A_15 = arith.addi %mul3A_11, %add3A_14 : i32
    "tpu.region"() ({
      %run_scoped3A_249 = tpu.sem_alloc : memref<!tpu.dma_semaphore, #tpu.memory_space<semaphore_mem>>
      %dma_start3A_250 = arith.constant 0 : i32
      %dma_start3A_251 = tpu.memref_slice %arg25[%add3A_15, %dma_start3A_250] : memref<10000x128xf32, #tpu.memory_space<vmem_shared>> -> memref<80x128xf32, #tpu.memory_space<vmem_shared>>
      %dma_start3A_252 = arith.constant 0 : i32
      %dma_start3A_253 = tpu.memref_slice %arg25[%add3A_15, %dma_start3A_252] : memref<10000x128xf32, #tpu.memory_space<vmem_shared>> -> memref<80x128xf32, #tpu.memory_space<vmem_shared>>
      tpu.enqueue_dma source(%arg22 : memref<80x128xf32, #tpu.memory_space<vmem>>) target(%dma_start3A_253 : memref<80x128xf32, #tpu.memory_space<vmem_shared>>) target_semaphore(%run_scoped3A_249 : memref<!tpu.dma_semaphore, #tpu.memory_space<semaphore_mem>>)
      %dma_wait3A_254 = arith.constant 0 : i32
      %dma_wait3A_255 = tpu.memref_slice %arg25[%add3A_15, %dma_wait3A_254] : memref<10000x128xf32, #tpu.memory_space<vmem_shared>> -> memref<80x128xf32, #tpu.memory_space<vmem_shared>>
      %dma_wait3A_256 = arith.constant 0 : i32
      %dma_wait3A_257 = tpu.memref_slice %arg25[%add3A_15, %dma_wait3A_256] : memref<10000x128xf32, #tpu.memory_space<vmem_shared>> -> memref<80x128xf32, #tpu.memory_space<vmem_shared>>
      tpu.wait_dma2 semaphore(%run_scoped3A_249 : memref<!tpu.dma_semaphore, #tpu.memory_space<semaphore_mem>>) src(%arg22 : memref<80x128xf32, #tpu.memory_space<vmem>>) dst(%dma_wait3A_257 : memref<80x128xf32, #tpu.memory_space<vmem_shared>>)
      tpu.yield
    }) : () -> ()
    %add3A_16 = arith.constant 160 : i32
    %add3A_17 = arith.addi %mul3A_11, %add3A_16 : i32
    "tpu.region"() ({
      %run_scoped3A_249 = tpu.sem_alloc : memref<!tpu.dma_semaphore, #tpu.memory_space<semaphore_mem>>
      %dma_start3A_250 = arith.constant 0 : i32
      %dma_start3A_251 = tpu.memref_slice %arg25[%add3A_17, %dma_start3A_250] : memref<10000x128xf32, #tpu.memory_space<vmem_shared>> -> memref<80x128xf32, #tpu.memory_space<vmem_shared>>
      %dma_start3A_252 = arith.constant 0 : i32
      %dma_start3A_253 = tpu.memref_slice %arg25[%add3A_17, %dma_start3A_252] : memref<10000x128xf32, #tpu.memory_space<vmem_shared>> -> memref<80x128xf32, #tpu.memory_space<vmem_shared>>
      tpu.enqueue_dma source(%arg22 : memref<80x128xf32, #tpu.memory_space<vmem>>) target(%dma_start3A_253 : memref<80x128xf32, #tpu.memory_space<vmem_shared>>) target_semaphore(%run_scoped3A_249 : memref<!tpu.dma_semaphore, #tpu.memory_space<semaphore_mem>>)
      %dma_wait3A_254 = arith.constant 0 : i32
      %dma_wait3A_255 = tpu.memref_slice %arg25[%add3A_17, %dma_wait3A_254] : memref<10000x128xf32, #tpu.memory_space<vmem_shared>> -> memref<80x128xf32, #tpu.memory_space<vmem_shared>>
      %dma_wait3A_256 = arith.constant 0 : i32
      %dma_wait3A_257 = tpu.memref_slice %arg25[%add3A_17, %dma_wait3A_256] : memref<10000x128xf32, #tpu.memory_space<vmem_shared>> -> memref<80x128xf32, #tpu.memory_space<vmem_shared>>
      tpu.wait_dma2 semaphore(%run_scoped3A_249 : memref<!tpu.dma_semaphore, #tpu.memory_space<semaphore_mem>>) src(%arg22 : memref<80x128xf32, #tpu.memory_space<vmem>>) dst(%dma_wait3A_257 : memref<80x128xf32, #tpu.memory_space<vmem_shared>>)
      tpu.yield
    }) : () -> ()
    %add3A_18 = arith.constant 240 : i32
    %add3A_19 = arith.addi %mul3A_11, %add3A_18 : i32
    "tpu.region"() ({
      %run_scoped3A_249 = tpu.sem_alloc : memref<!tpu.dma_semaphore, #tpu.memory_space<semaphore_mem>>
      %dma_start3A_250 = arith.constant 0 : i32
      %dma_start3A_251 = tpu.memref_slice %arg25[%add3A_19, %dma_start3A_250] : memref<10000x128xf32, #tpu.memory_space<vmem_shared>> -> memref<80x128xf32, #tpu.memory_space<vmem_shared>>
      %dma_start3A_252 = arith.constant 0 : i32
      %dma_start3A_253 = tpu.memref_slice %arg25[%add3A_19, %dma_start3A_252] : memref<10000x128xf32, #tpu.memory_space<vmem_shared>> -> memref<80x128xf32, #tpu.memory_space<vmem_shared>>
      tpu.enqueue_dma source(%arg22 : memref<80x128xf32, #tpu.memory_space<vmem>>) target(%dma_start3A_253 : memref<80x128xf32, #tpu.memory_space<vmem_shared>>) target_semaphore(%run_scoped3A_249 : memref<!tpu.dma_semaphore, #tpu.memory_space<semaphore_mem>>)
      %dma_wait3A_254 = arith.constant 0 : i32
      %dma_wait3A_255 = tpu.memref_slice %arg25[%add3A_19, %dma_wait3A_254] : memref<10000x128xf32, #tpu.memory_space<vmem_shared>> -> memref<80x128xf32, #tpu.memory_space<vmem_shared>>
      %dma_wait3A_256 = arith.constant 0 : i32
      %dma_wait3A_257 = tpu.memref_slice %arg25[%add3A_19, %dma_wait3A_256] : memref<10000x128xf32, #tpu.memory_space<vmem_shared>> -> memref<80x128xf32, #tpu.memory_space<vmem_shared>>
      tpu.wait_dma2 semaphore(%run_scoped3A_249 : memref<!tpu.dma_semaphore, #tpu.memory_space<semaphore_mem>>) src(%arg22 : memref<80x128xf32, #tpu.memory_space<vmem>>) dst(%dma_wait3A_257 : memref<80x128xf32, #tpu.memory_space<vmem_shared>>)
      tpu.yield
    }) : () -> ()
    %add3A_20 = arith.constant 320 : i32
    %add3A_21 = arith.addi %mul3A_11, %add3A_20 : i32
    "tpu.region"() ({
      %run_scoped3A_249 = tpu.sem_alloc : memref<!tpu.dma_semaphore, #tpu.memory_space<semaphore_mem>>
      %dma_start3A_250 = arith.constant 0 : i32
      %dma_start3A_251 = tpu.memref_slice %arg25[%add3A_21, %dma_start3A_250] : memref<10000x128xf32, #tpu.memory_space<vmem_shared>> -> memref<80x128xf32, #tpu.memory_space<vmem_shared>>
      %dma_start3A_252 = arith.constant 0 : i32
      %dma_start3A_253 = tpu.memref_slice %arg25[%add3A_21, %dma_start3A_252] : memref<10000x128xf32, #tpu.memory_space<vmem_shared>> -> memref<80x128xf32, #tpu.memory_space<vmem_shared>>
      tpu.enqueue_dma source(%arg22 : memref<80x128xf32, #tpu.memory_space<vmem>>) target(%dma_start3A_253 : memref<80x128xf32, #tpu.memory_space<vmem_shared>>) target_semaphore(%run_scoped3A_249 : memref<!tpu.dma_semaphore, #tpu.memory_space<semaphore_mem>>)
      %dma_wait3A_254 = arith.constant 0 : i32
      %dma_wait3A_255 = tpu.memref_slice %arg25[%add3A_21, %dma_wait3A_254] : memref<10000x128xf32, #tpu.memory_space<vmem_shared>> -> memref<80x128xf32, #tpu.memory_space<vmem_shared>>
      %dma_wait3A_256 = arith.constant 0 : i32
      %dma_wait3A_257 = tpu.memref_slice %arg25[%add3A_21, %dma_wait3A_256] : memref<10000x128xf32, #tpu.memory_space<vmem_shared>> -> memref<80x128xf32, #tpu.memory_space<vmem_shared>>
      tpu.wait_dma2 semaphore(%run_scoped3A_249 : memref<!tpu.dma_semaphore, #tpu.memory_space<semaphore_mem>>) src(%arg22 : memref<80x128xf32, #tpu.memory_space<vmem>>) dst(%dma_wait3A_257 : memref<80x128xf32, #tpu.memory_space<vmem_shared>>)
      tpu.yield
    }) : () -> ()
    %add3A_22 = arith.constant 400 : i32
    %add3A_23 = arith.addi %mul3A_11, %add3A_22 : i32
    "tpu.region"() ({
      %run_scoped3A_249 = tpu.sem_alloc : memref<!tpu.dma_semaphore, #tpu.memory_space<semaphore_mem>>
      %dma_start3A_250 = arith.constant 0 : i32
      %dma_start3A_251 = tpu.memref_slice %arg25[%add3A_23, %dma_start3A_250] : memref<10000x128xf32, #tpu.memory_space<vmem_shared>> -> memref<80x128xf32, #tpu.memory_space<vmem_shared>>
      %dma_start3A_252 = arith.constant 0 : i32
      %dma_start3A_253 = tpu.memref_slice %arg25[%add3A_23, %dma_start3A_252] : memref<10000x128xf32, #tpu.memory_space<vmem_shared>> -> memref<80x128xf32, #tpu.memory_space<vmem_shared>>
      tpu.enqueue_dma source(%arg22 : memref<80x128xf32, #tpu.memory_space<vmem>>) target(%dma_start3A_253 : memref<80x128xf32, #tpu.memory_space<vmem_shared>>) target_semaphore(%run_scoped3A_249 : memref<!tpu.dma_semaphore, #tpu.memory_space<semaphore_mem>>)
      %dma_wait3A_254 = arith.constant 0 : i32
      %dma_wait3A_255 = tpu.memref_slice %arg25[%add3A_23, %dma_wait3A_254] : memref<10000x128xf32, #tpu.memory_space<vmem_shared>> -> memref<80x128xf32, #tpu.memory_space<vmem_shared>>
      %dma_wait3A_256 = arith.constant 0 : i32
      %dma_wait3A_257 = tpu.memref_slice %arg25[%add3A_23, %dma_wait3A_256] : memref<10000x128xf32, #tpu.memory_space<vmem_shared>> -> memref<80x128xf32, #tpu.memory_space<vmem_shared>>
      tpu.wait_dma2 semaphore(%run_scoped3A_249 : memref<!tpu.dma_semaphore, #tpu.memory_space<semaphore_mem>>) src(%arg22 : memref<80x128xf32, #tpu.memory_space<vmem>>) dst(%dma_wait3A_257 : memref<80x128xf32, #tpu.memory_space<vmem_shared>>)
      tpu.yield
    }) : () -> ()
    %add3A_24 = arith.constant 480 : i32
    %add3A_25 = arith.addi %mul3A_11, %add3A_24 : i32
    "tpu.region"() ({
      %run_scoped3A_249 = tpu.sem_alloc : memref<!tpu.dma_semaphore, #tpu.memory_space<semaphore_mem>>
      %dma_start3A_250 = arith.constant 0 : i32
      %dma_start3A_251 = tpu.memref_slice %arg25[%add3A_25, %dma_start3A_250] : memref<10000x128xf32, #tpu.memory_space<vmem_shared>> -> memref<80x128xf32, #tpu.memory_space<vmem_shared>>
      %dma_start3A_252 = arith.constant 0 : i32
      %dma_start3A_253 = tpu.memref_slice %arg25[%add3A_25, %dma_start3A_252] : memref<10000x128xf32, #tpu.memory_space<vmem_shared>> -> memref<80x128xf32, #tpu.memory_space<vmem_shared>>
      tpu.enqueue_dma source(%arg22 : memref<80x128xf32, #tpu.memory_space<vmem>>) target(%dma_start3A_253 : memref<80x128xf32, #tpu.memory_space<vmem_shared>>) target_semaphore(%run_scoped3A_249 : memref<!tpu.dma_semaphore, #tpu.memory_space<semaphore_mem>>)
      %dma_wait3A_254 = arith.constant 0 : i32
      %dma_wait3A_255 = tpu.memref_slice %arg25[%add3A_25, %dma_wait3A_254] : memref<10000x128xf32, #tpu.memory_space<vmem_shared>> -> memref<80x128xf32, #tpu.memory_space<vmem_shared>>
      %dma_wait3A_256 = arith.constant 0 : i32
      %dma_wait3A_257 = tpu.memref_slice %arg25[%add3A_25, %dma_wait3A_256] : memref<10000x128xf32, #tpu.memory_space<vmem_shared>> -> memref<80x128xf32, #tpu.memory_space<vmem_shared>>
      tpu.wait_dma2 semaphore(%run_scoped3A_249 : memref<!tpu.dma_semaphore, #tpu.memory_space<semaphore_mem>>) src(%arg22 : memref<80x128xf32, #tpu.memory_space<vmem>>) dst(%dma_wait3A_257 : memref<80x128xf32, #tpu.memory_space<vmem_shared>>)
      tpu.yield
    }) : () -> ()
    %add3A_26 = arith.constant 560 : i32
    %add3A_27 = arith.addi %mul3A_11, %add3A_26 : i32
    "tpu.region"() ({
      %run_scoped3A_249 = tpu.sem_alloc : memref<!tpu.dma_semaphore, #tpu.memory_space<semaphore_mem>>
      %dma_start3A_250 = arith.constant 0 : i32
      %dma_start3A_251 = arith.constant 0 : i32
      %dma_start3A_252 = tpu.memref_slice %arg22[%dma_start3A_250, %dma_start3A_251] : memref<80x128xf32, #tpu.memory_space<vmem>> -> memref<64x128xf32, #tpu.memory_space<vmem>>
      %dma_start3A_253 = arith.constant 0 : i32
      %dma_start3A_254 = tpu.memref_slice %arg25[%add3A_27, %dma_start3A_253] : memref<10000x128xf32, #tpu.memory_space<vmem_shared>> -> memref<64x128xf32, #tpu.memory_space<vmem_shared>>
      %dma_start3A_255 = arith.constant 0 : i32
      %dma_start3A_256 = tpu.memref_slice %arg25[%add3A_27, %dma_start3A_255] : memref<10000x128xf32, #tpu.memory_space<vmem_shared>> -> memref<64x128xf32, #tpu.memory_space<vmem_shared>>
      %dma_start3A_257 = arith.constant 0 : i32
      %dma_start3A_258 = arith.constant 0 : i32
      %dma_start3A_259 = tpu.memref_slice %arg22[%dma_start3A_257, %dma_start3A_258] : memref<80x128xf32, #tpu.memory_space<vmem>> -> memref<64x128xf32, #tpu.memory_space<vmem>>
      tpu.enqueue_dma source(%dma_start3A_259 : memref<64x128xf32, #tpu.memory_space<vmem>>) target(%dma_start3A_256 : memref<64x128xf32, #tpu.memory_space<vmem_shared>>) target_semaphore(%run_scoped3A_249 : memref<!tpu.dma_semaphore, #tpu.memory_space<semaphore_mem>>)
      %dma_wait3A_260 = arith.constant 0 : i32
      %dma_wait3A_261 = arith.constant 0 : i32
      %dma_wait3A_262 = tpu.memref_slice %arg22[%dma_wait3A_260, %dma_wait3A_261] : memref<80x128xf32, #tpu.memory_space<vmem>> -> memref<64x128xf32, #tpu.memory_space<vmem>>
      %dma_wait3A_263 = arith.constant 0 : i32
      %dma_wait3A_264 = tpu.memref_slice %arg25[%add3A_27, %dma_wait3A_263] : memref<10000x128xf32, #tpu.memory_space<vmem_shared>> -> memref<64x128xf32, #tpu.memory_space<vmem_shared>>
      %dma_wait3A_265 = arith.constant 0 : i32
      %dma_wait3A_266 = tpu.memref_slice %arg25[%add3A_27, %dma_wait3A_265] : memref<10000x128xf32, #tpu.memory_space<vmem_shared>> -> memref<64x128xf32, #tpu.memory_space<vmem_shared>>
      %dma_wait3A_267 = arith.constant 0 : i32
      %dma_wait3A_268 = arith.constant 0 : i32
      %dma_wait3A_269 = tpu.memref_slice %arg22[%dma_wait3A_267, %dma_wait3A_268] : memref<80x128xf32, #tpu.memory_space<vmem>> -> memref<64x128xf32, #tpu.memory_space<vmem>>
      tpu.wait_dma2 semaphore(%run_scoped3A_249 : memref<!tpu.dma_semaphore, #tpu.memory_space<semaphore_mem>>) src(%dma_wait3A_269 : memref<64x128xf32, #tpu.memory_space<vmem>>) dst(%dma_wait3A_266 : memref<64x128xf32, #tpu.memory_space<vmem_shared>>)
      tpu.yield
    }) : () -> ()
    %eq3A = arith.constant 15 : i32
    %eq3A_28 = arith.cmpi eq, %arg1, %eq3A : i32
    %convert_element_type3A = arith.extui %eq3A_28 : i1 to i32
    %cond3A = arith.constant 0 : i32
    %cond3A_29 = arith.cmpi ne, %convert_element_type3A, %cond3A : i32
    scf.if %cond3A_29 {
      "tpu.region"() ({
        %run_scoped3A_249 = tpu.sem_alloc : memref<!tpu.dma_semaphore, #tpu.memory_space<semaphore_mem>>
        %dma_start3A_250 = arith.constant 0 : i32
        %dma_start3A_251 = arith.constant 0 : i32
        %dma_start3A_252 = tpu.memref_slice %arg22[%dma_start3A_250, %dma_start3A_251] : memref<80x128xf32, #tpu.memory_space<vmem>> -> memref<16x128xf32, #tpu.memory_space<vmem>>
        %dma_start3A_253 = arith.constant 9984 : i32
        %dma_start3A_254 = arith.constant 0 : i32
        %dma_start3A_255 = tpu.memref_slice %arg25[%dma_start3A_253, %dma_start3A_254] : memref<10000x128xf32, #tpu.memory_space<vmem_shared>> -> memref<16x128xf32, #tpu.memory_space<vmem_shared>>
        %dma_start3A_256 = arith.constant 9984 : i32
        %dma_start3A_257 = arith.constant 0 : i32
        %dma_start3A_258 = tpu.memref_slice %arg25[%dma_start3A_256, %dma_start3A_257] : memref<10000x128xf32, #tpu.memory_space<vmem_shared>> -> memref<16x128xf32, #tpu.memory_space<vmem_shared>>
        %dma_start3A_259 = arith.constant 0 : i32
        %dma_start3A_260 = arith.constant 0 : i32
        %dma_start3A_261 = tpu.memref_slice %arg22[%dma_start3A_259, %dma_start3A_260] : memref<80x128xf32, #tpu.memory_space<vmem>> -> memref<16x128xf32, #tpu.memory_space<vmem>>
        tpu.enqueue_dma source(%dma_start3A_261 : memref<16x128xf32, #tpu.memory_space<vmem>>) target(%dma_start3A_258 : memref<16x128xf32, #tpu.memory_space<vmem_shared>>) target_semaphore(%run_scoped3A_249 : memref<!tpu.dma_semaphore, #tpu.memory_space<semaphore_mem>>)
        %dma_wait3A_262 = arith.constant 0 : i32
        %dma_wait3A_263 = arith.constant 0 : i32
        %dma_wait3A_264 = tpu.memref_slice %arg22[%dma_wait3A_262, %dma_wait3A_263] : memref<80x128xf32, #tpu.memory_space<vmem>> -> memref<16x128xf32, #tpu.memory_space<vmem>>
        %dma_wait3A_265 = arith.constant 9984 : i32
        %dma_wait3A_266 = arith.constant 0 : i32
        %dma_wait3A_267 = tpu.memref_slice %arg25[%dma_wait3A_265, %dma_wait3A_266] : memref<10000x128xf32, #tpu.memory_space<vmem_shared>> -> memref<16x128xf32, #tpu.memory_space<vmem_shared>>
        %dma_wait3A_268 = arith.constant 9984 : i32
        %dma_wait3A_269 = arith.constant 0 : i32
        %dma_wait3A_270 = tpu.memref_slice %arg25[%dma_wait3A_268, %dma_wait3A_269] : memref<10000x128xf32, #tpu.memory_space<vmem_shared>> -> memref<16x128xf32, #tpu.memory_space<vmem_shared>>
        %dma_wait3A_271 = arith.constant 0 : i32
        %dma_wait3A_272 = arith.constant 0 : i32
        %dma_wait3A_273 = tpu.memref_slice %arg22[%dma_wait3A_271, %dma_wait3A_272] : memref<80x128xf32, #tpu.memory_space<vmem>> -> memref<16x128xf32, #tpu.memory_space<vmem>>
        tpu.wait_dma2 semaphore(%run_scoped3A_249 : memref<!tpu.dma_semaphore, #tpu.memory_space<semaphore_mem>>) src(%dma_wait3A_273 : memref<16x128xf32, #tpu.memory_space<vmem>>) dst(%dma_wait3A_270 : memref<16x128xf32, #tpu.memory_space<vmem_shared>>)
        tpu.yield
      }) : () -> ()
    } else {
    }
    %barrier3A = arith.constant 0 : index
    tpu.barrier barrier_id(%barrier3A)
    %add3A_30 = arith.constant 0 : i32
    %add3A_31 = arith.addi %mul3A_2, %add3A_30 : i32
    %dma_start3A = tpu.memref_slice %arg4[%add3A_31] : memref<320000xi32, #tpu.memory_space<hbm>> -> memref<80xi32, #tpu.memory_space<hbm>>
    %dma_start3A_32 = tpu.memref_slice %arg4[%add3A_31] : memref<320000xi32, #tpu.memory_space<hbm>> -> memref<80xi32, #tpu.memory_space<hbm>>
    tpu.enqueue_dma source(%dma_start3A_32 : memref<80xi32, #tpu.memory_space<hbm>>) target(%arg10 : memref<80xi32, #tpu.memory_space<vmem>>) target_semaphore(%arg26 : memref<!tpu.dma_semaphore, #tpu.memory_space<semaphore_mem>>)
    %dma_start3A_33 = tpu.memref_slice %arg5[%add3A_31] : memref<320000xi32, #tpu.memory_space<hbm>> -> memref<80xi32, #tpu.memory_space<hbm>>
    %dma_start3A_34 = tpu.memref_slice %arg5[%add3A_31] : memref<320000xi32, #tpu.memory_space<hbm>> -> memref<80xi32, #tpu.memory_space<hbm>>
    tpu.enqueue_dma source(%dma_start3A_34 : memref<80xi32, #tpu.memory_space<hbm>>) target(%arg13 : memref<80xi32, #tpu.memory_space<vmem>>) target_semaphore(%arg26 : memref<!tpu.dma_semaphore, #tpu.memory_space<semaphore_mem>>)
    %dma_start3A_35 = tpu.memref_slice %arg6[%add3A_31] : memref<320000xf32, #tpu.memory_space<hbm>> -> memref<80xf32, #tpu.memory_space<hbm>>
    %dma_start3A_36 = tpu.memref_slice %arg6[%add3A_31] : memref<320000xf32, #tpu.memory_space<hbm>> -> memref<80xf32, #tpu.memory_space<hbm>>
    tpu.enqueue_dma source(%dma_start3A_36 : memref<80xf32, #tpu.memory_space<hbm>>) target(%arg16 : memref<80xf32, #tpu.memory_space<vmem>>) target_semaphore(%arg26 : memref<!tpu.dma_semaphore, #tpu.memory_space<semaphore_mem>>)
    %add3A_37 = arith.constant 80 : i32
    %add3A_38 = arith.addi %mul3A_2, %add3A_37 : i32
    %dma_start3A_39 = tpu.memref_slice %arg4[%add3A_38] : memref<320000xi32, #tpu.memory_space<hbm>> -> memref<80xi32, #tpu.memory_space<hbm>>
    %dma_start3A_40 = tpu.memref_slice %arg4[%add3A_38] : memref<320000xi32, #tpu.memory_space<hbm>> -> memref<80xi32, #tpu.memory_space<hbm>>
    tpu.enqueue_dma source(%dma_start3A_40 : memref<80xi32, #tpu.memory_space<hbm>>) target(%arg11 : memref<80xi32, #tpu.memory_space<vmem>>) target_semaphore(%arg27 : memref<!tpu.dma_semaphore, #tpu.memory_space<semaphore_mem>>)
    %dma_start3A_41 = tpu.memref_slice %arg5[%add3A_38] : memref<320000xi32, #tpu.memory_space<hbm>> -> memref<80xi32, #tpu.memory_space<hbm>>
    %dma_start3A_42 = tpu.memref_slice %arg5[%add3A_38] : memref<320000xi32, #tpu.memory_space<hbm>> -> memref<80xi32, #tpu.memory_space<hbm>>
    tpu.enqueue_dma source(%dma_start3A_42 : memref<80xi32, #tpu.memory_space<hbm>>) target(%arg14 : memref<80xi32, #tpu.memory_space<vmem>>) target_semaphore(%arg27 : memref<!tpu.dma_semaphore, #tpu.memory_space<semaphore_mem>>)
    %dma_start3A_43 = tpu.memref_slice %arg6[%add3A_38] : memref<320000xf32, #tpu.memory_space<hbm>> -> memref<80xf32, #tpu.memory_space<hbm>>
    %dma_start3A_44 = tpu.memref_slice %arg6[%add3A_38] : memref<320000xf32, #tpu.memory_space<hbm>> -> memref<80xf32, #tpu.memory_space<hbm>>
    tpu.enqueue_dma source(%dma_start3A_44 : memref<80xf32, #tpu.memory_space<hbm>>) target(%arg17 : memref<80xf32, #tpu.memory_space<vmem>>) target_semaphore(%arg27 : memref<!tpu.dma_semaphore, #tpu.memory_space<semaphore_mem>>)
    %add3A_45 = arith.constant 0 : i32
    %add3A_46 = arith.addi %mul3A_2, %add3A_45 : i32
    %dma_wait3A = tpu.memref_slice %arg4[%add3A_46] : memref<320000xi32, #tpu.memory_space<hbm>> -> memref<80xi32, #tpu.memory_space<hbm>>
    %dma_wait3A_47 = tpu.memref_slice %arg4[%add3A_46] : memref<320000xi32, #tpu.memory_space<hbm>> -> memref<80xi32, #tpu.memory_space<hbm>>
    tpu.wait_dma2 semaphore(%arg26 : memref<!tpu.dma_semaphore, #tpu.memory_space<semaphore_mem>>) src(%dma_wait3A_47 : memref<80xi32, #tpu.memory_space<hbm>>) dst(%arg10 : memref<80xi32, #tpu.memory_space<vmem>>)
    %dma_wait3A_48 = tpu.memref_slice %arg5[%add3A_46] : memref<320000xi32, #tpu.memory_space<hbm>> -> memref<80xi32, #tpu.memory_space<hbm>>
    %dma_wait3A_49 = tpu.memref_slice %arg5[%add3A_46] : memref<320000xi32, #tpu.memory_space<hbm>> -> memref<80xi32, #tpu.memory_space<hbm>>
    tpu.wait_dma2 semaphore(%arg26 : memref<!tpu.dma_semaphore, #tpu.memory_space<semaphore_mem>>) src(%dma_wait3A_49 : memref<80xi32, #tpu.memory_space<hbm>>) dst(%arg13 : memref<80xi32, #tpu.memory_space<vmem>>)
    %dma_wait3A_50 = tpu.memref_slice %arg6[%add3A_46] : memref<320000xf32, #tpu.memory_space<hbm>> -> memref<80xf32, #tpu.memory_space<hbm>>
    %dma_wait3A_51 = tpu.memref_slice %arg6[%add3A_46] : memref<320000xf32, #tpu.memory_space<hbm>> -> memref<80xf32, #tpu.memory_space<hbm>>
    tpu.wait_dma2 semaphore(%arg26 : memref<!tpu.dma_semaphore, #tpu.memory_space<semaphore_mem>>) src(%dma_wait3A_51 : memref<80xf32, #tpu.memory_space<hbm>>) dst(%arg16 : memref<80xf32, #tpu.memory_space<vmem>>)
    %dma_start3A_52 = arith.constant 0 : i32
    %dma_start3A_53 = arith.constant 0 : i32
    %dma_start3A_54 = tpu.memref_slice %arg2[%dma_start3A_52, %dma_start3A_53] : memref<10000x128xf32, #tpu.memory_space<hbm>> -> memref<10000x128xf32, #tpu.memory_space<hbm>>
    tpu.enqueue_indirect_dma source(%dma_start3A_54 : memref<10000x128xf32, #tpu.memory_space<hbm>>) target(%arg22 : memref<80x128xf32, #tpu.memory_space<vmem>>) offsets(%arg10 : memref<80xi32, #tpu.memory_space<vmem>>) semaphore(%arg29 : memref<!tpu.dma_semaphore, #tpu.memory_space<semaphore_mem>>)
    %scan3A_55 = arith.constant 0 : i32
    %scan3A_56 = arith.constant 0 : i32
    %scan3A_57 = arith.constant 41 : i32
    %scan3A_58 = arith.addi %scan3A_56, %scan3A_57 : i32
    %scan3A_59 = arith.constant 1 : i32
    %scan3A_60 = scf.for %scan3A_249 = %scan3A_56 to %scan3A_58 step %scan3A_59 iter_args(%scan3A_250 = %scan3A_55) -> (i32)  : i32 {
      %mul3A_251 = arith.constant 3 : i32
      %mul3A_252 = arith.muli %scan3A_249, %mul3A_251 : i32
      %add3A_253 = arith.constant 0 : i32
      %add3A_254 = arith.addi %mul3A_252, %add3A_253 : i32
      %ge3A_255 = arith.constant 1 : i32
      %ge3A_256 = arith.cmpi sge, %add3A_254, %ge3A_255 : i32
      %convert_element_type3A_257 = arith.extui %ge3A_256 : i1 to i32
      %cond3A_258 = arith.constant 0 : i32
      %cond3A_259 = arith.cmpi ne, %convert_element_type3A_257, %cond3A_258 : i32
      scf.if %cond3A_259 {
        %dma_wait3A_498 = arith.constant 0 : i32
        %dma_wait3A_499 = arith.constant 0 : i32
        %dma_wait3A_500 = tpu.memref_slice %arg25[%dma_wait3A_498, %dma_wait3A_499] : memref<10000x128xf32, #tpu.memory_space<vmem_shared>> -> memref<10000x128xf32, #tpu.memory_space<vmem_shared>>
        tpu.wait_indirect_dma semaphore(%arg37 : memref<!tpu.dma_semaphore, #tpu.memory_space<semaphore_mem>>) src(%arg24 : memref<80x128xf32, #tpu.memory_space<vmem>>) dst(%dma_wait3A_500 : memref<10000x128xf32, #tpu.memory_space<vmem_shared>>)
      } else {
      }
      %add3A_260 = arith.constant 2 : i32
      %add3A_261 = arith.addi %add3A_254, %add3A_260 : i32
      %le3A_262 = arith.constant 124 : i32
      %le3A_263 = arith.cmpi sle, %add3A_261, %le3A_262 : i32
      %convert_element_type3A_264 = arith.extui %le3A_263 : i1 to i32
      %cond3A_265 = arith.constant 0 : i32
      %cond3A_266 = arith.cmpi ne, %convert_element_type3A_264, %cond3A_265 : i32
      scf.if %cond3A_266 {
        %add3A_498 = arith.constant 2 : i32
        %add3A_499 = arith.addi %add3A_254, %add3A_498 : i32
        %mul3A_500 = arith.constant 80 : i32
        %mul3A_501 = arith.muli %add3A_499, %mul3A_500 : i32
        %add3A_502 = arith.addi %mul3A_2, %mul3A_501 : i32
        %dma_start3A_503 = tpu.memref_slice %arg4[%add3A_502] : memref<320000xi32, #tpu.memory_space<hbm>> -> memref<80xi32, #tpu.memory_space<hbm>>
        %dma_start3A_504 = tpu.memref_slice %arg4[%add3A_502] : memref<320000xi32, #tpu.memory_space<hbm>> -> memref<80xi32, #tpu.memory_space<hbm>>
        tpu.enqueue_dma source(%dma_start3A_504 : memref<80xi32, #tpu.memory_space<hbm>>) target(%arg12 : memref<80xi32, #tpu.memory_space<vmem>>) target_semaphore(%arg28 : memref<!tpu.dma_semaphore, #tpu.memory_space<semaphore_mem>>)
        %dma_start3A_505 = tpu.memref_slice %arg5[%add3A_502] : memref<320000xi32, #tpu.memory_space<hbm>> -> memref<80xi32, #tpu.memory_space<hbm>>
        %dma_start3A_506 = tpu.memref_slice %arg5[%add3A_502] : memref<320000xi32, #tpu.memory_space<hbm>> -> memref<80xi32, #tpu.memory_space<hbm>>
        tpu.enqueue_dma source(%dma_start3A_506 : memref<80xi32, #tpu.memory_space<hbm>>) target(%arg15 : memref<80xi32, #tpu.memory_space<vmem>>) target_semaphore(%arg28 : memref<!tpu.dma_semaphore, #tpu.memory_space<semaphore_mem>>)
        %dma_start3A_507 = tpu.memref_slice %arg6[%add3A_502] : memref<320000xf32, #tpu.memory_space<hbm>> -> memref<80xf32, #tpu.memory_space<hbm>>
        %dma_start3A_508 = tpu.memref_slice %arg6[%add3A_502] : memref<320000xf32, #tpu.memory_space<hbm>> -> memref<80xf32, #tpu.memory_space<hbm>>
        tpu.enqueue_dma source(%dma_start3A_508 : memref<80xf32, #tpu.memory_space<hbm>>) target(%arg18 : memref<80xf32, #tpu.memory_space<vmem>>) target_semaphore(%arg28 : memref<!tpu.dma_semaphore, #tpu.memory_space<semaphore_mem>>)
      } else {
      }
      %add3A_267 = arith.constant 1 : i32
      %add3A_268 = arith.addi %add3A_254, %add3A_267 : i32
      %le3A_269 = arith.constant 124 : i32
      %le3A_270 = arith.cmpi sle, %add3A_268, %le3A_269 : i32
      %convert_element_type3A_271 = arith.extui %le3A_270 : i1 to i32
      %cond3A_272 = arith.constant 0 : i32
      %cond3A_273 = arith.cmpi ne, %convert_element_type3A_271, %cond3A_272 : i32
      scf.if %cond3A_273 {
        %add3A_498 = arith.constant 1 : i32
        %add3A_499 = arith.addi %add3A_254, %add3A_498 : i32
        %mul3A_500 = arith.constant 80 : i32
        %mul3A_501 = arith.muli %add3A_499, %mul3A_500 : i32
        %add3A_502 = arith.addi %mul3A_2, %mul3A_501 : i32
        %dma_wait3A_503 = tpu.memref_slice %arg4[%add3A_502] : memref<320000xi32, #tpu.memory_space<hbm>> -> memref<80xi32, #tpu.memory_space<hbm>>
        %dma_wait3A_504 = tpu.memref_slice %arg4[%add3A_502] : memref<320000xi32, #tpu.memory_space<hbm>> -> memref<80xi32, #tpu.memory_space<hbm>>
        tpu.wait_dma2 semaphore(%arg27 : memref<!tpu.dma_semaphore, #tpu.memory_space<semaphore_mem>>) src(%dma_wait3A_504 : memref<80xi32, #tpu.memory_space<hbm>>) dst(%arg11 : memref<80xi32, #tpu.memory_space<vmem>>)
        %dma_wait3A_505 = tpu.memref_slice %arg5[%add3A_502] : memref<320000xi32, #tpu.memory_space<hbm>> -> memref<80xi32, #tpu.memory_space<hbm>>
        %dma_wait3A_506 = tpu.memref_slice %arg5[%add3A_502] : memref<320000xi32, #tpu.memory_space<hbm>> -> memref<80xi32, #tpu.memory_space<hbm>>
        tpu.wait_dma2 semaphore(%arg27 : memref<!tpu.dma_semaphore, #tpu.memory_space<semaphore_mem>>) src(%dma_wait3A_506 : memref<80xi32, #tpu.memory_space<hbm>>) dst(%arg14 : memref<80xi32, #tpu.memory_space<vmem>>)
        %dma_wait3A_507 = tpu.memref_slice %arg6[%add3A_502] : memref<320000xf32, #tpu.memory_space<hbm>> -> memref<80xf32, #tpu.memory_space<hbm>>
        %dma_wait3A_508 = tpu.memref_slice %arg6[%add3A_502] : memref<320000xf32, #tpu.memory_space<hbm>> -> memref<80xf32, #tpu.memory_space<hbm>>
        tpu.wait_dma2 semaphore(%arg27 : memref<!tpu.dma_semaphore, #tpu.memory_space<semaphore_mem>>) src(%dma_wait3A_508 : memref<80xf32, #tpu.memory_space<hbm>>) dst(%arg17 : memref<80xf32, #tpu.memory_space<vmem>>)
        %dma_start3A_509 = arith.constant 0 : i32
        %dma_start3A_510 = arith.constant 0 : i32
        %dma_start3A_511 = tpu.memref_slice %arg2[%dma_start3A_509, %dma_start3A_510] : memref<10000x128xf32, #tpu.memory_space<hbm>> -> memref<10000x128xf32, #tpu.memory_space<hbm>>
        tpu.enqueue_indirect_dma source(%dma_start3A_511 : memref<10000x128xf32, #tpu.memory_space<hbm>>) target(%arg23 : memref<80x128xf32, #tpu.memory_space<vmem>>) offsets(%arg11 : memref<80xi32, #tpu.memory_space<vmem>>) semaphore(%arg30 : memref<!tpu.dma_semaphore, #tpu.memory_space<semaphore_mem>>)
      } else {
      }
      %ge3A_274 = arith.constant 3 : i32
      %ge3A_275 = arith.cmpi sge, %add3A_254, %ge3A_274 : i32
      %convert_element_type3A_276 = arith.extui %ge3A_275 : i1 to i32
      %cond3A_277 = arith.constant 0 : i32
      %cond3A_278 = arith.cmpi ne, %convert_element_type3A_276, %cond3A_277 : i32
      scf.if %cond3A_278 {
        %sub3A = arith.constant 3 : i32
        %sub3A_498 = arith.subi %add3A_254, %sub3A : i32
        %mul3A_499 = arith.constant 80 : i32
        %mul3A_500 = arith.muli %sub3A_498, %mul3A_499 : i32
        %add3A_501 = arith.addi %mul3A_2, %mul3A_500 : i32
        %dma_wait3A_502 = tpu.memref_slice %arg7[%add3A_501] : memref<320000xf32, #tpu.memory_space<hbm>> -> memref<80xf32, #tpu.memory_space<hbm>>
        %dma_wait3A_503 = tpu.memref_slice %arg7[%add3A_501] : memref<320000xf32, #tpu.memory_space<hbm>> -> memref<80xf32, #tpu.memory_space<hbm>>
        tpu.wait_dma2 semaphore(%arg32 : memref<!tpu.dma_semaphore, #tpu.memory_space<semaphore_mem>>) src(%arg19 : memref<80xf32, #tpu.memory_space<vmem>>) dst(%dma_wait3A_503 : memref<80xf32, #tpu.memory_space<hbm>>)
      } else {
      }
      %get3A_279 = arith.constant 0 : index
      %get3A_280 = tpu.vector_load %arg16[%get3A_279] {strides = array<i32>} : memref<80xf32, #tpu.memory_space<vmem>>, vector<16xf32>,
      %get3A_281 = arith.constant 0 : index
      %get3A_282 = tpu.vector_load %arg13[%get3A_281] {strides = array<i32>} : memref<80xi32, #tpu.memory_space<vmem>>, vector<16xi32>,
      %gather3A_283 = tpu.vector_load_idx %arg9[%get3A_282] : memref<10000xf32, #tpu.memory_space<vmem>>[vector<16xi32>], vector<16xf32>,
      %mul3A_284 = arith.mulf %get3A_280, %gather3A_283 : vector<16xf32>
      %swap3A_285 = arith.constant 0 : index
      %swap3A_286 = tpu.vector_load %arg19[%swap3A_285] {strides = array<i32>} : memref<80xf32, #tpu.memory_space<vmem>>, vector<16xf32>,
      tpu.vector_store %arg19[%swap3A_285], %mul3A_284 {strides = array<i32>} : memref<80xf32, #tpu.memory_space<vmem>>, vector<16xf32>,
      %get3A_287 = arith.constant 16 : index
      %get3A_288 = tpu.vector_load %arg16[%get3A_287] {strides = array<i32>} : memref<80xf32, #tpu.memory_space<vmem>>, vector<16xf32>,
      %get3A_289 = arith.constant 16 : index
      %get3A_290 = tpu.vector_load %arg13[%get3A_289] {strides = array<i32>} : memref<80xi32, #tpu.memory_space<vmem>>, vector<16xi32>,
      %gather3A_291 = tpu.vector_load_idx %arg9[%get3A_290] : memref<10000xf32, #tpu.memory_space<vmem>>[vector<16xi32>], vector<16xf32>,
      %mul3A_292 = arith.mulf %get3A_288, %gather3A_291 : vector<16xf32>
      %swap3A_293 = arith.constant 16 : index
      %swap3A_294 = tpu.vector_load %arg19[%swap3A_293] {strides = array<i32>} : memref<80xf32, #tpu.memory_space<vmem>>, vector<16xf32>,
      tpu.vector_store %arg19[%swap3A_293], %mul3A_292 {strides = array<i32>} : memref<80xf32, #tpu.memory_space<vmem>>, vector<16xf32>,
      %get3A_295 = arith.constant 32 : index
      %get3A_296 = tpu.vector_load %arg16[%get3A_295] {strides = array<i32>} : memref<80xf32, #tpu.memory_space<vmem>>, vector<16xf32>,
      %get3A_297 = arith.constant 32 : index
      %get3A_298 = tpu.vector_load %arg13[%get3A_297] {strides = array<i32>} : memref<80xi32, #tpu.memory_space<vmem>>, vector<16xi32>,
      %gather3A_299 = tpu.vector_load_idx %arg9[%get3A_298] : memref<10000xf32, #tpu.memory_space<vmem>>[vector<16xi32>], vector<16xf32>,
      %mul3A_300 = arith.mulf %get3A_296, %gather3A_299 : vector<16xf32>
      %swap3A_301 = arith.constant 32 : index
      %swap3A_302 = tpu.vector_load %arg19[%swap3A_301] {strides = array<i32>} : memref<80xf32, #tpu.memory_space<vmem>>, vector<16xf32>,
      tpu.vector_store %arg19[%swap3A_301], %mul3A_300 {strides = array<i32>} : memref<80xf32, #tpu.memory_space<vmem>>, vector<16xf32>,
      %get3A_303 = arith.constant 48 : index
      %get3A_304 = tpu.vector_load %arg16[%get3A_303] {strides = array<i32>} : memref<80xf32, #tpu.memory_space<vmem>>, vector<16xf32>,
      %get3A_305 = arith.constant 48 : index
      %get3A_306 = tpu.vector_load %arg13[%get3A_305] {strides = array<i32>} : memref<80xi32, #tpu.memory_space<vmem>>, vector<16xi32>,
      %gather3A_307 = tpu.vector_load_idx %arg9[%get3A_306] : memref<10000xf32, #tpu.memory_space<vmem>>[vector<16xi32>], vector<16xf32>,
      %mul3A_308 = arith.mulf %get3A_304, %gather3A_307 : vector<16xf32>
      %swap3A_309 = arith.constant 48 : index
      %swap3A_310 = tpu.vector_load %arg19[%swap3A_309] {strides = array<i32>} : memref<80xf32, #tpu.memory_space<vmem>>, vector<16xf32>,
      tpu.vector_store %arg19[%swap3A_309], %mul3A_308 {strides = array<i32>} : memref<80xf32, #tpu.memory_space<vmem>>, vector<16xf32>,
      %get3A_311 = arith.constant 64 : index
      %get3A_312 = tpu.vector_load %arg16[%get3A_311] {strides = array<i32>} : memref<80xf32, #tpu.memory_space<vmem>>, vector<16xf32>,
      %get3A_313 = arith.constant 64 : index
      %get3A_314 = tpu.vector_load %arg13[%get3A_313] {strides = array<i32>} : memref<80xi32, #tpu.memory_space<vmem>>, vector<16xi32>,
      %gather3A_315 = tpu.vector_load_idx %arg9[%get3A_314] : memref<10000xf32, #tpu.memory_space<vmem>>[vector<16xi32>], vector<16xf32>,
      %mul3A_316 = arith.mulf %get3A_312, %gather3A_315 : vector<16xf32>
      %swap3A_317 = arith.constant 64 : index
      %swap3A_318 = tpu.vector_load %arg19[%swap3A_317] {strides = array<i32>} : memref<80xf32, #tpu.memory_space<vmem>>, vector<16xf32>,
      tpu.vector_store %arg19[%swap3A_317], %mul3A_316 {strides = array<i32>} : memref<80xf32, #tpu.memory_space<vmem>>, vector<16xf32>,
      %mul3A_319 = arith.constant 80 : i32
      %mul3A_320 = arith.muli %add3A_254, %mul3A_319 : i32
      %add3A_321 = arith.addi %mul3A_2, %mul3A_320 : i32
      %dma_start3A_322 = tpu.memref_slice %arg7[%add3A_321] : memref<320000xf32, #tpu.memory_space<hbm>> -> memref<80xf32, #tpu.memory_space<hbm>>
      %dma_start3A_323 = tpu.memref_slice %arg7[%add3A_321] : memref<320000xf32, #tpu.memory_space<hbm>> -> memref<80xf32, #tpu.memory_space<hbm>>
      tpu.enqueue_dma source(%arg19 : memref<80xf32, #tpu.memory_space<vmem>>) target(%dma_start3A_323 : memref<80xf32, #tpu.memory_space<hbm>>) target_semaphore(%arg32 : memref<!tpu.dma_semaphore, #tpu.memory_space<semaphore_mem>>)
      %dma_wait3A_324 = arith.constant 0 : i32
      %dma_wait3A_325 = arith.constant 0 : i32
      %dma_wait3A_326 = tpu.memref_slice %arg2[%dma_wait3A_324, %dma_wait3A_325] : memref<10000x128xf32, #tpu.memory_space<hbm>> -> memref<10000x128xf32, #tpu.memory_space<hbm>>
      tpu.wait_indirect_dma semaphore(%arg29 : memref<!tpu.dma_semaphore, #tpu.memory_space<semaphore_mem>>) src(%dma_wait3A_326 : memref<10000x128xf32, #tpu.memory_space<hbm>>) dst(%arg22 : memref<80x128xf32, #tpu.memory_space<vmem>>)
      %parallel_loop3A_327 = arith.constant 0 : i32
      %parallel_loop3A_328 = arith.constant 80 : i32
      %parallel_loop3A_329 = arith.constant 1 : i32
      scf.for %parallel_loop3A_498 = %parallel_loop3A_327 to %parallel_loop3A_328 step %parallel_loop3A_329  : i32 {
        %parallel_loop3A_499 = vector.broadcast %parallel_loop3A_498 : i32 to vector<16xi32>
        %parallel_loop3A_500 = tpu.vector_load_idx %arg19[%parallel_loop3A_499] : memref<80xf32, #tpu.memory_space<vmem>>[vector<16xi32>], vector<16xf32>,
        %parallel_loop3A_501 = arith.index_cast %parallel_loop3A_498 : i32 to index
        %parallel_loop3A_502 = arith.constant 0 : index
        %parallel_loop3A_503 = tpu.vector_load %arg22[%parallel_loop3A_501, %parallel_loop3A_502] {strides = array<i32>} : memref<80x128xf32, #tpu.memory_space<vmem>>, vector<16xf32>,
        %parallel_loop3A_504 = arith.mulf %parallel_loop3A_503, %parallel_loop3A_500 : vector<16xf32>
        %parallel_loop3A_505 = arith.index_cast %parallel_loop3A_498 : i32 to index
        %parallel_loop3A_506 = arith.constant 0 : index
        %parallel_loop3A_507 = tpu.vector_load %arg22[%parallel_loop3A_505, %parallel_loop3A_506] {strides = array<i32>} : memref<80x128xf32, #tpu.memory_space<vmem>>, vector<16xf32>,
        tpu.vector_store %arg22[%parallel_loop3A_505, %parallel_loop3A_506], %parallel_loop3A_504 {strides = array<i32>} : memref<80x128xf32, #tpu.memory_space<vmem>>, vector<16xf32>,
        %parallel_loop3A_508 = arith.index_cast %parallel_loop3A_498 : i32 to index
        %parallel_loop3A_509 = arith.constant 16 : index
        %parallel_loop3A_510 = tpu.vector_load %arg22[%parallel_loop3A_508, %parallel_loop3A_509] {strides = array<i32>} : memref<80x128xf32, #tpu.memory_space<vmem>>, vector<16xf32>,
        %parallel_loop3A_511 = arith.mulf %parallel_loop3A_510, %parallel_loop3A_500 : vector<16xf32>
        %parallel_loop3A_512 = arith.index_cast %parallel_loop3A_498 : i32 to index
        %parallel_loop3A_513 = arith.constant 16 : index
        %parallel_loop3A_514 = tpu.vector_load %arg22[%parallel_loop3A_512, %parallel_loop3A_513] {strides = array<i32>} : memref<80x128xf32, #tpu.memory_space<vmem>>, vector<16xf32>,
        tpu.vector_store %arg22[%parallel_loop3A_512, %parallel_loop3A_513], %parallel_loop3A_511 {strides = array<i32>} : memref<80x128xf32, #tpu.memory_space<vmem>>, vector<16xf32>,
        %parallel_loop3A_515 = arith.index_cast %parallel_loop3A_498 : i32 to index
        %parallel_loop3A_516 = arith.constant 32 : index
        %parallel_loop3A_517 = tpu.vector_load %arg22[%parallel_loop3A_515, %parallel_loop3A_516] {strides = array<i32>} : memref<80x128xf32, #tpu.memory_space<vmem>>, vector<16xf32>,
        %parallel_loop3A_518 = arith.mulf %parallel_loop3A_517, %parallel_loop3A_500 : vector<16xf32>
        %parallel_loop3A_519 = arith.index_cast %parallel_loop3A_498 : i32 to index
        %parallel_loop3A_520 = arith.constant 32 : index
        %parallel_loop3A_521 = tpu.vector_load %arg22[%parallel_loop3A_519, %parallel_loop3A_520] {strides = array<i32>} : memref<80x128xf32, #tpu.memory_space<vmem>>, vector<16xf32>,
        tpu.vector_store %arg22[%parallel_loop3A_519, %parallel_loop3A_520], %parallel_loop3A_518 {strides = array<i32>} : memref<80x128xf32, #tpu.memory_space<vmem>>, vector<16xf32>,
        %parallel_loop3A_522 = arith.index_cast %parallel_loop3A_498 : i32 to index
        %parallel_loop3A_523 = arith.constant 48 : index
        %parallel_loop3A_524 = tpu.vector_load %arg22[%parallel_loop3A_522, %parallel_loop3A_523] {strides = array<i32>} : memref<80x128xf32, #tpu.memory_space<vmem>>, vector<16xf32>,
        %parallel_loop3A_525 = arith.mulf %parallel_loop3A_524, %parallel_loop3A_500 : vector<16xf32>
        %parallel_loop3A_526 = arith.index_cast %parallel_loop3A_498 : i32 to index
        %parallel_loop3A_527 = arith.constant 48 : index
        %parallel_loop3A_528 = tpu.vector_load %arg22[%parallel_loop3A_526, %parallel_loop3A_527] {strides = array<i32>} : memref<80x128xf32, #tpu.memory_space<vmem>>, vector<16xf32>,
        tpu.vector_store %arg22[%parallel_loop3A_526, %parallel_loop3A_527], %parallel_loop3A_525 {strides = array<i32>} : memref<80x128xf32, #tpu.memory_space<vmem>>, vector<16xf32>,
        %parallel_loop3A_529 = arith.index_cast %parallel_loop3A_498 : i32 to index
        %parallel_loop3A_530 = arith.constant 64 : index
        %parallel_loop3A_531 = tpu.vector_load %arg22[%parallel_loop3A_529, %parallel_loop3A_530] {strides = array<i32>} : memref<80x128xf32, #tpu.memory_space<vmem>>, vector<16xf32>,
        %parallel_loop3A_532 = arith.mulf %parallel_loop3A_531, %parallel_loop3A_500 : vector<16xf32>
        %parallel_loop3A_533 = arith.index_cast %parallel_loop3A_498 : i32 to index
        %parallel_loop3A_534 = arith.constant 64 : index
        %parallel_loop3A_535 = tpu.vector_load %arg22[%parallel_loop3A_533, %parallel_loop3A_534] {strides = array<i32>} : memref<80x128xf32, #tpu.memory_space<vmem>>, vector<16xf32>,
        tpu.vector_store %arg22[%parallel_loop3A_533, %parallel_loop3A_534], %parallel_loop3A_532 {strides = array<i32>} : memref<80x128xf32, #tpu.memory_space<vmem>>, vector<16xf32>,
        %parallel_loop3A_536 = arith.index_cast %parallel_loop3A_498 : i32 to index
        %parallel_loop3A_537 = arith.constant 80 : index
        %parallel_loop3A_538 = tpu.vector_load %arg22[%parallel_loop3A_536, %parallel_loop3A_537] {strides = array<i32>} : memref<80x128xf32, #tpu.memory_space<vmem>>, vector<16xf32>,
        %parallel_loop3A_539 = arith.mulf %parallel_loop3A_538, %parallel_loop3A_500 : vector<16xf32>
        %parallel_loop3A_540 = arith.index_cast %parallel_loop3A_498 : i32 to index
        %parallel_loop3A_541 = arith.constant 80 : index
        %parallel_loop3A_542 = tpu.vector_load %arg22[%parallel_loop3A_540, %parallel_loop3A_541] {strides = array<i32>} : memref<80x128xf32, #tpu.memory_space<vmem>>, vector<16xf32>,
        tpu.vector_store %arg22[%parallel_loop3A_540, %parallel_loop3A_541], %parallel_loop3A_539 {strides = array<i32>} : memref<80x128xf32, #tpu.memory_space<vmem>>, vector<16xf32>,
        %parallel_loop3A_543 = arith.index_cast %parallel_loop3A_498 : i32 to index
        %parallel_loop3A_544 = arith.constant 96 : index
        %parallel_loop3A_545 = tpu.vector_load %arg22[%parallel_loop3A_543, %parallel_loop3A_544] {strides = array<i32>} : memref<80x128xf32, #tpu.memory_space<vmem>>, vector<16xf32>,
        %parallel_loop3A_546 = arith.mulf %parallel_loop3A_545, %parallel_loop3A_500 : vector<16xf32>
        %parallel_loop3A_547 = arith.index_cast %parallel_loop3A_498 : i32 to index
        %parallel_loop3A_548 = arith.constant 96 : index
        %parallel_loop3A_549 = tpu.vector_load %arg22[%parallel_loop3A_547, %parallel_loop3A_548] {strides = array<i32>} : memref<80x128xf32, #tpu.memory_space<vmem>>, vector<16xf32>,
        tpu.vector_store %arg22[%parallel_loop3A_547, %parallel_loop3A_548], %parallel_loop3A_546 {strides = array<i32>} : memref<80x128xf32, #tpu.memory_space<vmem>>, vector<16xf32>,
        %parallel_loop3A_550 = arith.index_cast %parallel_loop3A_498 : i32 to index
        %parallel_loop3A_551 = arith.constant 112 : index
        %parallel_loop3A_552 = tpu.vector_load %arg22[%parallel_loop3A_550, %parallel_loop3A_551] {strides = array<i32>} : memref<80x128xf32, #tpu.memory_space<vmem>>, vector<16xf32>,
        %parallel_loop3A_553 = arith.mulf %parallel_loop3A_552, %parallel_loop3A_500 : vector<16xf32>
        %parallel_loop3A_554 = arith.index_cast %parallel_loop3A_498 : i32 to index
        %parallel_loop3A_555 = arith.constant 112 : index
        %parallel_loop3A_556 = tpu.vector_load %arg22[%parallel_loop3A_554, %parallel_loop3A_555] {strides = array<i32>} : memref<80x128xf32, #tpu.memory_space<vmem>>, vector<16xf32>,
        tpu.vector_store %arg22[%parallel_loop3A_554, %parallel_loop3A_555], %parallel_loop3A_553 {strides = array<i32>} : memref<80x128xf32, #tpu.memory_space<vmem>>, vector<16xf32>,
      } {sc.loop_unroll_factor = 4 : i64, sc.parallel_access}
      %dma_start3A_330 = arith.constant 0 : i32
      %dma_start3A_331 = arith.constant 0 : i32
      %dma_start3A_332 = tpu.memref_slice %arg25[%dma_start3A_330, %dma_start3A_331] : memref<10000x128xf32, #tpu.memory_space<vmem_shared>> -> memref<10000x128xf32, #tpu.memory_space<vmem_shared>>
      tpu.enqueue_indirect_dma source(%arg22 : memref<80x128xf32, #tpu.memory_space<vmem>>) target(%dma_start3A_332 : memref<10000x128xf32, #tpu.memory_space<vmem_shared>>) offsets(%arg13 : memref<80xi32, #tpu.memory_space<vmem>>) semaphore(%arg35 : memref<!tpu.dma_semaphore, #tpu.memory_space<semaphore_mem>>) {add = true}
      %mul3A_333 = arith.constant 3 : i32
      %mul3A_334 = arith.muli %scan3A_249, %mul3A_333 : i32
      %add3A_335 = arith.constant 1 : i32
      %add3A_336 = arith.addi %mul3A_334, %add3A_335 : i32
      %ge3A_337 = arith.constant 1 : i32
      %ge3A_338 = arith.cmpi sge, %add3A_336, %ge3A_337 : i32
      %convert_element_type3A_339 = arith.extui %ge3A_338 : i1 to i32
      %cond3A_340 = arith.constant 0 : i32
      %cond3A_341 = arith.cmpi ne, %convert_element_type3A_339, %cond3A_340 : i32
      scf.if %cond3A_341 {
        %dma_wait3A_498 = arith.constant 0 : i32
        %dma_wait3A_499 = arith.constant 0 : i32
        %dma_wait3A_500 = tpu.memref_slice %arg25[%dma_wait3A_498, %dma_wait3A_499] : memref<10000x128xf32, #tpu.memory_space<vmem_shared>> -> memref<10000x128xf32, #tpu.memory_space<vmem_shared>>
        tpu.wait_indirect_dma semaphore(%arg35 : memref<!tpu.dma_semaphore, #tpu.memory_space<semaphore_mem>>) src(%arg22 : memref<80x128xf32, #tpu.memory_space<vmem>>) dst(%dma_wait3A_500 : memref<10000x128xf32, #tpu.memory_space<vmem_shared>>)
      } else {
      }
      %add3A_342 = arith.constant 2 : i32
      %add3A_343 = arith.addi %add3A_336, %add3A_342 : i32
      %le3A_344 = arith.constant 124 : i32
      %le3A_345 = arith.cmpi sle, %add3A_343, %le3A_344 : i32
      %convert_element_type3A_346 = arith.extui %le3A_345 : i1 to i32
      %cond3A_347 = arith.constant 0 : i32
      %cond3A_348 = arith.cmpi ne, %convert_element_type3A_346, %cond3A_347 : i32
      scf.if %cond3A_348 {
        %add3A_498 = arith.constant 2 : i32
        %add3A_499 = arith.addi %add3A_336, %add3A_498 : i32
        %mul3A_500 = arith.constant 80 : i32
        %mul3A_501 = arith.muli %add3A_499, %mul3A_500 : i32
        %add3A_502 = arith.addi %mul3A_2, %mul3A_501 : i32
        %dma_start3A_503 = tpu.memref_slice %arg4[%add3A_502] : memref<320000xi32, #tpu.memory_space<hbm>> -> memref<80xi32, #tpu.memory_space<hbm>>
        %dma_start3A_504 = tpu.memref_slice %arg4[%add3A_502] : memref<320000xi32, #tpu.memory_space<hbm>> -> memref<80xi32, #tpu.memory_space<hbm>>
        tpu.enqueue_dma source(%dma_start3A_504 : memref<80xi32, #tpu.memory_space<hbm>>) target(%arg10 : memref<80xi32, #tpu.memory_space<vmem>>) target_semaphore(%arg26 : memref<!tpu.dma_semaphore, #tpu.memory_space<semaphore_mem>>)
        %dma_start3A_505 = tpu.memref_slice %arg5[%add3A_502] : memref<320000xi32, #tpu.memory_space<hbm>> -> memref<80xi32, #tpu.memory_space<hbm>>
        %dma_start3A_506 = tpu.memref_slice %arg5[%add3A_502] : memref<320000xi32, #tpu.memory_space<hbm>> -> memref<80xi32, #tpu.memory_space<hbm>>
        tpu.enqueue_dma source(%dma_start3A_506 : memref<80xi32, #tpu.memory_space<hbm>>) target(%arg13 : memref<80xi32, #tpu.memory_space<vmem>>) target_semaphore(%arg26 : memref<!tpu.dma_semaphore, #tpu.memory_space<semaphore_mem>>)
        %dma_start3A_507 = tpu.memref_slice %arg6[%add3A_502] : memref<320000xf32, #tpu.memory_space<hbm>> -> memref<80xf32, #tpu.memory_space<hbm>>
        %dma_start3A_508 = tpu.memref_slice %arg6[%add3A_502] : memref<320000xf32, #tpu.memory_space<hbm>> -> memref<80xf32, #tpu.memory_space<hbm>>
        tpu.enqueue_dma source(%dma_start3A_508 : memref<80xf32, #tpu.memory_space<hbm>>) target(%arg16 : memref<80xf32, #tpu.memory_space<vmem>>) target_semaphore(%arg26 : memref<!tpu.dma_semaphore, #tpu.memory_space<semaphore_mem>>)
      } else {
      }
      %add3A_349 = arith.constant 1 : i32
      %add3A_350 = arith.addi %add3A_336, %add3A_349 : i32
      %le3A_351 = arith.constant 124 : i32
      %le3A_352 = arith.cmpi sle, %add3A_350, %le3A_351 : i32
      %convert_element_type3A_353 = arith.extui %le3A_352 : i1 to i32
      %cond3A_354 = arith.constant 0 : i32
      %cond3A_355 = arith.cmpi ne, %convert_element_type3A_353, %cond3A_354 : i32
      scf.if %cond3A_355 {
        %add3A_498 = arith.constant 1 : i32
        %add3A_499 = arith.addi %add3A_336, %add3A_498 : i32
        %mul3A_500 = arith.constant 80 : i32
        %mul3A_501 = arith.muli %add3A_499, %mul3A_500 : i32
        %add3A_502 = arith.addi %mul3A_2, %mul3A_501 : i32
        %dma_wait3A_503 = tpu.memref_slice %arg4[%add3A_502] : memref<320000xi32, #tpu.memory_space<hbm>> -> memref<80xi32, #tpu.memory_space<hbm>>
        %dma_wait3A_504 = tpu.memref_slice %arg4[%add3A_502] : memref<320000xi32, #tpu.memory_space<hbm>> -> memref<80xi32, #tpu.memory_space<hbm>>
        tpu.wait_dma2 semaphore(%arg28 : memref<!tpu.dma_semaphore, #tpu.memory_space<semaphore_mem>>) src(%dma_wait3A_504 : memref<80xi32, #tpu.memory_space<hbm>>) dst(%arg12 : memref<80xi32, #tpu.memory_space<vmem>>)
        %dma_wait3A_505 = tpu.memref_slice %arg5[%add3A_502] : memref<320000xi32, #tpu.memory_space<hbm>> -> memref<80xi32, #tpu.memory_space<hbm>>
        %dma_wait3A_506 = tpu.memref_slice %arg5[%add3A_502] : memref<320000xi32, #tpu.memory_space<hbm>> -> memref<80xi32, #tpu.memory_space<hbm>>
        tpu.wait_dma2 semaphore(%arg28 : memref<!tpu.dma_semaphore, #tpu.memory_space<semaphore_mem>>) src(%dma_wait3A_506 : memref<80xi32, #tpu.memory_space<hbm>>) dst(%arg15 : memref<80xi32, #tpu.memory_space<vmem>>)
        %dma_wait3A_507 = tpu.memref_slice %arg6[%add3A_502] : memref<320000xf32, #tpu.memory_space<hbm>> -> memref<80xf32, #tpu.memory_space<hbm>>
        %dma_wait3A_508 = tpu.memref_slice %arg6[%add3A_502] : memref<320000xf32, #tpu.memory_space<hbm>> -> memref<80xf32, #tpu.memory_space<hbm>>
        tpu.wait_dma2 semaphore(%arg28 : memref<!tpu.dma_semaphore, #tpu.memory_space<semaphore_mem>>) src(%dma_wait3A_508 : memref<80xf32, #tpu.memory_space<hbm>>) dst(%arg18 : memref<80xf32, #tpu.memory_space<vmem>>)
        %dma_start3A_509 = arith.constant 0 : i32
        %dma_start3A_510 = arith.constant 0 : i32
        %dma_start3A_511 = tpu.memref_slice %arg2[%dma_start3A_509, %dma_start3A_510] : memref<10000x128xf32, #tpu.memory_space<hbm>> -> memref<10000x128xf32, #tpu.memory_space<hbm>>
        tpu.enqueue_indirect_dma source(%dma_start3A_511 : memref<10000x128xf32, #tpu.memory_space<hbm>>) target(%arg24 : memref<80x128xf32, #tpu.memory_space<vmem>>) offsets(%arg12 : memref<80xi32, #tpu.memory_space<vmem>>) semaphore(%arg31 : memref<!tpu.dma_semaphore, #tpu.memory_space<semaphore_mem>>)
      } else {
      }
      %ge3A_356 = arith.constant 3 : i32
      %ge3A_357 = arith.cmpi sge, %add3A_336, %ge3A_356 : i32
      %convert_element_type3A_358 = arith.extui %ge3A_357 : i1 to i32
      %cond3A_359 = arith.constant 0 : i32
      %cond3A_360 = arith.cmpi ne, %convert_element_type3A_358, %cond3A_359 : i32
      scf.if %cond3A_360 {
        %sub3A = arith.constant 3 : i32
        %sub3A_498 = arith.subi %add3A_336, %sub3A : i32
        %mul3A_499 = arith.constant 80 : i32
        %mul3A_500 = arith.muli %sub3A_498, %mul3A_499 : i32
        %add3A_501 = arith.addi %mul3A_2, %mul3A_500 : i32
        %dma_wait3A_502 = tpu.memref_slice %arg7[%add3A_501] : memref<320000xf32, #tpu.memory_space<hbm>> -> memref<80xf32, #tpu.memory_space<hbm>>
        %dma_wait3A_503 = tpu.memref_slice %arg7[%add3A_501] : memref<320000xf32, #tpu.memory_space<hbm>> -> memref<80xf32, #tpu.memory_space<hbm>>
        tpu.wait_dma2 semaphore(%arg33 : memref<!tpu.dma_semaphore, #tpu.memory_space<semaphore_mem>>) src(%arg20 : memref<80xf32, #tpu.memory_space<vmem>>) dst(%dma_wait3A_503 : memref<80xf32, #tpu.memory_space<hbm>>)
      } else {
      }
      %get3A_361 = arith.constant 0 : index
      %get3A_362 = tpu.vector_load %arg17[%get3A_361] {strides = array<i32>} : memref<80xf32, #tpu.memory_space<vmem>>, vector<16xf32>,
      %get3A_363 = arith.constant 0 : index
      %get3A_364 = tpu.vector_load %arg14[%get3A_363] {strides = array<i32>} : memref<80xi32, #tpu.memory_space<vmem>>, vector<16xi32>,
      %gather3A_365 = tpu.vector_load_idx %arg9[%get3A_364] : memref<10000xf32, #tpu.memory_space<vmem>>[vector<16xi32>], vector<16xf32>,
      %mul3A_366 = arith.mulf %get3A_362, %gather3A_365 : vector<16xf32>
      %swap3A_367 = arith.constant 0 : index
      %swap3A_368 = tpu.vector_load %arg20[%swap3A_367] {strides = array<i32>} : memref<80xf32, #tpu.memory_space<vmem>>, vector<16xf32>,
      tpu.vector_store %arg20[%swap3A_367], %mul3A_366 {strides = array<i32>} : memref<80xf32, #tpu.memory_space<vmem>>, vector<16xf32>,
      %get3A_369 = arith.constant 16 : index
      %get3A_370 = tpu.vector_load %arg17[%get3A_369] {strides = array<i32>} : memref<80xf32, #tpu.memory_space<vmem>>, vector<16xf32>,
      %get3A_371 = arith.constant 16 : index
      %get3A_372 = tpu.vector_load %arg14[%get3A_371] {strides = array<i32>} : memref<80xi32, #tpu.memory_space<vmem>>, vector<16xi32>,
      %gather3A_373 = tpu.vector_load_idx %arg9[%get3A_372] : memref<10000xf32, #tpu.memory_space<vmem>>[vector<16xi32>], vector<16xf32>,
      %mul3A_374 = arith.mulf %get3A_370, %gather3A_373 : vector<16xf32>
      %swap3A_375 = arith.constant 16 : index
      %swap3A_376 = tpu.vector_load %arg20[%swap3A_375] {strides = array<i32>} : memref<80xf32, #tpu.memory_space<vmem>>, vector<16xf32>,
      tpu.vector_store %arg20[%swap3A_375], %mul3A_374 {strides = array<i32>} : memref<80xf32, #tpu.memory_space<vmem>>, vector<16xf32>,
      %get3A_377 = arith.constant 32 : index
      %get3A_378 = tpu.vector_load %arg17[%get3A_377] {strides = array<i32>} : memref<80xf32, #tpu.memory_space<vmem>>, vector<16xf32>,
      %get3A_379 = arith.constant 32 : index
      %get3A_380 = tpu.vector_load %arg14[%get3A_379] {strides = array<i32>} : memref<80xi32, #tpu.memory_space<vmem>>, vector<16xi32>,
      %gather3A_381 = tpu.vector_load_idx %arg9[%get3A_380] : memref<10000xf32, #tpu.memory_space<vmem>>[vector<16xi32>], vector<16xf32>,
      %mul3A_382 = arith.mulf %get3A_378, %gather3A_381 : vector<16xf32>
      %swap3A_383 = arith.constant 32 : index
      %swap3A_384 = tpu.vector_load %arg20[%swap3A_383] {strides = array<i32>} : memref<80xf32, #tpu.memory_space<vmem>>, vector<16xf32>,
      tpu.vector_store %arg20[%swap3A_383], %mul3A_382 {strides = array<i32>} : memref<80xf32, #tpu.memory_space<vmem>>, vector<16xf32>,
      %get3A_385 = arith.constant 48 : index
      %get3A_386 = tpu.vector_load %arg17[%get3A_385] {strides = array<i32>} : memref<80xf32, #tpu.memory_space<vmem>>, vector<16xf32>,
      %get3A_387 = arith.constant 48 : index
      %get3A_388 = tpu.vector_load %arg14[%get3A_387] {strides = array<i32>} : memref<80xi32, #tpu.memory_space<vmem>>, vector<16xi32>,
      %gather3A_389 = tpu.vector_load_idx %arg9[%get3A_388] : memref<10000xf32, #tpu.memory_space<vmem>>[vector<16xi32>], vector<16xf32>,
      %mul3A_390 = arith.mulf %get3A_386, %gather3A_389 : vector<16xf32>
      %swap3A_391 = arith.constant 48 : index
      %swap3A_392 = tpu.vector_load %arg20[%swap3A_391] {strides = array<i32>} : memref<80xf32, #tpu.memory_space<vmem>>, vector<16xf32>,
      tpu.vector_store %arg20[%swap3A_391], %mul3A_390 {strides = array<i32>} : memref<80xf32, #tpu.memory_space<vmem>>, vector<16xf32>,
      %get3A_393 = arith.constant 64 : index
      %get3A_394 = tpu.vector_load %arg17[%get3A_393] {strides = array<i32>} : memref<80xf32, #tpu.memory_space<vmem>>, vector<16xf32>,
      %get3A_395 = arith.constant 64 : index
      %get3A_396 = tpu.vector_load %arg14[%get3A_395] {strides = array<i32>} : memref<80xi32, #tpu.memory_space<vmem>>, vector<16xi32>,
      %gather3A_397 = tpu.vector_load_idx %arg9[%get3A_396] : memref<10000xf32, #tpu.memory_space<vmem>>[vector<16xi32>], vector<16xf32>,
      %mul3A_398 = arith.mulf %get3A_394, %gather3A_397 : vector<16xf32>
      %swap3A_399 = arith.constant 64 : index
      %swap3A_400 = tpu.vector_load %arg20[%swap3A_399] {strides = array<i32>} : memref<80xf32, #tpu.memory_space<vmem>>, vector<16xf32>,
      tpu.vector_store %arg20[%swap3A_399], %mul3A_398 {strides = array<i32>} : memref<80xf32, #tpu.memory_space<vmem>>, vector<16xf32>,
      %mul3A_401 = arith.constant 80 : i32
      %mul3A_402 = arith.muli %add3A_336, %mul3A_401 : i32
      %add3A_403 = arith.addi %mul3A_2, %mul3A_402 : i32
      %dma_start3A_404 = tpu.memref_slice %arg7[%add3A_403] : memref<320000xf32, #tpu.memory_space<hbm>> -> memref<80xf32, #tpu.memory_space<hbm>>
      %dma_start3A_405 = tpu.memref_slice %arg7[%add3A_403] : memref<320000xf32, #tpu.memory_space<hbm>> -> memref<80xf32, #tpu.memory_space<hbm>>
      tpu.enqueue_dma source(%arg20 : memref<80xf32, #tpu.memory_space<vmem>>) target(%dma_start3A_405 : memref<80xf32, #tpu.memory_space<hbm>>) target_semaphore(%arg33 : memref<!tpu.dma_semaphore, #tpu.memory_space<semaphore_mem>>)
      %dma_wait3A_406 = arith.constant 0 : i32
      %dma_wait3A_407 = arith.constant 0 : i32
      %dma_wait3A_408 = tpu.memref_slice %arg2[%dma_wait3A_406, %dma_wait3A_407] : memref<10000x128xf32, #tpu.memory_space<hbm>> -> memref<10000x128xf32, #tpu.memory_space<hbm>>
      tpu.wait_indirect_dma semaphore(%arg30 : memref<!tpu.dma_semaphore, #tpu.memory_space<semaphore_mem>>) src(%dma_wait3A_408 : memref<10000x128xf32, #tpu.memory_space<hbm>>) dst(%arg23 : memref<80x128xf32, #tpu.memory_space<vmem>>)
      %parallel_loop3A_409 = arith.constant 0 : i32
      %parallel_loop3A_410 = arith.constant 80 : i32
      %parallel_loop3A_411 = arith.constant 1 : i32
      scf.for %parallel_loop3A_498 = %parallel_loop3A_409 to %parallel_loop3A_410 step %parallel_loop3A_411  : i32 {
        %parallel_loop3A_499 = vector.broadcast %parallel_loop3A_498 : i32 to vector<16xi32>
        %parallel_loop3A_500 = tpu.vector_load_idx %arg20[%parallel_loop3A_499] : memref<80xf32, #tpu.memory_space<vmem>>[vector<16xi32>], vector<16xf32>,
        %parallel_loop3A_501 = arith.index_cast %parallel_loop3A_498 : i32 to index
        %parallel_loop3A_502 = arith.constant 0 : index
        %parallel_loop3A_503 = tpu.vector_load %arg23[%parallel_loop3A_501, %parallel_loop3A_502] {strides = array<i32>} : memref<80x128xf32, #tpu.memory_space<vmem>>, vector<16xf32>,
        %parallel_loop3A_504 = arith.mulf %parallel_loop3A_503, %parallel_loop3A_500 : vector<16xf32>
        %parallel_loop3A_505 = arith.index_cast %parallel_loop3A_498 : i32 to index
        %parallel_loop3A_506 = arith.constant 0 : index
        %parallel_loop3A_507 = tpu.vector_load %arg23[%parallel_loop3A_505, %parallel_loop3A_506] {strides = array<i32>} : memref<80x128xf32, #tpu.memory_space<vmem>>, vector<16xf32>,
        tpu.vector_store %arg23[%parallel_loop3A_505, %parallel_loop3A_506], %parallel_loop3A_504 {strides = array<i32>} : memref<80x128xf32, #tpu.memory_space<vmem>>, vector<16xf32>,
        %parallel_loop3A_508 = arith.index_cast %parallel_loop3A_498 : i32 to index
        %parallel_loop3A_509 = arith.constant 16 : index
        %parallel_loop3A_510 = tpu.vector_load %arg23[%parallel_loop3A_508, %parallel_loop3A_509] {strides = array<i32>} : memref<80x128xf32, #tpu.memory_space<vmem>>, vector<16xf32>,
        %parallel_loop3A_511 = arith.mulf %parallel_loop3A_510, %parallel_loop3A_500 : vector<16xf32>
        %parallel_loop3A_512 = arith.index_cast %parallel_loop3A_498 : i32 to index
        %parallel_loop3A_513 = arith.constant 16 : index
        %parallel_loop3A_514 = tpu.vector_load %arg23[%parallel_loop3A_512, %parallel_loop3A_513] {strides = array<i32>} : memref<80x128xf32, #tpu.memory_space<vmem>>, vector<16xf32>,
        tpu.vector_store %arg23[%parallel_loop3A_512, %parallel_loop3A_513], %parallel_loop3A_511 {strides = array<i32>} : memref<80x128xf32, #tpu.memory_space<vmem>>, vector<16xf32>,
        %parallel_loop3A_515 = arith.index_cast %parallel_loop3A_498 : i32 to index
        %parallel_loop3A_516 = arith.constant 32 : index
        %parallel_loop3A_517 = tpu.vector_load %arg23[%parallel_loop3A_515, %parallel_loop3A_516] {strides = array<i32>} : memref<80x128xf32, #tpu.memory_space<vmem>>, vector<16xf32>,
        %parallel_loop3A_518 = arith.mulf %parallel_loop3A_517, %parallel_loop3A_500 : vector<16xf32>
        %parallel_loop3A_519 = arith.index_cast %parallel_loop3A_498 : i32 to index
        %parallel_loop3A_520 = arith.constant 32 : index
        %parallel_loop3A_521 = tpu.vector_load %arg23[%parallel_loop3A_519, %parallel_loop3A_520] {strides = array<i32>} : memref<80x128xf32, #tpu.memory_space<vmem>>, vector<16xf32>,
        tpu.vector_store %arg23[%parallel_loop3A_519, %parallel_loop3A_520], %parallel_loop3A_518 {strides = array<i32>} : memref<80x128xf32, #tpu.memory_space<vmem>>, vector<16xf32>,
        %parallel_loop3A_522 = arith.index_cast %parallel_loop3A_498 : i32 to index
        %parallel_loop3A_523 = arith.constant 48 : index
        %parallel_loop3A_524 = tpu.vector_load %arg23[%parallel_loop3A_522, %parallel_loop3A_523] {strides = array<i32>} : memref<80x128xf32, #tpu.memory_space<vmem>>, vector<16xf32>,
        %parallel_loop3A_525 = arith.mulf %parallel_loop3A_524, %parallel_loop3A_500 : vector<16xf32>
        %parallel_loop3A_526 = arith.index_cast %parallel_loop3A_498 : i32 to index
        %parallel_loop3A_527 = arith.constant 48 : index
        %parallel_loop3A_528 = tpu.vector_load %arg23[%parallel_loop3A_526, %parallel_loop3A_527] {strides = array<i32>} : memref<80x128xf32, #tpu.memory_space<vmem>>, vector<16xf32>,
        tpu.vector_store %arg23[%parallel_loop3A_526, %parallel_loop3A_527], %parallel_loop3A_525 {strides = array<i32>} : memref<80x128xf32, #tpu.memory_space<vmem>>, vector<16xf32>,
        %parallel_loop3A_529 = arith.index_cast %parallel_loop3A_498 : i32 to index
        %parallel_loop3A_530 = arith.constant 64 : index
        %parallel_loop3A_531 = tpu.vector_load %arg23[%parallel_loop3A_529, %parallel_loop3A_530] {strides = array<i32>} : memref<80x128xf32, #tpu.memory_space<vmem>>, vector<16xf32>,
        %parallel_loop3A_532 = arith.mulf %parallel_loop3A_531, %parallel_loop3A_500 : vector<16xf32>
        %parallel_loop3A_533 = arith.index_cast %parallel_loop3A_498 : i32 to index
        %parallel_loop3A_534 = arith.constant 64 : index
        %parallel_loop3A_535 = tpu.vector_load %arg23[%parallel_loop3A_533, %parallel_loop3A_534] {strides = array<i32>} : memref<80x128xf32, #tpu.memory_space<vmem>>, vector<16xf32>,
        tpu.vector_store %arg23[%parallel_loop3A_533, %parallel_loop3A_534], %parallel_loop3A_532 {strides = array<i32>} : memref<80x128xf32, #tpu.memory_space<vmem>>, vector<16xf32>,
        %parallel_loop3A_536 = arith.index_cast %parallel_loop3A_498 : i32 to index
        %parallel_loop3A_537 = arith.constant 80 : index
        %parallel_loop3A_538 = tpu.vector_load %arg23[%parallel_loop3A_536, %parallel_loop3A_537] {strides = array<i32>} : memref<80x128xf32, #tpu.memory_space<vmem>>, vector<16xf32>,
        %parallel_loop3A_539 = arith.mulf %parallel_loop3A_538, %parallel_loop3A_500 : vector<16xf32>
        %parallel_loop3A_540 = arith.index_cast %parallel_loop3A_498 : i32 to index
        %parallel_loop3A_541 = arith.constant 80 : index
        %parallel_loop3A_542 = tpu.vector_load %arg23[%parallel_loop3A_540, %parallel_loop3A_541] {strides = array<i32>} : memref<80x128xf32, #tpu.memory_space<vmem>>, vector<16xf32>,
        tpu.vector_store %arg23[%parallel_loop3A_540, %parallel_loop3A_541], %parallel_loop3A_539 {strides = array<i32>} : memref<80x128xf32, #tpu.memory_space<vmem>>, vector<16xf32>,
        %parallel_loop3A_543 = arith.index_cast %parallel_loop3A_498 : i32 to index
        %parallel_loop3A_544 = arith.constant 96 : index
        %parallel_loop3A_545 = tpu.vector_load %arg23[%parallel_loop3A_543, %parallel_loop3A_544] {strides = array<i32>} : memref<80x128xf32, #tpu.memory_space<vmem>>, vector<16xf32>,
        %parallel_loop3A_546 = arith.mulf %parallel_loop3A_545, %parallel_loop3A_500 : vector<16xf32>
        %parallel_loop3A_547 = arith.index_cast %parallel_loop3A_498 : i32 to index
        %parallel_loop3A_548 = arith.constant 96 : index
        %parallel_loop3A_549 = tpu.vector_load %arg23[%parallel_loop3A_547, %parallel_loop3A_548] {strides = array<i32>} : memref<80x128xf32, #tpu.memory_space<vmem>>, vector<16xf32>,
        tpu.vector_store %arg23[%parallel_loop3A_547, %parallel_loop3A_548], %parallel_loop3A_546 {strides = array<i32>} : memref<80x128xf32, #tpu.memory_space<vmem>>, vector<16xf32>,
        %parallel_loop3A_550 = arith.index_cast %parallel_loop3A_498 : i32 to index
        %parallel_loop3A_551 = arith.constant 112 : index
        %parallel_loop3A_552 = tpu.vector_load %arg23[%parallel_loop3A_550, %parallel_loop3A_551] {strides = array<i32>} : memref<80x128xf32, #tpu.memory_space<vmem>>, vector<16xf32>,
        %parallel_loop3A_553 = arith.mulf %parallel_loop3A_552, %parallel_loop3A_500 : vector<16xf32>
        %parallel_loop3A_554 = arith.index_cast %parallel_loop3A_498 : i32 to index
        %parallel_loop3A_555 = arith.constant 112 : index
        %parallel_loop3A_556 = tpu.vector_load %arg23[%parallel_loop3A_554, %parallel_loop3A_555] {strides = array<i32>} : memref<80x128xf32, #tpu.memory_space<vmem>>, vector<16xf32>,
        tpu.vector_store %arg23[%parallel_loop3A_554, %parallel_loop3A_555], %parallel_loop3A_553 {strides = array<i32>} : memref<80x128xf32, #tpu.memory_space<vmem>>, vector<16xf32>,
      } {sc.loop_unroll_factor = 4 : i64, sc.parallel_access}
      %dma_start3A_412 = arith.constant 0 : i32
      %dma_start3A_413 = arith.constant 0 : i32
      %dma_start3A_414 = tpu.memref_slice %arg25[%dma_start3A_412, %dma_start3A_413] : memref<10000x128xf32, #tpu.memory_space<vmem_shared>> -> memref<10000x128xf32, #tpu.memory_space<vmem_shared>>
      tpu.enqueue_indirect_dma source(%arg23 : memref<80x128xf32, #tpu.memory_space<vmem>>) target(%dma_start3A_414 : memref<10000x128xf32, #tpu.memory_space<vmem_shared>>) offsets(%arg14 : memref<80xi32, #tpu.memory_space<vmem>>) semaphore(%arg36 : memref<!tpu.dma_semaphore, #tpu.memory_space<semaphore_mem>>) {add = true}
      %mul3A_415 = arith.constant 3 : i32
      %mul3A_416 = arith.muli %scan3A_249, %mul3A_415 : i32
      %add3A_417 = arith.constant 2 : i32
      %add3A_418 = arith.addi %mul3A_416, %add3A_417 : i32
      %ge3A_419 = arith.constant 1 : i32
      %ge3A_420 = arith.cmpi sge, %add3A_418, %ge3A_419 : i32
      %convert_element_type3A_421 = arith.extui %ge3A_420 : i1 to i32
      %cond3A_422 = arith.constant 0 : i32
      %cond3A_423 = arith.cmpi ne, %convert_element_type3A_421, %cond3A_422 : i32
      scf.if %cond3A_423 {
        %dma_wait3A_498 = arith.constant 0 : i32
        %dma_wait3A_499 = arith.constant 0 : i32
        %dma_wait3A_500 = tpu.memref_slice %arg25[%dma_wait3A_498, %dma_wait3A_499] : memref<10000x128xf32, #tpu.memory_space<vmem_shared>> -> memref<10000x128xf32, #tpu.memory_space<vmem_shared>>
        tpu.wait_indirect_dma semaphore(%arg36 : memref<!tpu.dma_semaphore, #tpu.memory_space<semaphore_mem>>) src(%arg23 : memref<80x128xf32, #tpu.memory_space<vmem>>) dst(%dma_wait3A_500 : memref<10000x128xf32, #tpu.memory_space<vmem_shared>>)
      } else {
      }
      %add3A_424 = arith.constant 2 : i32
      %add3A_425 = arith.addi %add3A_418, %add3A_424 : i32
      %le3A_426 = arith.constant 124 : i32
      %le3A_427 = arith.cmpi sle, %add3A_425, %le3A_426 : i32
      %convert_element_type3A_428 = arith.extui %le3A_427 : i1 to i32
      %cond3A_429 = arith.constant 0 : i32
      %cond3A_430 = arith.cmpi ne, %convert_element_type3A_428, %cond3A_429 : i32
      scf.if %cond3A_430 {
        %add3A_498 = arith.constant 2 : i32
        %add3A_499 = arith.addi %add3A_418, %add3A_498 : i32
        %mul3A_500 = arith.constant 80 : i32
        %mul3A_501 = arith.muli %add3A_499, %mul3A_500 : i32
        %add3A_502 = arith.addi %mul3A_2, %mul3A_501 : i32
        %dma_start3A_503 = tpu.memref_slice %arg4[%add3A_502] : memref<320000xi32, #tpu.memory_space<hbm>> -> memref<80xi32, #tpu.memory_space<hbm>>
        %dma_start3A_504 = tpu.memref_slice %arg4[%add3A_502] : memref<320000xi32, #tpu.memory_space<hbm>> -> memref<80xi32, #tpu.memory_space<hbm>>
        tpu.enqueue_dma source(%dma_start3A_504 : memref<80xi32, #tpu.memory_space<hbm>>) target(%arg11 : memref<80xi32, #tpu.memory_space<vmem>>) target_semaphore(%arg27 : memref<!tpu.dma_semaphore, #tpu.memory_space<semaphore_mem>>)
        %dma_start3A_505 = tpu.memref_slice %arg5[%add3A_502] : memref<320000xi32, #tpu.memory_space<hbm>> -> memref<80xi32, #tpu.memory_space<hbm>>
        %dma_start3A_506 = tpu.memref_slice %arg5[%add3A_502] : memref<320000xi32, #tpu.memory_space<hbm>> -> memref<80xi32, #tpu.memory_space<hbm>>
        tpu.enqueue_dma source(%dma_start3A_506 : memref<80xi32, #tpu.memory_space<hbm>>) target(%arg14 : memref<80xi32, #tpu.memory_space<vmem>>) target_semaphore(%arg27 : memref<!tpu.dma_semaphore, #tpu.memory_space<semaphore_mem>>)
        %dma_start3A_507 = tpu.memref_slice %arg6[%add3A_502] : memref<320000xf32, #tpu.memory_space<hbm>> -> memref<80xf32, #tpu.memory_space<hbm>>
        %dma_start3A_508 = tpu.memref_slice %arg6[%add3A_502] : memref<320000xf32, #tpu.memory_space<hbm>> -> memref<80xf32, #tpu.memory_space<hbm>>
        tpu.enqueue_dma source(%dma_start3A_508 : memref<80xf32, #tpu.memory_space<hbm>>) target(%arg17 : memref<80xf32, #tpu.memory_space<vmem>>) target_semaphore(%arg27 : memref<!tpu.dma_semaphore, #tpu.memory_space<semaphore_mem>>)
      } else {
      }
      %add3A_431 = arith.constant 1 : i32
      %add3A_432 = arith.addi %add3A_418, %add3A_431 : i32
      %le3A_433 = arith.constant 124 : i32
      %le3A_434 = arith.cmpi sle, %add3A_432, %le3A_433 : i32
      %convert_element_type3A_435 = arith.extui %le3A_434 : i1 to i32
      %cond3A_436 = arith.constant 0 : i32
      %cond3A_437 = arith.cmpi ne, %convert_element_type3A_435, %cond3A_436 : i32
      scf.if %cond3A_437 {
        %add3A_498 = arith.constant 1 : i32
        %add3A_499 = arith.addi %add3A_418, %add3A_498 : i32
        %mul3A_500 = arith.constant 80 : i32
        %mul3A_501 = arith.muli %add3A_499, %mul3A_500 : i32
        %add3A_502 = arith.addi %mul3A_2, %mul3A_501 : i32
        %dma_wait3A_503 = tpu.memref_slice %arg4[%add3A_502] : memref<320000xi32, #tpu.memory_space<hbm>> -> memref<80xi32, #tpu.memory_space<hbm>>
        %dma_wait3A_504 = tpu.memref_slice %arg4[%add3A_502] : memref<320000xi32, #tpu.memory_space<hbm>> -> memref<80xi32, #tpu.memory_space<hbm>>
        tpu.wait_dma2 semaphore(%arg26 : memref<!tpu.dma_semaphore, #tpu.memory_space<semaphore_mem>>) src(%dma_wait3A_504 : memref<80xi32, #tpu.memory_space<hbm>>) dst(%arg10 : memref<80xi32, #tpu.memory_space<vmem>>)
        %dma_wait3A_505 = tpu.memref_slice %arg5[%add3A_502] : memref<320000xi32, #tpu.memory_space<hbm>> -> memref<80xi32, #tpu.memory_space<hbm>>
        %dma_wait3A_506 = tpu.memref_slice %arg5[%add3A_502] : memref<320000xi32, #tpu.memory_space<hbm>> -> memref<80xi32, #tpu.memory_space<hbm>>
        tpu.wait_dma2 semaphore(%arg26 : memref<!tpu.dma_semaphore, #tpu.memory_space<semaphore_mem>>) src(%dma_wait3A_506 : memref<80xi32, #tpu.memory_space<hbm>>) dst(%arg13 : memref<80xi32, #tpu.memory_space<vmem>>)
        %dma_wait3A_507 = tpu.memref_slice %arg6[%add3A_502] : memref<320000xf32, #tpu.memory_space<hbm>> -> memref<80xf32, #tpu.memory_space<hbm>>
        %dma_wait3A_508 = tpu.memref_slice %arg6[%add3A_502] : memref<320000xf32, #tpu.memory_space<hbm>> -> memref<80xf32, #tpu.memory_space<hbm>>
        tpu.wait_dma2 semaphore(%arg26 : memref<!tpu.dma_semaphore, #tpu.memory_space<semaphore_mem>>) src(%dma_wait3A_508 : memref<80xf32, #tpu.memory_space<hbm>>) dst(%arg16 : memref<80xf32, #tpu.memory_space<vmem>>)
        %dma_start3A_509 = arith.constant 0 : i32
        %dma_start3A_510 = arith.constant 0 : i32
        %dma_start3A_511 = tpu.memref_slice %arg2[%dma_start3A_509, %dma_start3A_510] : memref<10000x128xf32, #tpu.memory_space<hbm>> -> memref<10000x128xf32, #tpu.memory_space<hbm>>
        tpu.enqueue_indirect_dma source(%dma_start3A_511 : memref<10000x128xf32, #tpu.memory_space<hbm>>) target(%arg22 : memref<80x128xf32, #tpu.memory_space<vmem>>) offsets(%arg10 : memref<80xi32, #tpu.memory_space<vmem>>) semaphore(%arg29 : memref<!tpu.dma_semaphore, #tpu.memory_space<semaphore_mem>>)
      } else {
      }
      %ge3A_438 = arith.constant 3 : i32
      %ge3A_439 = arith.cmpi sge, %add3A_418, %ge3A_438 : i32
      %convert_element_type3A_440 = arith.extui %ge3A_439 : i1 to i32
      %cond3A_441 = arith.constant 0 : i32
      %cond3A_442 = arith.cmpi ne, %convert_element_type3A_440, %cond3A_441 : i32
      scf.if %cond3A_442 {
        %sub3A = arith.constant 3 : i32
        %sub3A_498 = arith.subi %add3A_418, %sub3A : i32
        %mul3A_499 = arith.constant 80 : i32
        %mul3A_500 = arith.muli %sub3A_498, %mul3A_499 : i32
        %add3A_501 = arith.addi %mul3A_2, %mul3A_500 : i32
        %dma_wait3A_502 = tpu.memref_slice %arg7[%add3A_501] : memref<320000xf32, #tpu.memory_space<hbm>> -> memref<80xf32, #tpu.memory_space<hbm>>
        %dma_wait3A_503 = tpu.memref_slice %arg7[%add3A_501] : memref<320000xf32, #tpu.memory_space<hbm>> -> memref<80xf32, #tpu.memory_space<hbm>>
        tpu.wait_dma2 semaphore(%arg34 : memref<!tpu.dma_semaphore, #tpu.memory_space<semaphore_mem>>) src(%arg21 : memref<80xf32, #tpu.memory_space<vmem>>) dst(%dma_wait3A_503 : memref<80xf32, #tpu.memory_space<hbm>>)
      } else {
      }
      %get3A_443 = arith.constant 0 : index
      %get3A_444 = tpu.vector_load %arg18[%get3A_443] {strides = array<i32>} : memref<80xf32, #tpu.memory_space<vmem>>, vector<16xf32>,
      %get3A_445 = arith.constant 0 : index
      %get3A_446 = tpu.vector_load %arg15[%get3A_445] {strides = array<i32>} : memref<80xi32, #tpu.memory_space<vmem>>, vector<16xi32>,
      %gather3A_447 = tpu.vector_load_idx %arg9[%get3A_446] : memref<10000xf32, #tpu.memory_space<vmem>>[vector<16xi32>], vector<16xf32>,
      %mul3A_448 = arith.mulf %get3A_444, %gather3A_447 : vector<16xf32>
      %swap3A_449 = arith.constant 0 : index
      %swap3A_450 = tpu.vector_load %arg21[%swap3A_449] {strides = array<i32>} : memref<80xf32, #tpu.memory_space<vmem>>, vector<16xf32>,
      tpu.vector_store %arg21[%swap3A_449], %mul3A_448 {strides = array<i32>} : memref<80xf32, #tpu.memory_space<vmem>>, vector<16xf32>,
      %get3A_451 = arith.constant 16 : index
      %get3A_452 = tpu.vector_load %arg18[%get3A_451] {strides = array<i32>} : memref<80xf32, #tpu.memory_space<vmem>>, vector<16xf32>,
      %get3A_453 = arith.constant 16 : index
      %get3A_454 = tpu.vector_load %arg15[%get3A_453] {strides = array<i32>} : memref<80xi32, #tpu.memory_space<vmem>>, vector<16xi32>,
      %gather3A_455 = tpu.vector_load_idx %arg9[%get3A_454] : memref<10000xf32, #tpu.memory_space<vmem>>[vector<16xi32>], vector<16xf32>,
      %mul3A_456 = arith.mulf %get3A_452, %gather3A_455 : vector<16xf32>
      %swap3A_457 = arith.constant 16 : index
      %swap3A_458 = tpu.vector_load %arg21[%swap3A_457] {strides = array<i32>} : memref<80xf32, #tpu.memory_space<vmem>>, vector<16xf32>,
      tpu.vector_store %arg21[%swap3A_457], %mul3A_456 {strides = array<i32>} : memref<80xf32, #tpu.memory_space<vmem>>, vector<16xf32>,
      %get3A_459 = arith.constant 32 : index
      %get3A_460 = tpu.vector_load %arg18[%get3A_459] {strides = array<i32>} : memref<80xf32, #tpu.memory_space<vmem>>, vector<16xf32>,
      %get3A_461 = arith.constant 32 : index
      %get3A_462 = tpu.vector_load %arg15[%get3A_461] {strides = array<i32>} : memref<80xi32, #tpu.memory_space<vmem>>, vector<16xi32>,
      %gather3A_463 = tpu.vector_load_idx %arg9[%get3A_462] : memref<10000xf32, #tpu.memory_space<vmem>>[vector<16xi32>], vector<16xf32>,
      %mul3A_464 = arith.mulf %get3A_460, %gather3A_463 : vector<16xf32>
      %swap3A_465 = arith.constant 32 : index
      %swap3A_466 = tpu.vector_load %arg21[%swap3A_465] {strides = array<i32>} : memref<80xf32, #tpu.memory_space<vmem>>, vector<16xf32>,
      tpu.vector_store %arg21[%swap3A_465], %mul3A_464 {strides = array<i32>} : memref<80xf32, #tpu.memory_space<vmem>>, vector<16xf32>,
      %get3A_467 = arith.constant 48 : index
      %get3A_468 = tpu.vector_load %arg18[%get3A_467] {strides = array<i32>} : memref<80xf32, #tpu.memory_space<vmem>>, vector<16xf32>,
      %get3A_469 = arith.constant 48 : index
      %get3A_470 = tpu.vector_load %arg15[%get3A_469] {strides = array<i32>} : memref<80xi32, #tpu.memory_space<vmem>>, vector<16xi32>,
      %gather3A_471 = tpu.vector_load_idx %arg9[%get3A_470] : memref<10000xf32, #tpu.memory_space<vmem>>[vector<16xi32>], vector<16xf32>,
      %mul3A_472 = arith.mulf %get3A_468, %gather3A_471 : vector<16xf32>
      %swap3A_473 = arith.constant 48 : index
      %swap3A_474 = tpu.vector_load %arg21[%swap3A_473] {strides = array<i32>} : memref<80xf32, #tpu.memory_space<vmem>>, vector<16xf32>,
      tpu.vector_store %arg21[%swap3A_473], %mul3A_472 {strides = array<i32>} : memref<80xf32, #tpu.memory_space<vmem>>, vector<16xf32>,
      %get3A_475 = arith.constant 64 : index
      %get3A_476 = tpu.vector_load %arg18[%get3A_475] {strides = array<i32>} : memref<80xf32, #tpu.memory_space<vmem>>, vector<16xf32>,
      %get3A_477 = arith.constant 64 : index
      %get3A_478 = tpu.vector_load %arg15[%get3A_477] {strides = array<i32>} : memref<80xi32, #tpu.memory_space<vmem>>, vector<16xi32>,
      %gather3A_479 = tpu.vector_load_idx %arg9[%get3A_478] : memref<10000xf32, #tpu.memory_space<vmem>>[vector<16xi32>], vector<16xf32>,
      %mul3A_480 = arith.mulf %get3A_476, %gather3A_479 : vector<16xf32>
      %swap3A_481 = arith.constant 64 : index
      %swap3A_482 = tpu.vector_load %arg21[%swap3A_481] {strides = array<i32>} : memref<80xf32, #tpu.memory_space<vmem>>, vector<16xf32>,
      tpu.vector_store %arg21[%swap3A_481], %mul3A_480 {strides = array<i32>} : memref<80xf32, #tpu.memory_space<vmem>>, vector<16xf32>,
      %mul3A_483 = arith.constant 80 : i32
      %mul3A_484 = arith.muli %add3A_418, %mul3A_483 : i32
      %add3A_485 = arith.addi %mul3A_2, %mul3A_484 : i32
      %dma_start3A_486 = tpu.memref_slice %arg7[%add3A_485] : memref<320000xf32, #tpu.memory_space<hbm>> -> memref<80xf32, #tpu.memory_space<hbm>>
      %dma_start3A_487 = tpu.memref_slice %arg7[%add3A_485] : memref<320000xf32, #tpu.memory_space<hbm>> -> memref<80xf32, #tpu.memory_space<hbm>>
      tpu.enqueue_dma source(%arg21 : memref<80xf32, #tpu.memory_space<vmem>>) target(%dma_start3A_487 : memref<80xf32, #tpu.memory_space<hbm>>) target_semaphore(%arg34 : memref<!tpu.dma_semaphore, #tpu.memory_space<semaphore_mem>>)
      %dma_wait3A_488 = arith.constant 0 : i32
      %dma_wait3A_489 = arith.constant 0 : i32
      %dma_wait3A_490 = tpu.memref_slice %arg2[%dma_wait3A_488, %dma_wait3A_489] : memref<10000x128xf32, #tpu.memory_space<hbm>> -> memref<10000x128xf32, #tpu.memory_space<hbm>>
      tpu.wait_indirect_dma semaphore(%arg31 : memref<!tpu.dma_semaphore, #tpu.memory_space<semaphore_mem>>) src(%dma_wait3A_490 : memref<10000x128xf32, #tpu.memory_space<hbm>>) dst(%arg24 : memref<80x128xf32, #tpu.memory_space<vmem>>)
      %parallel_loop3A_491 = arith.constant 0 : i32
      %parallel_loop3A_492 = arith.constant 80 : i32
      %parallel_loop3A_493 = arith.constant 1 : i32
      scf.for %parallel_loop3A_498 = %parallel_loop3A_491 to %parallel_loop3A_492 step %parallel_loop3A_493  : i32 {
        %parallel_loop3A_499 = vector.broadcast %parallel_loop3A_498 : i32 to vector<16xi32>
        %parallel_loop3A_500 = tpu.vector_load_idx %arg21[%parallel_loop3A_499] : memref<80xf32, #tpu.memory_space<vmem>>[vector<16xi32>], vector<16xf32>,
        %parallel_loop3A_501 = arith.index_cast %parallel_loop3A_498 : i32 to index
        %parallel_loop3A_502 = arith.constant 0 : index
        %parallel_loop3A_503 = tpu.vector_load %arg24[%parallel_loop3A_501, %parallel_loop3A_502] {strides = array<i32>} : memref<80x128xf32, #tpu.memory_space<vmem>>, vector<16xf32>,
        %parallel_loop3A_504 = arith.mulf %parallel_loop3A_503, %parallel_loop3A_500 : vector<16xf32>
        %parallel_loop3A_505 = arith.index_cast %parallel_loop3A_498 : i32 to index
        %parallel_loop3A_506 = arith.constant 0 : index
        %parallel_loop3A_507 = tpu.vector_load %arg24[%parallel_loop3A_505, %parallel_loop3A_506] {strides = array<i32>} : memref<80x128xf32, #tpu.memory_space<vmem>>, vector<16xf32>,
        tpu.vector_store %arg24[%parallel_loop3A_505, %parallel_loop3A_506], %parallel_loop3A_504 {strides = array<i32>} : memref<80x128xf32, #tpu.memory_space<vmem>>, vector<16xf32>,
        %parallel_loop3A_508 = arith.index_cast %parallel_loop3A_498 : i32 to index
        %parallel_loop3A_509 = arith.constant 16 : index
        %parallel_loop3A_510 = tpu.vector_load %arg24[%parallel_loop3A_508, %parallel_loop3A_509] {strides = array<i32>} : memref<80x128xf32, #tpu.memory_space<vmem>>, vector<16xf32>,
        %parallel_loop3A_511 = arith.mulf %parallel_loop3A_510, %parallel_loop3A_500 : vector<16xf32>
        %parallel_loop3A_512 = arith.index_cast %parallel_loop3A_498 : i32 to index
        %parallel_loop3A_513 = arith.constant 16 : index
        %parallel_loop3A_514 = tpu.vector_load %arg24[%parallel_loop3A_512, %parallel_loop3A_513] {strides = array<i32>} : memref<80x128xf32, #tpu.memory_space<vmem>>, vector<16xf32>,
        tpu.vector_store %arg24[%parallel_loop3A_512, %parallel_loop3A_513], %parallel_loop3A_511 {strides = array<i32>} : memref<80x128xf32, #tpu.memory_space<vmem>>, vector<16xf32>,
        %parallel_loop3A_515 = arith.index_cast %parallel_loop3A_498 : i32 to index
        %parallel_loop3A_516 = arith.constant 32 : index
        %parallel_loop3A_517 = tpu.vector_load %arg24[%parallel_loop3A_515, %parallel_loop3A_516] {strides = array<i32>} : memref<80x128xf32, #tpu.memory_space<vmem>>, vector<16xf32>,
        %parallel_loop3A_518 = arith.mulf %parallel_loop3A_517, %parallel_loop3A_500 : vector<16xf32>
        %parallel_loop3A_519 = arith.index_cast %parallel_loop3A_498 : i32 to index
        %parallel_loop3A_520 = arith.constant 32 : index
        %parallel_loop3A_521 = tpu.vector_load %arg24[%parallel_loop3A_519, %parallel_loop3A_520] {strides = array<i32>} : memref<80x128xf32, #tpu.memory_space<vmem>>, vector<16xf32>,
        tpu.vector_store %arg24[%parallel_loop3A_519, %parallel_loop3A_520], %parallel_loop3A_518 {strides = array<i32>} : memref<80x128xf32, #tpu.memory_space<vmem>>, vector<16xf32>,
        %parallel_loop3A_522 = arith.index_cast %parallel_loop3A_498 : i32 to index
        %parallel_loop3A_523 = arith.constant 48 : index
        %parallel_loop3A_524 = tpu.vector_load %arg24[%parallel_loop3A_522, %parallel_loop3A_523] {strides = array<i32>} : memref<80x128xf32, #tpu.memory_space<vmem>>, vector<16xf32>,
        %parallel_loop3A_525 = arith.mulf %parallel_loop3A_524, %parallel_loop3A_500 : vector<16xf32>
        %parallel_loop3A_526 = arith.index_cast %parallel_loop3A_498 : i32 to index
        %parallel_loop3A_527 = arith.constant 48 : index
        %parallel_loop3A_528 = tpu.vector_load %arg24[%parallel_loop3A_526, %parallel_loop3A_527] {strides = array<i32>} : memref<80x128xf32, #tpu.memory_space<vmem>>, vector<16xf32>,
        tpu.vector_store %arg24[%parallel_loop3A_526, %parallel_loop3A_527], %parallel_loop3A_525 {strides = array<i32>} : memref<80x128xf32, #tpu.memory_space<vmem>>, vector<16xf32>,
        %parallel_loop3A_529 = arith.index_cast %parallel_loop3A_498 : i32 to index
        %parallel_loop3A_530 = arith.constant 64 : index
        %parallel_loop3A_531 = tpu.vector_load %arg24[%parallel_loop3A_529, %parallel_loop3A_530] {strides = array<i32>} : memref<80x128xf32, #tpu.memory_space<vmem>>, vector<16xf32>,
        %parallel_loop3A_532 = arith.mulf %parallel_loop3A_531, %parallel_loop3A_500 : vector<16xf32>
        %parallel_loop3A_533 = arith.index_cast %parallel_loop3A_498 : i32 to index
        %parallel_loop3A_534 = arith.constant 64 : index
        %parallel_loop3A_535 = tpu.vector_load %arg24[%parallel_loop3A_533, %parallel_loop3A_534] {strides = array<i32>} : memref<80x128xf32, #tpu.memory_space<vmem>>, vector<16xf32>,
        tpu.vector_store %arg24[%parallel_loop3A_533, %parallel_loop3A_534], %parallel_loop3A_532 {strides = array<i32>} : memref<80x128xf32, #tpu.memory_space<vmem>>, vector<16xf32>,
        %parallel_loop3A_536 = arith.index_cast %parallel_loop3A_498 : i32 to index
        %parallel_loop3A_537 = arith.constant 80 : index
        %parallel_loop3A_538 = tpu.vector_load %arg24[%parallel_loop3A_536, %parallel_loop3A_537] {strides = array<i32>} : memref<80x128xf32, #tpu.memory_space<vmem>>, vector<16xf32>,
        %parallel_loop3A_539 = arith.mulf %parallel_loop3A_538, %parallel_loop3A_500 : vector<16xf32>
        %parallel_loop3A_540 = arith.index_cast %parallel_loop3A_498 : i32 to index
        %parallel_loop3A_541 = arith.constant 80 : index
        %parallel_loop3A_542 = tpu.vector_load %arg24[%parallel_loop3A_540, %parallel_loop3A_541] {strides = array<i32>} : memref<80x128xf32, #tpu.memory_space<vmem>>, vector<16xf32>,
        tpu.vector_store %arg24[%parallel_loop3A_540, %parallel_loop3A_541], %parallel_loop3A_539 {strides = array<i32>} : memref<80x128xf32, #tpu.memory_space<vmem>>, vector<16xf32>,
        %parallel_loop3A_543 = arith.index_cast %parallel_loop3A_498 : i32 to index
        %parallel_loop3A_544 = arith.constant 96 : index
        %parallel_loop3A_545 = tpu.vector_load %arg24[%parallel_loop3A_543, %parallel_loop3A_544] {strides = array<i32>} : memref<80x128xf32, #tpu.memory_space<vmem>>, vector<16xf32>,
        %parallel_loop3A_546 = arith.mulf %parallel_loop3A_545, %parallel_loop3A_500 : vector<16xf32>
        %parallel_loop3A_547 = arith.index_cast %parallel_loop3A_498 : i32 to index
        %parallel_loop3A_548 = arith.constant 96 : index
        %parallel_loop3A_549 = tpu.vector_load %arg24[%parallel_loop3A_547, %parallel_loop3A_548] {strides = array<i32>} : memref<80x128xf32, #tpu.memory_space<vmem>>, vector<16xf32>,
        tpu.vector_store %arg24[%parallel_loop3A_547, %parallel_loop3A_548], %parallel_loop3A_546 {strides = array<i32>} : memref<80x128xf32, #tpu.memory_space<vmem>>, vector<16xf32>,
        %parallel_loop3A_550 = arith.index_cast %parallel_loop3A_498 : i32 to index
        %parallel_loop3A_551 = arith.constant 112 : index
        %parallel_loop3A_552 = tpu.vector_load %arg24[%parallel_loop3A_550, %parallel_loop3A_551] {strides = array<i32>} : memref<80x128xf32, #tpu.memory_space<vmem>>, vector<16xf32>,
        %parallel_loop3A_553 = arith.mulf %parallel_loop3A_552, %parallel_loop3A_500 : vector<16xf32>
        %parallel_loop3A_554 = arith.index_cast %parallel_loop3A_498 : i32 to index
        %parallel_loop3A_555 = arith.constant 112 : index
        %parallel_loop3A_556 = tpu.vector_load %arg24[%parallel_loop3A_554, %parallel_loop3A_555] {strides = array<i32>} : memref<80x128xf32, #tpu.memory_space<vmem>>, vector<16xf32>,
        tpu.vector_store %arg24[%parallel_loop3A_554, %parallel_loop3A_555], %parallel_loop3A_553 {strides = array<i32>} : memref<80x128xf32, #tpu.memory_space<vmem>>, vector<16xf32>,
      } {sc.loop_unroll_factor = 4 : i64, sc.parallel_access}
      %dma_start3A_494 = arith.constant 0 : i32
      %dma_start3A_495 = arith.constant 0 : i32
      %dma_start3A_496 = tpu.memref_slice %arg25[%dma_start3A_494, %dma_start3A_495] : memref<10000x128xf32, #tpu.memory_space<vmem_shared>> -> memref<10000x128xf32, #tpu.memory_space<vmem_shared>>
      tpu.enqueue_indirect_dma source(%arg24 : memref<80x128xf32, #tpu.memory_space<vmem>>) target(%dma_start3A_496 : memref<10000x128xf32, #tpu.memory_space<vmem_shared>>) offsets(%arg15 : memref<80xi32, #tpu.memory_space<vmem>>) semaphore(%arg37 : memref<!tpu.dma_semaphore, #tpu.memory_space<semaphore_mem>>) {add = true}
      %scan3A_497 = arith.constant 0 : i32
      scf.yield %scan3A_497 : i32
    }
    %scan3A_61 = arith.constant 41 : i32
    %ge3A = arith.constant 123 : i32
    %ge3A_62 = arith.constant 1 : i32
    %ge3A_63 = arith.cmpi sge, %ge3A, %ge3A_62 : i32
    %convert_element_type3A_64 = arith.extui %ge3A_63 : i1 to i32
    %cond3A_65 = arith.constant 0 : i32
    %cond3A_66 = arith.cmpi ne, %convert_element_type3A_64, %cond3A_65 : i32
    scf.if %cond3A_66 {
      %dma_wait3A_249 = arith.constant 0 : i32
      %dma_wait3A_250 = arith.constant 0 : i32
      %dma_wait3A_251 = tpu.memref_slice %arg25[%dma_wait3A_249, %dma_wait3A_250] : memref<10000x128xf32, #tpu.memory_space<vmem_shared>> -> memref<10000x128xf32, #tpu.memory_space<vmem_shared>>
      tpu.wait_indirect_dma semaphore(%arg37 : memref<!tpu.dma_semaphore, #tpu.memory_space<semaphore_mem>>) src(%arg24 : memref<80x128xf32, #tpu.memory_space<vmem>>) dst(%dma_wait3A_251 : memref<10000x128xf32, #tpu.memory_space<vmem_shared>>)
    } else {
    }
    %add3A_67 = arith.constant 123 : i32
    %add3A_68 = arith.constant 2 : i32
    %add3A_69 = arith.addi %add3A_67, %add3A_68 : i32
    %le3A = arith.constant 124 : i32
    %le3A_70 = arith.cmpi sle, %add3A_69, %le3A : i32
    %convert_element_type3A_71 = arith.extui %le3A_70 : i1 to i32
    %cond3A_72 = arith.constant 123 : i32
    %cond3A_73 = arith.constant 0 : i32
    %cond3A_74 = arith.cmpi ne, %convert_element_type3A_71, %cond3A_73 : i32
    scf.if %cond3A_74 {
      %add3A_249 = arith.constant 2 : i32
      %add3A_250 = arith.addi %cond3A_72, %add3A_249 : i32
      %mul3A_251 = arith.constant 80 : i32
      %mul3A_252 = arith.muli %add3A_250, %mul3A_251 : i32
      %add3A_253 = arith.addi %mul3A_2, %mul3A_252 : i32
      %dma_start3A_254 = tpu.memref_slice %arg4[%add3A_253] : memref<320000xi32, #tpu.memory_space<hbm>> -> memref<80xi32, #tpu.memory_space<hbm>>
      %dma_start3A_255 = tpu.memref_slice %arg4[%add3A_253] : memref<320000xi32, #tpu.memory_space<hbm>> -> memref<80xi32, #tpu.memory_space<hbm>>
      tpu.enqueue_dma source(%dma_start3A_255 : memref<80xi32, #tpu.memory_space<hbm>>) target(%arg12 : memref<80xi32, #tpu.memory_space<vmem>>) target_semaphore(%arg28 : memref<!tpu.dma_semaphore, #tpu.memory_space<semaphore_mem>>)
      %dma_start3A_256 = tpu.memref_slice %arg5[%add3A_253] : memref<320000xi32, #tpu.memory_space<hbm>> -> memref<80xi32, #tpu.memory_space<hbm>>
      %dma_start3A_257 = tpu.memref_slice %arg5[%add3A_253] : memref<320000xi32, #tpu.memory_space<hbm>> -> memref<80xi32, #tpu.memory_space<hbm>>
      tpu.enqueue_dma source(%dma_start3A_257 : memref<80xi32, #tpu.memory_space<hbm>>) target(%arg15 : memref<80xi32, #tpu.memory_space<vmem>>) target_semaphore(%arg28 : memref<!tpu.dma_semaphore, #tpu.memory_space<semaphore_mem>>)
      %dma_start3A_258 = tpu.memref_slice %arg6[%add3A_253] : memref<320000xf32, #tpu.memory_space<hbm>> -> memref<80xf32, #tpu.memory_space<hbm>>
      %dma_start3A_259 = tpu.memref_slice %arg6[%add3A_253] : memref<320000xf32, #tpu.memory_space<hbm>> -> memref<80xf32, #tpu.memory_space<hbm>>
      tpu.enqueue_dma source(%dma_start3A_259 : memref<80xf32, #tpu.memory_space<hbm>>) target(%arg18 : memref<80xf32, #tpu.memory_space<vmem>>) target_semaphore(%arg28 : memref<!tpu.dma_semaphore, #tpu.memory_space<semaphore_mem>>)
    } else {
    }
    %add3A_75 = arith.constant 123 : i32
    %add3A_76 = arith.constant 1 : i32
    %add3A_77 = arith.addi %add3A_75, %add3A_76 : i32
    %le3A_78 = arith.constant 124 : i32
    %le3A_79 = arith.cmpi sle, %add3A_77, %le3A_78 : i32
    %convert_element_type3A_80 = arith.extui %le3A_79 : i1 to i32
    %cond3A_81 = arith.constant 123 : i32
    %cond3A_82 = arith.constant 0 : i32
    %cond3A_83 = arith.cmpi ne, %convert_element_type3A_80, %cond3A_82 : i32
    scf.if %cond3A_83 {
      %add3A_249 = arith.constant 1 : i32
      %add3A_250 = arith.addi %cond3A_81, %add3A_249 : i32
      %mul3A_251 = arith.constant 80 : i32
      %mul3A_252 = arith.muli %add3A_250, %mul3A_251 : i32
      %add3A_253 = arith.addi %mul3A_2, %mul3A_252 : i32
      %dma_wait3A_254 = tpu.memref_slice %arg4[%add3A_253] : memref<320000xi32, #tpu.memory_space<hbm>> -> memref<80xi32, #tpu.memory_space<hbm>>
      %dma_wait3A_255 = tpu.memref_slice %arg4[%add3A_253] : memref<320000xi32, #tpu.memory_space<hbm>> -> memref<80xi32, #tpu.memory_space<hbm>>
      tpu.wait_dma2 semaphore(%arg27 : memref<!tpu.dma_semaphore, #tpu.memory_space<semaphore_mem>>) src(%dma_wait3A_255 : memref<80xi32, #tpu.memory_space<hbm>>) dst(%arg11 : memref<80xi32, #tpu.memory_space<vmem>>)
      %dma_wait3A_256 = tpu.memref_slice %arg5[%add3A_253] : memref<320000xi32, #tpu.memory_space<hbm>> -> memref<80xi32, #tpu.memory_space<hbm>>
      %dma_wait3A_257 = tpu.memref_slice %arg5[%add3A_253] : memref<320000xi32, #tpu.memory_space<hbm>> -> memref<80xi32, #tpu.memory_space<hbm>>
      tpu.wait_dma2 semaphore(%arg27 : memref<!tpu.dma_semaphore, #tpu.memory_space<semaphore_mem>>) src(%dma_wait3A_257 : memref<80xi32, #tpu.memory_space<hbm>>) dst(%arg14 : memref<80xi32, #tpu.memory_space<vmem>>)
      %dma_wait3A_258 = tpu.memref_slice %arg6[%add3A_253] : memref<320000xf32, #tpu.memory_space<hbm>> -> memref<80xf32, #tpu.memory_space<hbm>>
      %dma_wait3A_259 = tpu.memref_slice %arg6[%add3A_253] : memref<320000xf32, #tpu.memory_space<hbm>> -> memref<80xf32, #tpu.memory_space<hbm>>
      tpu.wait_dma2 semaphore(%arg27 : memref<!tpu.dma_semaphore, #tpu.memory_space<semaphore_mem>>) src(%dma_wait3A_259 : memref<80xf32, #tpu.memory_space<hbm>>) dst(%arg17 : memref<80xf32, #tpu.memory_space<vmem>>)
      %dma_start3A_260 = arith.constant 0 : i32
      %dma_start3A_261 = arith.constant 0 : i32
      %dma_start3A_262 = tpu.memref_slice %arg2[%dma_start3A_260, %dma_start3A_261] : memref<10000x128xf32, #tpu.memory_space<hbm>> -> memref<10000x128xf32, #tpu.memory_space<hbm>>
      tpu.enqueue_indirect_dma source(%dma_start3A_262 : memref<10000x128xf32, #tpu.memory_space<hbm>>) target(%arg23 : memref<80x128xf32, #tpu.memory_space<vmem>>) offsets(%arg11 : memref<80xi32, #tpu.memory_space<vmem>>) semaphore(%arg30 : memref<!tpu.dma_semaphore, #tpu.memory_space<semaphore_mem>>)
    } else {
    }
    %ge3A_84 = arith.constant 123 : i32
    %ge3A_85 = arith.constant 3 : i32
    %ge3A_86 = arith.cmpi sge, %ge3A_84, %ge3A_85 : i32
    %convert_element_type3A_87 = arith.extui %ge3A_86 : i1 to i32
    %cond3A_88 = arith.constant 123 : i32
    %cond3A_89 = arith.constant 0 : i32
    %cond3A_90 = arith.cmpi ne, %convert_element_type3A_87, %cond3A_89 : i32
    scf.if %cond3A_90 {
      %sub3A = arith.constant 3 : i32
      %sub3A_249 = arith.subi %cond3A_88, %sub3A : i32
      %mul3A_250 = arith.constant 80 : i32
      %mul3A_251 = arith.muli %sub3A_249, %mul3A_250 : i32
      %add3A_252 = arith.addi %mul3A_2, %mul3A_251 : i32
      %dma_wait3A_253 = tpu.memref_slice %arg7[%add3A_252] : memref<320000xf32, #tpu.memory_space<hbm>> -> memref<80xf32, #tpu.memory_space<hbm>>
      %dma_wait3A_254 = tpu.memref_slice %arg7[%add3A_252] : memref<320000xf32, #tpu.memory_space<hbm>> -> memref<80xf32, #tpu.memory_space<hbm>>
      tpu.wait_dma2 semaphore(%arg32 : memref<!tpu.dma_semaphore, #tpu.memory_space<semaphore_mem>>) src(%arg19 : memref<80xf32, #tpu.memory_space<vmem>>) dst(%dma_wait3A_254 : memref<80xf32, #tpu.memory_space<hbm>>)
    } else {
    }
    %get3A = arith.constant 0 : index
    %get3A_91 = tpu.vector_load %arg16[%get3A] {strides = array<i32>} : memref<80xf32, #tpu.memory_space<vmem>>, vector<16xf32>,
    %get3A_92 = arith.constant 0 : index
    %get3A_93 = tpu.vector_load %arg13[%get3A_92] {strides = array<i32>} : memref<80xi32, #tpu.memory_space<vmem>>, vector<16xi32>,
    %gather3A = tpu.vector_load_idx %arg9[%get3A_93] : memref<10000xf32, #tpu.memory_space<vmem>>[vector<16xi32>], vector<16xf32>,
    %mul3A_94 = arith.mulf %get3A_91, %gather3A : vector<16xf32>
    %swap3A = arith.constant 0 : index
    %swap3A_95 = tpu.vector_load %arg19[%swap3A] {strides = array<i32>} : memref<80xf32, #tpu.memory_space<vmem>>, vector<16xf32>,
    tpu.vector_store %arg19[%swap3A], %mul3A_94 {strides = array<i32>} : memref<80xf32, #tpu.memory_space<vmem>>, vector<16xf32>,
    %get3A_96 = arith.constant 16 : index
    %get3A_97 = tpu.vector_load %arg16[%get3A_96] {strides = array<i32>} : memref<80xf32, #tpu.memory_space<vmem>>, vector<16xf32>,
    %get3A_98 = arith.constant 16 : index
    %get3A_99 = tpu.vector_load %arg13[%get3A_98] {strides = array<i32>} : memref<80xi32, #tpu.memory_space<vmem>>, vector<16xi32>,
    %gather3A_100 = tpu.vector_load_idx %arg9[%get3A_99] : memref<10000xf32, #tpu.memory_space<vmem>>[vector<16xi32>], vector<16xf32>,
    %mul3A_101 = arith.mulf %get3A_97, %gather3A_100 : vector<16xf32>
    %swap3A_102 = arith.constant 16 : index
    %swap3A_103 = tpu.vector_load %arg19[%swap3A_102] {strides = array<i32>} : memref<80xf32, #tpu.memory_space<vmem>>, vector<16xf32>,
    tpu.vector_store %arg19[%swap3A_102], %mul3A_101 {strides = array<i32>} : memref<80xf32, #tpu.memory_space<vmem>>, vector<16xf32>,
    %get3A_104 = arith.constant 32 : index
    %get3A_105 = tpu.vector_load %arg16[%get3A_104] {strides = array<i32>} : memref<80xf32, #tpu.memory_space<vmem>>, vector<16xf32>,
    %get3A_106 = arith.constant 32 : index
    %get3A_107 = tpu.vector_load %arg13[%get3A_106] {strides = array<i32>} : memref<80xi32, #tpu.memory_space<vmem>>, vector<16xi32>,
    %gather3A_108 = tpu.vector_load_idx %arg9[%get3A_107] : memref<10000xf32, #tpu.memory_space<vmem>>[vector<16xi32>], vector<16xf32>,
    %mul3A_109 = arith.mulf %get3A_105, %gather3A_108 : vector<16xf32>
    %swap3A_110 = arith.constant 32 : index
    %swap3A_111 = tpu.vector_load %arg19[%swap3A_110] {strides = array<i32>} : memref<80xf32, #tpu.memory_space<vmem>>, vector<16xf32>,
    tpu.vector_store %arg19[%swap3A_110], %mul3A_109 {strides = array<i32>} : memref<80xf32, #tpu.memory_space<vmem>>, vector<16xf32>,
    %get3A_112 = arith.constant 48 : index
    %get3A_113 = tpu.vector_load %arg16[%get3A_112] {strides = array<i32>} : memref<80xf32, #tpu.memory_space<vmem>>, vector<16xf32>,
    %get3A_114 = arith.constant 48 : index
    %get3A_115 = tpu.vector_load %arg13[%get3A_114] {strides = array<i32>} : memref<80xi32, #tpu.memory_space<vmem>>, vector<16xi32>,
    %gather3A_116 = tpu.vector_load_idx %arg9[%get3A_115] : memref<10000xf32, #tpu.memory_space<vmem>>[vector<16xi32>], vector<16xf32>,
    %mul3A_117 = arith.mulf %get3A_113, %gather3A_116 : vector<16xf32>
    %swap3A_118 = arith.constant 48 : index
    %swap3A_119 = tpu.vector_load %arg19[%swap3A_118] {strides = array<i32>} : memref<80xf32, #tpu.memory_space<vmem>>, vector<16xf32>,
    tpu.vector_store %arg19[%swap3A_118], %mul3A_117 {strides = array<i32>} : memref<80xf32, #tpu.memory_space<vmem>>, vector<16xf32>,
    %get3A_120 = arith.constant 64 : index
    %get3A_121 = tpu.vector_load %arg16[%get3A_120] {strides = array<i32>} : memref<80xf32, #tpu.memory_space<vmem>>, vector<16xf32>,
    %get3A_122 = arith.constant 64 : index
    %get3A_123 = tpu.vector_load %arg13[%get3A_122] {strides = array<i32>} : memref<80xi32, #tpu.memory_space<vmem>>, vector<16xi32>,
    %gather3A_124 = tpu.vector_load_idx %arg9[%get3A_123] : memref<10000xf32, #tpu.memory_space<vmem>>[vector<16xi32>], vector<16xf32>,
    %mul3A_125 = arith.mulf %get3A_121, %gather3A_124 : vector<16xf32>
    %swap3A_126 = arith.constant 64 : index
    %swap3A_127 = tpu.vector_load %arg19[%swap3A_126] {strides = array<i32>} : memref<80xf32, #tpu.memory_space<vmem>>, vector<16xf32>,
    tpu.vector_store %arg19[%swap3A_126], %mul3A_125 {strides = array<i32>} : memref<80xf32, #tpu.memory_space<vmem>>, vector<16xf32>,
    %mul3A_128 = arith.constant 123 : i32
    %mul3A_129 = arith.constant 80 : i32
    %mul3A_130 = arith.muli %mul3A_128, %mul3A_129 : i32
    %add3A_131 = arith.addi %mul3A_2, %mul3A_130 : i32
    %dma_start3A_132 = tpu.memref_slice %arg7[%add3A_131] : memref<320000xf32, #tpu.memory_space<hbm>> -> memref<80xf32, #tpu.memory_space<hbm>>
    %dma_start3A_133 = tpu.memref_slice %arg7[%add3A_131] : memref<320000xf32, #tpu.memory_space<hbm>> -> memref<80xf32, #tpu.memory_space<hbm>>
    tpu.enqueue_dma source(%arg19 : memref<80xf32, #tpu.memory_space<vmem>>) target(%dma_start3A_133 : memref<80xf32, #tpu.memory_space<hbm>>) target_semaphore(%arg32 : memref<!tpu.dma_semaphore, #tpu.memory_space<semaphore_mem>>)
    %dma_wait3A_134 = arith.constant 0 : i32
    %dma_wait3A_135 = arith.constant 0 : i32
    %dma_wait3A_136 = tpu.memref_slice %arg2[%dma_wait3A_134, %dma_wait3A_135] : memref<10000x128xf32, #tpu.memory_space<hbm>> -> memref<10000x128xf32, #tpu.memory_space<hbm>>
    tpu.wait_indirect_dma semaphore(%arg29 : memref<!tpu.dma_semaphore, #tpu.memory_space<semaphore_mem>>) src(%dma_wait3A_136 : memref<10000x128xf32, #tpu.memory_space<hbm>>) dst(%arg22 : memref<80x128xf32, #tpu.memory_space<vmem>>)
    %parallel_loop3A = arith.constant 0 : i32
    %parallel_loop3A_137 = arith.constant 80 : i32
    %parallel_loop3A_138 = arith.constant 1 : i32
    scf.for %parallel_loop3A_249 = %parallel_loop3A to %parallel_loop3A_137 step %parallel_loop3A_138  : i32 {
      %parallel_loop3A_250 = vector.broadcast %parallel_loop3A_249 : i32 to vector<16xi32>
      %parallel_loop3A_251 = tpu.vector_load_idx %arg19[%parallel_loop3A_250] : memref<80xf32, #tpu.memory_space<vmem>>[vector<16xi32>], vector<16xf32>,
      %parallel_loop3A_252 = arith.index_cast %parallel_loop3A_249 : i32 to index
      %parallel_loop3A_253 = arith.constant 0 : index
      %parallel_loop3A_254 = tpu.vector_load %arg22[%parallel_loop3A_252, %parallel_loop3A_253] {strides = array<i32>} : memref<80x128xf32, #tpu.memory_space<vmem>>, vector<16xf32>,
      %parallel_loop3A_255 = arith.mulf %parallel_loop3A_254, %parallel_loop3A_251 : vector<16xf32>
      %parallel_loop3A_256 = arith.index_cast %parallel_loop3A_249 : i32 to index
      %parallel_loop3A_257 = arith.constant 0 : index
      %parallel_loop3A_258 = tpu.vector_load %arg22[%parallel_loop3A_256, %parallel_loop3A_257] {strides = array<i32>} : memref<80x128xf32, #tpu.memory_space<vmem>>, vector<16xf32>,
      tpu.vector_store %arg22[%parallel_loop3A_256, %parallel_loop3A_257], %parallel_loop3A_255 {strides = array<i32>} : memref<80x128xf32, #tpu.memory_space<vmem>>, vector<16xf32>,
      %parallel_loop3A_259 = arith.index_cast %parallel_loop3A_249 : i32 to index
      %parallel_loop3A_260 = arith.constant 16 : index
      %parallel_loop3A_261 = tpu.vector_load %arg22[%parallel_loop3A_259, %parallel_loop3A_260] {strides = array<i32>} : memref<80x128xf32, #tpu.memory_space<vmem>>, vector<16xf32>,
      %parallel_loop3A_262 = arith.mulf %parallel_loop3A_261, %parallel_loop3A_251 : vector<16xf32>
      %parallel_loop3A_263 = arith.index_cast %parallel_loop3A_249 : i32 to index
      %parallel_loop3A_264 = arith.constant 16 : index
      %parallel_loop3A_265 = tpu.vector_load %arg22[%parallel_loop3A_263, %parallel_loop3A_264] {strides = array<i32>} : memref<80x128xf32, #tpu.memory_space<vmem>>, vector<16xf32>,
      tpu.vector_store %arg22[%parallel_loop3A_263, %parallel_loop3A_264], %parallel_loop3A_262 {strides = array<i32>} : memref<80x128xf32, #tpu.memory_space<vmem>>, vector<16xf32>,
      %parallel_loop3A_266 = arith.index_cast %parallel_loop3A_249 : i32 to index
      %parallel_loop3A_267 = arith.constant 32 : index
      %parallel_loop3A_268 = tpu.vector_load %arg22[%parallel_loop3A_266, %parallel_loop3A_267] {strides = array<i32>} : memref<80x128xf32, #tpu.memory_space<vmem>>, vector<16xf32>,
      %parallel_loop3A_269 = arith.mulf %parallel_loop3A_268, %parallel_loop3A_251 : vector<16xf32>
      %parallel_loop3A_270 = arith.index_cast %parallel_loop3A_249 : i32 to index
      %parallel_loop3A_271 = arith.constant 32 : index
      %parallel_loop3A_272 = tpu.vector_load %arg22[%parallel_loop3A_270, %parallel_loop3A_271] {strides = array<i32>} : memref<80x128xf32, #tpu.memory_space<vmem>>, vector<16xf32>,
      tpu.vector_store %arg22[%parallel_loop3A_270, %parallel_loop3A_271], %parallel_loop3A_269 {strides = array<i32>} : memref<80x128xf32, #tpu.memory_space<vmem>>, vector<16xf32>,
      %parallel_loop3A_273 = arith.index_cast %parallel_loop3A_249 : i32 to index
      %parallel_loop3A_274 = arith.constant 48 : index
      %parallel_loop3A_275 = tpu.vector_load %arg22[%parallel_loop3A_273, %parallel_loop3A_274] {strides = array<i32>} : memref<80x128xf32, #tpu.memory_space<vmem>>, vector<16xf32>,
      %parallel_loop3A_276 = arith.mulf %parallel_loop3A_275, %parallel_loop3A_251 : vector<16xf32>
      %parallel_loop3A_277 = arith.index_cast %parallel_loop3A_249 : i32 to index
      %parallel_loop3A_278 = arith.constant 48 : index
      %parallel_loop3A_279 = tpu.vector_load %arg22[%parallel_loop3A_277, %parallel_loop3A_278] {strides = array<i32>} : memref<80x128xf32, #tpu.memory_space<vmem>>, vector<16xf32>,
      tpu.vector_store %arg22[%parallel_loop3A_277, %parallel_loop3A_278], %parallel_loop3A_276 {strides = array<i32>} : memref<80x128xf32, #tpu.memory_space<vmem>>, vector<16xf32>,
      %parallel_loop3A_280 = arith.index_cast %parallel_loop3A_249 : i32 to index
      %parallel_loop3A_281 = arith.constant 64 : index
      %parallel_loop3A_282 = tpu.vector_load %arg22[%parallel_loop3A_280, %parallel_loop3A_281] {strides = array<i32>} : memref<80x128xf32, #tpu.memory_space<vmem>>, vector<16xf32>,
      %parallel_loop3A_283 = arith.mulf %parallel_loop3A_282, %parallel_loop3A_251 : vector<16xf32>
      %parallel_loop3A_284 = arith.index_cast %parallel_loop3A_249 : i32 to index
      %parallel_loop3A_285 = arith.constant 64 : index
      %parallel_loop3A_286 = tpu.vector_load %arg22[%parallel_loop3A_284, %parallel_loop3A_285] {strides = array<i32>} : memref<80x128xf32, #tpu.memory_space<vmem>>, vector<16xf32>,
      tpu.vector_store %arg22[%parallel_loop3A_284, %parallel_loop3A_285], %parallel_loop3A_283 {strides = array<i32>} : memref<80x128xf32, #tpu.memory_space<vmem>>, vector<16xf32>,
      %parallel_loop3A_287 = arith.index_cast %parallel_loop3A_249 : i32 to index
      %parallel_loop3A_288 = arith.constant 80 : index
      %parallel_loop3A_289 = tpu.vector_load %arg22[%parallel_loop3A_287, %parallel_loop3A_288] {strides = array<i32>} : memref<80x128xf32, #tpu.memory_space<vmem>>, vector<16xf32>,
      %parallel_loop3A_290 = arith.mulf %parallel_loop3A_289, %parallel_loop3A_251 : vector<16xf32>
      %parallel_loop3A_291 = arith.index_cast %parallel_loop3A_249 : i32 to index
      %parallel_loop3A_292 = arith.constant 80 : index
      %parallel_loop3A_293 = tpu.vector_load %arg22[%parallel_loop3A_291, %parallel_loop3A_292] {strides = array<i32>} : memref<80x128xf32, #tpu.memory_space<vmem>>, vector<16xf32>,
      tpu.vector_store %arg22[%parallel_loop3A_291, %parallel_loop3A_292], %parallel_loop3A_290 {strides = array<i32>} : memref<80x128xf32, #tpu.memory_space<vmem>>, vector<16xf32>,
      %parallel_loop3A_294 = arith.index_cast %parallel_loop3A_249 : i32 to index
      %parallel_loop3A_295 = arith.constant 96 : index
      %parallel_loop3A_296 = tpu.vector_load %arg22[%parallel_loop3A_294, %parallel_loop3A_295] {strides = array<i32>} : memref<80x128xf32, #tpu.memory_space<vmem>>, vector<16xf32>,
      %parallel_loop3A_297 = arith.mulf %parallel_loop3A_296, %parallel_loop3A_251 : vector<16xf32>
      %parallel_loop3A_298 = arith.index_cast %parallel_loop3A_249 : i32 to index
      %parallel_loop3A_299 = arith.constant 96 : index
      %parallel_loop3A_300 = tpu.vector_load %arg22[%parallel_loop3A_298, %parallel_loop3A_299] {strides = array<i32>} : memref<80x128xf32, #tpu.memory_space<vmem>>, vector<16xf32>,
      tpu.vector_store %arg22[%parallel_loop3A_298, %parallel_loop3A_299], %parallel_loop3A_297 {strides = array<i32>} : memref<80x128xf32, #tpu.memory_space<vmem>>, vector<16xf32>,
      %parallel_loop3A_301 = arith.index_cast %parallel_loop3A_249 : i32 to index
      %parallel_loop3A_302 = arith.constant 112 : index
      %parallel_loop3A_303 = tpu.vector_load %arg22[%parallel_loop3A_301, %parallel_loop3A_302] {strides = array<i32>} : memref<80x128xf32, #tpu.memory_space<vmem>>, vector<16xf32>,
      %parallel_loop3A_304 = arith.mulf %parallel_loop3A_303, %parallel_loop3A_251 : vector<16xf32>
      %parallel_loop3A_305 = arith.index_cast %parallel_loop3A_249 : i32 to index
      %parallel_loop3A_306 = arith.constant 112 : index
      %parallel_loop3A_307 = tpu.vector_load %arg22[%parallel_loop3A_305, %parallel_loop3A_306] {strides = array<i32>} : memref<80x128xf32, #tpu.memory_space<vmem>>, vector<16xf32>,
      tpu.vector_store %arg22[%parallel_loop3A_305, %parallel_loop3A_306], %parallel_loop3A_304 {strides = array<i32>} : memref<80x128xf32, #tpu.memory_space<vmem>>, vector<16xf32>,
    } {sc.loop_unroll_factor = 4 : i64, sc.parallel_access}
    %dma_start3A_139 = arith.constant 0 : i32
    %dma_start3A_140 = arith.constant 0 : i32
    %dma_start3A_141 = tpu.memref_slice %arg25[%dma_start3A_139, %dma_start3A_140] : memref<10000x128xf32, #tpu.memory_space<vmem_shared>> -> memref<10000x128xf32, #tpu.memory_space<vmem_shared>>
    tpu.enqueue_indirect_dma source(%arg22 : memref<80x128xf32, #tpu.memory_space<vmem>>) target(%dma_start3A_141 : memref<10000x128xf32, #tpu.memory_space<vmem_shared>>) offsets(%arg13 : memref<80xi32, #tpu.memory_space<vmem>>) semaphore(%arg35 : memref<!tpu.dma_semaphore, #tpu.memory_space<semaphore_mem>>) {add = true}
    %ge3A_142 = arith.constant 124 : i32
    %ge3A_143 = arith.constant 1 : i32
    %ge3A_144 = arith.cmpi sge, %ge3A_142, %ge3A_143 : i32
    %convert_element_type3A_145 = arith.extui %ge3A_144 : i1 to i32
    %cond3A_146 = arith.constant 0 : i32
    %cond3A_147 = arith.cmpi ne, %convert_element_type3A_145, %cond3A_146 : i32
    scf.if %cond3A_147 {
      %dma_wait3A_249 = arith.constant 0 : i32
      %dma_wait3A_250 = arith.constant 0 : i32
      %dma_wait3A_251 = tpu.memref_slice %arg25[%dma_wait3A_249, %dma_wait3A_250] : memref<10000x128xf32, #tpu.memory_space<vmem_shared>> -> memref<10000x128xf32, #tpu.memory_space<vmem_shared>>
      tpu.wait_indirect_dma semaphore(%arg35 : memref<!tpu.dma_semaphore, #tpu.memory_space<semaphore_mem>>) src(%arg22 : memref<80x128xf32, #tpu.memory_space<vmem>>) dst(%dma_wait3A_251 : memref<10000x128xf32, #tpu.memory_space<vmem_shared>>)
    } else {
    }
    %add3A_148 = arith.constant 124 : i32
    %add3A_149 = arith.constant 2 : i32
    %add3A_150 = arith.addi %add3A_148, %add3A_149 : i32
    %le3A_151 = arith.constant 124 : i32
    %le3A_152 = arith.cmpi sle, %add3A_150, %le3A_151 : i32
    %convert_element_type3A_153 = arith.extui %le3A_152 : i1 to i32
    %cond3A_154 = arith.constant 124 : i32
    %cond3A_155 = arith.constant 0 : i32
    %cond3A_156 = arith.cmpi ne, %convert_element_type3A_153, %cond3A_155 : i32
    scf.if %cond3A_156 {
      %add3A_249 = arith.constant 2 : i32
      %add3A_250 = arith.addi %cond3A_154, %add3A_249 : i32
      %mul3A_251 = arith.constant 80 : i32
      %mul3A_252 = arith.muli %add3A_250, %mul3A_251 : i32
      %add3A_253 = arith.addi %mul3A_2, %mul3A_252 : i32
      %dma_start3A_254 = tpu.memref_slice %arg4[%add3A_253] : memref<320000xi32, #tpu.memory_space<hbm>> -> memref<80xi32, #tpu.memory_space<hbm>>
      %dma_start3A_255 = tpu.memref_slice %arg4[%add3A_253] : memref<320000xi32, #tpu.memory_space<hbm>> -> memref<80xi32, #tpu.memory_space<hbm>>
      tpu.enqueue_dma source(%dma_start3A_255 : memref<80xi32, #tpu.memory_space<hbm>>) target(%arg10 : memref<80xi32, #tpu.memory_space<vmem>>) target_semaphore(%arg26 : memref<!tpu.dma_semaphore, #tpu.memory_space<semaphore_mem>>)
      %dma_start3A_256 = tpu.memref_slice %arg5[%add3A_253] : memref<320000xi32, #tpu.memory_space<hbm>> -> memref<80xi32, #tpu.memory_space<hbm>>
      %dma_start3A_257 = tpu.memref_slice %arg5[%add3A_253] : memref<320000xi32, #tpu.memory_space<hbm>> -> memref<80xi32, #tpu.memory_space<hbm>>
      tpu.enqueue_dma source(%dma_start3A_257 : memref<80xi32, #tpu.memory_space<hbm>>) target(%arg13 : memref<80xi32, #tpu.memory_space<vmem>>) target_semaphore(%arg26 : memref<!tpu.dma_semaphore, #tpu.memory_space<semaphore_mem>>)
      %dma_start3A_258 = tpu.memref_slice %arg6[%add3A_253] : memref<320000xf32, #tpu.memory_space<hbm>> -> memref<80xf32, #tpu.memory_space<hbm>>
      %dma_start3A_259 = tpu.memref_slice %arg6[%add3A_253] : memref<320000xf32, #tpu.memory_space<hbm>> -> memref<80xf32, #tpu.memory_space<hbm>>
      tpu.enqueue_dma source(%dma_start3A_259 : memref<80xf32, #tpu.memory_space<hbm>>) target(%arg16 : memref<80xf32, #tpu.memory_space<vmem>>) target_semaphore(%arg26 : memref<!tpu.dma_semaphore, #tpu.memory_space<semaphore_mem>>)
    } else {
    }
    %add3A_157 = arith.constant 124 : i32
    %add3A_158 = arith.constant 1 : i32
    %add3A_159 = arith.addi %add3A_157, %add3A_158 : i32
    %le3A_160 = arith.constant 124 : i32
    %le3A_161 = arith.cmpi sle, %add3A_159, %le3A_160 : i32
    %convert_element_type3A_162 = arith.extui %le3A_161 : i1 to i32
    %cond3A_163 = arith.constant 124 : i32
    %cond3A_164 = arith.constant 0 : i32
    %cond3A_165 = arith.cmpi ne, %convert_element_type3A_162, %cond3A_164 : i32
    scf.if %cond3A_165 {
      %add3A_249 = arith.constant 1 : i32
      %add3A_250 = arith.addi %cond3A_163, %add3A_249 : i32
      %mul3A_251 = arith.constant 80 : i32
      %mul3A_252 = arith.muli %add3A_250, %mul3A_251 : i32
      %add3A_253 = arith.addi %mul3A_2, %mul3A_252 : i32
      %dma_wait3A_254 = tpu.memref_slice %arg4[%add3A_253] : memref<320000xi32, #tpu.memory_space<hbm>> -> memref<80xi32, #tpu.memory_space<hbm>>
      %dma_wait3A_255 = tpu.memref_slice %arg4[%add3A_253] : memref<320000xi32, #tpu.memory_space<hbm>> -> memref<80xi32, #tpu.memory_space<hbm>>
      tpu.wait_dma2 semaphore(%arg28 : memref<!tpu.dma_semaphore, #tpu.memory_space<semaphore_mem>>) src(%dma_wait3A_255 : memref<80xi32, #tpu.memory_space<hbm>>) dst(%arg12 : memref<80xi32, #tpu.memory_space<vmem>>)
      %dma_wait3A_256 = tpu.memref_slice %arg5[%add3A_253] : memref<320000xi32, #tpu.memory_space<hbm>> -> memref<80xi32, #tpu.memory_space<hbm>>
      %dma_wait3A_257 = tpu.memref_slice %arg5[%add3A_253] : memref<320000xi32, #tpu.memory_space<hbm>> -> memref<80xi32, #tpu.memory_space<hbm>>
      tpu.wait_dma2 semaphore(%arg28 : memref<!tpu.dma_semaphore, #tpu.memory_space<semaphore_mem>>) src(%dma_wait3A_257 : memref<80xi32, #tpu.memory_space<hbm>>) dst(%arg15 : memref<80xi32, #tpu.memory_space<vmem>>)
      %dma_wait3A_258 = tpu.memref_slice %arg6[%add3A_253] : memref<320000xf32, #tpu.memory_space<hbm>> -> memref<80xf32, #tpu.memory_space<hbm>>
      %dma_wait3A_259 = tpu.memref_slice %arg6[%add3A_253] : memref<320000xf32, #tpu.memory_space<hbm>> -> memref<80xf32, #tpu.memory_space<hbm>>
      tpu.wait_dma2 semaphore(%arg28 : memref<!tpu.dma_semaphore, #tpu.memory_space<semaphore_mem>>) src(%dma_wait3A_259 : memref<80xf32, #tpu.memory_space<hbm>>) dst(%arg18 : memref<80xf32, #tpu.memory_space<vmem>>)
      %dma_start3A_260 = arith.constant 0 : i32
      %dma_start3A_261 = arith.constant 0 : i32
      %dma_start3A_262 = tpu.memref_slice %arg2[%dma_start3A_260, %dma_start3A_261] : memref<10000x128xf32, #tpu.memory_space<hbm>> -> memref<10000x128xf32, #tpu.memory_space<hbm>>
      tpu.enqueue_indirect_dma source(%dma_start3A_262 : memref<10000x128xf32, #tpu.memory_space<hbm>>) target(%arg24 : memref<80x128xf32, #tpu.memory_space<vmem>>) offsets(%arg12 : memref<80xi32, #tpu.memory_space<vmem>>) semaphore(%arg31 : memref<!tpu.dma_semaphore, #tpu.memory_space<semaphore_mem>>)
    } else {
    }
    %ge3A_166 = arith.constant 124 : i32
    %ge3A_167 = arith.constant 3 : i32
    %ge3A_168 = arith.cmpi sge, %ge3A_166, %ge3A_167 : i32
    %convert_element_type3A_169 = arith.extui %ge3A_168 : i1 to i32
    %cond3A_170 = arith.constant 124 : i32
    %cond3A_171 = arith.constant 0 : i32
    %cond3A_172 = arith.cmpi ne, %convert_element_type3A_169, %cond3A_171 : i32
    scf.if %cond3A_172 {
      %sub3A = arith.constant 3 : i32
      %sub3A_249 = arith.subi %cond3A_170, %sub3A : i32
      %mul3A_250 = arith.constant 80 : i32
      %mul3A_251 = arith.muli %sub3A_249, %mul3A_250 : i32
      %add3A_252 = arith.addi %mul3A_2, %mul3A_251 : i32
      %dma_wait3A_253 = tpu.memref_slice %arg7[%add3A_252] : memref<320000xf32, #tpu.memory_space<hbm>> -> memref<80xf32, #tpu.memory_space<hbm>>
      %dma_wait3A_254 = tpu.memref_slice %arg7[%add3A_252] : memref<320000xf32, #tpu.memory_space<hbm>> -> memref<80xf32, #tpu.memory_space<hbm>>
      tpu.wait_dma2 semaphore(%arg33 : memref<!tpu.dma_semaphore, #tpu.memory_space<semaphore_mem>>) src(%arg20 : memref<80xf32, #tpu.memory_space<vmem>>) dst(%dma_wait3A_254 : memref<80xf32, #tpu.memory_space<hbm>>)
    } else {
    }
    %get3A_173 = arith.constant 0 : index
    %get3A_174 = tpu.vector_load %arg17[%get3A_173] {strides = array<i32>} : memref<80xf32, #tpu.memory_space<vmem>>, vector<16xf32>,
    %get3A_175 = arith.constant 0 : index
    %get3A_176 = tpu.vector_load %arg14[%get3A_175] {strides = array<i32>} : memref<80xi32, #tpu.memory_space<vmem>>, vector<16xi32>,
    %gather3A_177 = tpu.vector_load_idx %arg9[%get3A_176] : memref<10000xf32, #tpu.memory_space<vmem>>[vector<16xi32>], vector<16xf32>,
    %mul3A_178 = arith.mulf %get3A_174, %gather3A_177 : vector<16xf32>
    %swap3A_179 = arith.constant 0 : index
    %swap3A_180 = tpu.vector_load %arg20[%swap3A_179] {strides = array<i32>} : memref<80xf32, #tpu.memory_space<vmem>>, vector<16xf32>,
    tpu.vector_store %arg20[%swap3A_179], %mul3A_178 {strides = array<i32>} : memref<80xf32, #tpu.memory_space<vmem>>, vector<16xf32>,
    %get3A_181 = arith.constant 16 : index
    %get3A_182 = tpu.vector_load %arg17[%get3A_181] {strides = array<i32>} : memref<80xf32, #tpu.memory_space<vmem>>, vector<16xf32>,
    %get3A_183 = arith.constant 16 : index
    %get3A_184 = tpu.vector_load %arg14[%get3A_183] {strides = array<i32>} : memref<80xi32, #tpu.memory_space<vmem>>, vector<16xi32>,
    %gather3A_185 = tpu.vector_load_idx %arg9[%get3A_184] : memref<10000xf32, #tpu.memory_space<vmem>>[vector<16xi32>], vector<16xf32>,
    %mul3A_186 = arith.mulf %get3A_182, %gather3A_185 : vector<16xf32>
    %swap3A_187 = arith.constant 16 : index
    %swap3A_188 = tpu.vector_load %arg20[%swap3A_187] {strides = array<i32>} : memref<80xf32, #tpu.memory_space<vmem>>, vector<16xf32>,
    tpu.vector_store %arg20[%swap3A_187], %mul3A_186 {strides = array<i32>} : memref<80xf32, #tpu.memory_space<vmem>>, vector<16xf32>,
    %get3A_189 = arith.constant 32 : index
    %get3A_190 = tpu.vector_load %arg17[%get3A_189] {strides = array<i32>} : memref<80xf32, #tpu.memory_space<vmem>>, vector<16xf32>,
    %get3A_191 = arith.constant 32 : index
    %get3A_192 = tpu.vector_load %arg14[%get3A_191] {strides = array<i32>} : memref<80xi32, #tpu.memory_space<vmem>>, vector<16xi32>,
    %gather3A_193 = tpu.vector_load_idx %arg9[%get3A_192] : memref<10000xf32, #tpu.memory_space<vmem>>[vector<16xi32>], vector<16xf32>,
    %mul3A_194 = arith.mulf %get3A_190, %gather3A_193 : vector<16xf32>
    %swap3A_195 = arith.constant 32 : index
    %swap3A_196 = tpu.vector_load %arg20[%swap3A_195] {strides = array<i32>} : memref<80xf32, #tpu.memory_space<vmem>>, vector<16xf32>,
    tpu.vector_store %arg20[%swap3A_195], %mul3A_194 {strides = array<i32>} : memref<80xf32, #tpu.memory_space<vmem>>, vector<16xf32>,
    %get3A_197 = arith.constant 48 : index
    %get3A_198 = tpu.vector_load %arg17[%get3A_197] {strides = array<i32>} : memref<80xf32, #tpu.memory_space<vmem>>, vector<16xf32>,
    %get3A_199 = arith.constant 48 : index
    %get3A_200 = tpu.vector_load %arg14[%get3A_199] {strides = array<i32>} : memref<80xi32, #tpu.memory_space<vmem>>, vector<16xi32>,
    %gather3A_201 = tpu.vector_load_idx %arg9[%get3A_200] : memref<10000xf32, #tpu.memory_space<vmem>>[vector<16xi32>], vector<16xf32>,
    %mul3A_202 = arith.mulf %get3A_198, %gather3A_201 : vector<16xf32>
    %swap3A_203 = arith.constant 48 : index
    %swap3A_204 = tpu.vector_load %arg20[%swap3A_203] {strides = array<i32>} : memref<80xf32, #tpu.memory_space<vmem>>, vector<16xf32>,
    tpu.vector_store %arg20[%swap3A_203], %mul3A_202 {strides = array<i32>} : memref<80xf32, #tpu.memory_space<vmem>>, vector<16xf32>,
    %get3A_205 = arith.constant 64 : index
    %get3A_206 = tpu.vector_load %arg17[%get3A_205] {strides = array<i32>} : memref<80xf32, #tpu.memory_space<vmem>>, vector<16xf32>,
    %get3A_207 = arith.constant 64 : index
    %get3A_208 = tpu.vector_load %arg14[%get3A_207] {strides = array<i32>} : memref<80xi32, #tpu.memory_space<vmem>>, vector<16xi32>,
    %gather3A_209 = tpu.vector_load_idx %arg9[%get3A_208] : memref<10000xf32, #tpu.memory_space<vmem>>[vector<16xi32>], vector<16xf32>,
    %mul3A_210 = arith.mulf %get3A_206, %gather3A_209 : vector<16xf32>
    %swap3A_211 = arith.constant 64 : index
    %swap3A_212 = tpu.vector_load %arg20[%swap3A_211] {strides = array<i32>} : memref<80xf32, #tpu.memory_space<vmem>>, vector<16xf32>,
    tpu.vector_store %arg20[%swap3A_211], %mul3A_210 {strides = array<i32>} : memref<80xf32, #tpu.memory_space<vmem>>, vector<16xf32>,
    %mul3A_213 = arith.constant 124 : i32
    %mul3A_214 = arith.constant 80 : i32
    %mul3A_215 = arith.muli %mul3A_213, %mul3A_214 : i32
    %add3A_216 = arith.addi %mul3A_2, %mul3A_215 : i32
    %dma_start3A_217 = tpu.memref_slice %arg7[%add3A_216] : memref<320000xf32, #tpu.memory_space<hbm>> -> memref<80xf32, #tpu.memory_space<hbm>>
    %dma_start3A_218 = tpu.memref_slice %arg7[%add3A_216] : memref<320000xf32, #tpu.memory_space<hbm>> -> memref<80xf32, #tpu.memory_space<hbm>>
    tpu.enqueue_dma source(%arg20 : memref<80xf32, #tpu.memory_space<vmem>>) target(%dma_start3A_218 : memref<80xf32, #tpu.memory_space<hbm>>) target_semaphore(%arg33 : memref<!tpu.dma_semaphore, #tpu.memory_space<semaphore_mem>>)
    %dma_wait3A_219 = arith.constant 0 : i32
    %dma_wait3A_220 = arith.constant 0 : i32
    %dma_wait3A_221 = tpu.memref_slice %arg2[%dma_wait3A_219, %dma_wait3A_220] : memref<10000x128xf32, #tpu.memory_space<hbm>> -> memref<10000x128xf32, #tpu.memory_space<hbm>>
    tpu.wait_indirect_dma semaphore(%arg30 : memref<!tpu.dma_semaphore, #tpu.memory_space<semaphore_mem>>) src(%dma_wait3A_221 : memref<10000x128xf32, #tpu.memory_space<hbm>>) dst(%arg23 : memref<80x128xf32, #tpu.memory_space<vmem>>)
    %parallel_loop3A_222 = arith.constant 0 : i32
    %parallel_loop3A_223 = arith.constant 80 : i32
    %parallel_loop3A_224 = arith.constant 1 : i32
    scf.for %parallel_loop3A_249 = %parallel_loop3A_222 to %parallel_loop3A_223 step %parallel_loop3A_224  : i32 {
      %parallel_loop3A_250 = vector.broadcast %parallel_loop3A_249 : i32 to vector<16xi32>
      %parallel_loop3A_251 = tpu.vector_load_idx %arg20[%parallel_loop3A_250] : memref<80xf32, #tpu.memory_space<vmem>>[vector<16xi32>], vector<16xf32>,
      %parallel_loop3A_252 = arith.index_cast %parallel_loop3A_249 : i32 to index
      %parallel_loop3A_253 = arith.constant 0 : index
      %parallel_loop3A_254 = tpu.vector_load %arg23[%parallel_loop3A_252, %parallel_loop3A_253] {strides = array<i32>} : memref<80x128xf32, #tpu.memory_space<vmem>>, vector<16xf32>,
      %parallel_loop3A_255 = arith.mulf %parallel_loop3A_254, %parallel_loop3A_251 : vector<16xf32>
      %parallel_loop3A_256 = arith.index_cast %parallel_loop3A_249 : i32 to index
      %parallel_loop3A_257 = arith.constant 0 : index
      %parallel_loop3A_258 = tpu.vector_load %arg23[%parallel_loop3A_256, %parallel_loop3A_257] {strides = array<i32>} : memref<80x128xf32, #tpu.memory_space<vmem>>, vector<16xf32>,
      tpu.vector_store %arg23[%parallel_loop3A_256, %parallel_loop3A_257], %parallel_loop3A_255 {strides = array<i32>} : memref<80x128xf32, #tpu.memory_space<vmem>>, vector<16xf32>,
      %parallel_loop3A_259 = arith.index_cast %parallel_loop3A_249 : i32 to index
      %parallel_loop3A_260 = arith.constant 16 : index
      %parallel_loop3A_261 = tpu.vector_load %arg23[%parallel_loop3A_259, %parallel_loop3A_260] {strides = array<i32>} : memref<80x128xf32, #tpu.memory_space<vmem>>, vector<16xf32>,
      %parallel_loop3A_262 = arith.mulf %parallel_loop3A_261, %parallel_loop3A_251 : vector<16xf32>
      %parallel_loop3A_263 = arith.index_cast %parallel_loop3A_249 : i32 to index
      %parallel_loop3A_264 = arith.constant 16 : index
      %parallel_loop3A_265 = tpu.vector_load %arg23[%parallel_loop3A_263, %parallel_loop3A_264] {strides = array<i32>} : memref<80x128xf32, #tpu.memory_space<vmem>>, vector<16xf32>,
      tpu.vector_store %arg23[%parallel_loop3A_263, %parallel_loop3A_264], %parallel_loop3A_262 {strides = array<i32>} : memref<80x128xf32, #tpu.memory_space<vmem>>, vector<16xf32>,
      %parallel_loop3A_266 = arith.index_cast %parallel_loop3A_249 : i32 to index
      %parallel_loop3A_267 = arith.constant 32 : index
      %parallel_loop3A_268 = tpu.vector_load %arg23[%parallel_loop3A_266, %parallel_loop3A_267] {strides = array<i32>} : memref<80x128xf32, #tpu.memory_space<vmem>>, vector<16xf32>,
      %parallel_loop3A_269 = arith.mulf %parallel_loop3A_268, %parallel_loop3A_251 : vector<16xf32>
      %parallel_loop3A_270 = arith.index_cast %parallel_loop3A_249 : i32 to index
      %parallel_loop3A_271 = arith.constant 32 : index
      %parallel_loop3A_272 = tpu.vector_load %arg23[%parallel_loop3A_270, %parallel_loop3A_271] {strides = array<i32>} : memref<80x128xf32, #tpu.memory_space<vmem>>, vector<16xf32>,
      tpu.vector_store %arg23[%parallel_loop3A_270, %parallel_loop3A_271], %parallel_loop3A_269 {strides = array<i32>} : memref<80x128xf32, #tpu.memory_space<vmem>>, vector<16xf32>,
      %parallel_loop3A_273 = arith.index_cast %parallel_loop3A_249 : i32 to index
      %parallel_loop3A_274 = arith.constant 48 : index
      %parallel_loop3A_275 = tpu.vector_load %arg23[%parallel_loop3A_273, %parallel_loop3A_274] {strides = array<i32>} : memref<80x128xf32, #tpu.memory_space<vmem>>, vector<16xf32>,
      %parallel_loop3A_276 = arith.mulf %parallel_loop3A_275, %parallel_loop3A_251 : vector<16xf32>
      %parallel_loop3A_277 = arith.index_cast %parallel_loop3A_249 : i32 to index
      %parallel_loop3A_278 = arith.constant 48 : index
      %parallel_loop3A_279 = tpu.vector_load %arg23[%parallel_loop3A_277, %parallel_loop3A_278] {strides = array<i32>} : memref<80x128xf32, #tpu.memory_space<vmem>>, vector<16xf32>,
      tpu.vector_store %arg23[%parallel_loop3A_277, %parallel_loop3A_278], %parallel_loop3A_276 {strides = array<i32>} : memref<80x128xf32, #tpu.memory_space<vmem>>, vector<16xf32>,
      %parallel_loop3A_280 = arith.index_cast %parallel_loop3A_249 : i32 to index
      %parallel_loop3A_281 = arith.constant 64 : index
      %parallel_loop3A_282 = tpu.vector_load %arg23[%parallel_loop3A_280, %parallel_loop3A_281] {strides = array<i32>} : memref<80x128xf32, #tpu.memory_space<vmem>>, vector<16xf32>,
      %parallel_loop3A_283 = arith.mulf %parallel_loop3A_282, %parallel_loop3A_251 : vector<16xf32>
      %parallel_loop3A_284 = arith.index_cast %parallel_loop3A_249 : i32 to index
      %parallel_loop3A_285 = arith.constant 64 : index
      %parallel_loop3A_286 = tpu.vector_load %arg23[%parallel_loop3A_284, %parallel_loop3A_285] {strides = array<i32>} : memref<80x128xf32, #tpu.memory_space<vmem>>, vector<16xf32>,
      tpu.vector_store %arg23[%parallel_loop3A_284, %parallel_loop3A_285], %parallel_loop3A_283 {strides = array<i32>} : memref<80x128xf32, #tpu.memory_space<vmem>>, vector<16xf32>,
      %parallel_loop3A_287 = arith.index_cast %parallel_loop3A_249 : i32 to index
      %parallel_loop3A_288 = arith.constant 80 : index
      %parallel_loop3A_289 = tpu.vector_load %arg23[%parallel_loop3A_287, %parallel_loop3A_288] {strides = array<i32>} : memref<80x128xf32, #tpu.memory_space<vmem>>, vector<16xf32>,
      %parallel_loop3A_290 = arith.mulf %parallel_loop3A_289, %parallel_loop3A_251 : vector<16xf32>
      %parallel_loop3A_291 = arith.index_cast %parallel_loop3A_249 : i32 to index
      %parallel_loop3A_292 = arith.constant 80 : index
      %parallel_loop3A_293 = tpu.vector_load %arg23[%parallel_loop3A_291, %parallel_loop3A_292] {strides = array<i32>} : memref<80x128xf32, #tpu.memory_space<vmem>>, vector<16xf32>,
      tpu.vector_store %arg23[%parallel_loop3A_291, %parallel_loop3A_292], %parallel_loop3A_290 {strides = array<i32>} : memref<80x128xf32, #tpu.memory_space<vmem>>, vector<16xf32>,
      %parallel_loop3A_294 = arith.index_cast %parallel_loop3A_249 : i32 to index
      %parallel_loop3A_295 = arith.constant 96 : index
      %parallel_loop3A_296 = tpu.vector_load %arg23[%parallel_loop3A_294, %parallel_loop3A_295] {strides = array<i32>} : memref<80x128xf32, #tpu.memory_space<vmem>>, vector<16xf32>,
      %parallel_loop3A_297 = arith.mulf %parallel_loop3A_296, %parallel_loop3A_251 : vector<16xf32>
      %parallel_loop3A_298 = arith.index_cast %parallel_loop3A_249 : i32 to index
      %parallel_loop3A_299 = arith.constant 96 : index
      %parallel_loop3A_300 = tpu.vector_load %arg23[%parallel_loop3A_298, %parallel_loop3A_299] {strides = array<i32>} : memref<80x128xf32, #tpu.memory_space<vmem>>, vector<16xf32>,
      tpu.vector_store %arg23[%parallel_loop3A_298, %parallel_loop3A_299], %parallel_loop3A_297 {strides = array<i32>} : memref<80x128xf32, #tpu.memory_space<vmem>>, vector<16xf32>,
      %parallel_loop3A_301 = arith.index_cast %parallel_loop3A_249 : i32 to index
      %parallel_loop3A_302 = arith.constant 112 : index
      %parallel_loop3A_303 = tpu.vector_load %arg23[%parallel_loop3A_301, %parallel_loop3A_302] {strides = array<i32>} : memref<80x128xf32, #tpu.memory_space<vmem>>, vector<16xf32>,
      %parallel_loop3A_304 = arith.mulf %parallel_loop3A_303, %parallel_loop3A_251 : vector<16xf32>
      %parallel_loop3A_305 = arith.index_cast %parallel_loop3A_249 : i32 to index
      %parallel_loop3A_306 = arith.constant 112 : index
      %parallel_loop3A_307 = tpu.vector_load %arg23[%parallel_loop3A_305, %parallel_loop3A_306] {strides = array<i32>} : memref<80x128xf32, #tpu.memory_space<vmem>>, vector<16xf32>,
      tpu.vector_store %arg23[%parallel_loop3A_305, %parallel_loop3A_306], %parallel_loop3A_304 {strides = array<i32>} : memref<80x128xf32, #tpu.memory_space<vmem>>, vector<16xf32>,
    } {sc.loop_unroll_factor = 4 : i64, sc.parallel_access}
    %dma_start3A_225 = arith.constant 0 : i32
    %dma_start3A_226 = arith.constant 0 : i32
    %dma_start3A_227 = tpu.memref_slice %arg25[%dma_start3A_225, %dma_start3A_226] : memref<10000x128xf32, #tpu.memory_space<vmem_shared>> -> memref<10000x128xf32, #tpu.memory_space<vmem_shared>>
    tpu.enqueue_indirect_dma source(%arg23 : memref<80x128xf32, #tpu.memory_space<vmem>>) target(%dma_start3A_227 : memref<10000x128xf32, #tpu.memory_space<vmem_shared>>) offsets(%arg14 : memref<80xi32, #tpu.memory_space<vmem>>) semaphore(%arg36 : memref<!tpu.dma_semaphore, #tpu.memory_space<semaphore_mem>>) {add = true}
    %dma_wait3A_228 = arith.constant 0 : i32
    %dma_wait3A_229 = arith.constant 0 : i32
    %dma_wait3A_230 = tpu.memref_slice %arg25[%dma_wait3A_228, %dma_wait3A_229] : memref<10000x128xf32, #tpu.memory_space<vmem_shared>> -> memref<10000x128xf32, #tpu.memory_space<vmem_shared>>
    tpu.wait_indirect_dma semaphore(%arg36 : memref<!tpu.dma_semaphore, #tpu.memory_space<semaphore_mem>>) src(%arg23 : memref<80x128xf32, #tpu.memory_space<vmem>>) dst(%dma_wait3A_230 : memref<10000x128xf32, #tpu.memory_space<vmem_shared>>)
    %add3A_231 = arith.constant 9760 : i32
    %add3A_232 = arith.addi %mul3A_2, %add3A_231 : i32
    %dma_wait3A_233 = tpu.memref_slice %arg7[%add3A_232] : memref<320000xf32, #tpu.memory_space<hbm>> -> memref<80xf32, #tpu.memory_space<hbm>>
    %dma_wait3A_234 = tpu.memref_slice %arg7[%add3A_232] : memref<320000xf32, #tpu.memory_space<hbm>> -> memref<80xf32, #tpu.memory_space<hbm>>
    tpu.wait_dma2 semaphore(%arg34 : memref<!tpu.dma_semaphore, #tpu.memory_space<semaphore_mem>>) src(%arg21 : memref<80xf32, #tpu.memory_space<vmem>>) dst(%dma_wait3A_234 : memref<80xf32, #tpu.memory_space<hbm>>)
    %add3A_235 = arith.constant 9840 : i32
    %add3A_236 = arith.addi %mul3A_2, %add3A_235 : i32
    %dma_wait3A_237 = tpu.memref_slice %arg7[%add3A_236] : memref<320000xf32, #tpu.memory_space<hbm>> -> memref<80xf32, #tpu.memory_space<hbm>>
    %dma_wait3A_238 = tpu.memref_slice %arg7[%add3A_236] : memref<320000xf32, #tpu.memory_space<hbm>> -> memref<80xf32, #tpu.memory_space<hbm>>
    tpu.wait_dma2 semaphore(%arg32 : memref<!tpu.dma_semaphore, #tpu.memory_space<semaphore_mem>>) src(%arg19 : memref<80xf32, #tpu.memory_space<vmem>>) dst(%dma_wait3A_238 : memref<80xf32, #tpu.memory_space<hbm>>)
    %add3A_239 = arith.constant 9920 : i32
    %add3A_240 = arith.addi %mul3A_2, %add3A_239 : i32
    %dma_wait3A_241 = tpu.memref_slice %arg7[%add3A_240] : memref<320000xf32, #tpu.memory_space<hbm>> -> memref<80xf32, #tpu.memory_space<hbm>>
    %dma_wait3A_242 = tpu.memref_slice %arg7[%add3A_240] : memref<320000xf32, #tpu.memory_space<hbm>> -> memref<80xf32, #tpu.memory_space<hbm>>
    tpu.wait_dma2 semaphore(%arg33 : memref<!tpu.dma_semaphore, #tpu.memory_space<semaphore_mem>>) src(%arg20 : memref<80xf32, #tpu.memory_space<vmem>>) dst(%dma_wait3A_242 : memref<80xf32, #tpu.memory_space<hbm>>)
    %barrier3A_243 = arith.constant 0 : index
    tpu.barrier barrier_id(%barrier3A_243)
    "tpu.region"() ({
      %run_scoped3A_249 = tpu.sem_alloc : memref<!tpu.dma_semaphore, #tpu.memory_space<semaphore_mem>>
      %dma_start3A_250 = arith.constant 0 : i32
      %dma_start3A_251 = tpu.memref_slice %arg8[%arg0, %mul3A_11, %dma_start3A_250] : memref<2x10000x128xf32, #tpu.memory_space<hbm>> -> memref<1x624x128xf32, #tpu.memory_space<hbm>>
      %dma_start3A_252 = tpu.memref_squeeze %dma_start3A_251 : memref<1x624x128xf32, #tpu.memory_space<hbm>> -> memref<624x128xf32, #tpu.memory_space<hbm>>
      %dma_start3A_253 = arith.constant 0 : i32
      %dma_start3A_254 = tpu.memref_slice %arg25[%mul3A_11, %dma_start3A_253] : memref<10000x128xf32, #tpu.memory_space<vmem_shared>> -> memref<624x128xf32, #tpu.memory_space<vmem_shared>>
      tpu.enqueue_dma source(%dma_start3A_254 : memref<624x128xf32, #tpu.memory_space<vmem_shared>>) target(%dma_start3A_252 : memref<624x128xf32, #tpu.memory_space<hbm>>) target_semaphore(%run_scoped3A_249 : memref<!tpu.dma_semaphore, #tpu.memory_space<semaphore_mem>>)
      %dma_wait3A_255 = arith.constant 0 : i32
      %dma_wait3A_256 = tpu.memref_slice %arg8[%arg0, %mul3A_11, %dma_wait3A_255] : memref<2x10000x128xf32, #tpu.memory_space<hbm>> -> memref<1x624x128xf32, #tpu.memory_space<hbm>>
      %dma_wait3A_257 = tpu.memref_squeeze %dma_wait3A_256 : memref<1x624x128xf32, #tpu.memory_space<hbm>> -> memref<624x128xf32, #tpu.memory_space<hbm>>
      %dma_wait3A_258 = arith.constant 0 : i32
      %dma_wait3A_259 = tpu.memref_slice %arg25[%mul3A_11, %dma_wait3A_258] : memref<10000x128xf32, #tpu.memory_space<vmem_shared>> -> memref<624x128xf32, #tpu.memory_space<vmem_shared>>
      tpu.wait_dma2 semaphore(%run_scoped3A_249 : memref<!tpu.dma_semaphore, #tpu.memory_space<semaphore_mem>>) src(%dma_wait3A_259 : memref<624x128xf32, #tpu.memory_space<vmem_shared>>) dst(%dma_wait3A_257 : memref<624x128xf32, #tpu.memory_space<hbm>>)
      tpu.yield
    }) : () -> ()
    %eq3A_244 = arith.constant 15 : i32
    %eq3A_245 = arith.cmpi eq, %arg1, %eq3A_244 : i32
    %convert_element_type3A_246 = arith.extui %eq3A_245 : i1 to i32
    %cond3A_247 = arith.constant 0 : i32
    %cond3A_248 = arith.cmpi ne, %convert_element_type3A_246, %cond3A_247 : i32
    scf.if %cond3A_248 {
      "tpu.region"() ({
        %run_scoped3A_249 = tpu.sem_alloc : memref<!tpu.dma_semaphore, #tpu.memory_space<semaphore_mem>>
        %dma_start3A_250 = arith.constant 9984 : i32
        %dma_start3A_251 = arith.constant 0 : i32
        %dma_start3A_252 = tpu.memref_slice %arg8[%arg0, %dma_start3A_250, %dma_start3A_251] : memref<2x10000x128xf32, #tpu.memory_space<hbm>> -> memref<1x16x128xf32, #tpu.memory_space<hbm>>
        %dma_start3A_253 = tpu.memref_squeeze %dma_start3A_252 : memref<1x16x128xf32, #tpu.memory_space<hbm>> -> memref<16x128xf32, #tpu.memory_space<hbm>>
        %dma_start3A_254 = arith.constant 9984 : i32
        %dma_start3A_255 = arith.constant 0 : i32
        %dma_start3A_256 = tpu.memref_slice %arg25[%dma_start3A_254, %dma_start3A_255] : memref<10000x128xf32, #tpu.memory_space<vmem_shared>> -> memref<16x128xf32, #tpu.memory_space<vmem_shared>>
        tpu.enqueue_dma source(%dma_start3A_256 : memref<16x128xf32, #tpu.memory_space<vmem_shared>>) target(%dma_start3A_253 : memref<16x128xf32, #tpu.memory_space<hbm>>) target_semaphore(%run_scoped3A_249 : memref<!tpu.dma_semaphore, #tpu.memory_space<semaphore_mem>>)
        %dma_wait3A_257 = arith.constant 9984 : i32
        %dma_wait3A_258 = arith.constant 0 : i32
        %dma_wait3A_259 = tpu.memref_slice %arg8[%arg0, %dma_wait3A_257, %dma_wait3A_258] : memref<2x10000x128xf32, #tpu.memory_space<hbm>> -> memref<1x16x128xf32, #tpu.memory_space<hbm>>
        %dma_wait3A_260 = tpu.memref_squeeze %dma_wait3A_259 : memref<1x16x128xf32, #tpu.memory_space<hbm>> -> memref<16x128xf32, #tpu.memory_space<hbm>>
        %dma_wait3A_261 = arith.constant 9984 : i32
        %dma_wait3A_262 = arith.constant 0 : i32
        %dma_wait3A_263 = tpu.memref_slice %arg25[%dma_wait3A_261, %dma_wait3A_262] : memref<10000x128xf32, #tpu.memory_space<vmem_shared>> -> memref<16x128xf32, #tpu.memory_space<vmem_shared>>
        tpu.wait_dma2 semaphore(%run_scoped3A_249 : memref<!tpu.dma_semaphore, #tpu.memory_space<semaphore_mem>>) src(%dma_wait3A_263 : memref<16x128xf32, #tpu.memory_space<vmem_shared>>) dst(%dma_wait3A_260 : memref<16x128xf32, #tpu.memory_space<hbm>>)
        tpu.yield
      }) : () -> ()
    } else {
    }
    return
  }
}

module attributes {stable_mosaic.version = 14 : i64} {
  func.func @_tc1_body(%arg0: i32, %arg1: memref<10000x128xf32, #tpu.memory_space<vmem>>, %arg2: memref<128x128xf32, #tpu.memory_space<vmem>>, %arg3: memref<1x128xf32, #tpu.memory_space<vmem>>, %arg4: memref<1x128xf32, #tpu.memory_space<vmem>>, %arg5: memref<10000x128xf32, #tpu.memory_space<vmem>>, %arg6: memref<8x10000xf32, #tpu.memory_space<vmem>>, %arg7: memref<2x8x128xf32, #tpu.memory_space<vmem>>) attributes {dimension_semantics = [#tpu.dimension_semantics<arbitrary>], iteration_bounds = array<i64: 1>, scalar_prefetch = 0 : i64, scratch_operands = 0 : i64, tpu.core_type = #tpu.core_type<tc>, window_params = [{pipeline_mode = #tpu.pipeline_mode<synchronous>, transform_indices = @transform_0, window_bounds = array<i64: 10000, 128>}, {pipeline_mode = #tpu.pipeline_mode<synchronous>, transform_indices = @transform_1, window_bounds = array<i64: 128, 128>}, {pipeline_mode = #tpu.pipeline_mode<synchronous>, transform_indices = @transform_2, window_bounds = array<i64: 1, 128>}, {pipeline_mode = #tpu.pipeline_mode<synchronous>, transform_indices = @transform_3, window_bounds = array<i64: 1, 128>}, {pipeline_mode = #tpu.pipeline_mode<synchronous>, transform_indices = @transform_4, window_bounds = array<i64: 10000, 128>}, {pipeline_mode = #tpu.pipeline_mode<synchronous>, transform_indices = @transform_5, window_bounds = array<i64: 8, 10000>}, {pipeline_mode = #tpu.pipeline_mode<synchronous>, transform_indices = @transform_6, window_bounds = array<i64: 2, 8, 128>}]} {
    %get3A = arith.constant 0 : index
    %get3A_0 = arith.constant 0 : index
    %get3A_1 = vector.load %arg1[%get3A, %get3A_0] : memref<10000x128xf32, #tpu.memory_space<vmem>>, vector<10000x128xf32>
    %get3A_2 = arith.constant 0 : index
    %get3A_3 = arith.constant 0 : index
    %get3A_4 = vector.load %arg2[%get3A_2, %get3A_3] : memref<128x128xf32, #tpu.memory_space<vmem>>, vector<128x128xf32>
    %dot_general3A = arith.constant dense<0.000000e+00> : vector<10000x128xf32>
    %dot_general3A_5 = tpu.matmul %get3A_1, %get3A_4, %dot_general3A {dimension_numbers = #tpu.dot_dimension_numbers<[1], [0], [0], [1], [0, 0, 1, 1], [], []>, transpose_lhs_hint = false} : vector<10000x128xf32>, vector<128x128xf32>, vector<10000x128xf32> -> vector<10000x128xf32>
    %swap3A = arith.constant 0 : index
    %swap3A_6 = arith.constant 0 : index
    %swap3A_7 = vector.load %arg5[%swap3A, %swap3A_6] : memref<10000x128xf32, #tpu.memory_space<vmem>>, vector<10000x128xf32>
    tpu.vector_store %arg5[%swap3A, %swap3A_6], %dot_general3A_5 {strides = array<i32>} : memref<10000x128xf32, #tpu.memory_space<vmem>>, vector<10000x128xf32>,
    %get3A_8 = arith.constant 0 : index
    %get3A_9 = arith.constant 0 : index
    %get3A_10 = vector.load %arg3[%get3A_8, %get3A_9] : memref<1x128xf32, #tpu.memory_space<vmem>>, vector<1x128xf32>
    %dot_general3A_11 = arith.constant dense<0.000000e+00> : vector<1x10000xf32>
    %dot_general3A_12 = tpu.matmul %get3A_10, %dot_general3A_5, %dot_general3A_11 {dimension_numbers = #tpu.dot_dimension_numbers<[1], [1], [0], [0], [0, 0, 1, 0], [], []>, transpose_lhs_hint = false} : vector<1x128xf32>, vector<10000x128xf32>, vector<1x10000xf32> -> vector<1x10000xf32>
    %get3A_13 = arith.constant 0 : index
    %get3A_14 = arith.constant 0 : index
    %get3A_15 = vector.load %arg4[%get3A_13, %get3A_14] : memref<1x128xf32, #tpu.memory_space<vmem>>, vector<1x128xf32>
    %dot_general3A_16 = arith.constant dense<0.000000e+00> : vector<1x10000xf32>
    %dot_general3A_17 = tpu.matmul %get3A_15, %dot_general3A_5, %dot_general3A_16 {dimension_numbers = #tpu.dot_dimension_numbers<[1], [1], [0], [0], [0, 0, 1, 0], [], []>, transpose_lhs_hint = false} : vector<1x128xf32>, vector<10000x128xf32>, vector<1x10000xf32> -> vector<1x10000xf32>
    %broadcast_in_dim3A = arith.constant 0.000000e+00 : f32
    %broadcast_in_dim3A_18 = vector.broadcast %broadcast_in_dim3A : f32 to vector<6x10000xf32>
    %concatenate3A = tpu.concatenate %dot_general3A_12, %dot_general3A_17, %broadcast_in_dim3A_18 in 0 : vector<1x10000xf32>, vector<1x10000xf32>, vector<6x10000xf32> -> vector<8x10000xf32>
    %swap3A_19 = arith.constant 0 : index
    %swap3A_20 = arith.constant 0 : index
    %swap3A_21 = vector.load %arg6[%swap3A_19, %swap3A_20] : memref<8x10000xf32, #tpu.memory_space<vmem>>, vector<8x10000xf32>
    tpu.vector_store %arg6[%swap3A_19, %swap3A_20], %concatenate3A {strides = array<i32>} : memref<8x10000xf32, #tpu.memory_space<vmem>>, vector<8x10000xf32>,
    %reduce_max3A = vector.shape_cast %dot_general3A_12 : vector<1x10000xf32> to vector<1x1x10000xf32>
    %reduce_max3A_22 = arith.constant dense<0xFF800000> : vector<1xf32>
    %reduce_max3A_23 = vector.multi_reduction <maximumf>, %reduce_max3A, %reduce_max3A_22 [1, 2] : vector<1x1x10000xf32> to vector<1xf32>
    %reduce_max3A_24 = vector.shape_cast %reduce_max3A_23 : vector<1xf32> to vector<1x1x1xf32>
    %reduce_max3A_25 = vector.extract %reduce_max3A_24[0, 0, 0] : f32 from vector<1x1x1xf32>
    %broadcast_in_dim3A_26 = vector.broadcast %reduce_max3A_25 : f32 to vector<8x128xf32>
    %reduce_max3A_27 = vector.shape_cast %dot_general3A_17 : vector<1x10000xf32> to vector<1x1x10000xf32>
    %reduce_max3A_28 = arith.constant dense<0xFF800000> : vector<1xf32>
    %reduce_max3A_29 = vector.multi_reduction <maximumf>, %reduce_max3A_27, %reduce_max3A_28 [1, 2] : vector<1x1x10000xf32> to vector<1xf32>
    %reduce_max3A_30 = vector.shape_cast %reduce_max3A_29 : vector<1xf32> to vector<1x1x1xf32>
    %reduce_max3A_31 = vector.extract %reduce_max3A_30[0, 0, 0] : f32 from vector<1x1x1xf32>
    %broadcast_in_dim3A_32 = vector.broadcast %reduce_max3A_31 : f32 to vector<8x128xf32>
    %stack3A = vector.shape_cast %broadcast_in_dim3A_26 : vector<8x128xf32> to vector<1x8x128xf32>
    %stack3A_33 = vector.shape_cast %broadcast_in_dim3A_32 : vector<8x128xf32> to vector<1x8x128xf32>
    %stack3A_34 = tpu.concatenate %stack3A, %stack3A_33 in 0 : vector<1x8x128xf32>, vector<1x8x128xf32> -> vector<2x8x128xf32>
    %swap3A_35 = arith.constant 0 : index
    %swap3A_36 = arith.constant 0 : index
    %swap3A_37 = arith.constant 0 : index
    %swap3A_38 = vector.load %arg7[%swap3A_35, %swap3A_36, %swap3A_37] : memref<2x8x128xf32, #tpu.memory_space<vmem>>, vector<2x8x128xf32>
    tpu.vector_store %arg7[%swap3A_35, %swap3A_36, %swap3A_37], %stack3A_34 {strides = array<i32>} : memref<2x8x128xf32, #tpu.memory_space<vmem>>, vector<2x8x128xf32>,
    return
  }
  func.func @transform_0(%arg0: i32) -> (i32, i32) {
    %c0_i32 = arith.constant 0 : i32
    %c0_i32_0 = arith.constant 0 : i32
    %c0_i32_1 = arith.constant 0 : i32
    return %c0_i32, %c0_i32_0 : i32, i32
  }
  func.func @transform_1(%arg0: i32) -> (i32, i32) {
    %c0_i32 = arith.constant 0 : i32
    %c0_i32_0 = arith.constant 0 : i32
    %c0_i32_1 = arith.constant 0 : i32
    return %c0_i32, %c0_i32_0 : i32, i32
  }
  func.func @transform_2(%arg0: i32) -> (i32, i32) {
    %c0_i32 = arith.constant 0 : i32
    %c0_i32_0 = arith.constant 0 : i32
    %c0_i32_1 = arith.constant 0 : i32
    return %c0_i32, %c0_i32_0 : i32, i32
  }
  func.func @transform_3(%arg0: i32) -> (i32, i32) {
    %c0_i32 = arith.constant 0 : i32
    %c0_i32_0 = arith.constant 0 : i32
    %c0_i32_1 = arith.constant 0 : i32
    return %c0_i32, %c0_i32_0 : i32, i32
  }
  func.func @transform_4(%arg0: i32) -> (i32, i32) {
    %c0_i32 = arith.constant 0 : i32
    %c0_i32_0 = arith.constant 0 : i32
    %c0_i32_1 = arith.constant 0 : i32
    return %c0_i32, %c0_i32_0 : i32, i32
  }
  func.func @transform_5(%arg0: i32) -> (i32, i32) {
    %c0_i32 = arith.constant 0 : i32
    %c0_i32_0 = arith.constant 0 : i32
    %c0_i32_1 = arith.constant 0 : i32
    return %c0_i32, %c0_i32_0 : i32, i32
  }
  func.func @transform_6(%arg0: i32) -> (i32, i32, i32) {
    %c0_i32 = arith.constant 0 : i32
    %c0_i32_0 = arith.constant 0 : i32
    %c0_i32_1 = arith.constant 0 : i32
    %c0_i32_2 = arith.constant 0 : i32
    return %c0_i32, %c0_i32_0, %c0_i32_1 : i32, i32, i32
  }
}

module attributes {stable_mosaic.version = 14 : i64} {
  func.func @_tc3_body(%arg0: i32, %arg1: memref<32x10000xf32, #tpu.memory_space<vmem>>, %arg2: memref<8x10000xf32, #tpu.memory_space<vmem>>) attributes {dimension_semantics = [#tpu.dimension_semantics<arbitrary>], iteration_bounds = array<i64: 1>, scalar_prefetch = 0 : i64, scratch_operands = 0 : i64, tpu.core_type = #tpu.core_type<tc>, window_params = [{pipeline_mode = #tpu.pipeline_mode<synchronous>, transform_indices = @transform_0, window_bounds = array<i64: 32, 10000>}, {pipeline_mode = #tpu.pipeline_mode<synchronous>, transform_indices = @transform_1, window_bounds = array<i64: 8, 10000>}]} {
    %get3A = arith.constant 0 : index
    %get3A_0 = arith.constant 0 : index
    %get3A_1 = vector.load %arg1[%get3A, %get3A_0] : memref<32x10000xf32, #tpu.memory_space<vmem>>, vector<32x10000xf32>
    %reduce_sum3A = arith.constant dense<0.000000e+00> : vector<10000xf32>
    %reduce_sum3A_2 = vector.multi_reduction <add>, %get3A_1, %reduce_sum3A [0] : vector<32x10000xf32> to vector<10000xf32>
    %broadcast_in_dim3A = vector.shape_cast %reduce_sum3A_2 : vector<10000xf32> to vector<1x10000xf32>
    %add3A = arith.constant 1.000000e-16 : f32
    %add3A_3 = vector.broadcast %add3A : f32 to vector<1x10000xf32>
    %add3A_4 = arith.addf %broadcast_in_dim3A, %add3A_3 : vector<1x10000xf32>
    %div3A = arith.constant 1.000000e+00 : f32
    %div3A_5 = vector.broadcast %div3A : f32 to vector<1x10000xf32>
    %div3A_6 = arith.divf %div3A_5, %add3A_4 : vector<1x10000xf32>
    %broadcast_in_dim3A_7 = vector.shape_cast %div3A_6 : vector<1x10000xf32> to vector<1x10000xf32>
    %broadcast_in_dim3A_8 = vector.broadcast %broadcast_in_dim3A_7 : vector<1x10000xf32> to vector<8x10000xf32>
    %swap3A = arith.constant 0 : index
    %swap3A_9 = arith.constant 0 : index
    %swap3A_10 = vector.load %arg2[%swap3A, %swap3A_9] : memref<8x10000xf32, #tpu.memory_space<vmem>>, vector<8x10000xf32>
    tpu.vector_store %arg2[%swap3A, %swap3A_9], %broadcast_in_dim3A_8 {strides = array<i32>} : memref<8x10000xf32, #tpu.memory_space<vmem>>, vector<8x10000xf32>,
    return
  }
  func.func @transform_0(%arg0: i32) -> (i32, i32) {
    %c0_i32 = arith.constant 0 : i32
    %c0_i32_0 = arith.constant 0 : i32
    %c0_i32_1 = arith.constant 0 : i32
    return %c0_i32, %c0_i32_0 : i32, i32
  }
  func.func @transform_1(%arg0: i32) -> (i32, i32) {
    %c0_i32 = arith.constant 0 : i32
    %c0_i32_0 = arith.constant 0 : i32
    %c0_i32_1 = arith.constant 0 : i32
    return %c0_i32, %c0_i32_0 : i32, i32
  }
}

module attributes {stable_mosaic.version = 14 : i64} {
  func.func @_tc5_body(%arg0: i32, %arg1: memref<2x1000x128xf32, #tpu.memory_space<vmem>>, %arg2: memref<1x128xf32, #tpu.memory_space<vmem>>, %arg3: memref<1000x128xf32, #tpu.memory_space<vmem>>) attributes {dimension_semantics = [#tpu.dimension_semantics<arbitrary>], iteration_bounds = array<i64: 10>, scalar_prefetch = 0 : i64, scratch_operands = 0 : i64, tpu.core_type = #tpu.core_type<tc>, window_params = [{transform_indices = @transform_0, window_bounds = array<i64: 2, 1000, 128>}, {pipeline_mode = #tpu.pipeline_mode<synchronous>, transform_indices = @transform_1, window_bounds = array<i64: 1, 128>}, {transform_indices = @transform_2, window_bounds = array<i64: 1000, 128>}]} {
    %get3A = arith.constant 0 : index
    %get3A_0 = arith.constant 0 : index
    %get3A_1 = arith.constant 0 : index
    %get3A_2 = vector.load %arg1[%get3A, %get3A_0, %get3A_1] : memref<2x1000x128xf32, #tpu.memory_space<vmem>>, vector<1x1000x128xf32>
    %get3A_3 = vector.shape_cast %get3A_2 : vector<1x1000x128xf32> to vector<1000x128xf32>
    %get3A_4 = arith.constant 1 : index
    %get3A_5 = arith.constant 0 : index
    %get3A_6 = arith.constant 0 : index
    %get3A_7 = vector.load %arg1[%get3A_4, %get3A_5, %get3A_6] : memref<2x1000x128xf32, #tpu.memory_space<vmem>>, vector<1x1000x128xf32>
    %get3A_8 = vector.shape_cast %get3A_7 : vector<1x1000x128xf32> to vector<1000x128xf32>
    %add3A = arith.addf %get3A_3, %get3A_8 : vector<1000x128xf32>
    %get3A_9 = arith.constant 0 : index
    %get3A_10 = arith.constant 0 : index
    %get3A_11 = vector.load %arg2[%get3A_9, %get3A_10] : memref<1x128xf32, #tpu.memory_space<vmem>>, vector<1x128xf32>
    %add3A_12 = vector.broadcast %get3A_11 : vector<1x128xf32> to vector<1000x128xf32>
    %add3A_13 = arith.addf %add3A, %add3A_12 : vector<1000x128xf32>
    %swap3A = arith.constant 0 : index
    %swap3A_14 = arith.constant 0 : index
    %swap3A_15 = vector.load %arg3[%swap3A, %swap3A_14] : memref<1000x128xf32, #tpu.memory_space<vmem>>, vector<1000x128xf32>
    tpu.vector_store %arg3[%swap3A, %swap3A_14], %add3A_13 {strides = array<i32>} : memref<1000x128xf32, #tpu.memory_space<vmem>>, vector<1000x128xf32>,
    return
  }
  func.func @transform_0(%arg0: i32) -> (i32, i32, i32) {
    %c0_i32 = arith.constant 0 : i32
    %c0_i32_0 = arith.constant 0 : i32
    %c0_i32_1 = arith.constant 0 : i32
    return %c0_i32, %arg0, %c0_i32_0 : i32, i32, i32
  }
  func.func @transform_1(%arg0: i32) -> (i32, i32) {
    %c0_i32 = arith.constant 0 : i32
    %c0_i32_0 = arith.constant 0 : i32
    %c0_i32_1 = arith.constant 0 : i32
    return %c0_i32, %c0_i32_0 : i32, i32
  }
  func.func @transform_2(%arg0: i32) -> (i32, i32) {
    %c0_i32 = arith.constant 0 : i32
    %c0_i32_0 = arith.constant 0 : i32
    return %arg0, %c0_i32 : i32, i32
  }
}

</mosaic_0001>

<sc_bundles>
// kernel: kernel.10.cloned.1.call-start
scs
__scs_entry_jumppad:
0x0: {  	(pc) =	sbr.rel $0x88, $3  }
0x1: {  	(tag) =	ssettag $0x0;
	lr =	simm.s32 $0x1  }
0x2: {  	[smem:$0x3F9B] =	sst lr;
	_ =	strace $0xD0000000  }
0x3: {  	_ = 	snop  }
0x4: {  	_ = 	snop  }
0x5: {  	_ = 	snop  }
0x6: {  	_ = 	snop  }
0x7: {  	_ = 	snop  }
__scs_overlays_trampoline_lowered:
0x8: {  	[smem:$0x3FAA] =	sst s0  }
0x9: {  	[smem:$0x3FAB] =	sst s1  }
0xa: {  	[smem:$0x3FAC] =	sst s2  }
0xb: {  	[smem:$0x3FAD] =	sst s3  }
0xc: {  	[smem:$0x3FAE] =	sst s4  }
0xd: {  	[smem:$0x3FAF] =	sst s5  }
0xe: {  	[smem:$0x3FB0] =	sst s6  }
0xf: {  	[smem:$0x3FB1] =	sst s7  }
0x10: {  	[smem:$0x3FB2] =	sst s8  }
0x11: {  	[smem:$0x3FB3] =	sst s9;
	s0 =	simm.s32 @!p0 $0x0  }
0x12: {  	s1 =	sld [smem:$0x3F99];
	s0 =	simm.s32 @p0 $0x1  }
0x13: {  	[smem:$0x3FB4] =	sst s0;
	s0 =	simm.s32 @!p1 $0x0  }
0x14: {  	s2 =	sld [smem:$0x3F98];
	s0 =	simm.s32 @p1 $0x1  }
0x15: {  	[smem:$0x3FB5] =	sst s0;
	s0 =	simm.s32 @!p2 $0x0  }
0x16: {  	s3 =	sld [smem:$0x3FDB];
	s0 =	simm.s32 @p2 $0x1  }
0x17: {  	s4 =	simm.s32 $0x1BF5;
	[smem:$0x3FB7] =	sst s0  }
0x18: {  	s0 =	sld [smem:$0x3F9A];
	_ =	swait.ge [sflag:s4], $0x0  }
0x19: {  	s7 =	sld [smem:$0x3F9B]  }
0x1a: {  	s8 =	sadd.s32 $0xFFFFE003, lr  }
0x1b: {  	s9 =	sadd.s32 $0xFFFFFEF7, lr;
	s5 =	simm.s32 $0xFFFFFFFF;
	p2 =	slt.u32 s8, $0xFFFFF086  }
0x1c: {  	p1 =	slt.u32 s9, $0xF7A;
	s5 =	simm.s32 @!p2 $0x0  }
0x1d: {  	s5 =	simm.s32 @p1 $0x1;
	p0 =	seq.s32 s7, s2  }
0x1e: {  	s7 =	smul.u32 @!p0 $0xF7A, s2;
	p2 =	seq.s32 @!p0 s5, $0x0  }
0x1f: {  	s9 =	smul.u32 $0xF7A, s1;
	s8 =	simm.s32 @!p0 $0x1BF5;
	p2 =	por !p2, p0  }
0x20: {  	[sflag:s8] =	ssyncset.s32 @!p0 $0xFFFFF086;
	s6 =	sadd.s32 @!p0 s3, s7;
	s7 =	simm.s32 @!p0 $0x108  }
0x21: {  	s3 =	sadd.s32 s3, s9;
	s6 =	sadd.s32 @!p0 $0x88, s6;
	s7 =	simm.s32 @p2 $0x1082  }
0x22: {  	[simem:s7], [sflag:s8] =	dma.local @!p0 [hbm:s6], $0xF7A  }
0x23: {  	s9 =	sor.u32 $0xD0000000, s2;
	s6 =	simm.s32 $0x108;
	_ =	swait.ge @!p0 [sflag:s8], $0x0  }
0x24: {  	s3 =	sadd.s32 $0x88, s3;
	s6 =	simm.s32 @!p1 $0x1082;
	[sflag:s4] =	ssyncset.s32 $0xFFFFF086  }
0x25: {  	[simem:s6], [sflag:s4] =	dma.local [hbm:s3], $0xF7A  }
0x26: {  	[smem:$0x3F9B] =	sst s1;
	(tag) =	ssettag s2;
	_ =	strace s9  }
0x27: {  	s1 =	sld [smem:$0x3FAB]  }
0x28: {  	s2 =	sld [smem:$0x3FAC]  }
0x29: {  	s4 =	sld [smem:$0x3FAE]  }
0x2a: {  	p0 =	seq.s32 s5, $0x0;
	s5 =	sld [smem:$0x3FAF]  }
0x2b: {  	s6 =	sld [smem:$0x3FB0]  }
0x2c: {  	s7 =	sld [smem:$0x3FB1]  }
0x2d: {  	s3 =	simm.s32 $0x108;
	s8 =	sld [smem:$0x3FB2]  }
0x2e: {  	s3 =	simm.s32 @!p0 $0x1082;
	s9 =	sld [smem:$0x3FB3]  }
0x2f: {  	lr =	sadd.s32 s0, s3;
	s0 =	sld [smem:$0x3FAA]  }
0x30: {  	s3 =	sld [smem:$0x3FAD]  }
0x31: {  	[smem:$0x3FB6] =	sst s10  }
0x32: {  	s10 =	sld [smem:$0x3FB4];
	_ =	sdelay $0x3  }
0x33: {  	p0 =	seq.s32 s10, $0x1;
	s10 =	sld [smem:$0x3FB6];
	_ =	sdelay $0x3  }
0x34: {  	[smem:$0x3FB6] =	sst s10  }
0x35: {  	s10 =	sld [smem:$0x3FB5];
	_ =	sdelay $0x3  }
0x36: {  	p1 =	seq.s32 s10, $0x1;
	s10 =	sld [smem:$0x3FB6];
	_ =	sdelay $0x3  }
0x37: {  	[smem:$0x3FB6] =	sst s10  }
0x38: {  	s10 =	sld [smem:$0x3FB7]  }
0x39: {  	_ = 	snop;
	(pc) =	sbr.ind lr, $3  }
0x3a: {  	_ = 	snop  }
0x3b: {  	_ = 	snop  }
0x3c: {  	p2 =	seq.s32 s10, $0x1;
	s10 =	sld [smem:$0x3FB6]  }
0x3d: {  	_ =	shalt  }
0x3e: {  	_ =	shalt  }
0x3f: {  	_ =	shalt  }
0x40: {  	_ =	shalt  }
0x41: {  	_ =	shalt  }
0x42: {  	_ =	shalt  }
0x43: {  	_ =	shalt  }
0x44: {  	_ =	shalt  }
0x45: {  	_ =	shalt  }
0x46: {  	_ =	shalt  }
0x47: {  	_ =	shalt  }
0x48: {  	_ =	shalt  }
0x49: {  	_ =	shalt  }
0x4a: {  	_ =	shalt  }
0x4b: {  	_ =	shalt  }
0x4c: {  	_ =	shalt  }
0x4d: {  	_ =	shalt  }
0x4e: {  	_ =	shalt  }
0x4f: {  	_ =	shalt  }
0x50: {  	_ =	shalt  }
0x51: {  	_ =	shalt  }
0x52: {  	_ =	shalt  }
0x53: {  	_ =	shalt  }
0x54: {  	_ =	shalt  }
0x55: {  	_ =	shalt  }
0x56: {  	_ =	shalt  }
0x57: {  	_ =	shalt  }
0x58: {  	_ =	shalt  }
0x59: {  	_ =	shalt  }
0x5a: {  	_ =	shalt  }
0x5b: {  	_ =	shalt  }
0x5c: {  	_ =	shalt  }
0x5d: {  	_ =	shalt  }
0x5e: {  	_ =	shalt  }
0x5f: {  	_ =	shalt  }
0x60: {  	_ =	shalt  }
0x61: {  	_ =	shalt  }
0x62: {  	_ =	shalt  }
0x63: {  	_ =	shalt  }
0x64: {  	_ =	shalt  }
0x65: {  	_ =	shalt  }
0x66: {  	_ =	shalt  }
0x67: {  	_ =	shalt  }
0x68: {  	_ =	shalt  }
0x69: {  	_ =	shalt  }
0x6a: {  	_ =	shalt  }
0x6b: {  	_ =	shalt  }
0x6c: {  	_ =	shalt  }
0x6d: {  	_ =	shalt  }
0x6e: {  	_ =	shalt  }
0x6f: {  	_ =	shalt  }
0x70: {  	_ =	shalt  }
0x71: {  	_ =	shalt  }
0x72: {  	_ =	shalt  }
0x73: {  	_ =	shalt  }
0x74: {  	_ =	shalt  }
0x75: {  	_ =	shalt  }
0x76: {  	_ =	shalt  }
0x77: {  	_ =	shalt  }
0x78: {  	_ =	shalt  }
0x79: {  	_ =	shalt  }
0x7a: {  	_ =	shalt  }
0x7b: {  	_ =	shalt  }
0x7c: {  	_ =	shalt  }
0x7d: {  	_ =	shalt  }
0x7e: {  	_ =	shalt  }
0x7f: {  	_ =	shalt  }
0x80: {  	_ =	shalt  }
0x81: {  	_ =	shalt  }
0x82: {  	_ =	shalt  }
0x83: {  	_ =	shalt  }
0x84: {  	_ =	shalt  }
0x85: {  	_ =	shalt  }
0x86: {  	_ =	shalt  }
0x87: {  	_ =	shalt  }
.Lfunc_end0:
.L_simem_size_0:
called_computation.1_lowered:
.L_overlay_start_0:
0x88: {  	s2 =	sld [smem:$0x3FD9]  }
0x89: {  	s3 =	sld [smem:$0x3FFE];
	_ =	sdelay $0x1  }
0x8a: {  	s1 =	srdreg.scid  }
0x8b: {  	s0 =	sand.u32 $0x1, s1  }
0x8c: {  	s14 =	sshll.u32 s0, $0xA;
	s2 =	sadd.s32 s3, s2  }
0x8d: {  	s2 =	sadd.s32 s2, s14  }
0x8e: {  	[smem:$0x3FC2] =	sst s2  }
0x8f: {  	_ = 	snop  }
0x90: {  	s2 =	sld [smem:$0x3FD0];
	_ =	sdelay $0x2  }
0x91: {  	s15 =	simm.s32 $0xA;
	s4 =	simm.s32 $0x10  }
0x92: {  	[smem:s4], [sflag:s15] =	dma.local [hbm:s2], $0x1  }
0x93: {  	_ =	swait.eq [sflag:s15], $0x1  }
0x94: {  	s16 =	sld [smem:$0x10];
	[sflag:s15] =	ssyncset.done $0x0  }
0x95: {  	s17 =	sld [smem:$0x11];
	[sflag:s15] =	ssyncadd.s32 $0xFFFFFFFF  }
0x96: {  	s18 =	sld [smem:$0x12];
	(tm) =	ssettm $0x1  }
0x97: {  	s5 =	sld [smem:$0x3FFB];
	_ =	sdelay $0x3  }
0x98: {  	_ =	strace s5  }
0x99: {  	s5 =	sld [smem:$0x3FFC];
	_ =	sdelay $0x3  }
0x9a: {  	_ =	strace s5  }
0x9b: {  	s5 =	sld [smem:$0x3FFD];
	_ =	sdelay $0x3  }
0x9c: {  	_ =	strace s5  }
0x9d: {  	_ =	strace $0x8FFFFFFF  }
0x9e: {  	s19 =	sld [smem:$0x3FDB];
	_ =	sdelay $0x1  }
0x9f: {  	s6 =	simm.s32 $_scs_section_size  }
0xa0: {  	s7 =	simm.s32 $_size__tile_overlayer_lowered;
	s8 =	simm.s32 $_tile_overlayer_lowered  }
0xa1: {  	s22 =	simm.s32 $0x1BFF;
	s21 =	sshll.u32 s8, $0x1;
	s5 =	sadd.s32 s6, s19  }
0xa2: {  	s9 =	simm.s32 $0x0;
	s20 =	sshll.u32 s7, $0x1;
	s7 =	sadd.s32 s21, s5  }
0xa3: {  	[timem:s9], [sflag:s22] =	dma.local [hbm:s7], s20  }
0xa4: {  	_ =	swait.ge [sflag:s22], s20  }
0xa5: {  	s6 =	ssub.s32 $0x0, s20;
	[sflag:s22] =	ssyncset.done $0x0  }
0xa6: {  	[sflag:s22] =	ssyncadd.s32 s6;
	_ =	sdelay $0x1  }
0xa7: {  	s23 =	simm.s32 $0x1B8B  }
0xa8: {  	_ =	swait.ge [sflag:s23], $0x1  }
0xa9: {  	[sflag:s23] =	ssyncset.done $0x0  }
0xaa: {  	s25 =	simm.s32 $0x1B8E;
	s24 =	sld [smem:$0x3FFE];
	[sflag:s23] =	ssyncadd.s32 $0xFFFFFFFF  }
0xab: {  	s26 =	simm.s32 $execute0_lowered;
	[smem:$0x3FD2] =	sst s25  }
0xac: {  	s7 =	sshll.u32 s26, $0x1;
	_ =	strace $0x80000049;
	[dreg:$0x1] =	wrdreg $0xFFFFFFFF  }
0xad: {  	s28 =	simm.s32 $_size_execute0_lowered;
	s5 =	sadd.s32 s5, s7;
	[dreg:$0x0] =	wrdreg $0x0  }
0xae: {  	s7 =	sshll.u32 s28, $0x1;
	[dreg:$0x2] =	wrdreg s5  }
0xaf: {  	[dreg:$0x3] =	wrdreg s7  }
0xb0: {  	[dreg:$0x4] =	wrdreg $0xC0  }
0xb1: {  	_ =	task [dreg:s9], $0x5FFFF  }
0xb2: {  	[dreg:$0x1] =	wrdreg $0xFFFFFFFF  }
0xb3: {  	[dreg:$0x0] =	wrdreg $0x60  }
0xb4: {  	[dreg:$0x2] =	wrdreg s16  }
0xb5: {  	[dreg:$0x3] =	wrdreg s18  }
0xb6: {  	[dreg:$0x4] =	wrdreg s24  }
0xb7: {  	[dreg:$0x5] =	wrdreg s17  }
0xb8: {  	[dreg:$0x6] =	wrdreg $0xA5800  }
0xb9: {  	[dreg:$0x7] =	wrdreg $0x9  }
0xba: {  	_ =	task.clear_ibuf [dreg:s9], $0x8FFFF;
	_ =	strace $0x90000049  }
0xbb: {  	s29 =	simm.s32 $0x9;
	_ =	strace $0x8000004B  }
0xbc: {  	_ =	swait.ge [sflag:s29], $0x1  }
0xbd: {  	[sflag:s29] =	ssyncadd.s32 $0xFFFFFFFF  }
0xbe: {  	_ =	strace $0x9000004B  }
0xbf: {  	_ =	sfence  }
0xc0: {  	s30 =	sld [smem:$0x0];
	_ =	sdelay $0x2  }
0xc1: {  	s31 =	sshll.u32 s1, $0xD;
	s1 =	sshrl.u32 s1, $0x2  }
0xc2: {  	s3 =	sand.u32 $0x4000, s31;
	s1 =	sadd.s32 s1, s30  }
0xc3: {  	s0 =	sor.u32 s3, s0;
	s1 =	sshll.u32 s1, $0x11  }
0xc4: {  	s0 =	sor.u32 s1, s0  }
0xc5: {  	s0 =	sadd.s32 $0x8F2B, s0  }
0xc6: {  	[sflag:s0] =	ssyncadd.remote.s32 $0x1  }
0xc7: {  	_ =	sfence.sel $0xFFFF  }
0xc8: {  	[dreg:$0x0] =	wrdreg $0xFFFFFFFF;
	(pc) =	sbr.abs _section_cstart, $3  }
0xc9: {  	[dreg:$0x1] =	wrdreg $0xFFFFFFFF  }
0xca: {  	_ =	task.clear_ibuf [dreg:s9], $0x2FFFF;
	_ =	strace $0x9FFFFFFF  }
0xcb: {  	(tm) =	ssettm $0x7FFFFFFF  }
tec
execute0_lowered:
.L_overlay_start_1:
0x0: {  	(tag) =	ssettag $0x1  }
0x1: {  	s1 =	rddreg [dreg:$0x0]  }
0x2: {  	s0 =	rddreg [dreg:$0x2]  }
0x3: {  	s3 =	rddreg [dreg:$0x3]  }
0x4: {  	s4 =	rddreg [dreg:$0x4]  }
0x5: {  	s5 =	simm.s32 $0x0;
	s13 =	stileid.u32;
	s2 =	srdreg.scid  }
0x6: {  	s29 =	simm.s32 $0x2900;
	[smem:$0x7FF] =	sst s5;
	s7 =	sadd.s32 $0x1C00, s0  }
0x7: {  	s6 =	smul.u32 $0x4E000, s13;
	s2 =	sand.u32 $0x1, s2;
	s10 =	sshll.u32 s13, $0x1  }
0x8: {  	s23 =	smul.u32 $0x13800, s13;
	p0 =	sne.s32 s13, $0xF;
	s10 =	sor.u32 s2, s10  }
0x9: {  	s13 =	sadd.s32 $0x138000, s4;
	_ =	strace $0x8000004A;
	s14 =	smul.u32 $0x2710, s10  }
0xa: {  	s11 =	ssub.s32 $0x2, s2;
	[dreg:$0x1b] =	wrdreg s13;
	s6 =	sshrl.u32 s6, $0x2  }
0xb: {  	s2 =	smul.u32 $0x138800, s2;
	s16 =	sadd.s32 s6, s4;
	[dreg:$0x6] =	wrdreg s14  }
0xc: {  	s12 =	sshrl.u32 s11, $0x1;
	s18 =	sadd.s32 $0x2800, s16;
	[dreg:$0x7] =	wrdreg s16  }
0xd: {  	s6 =	ssub.s32 s11, s12;
	s19 =	sadd.s32 $0x5000, s16;
	[dreg:$0x8] =	wrdreg s18  }
0xe: {  	s12 =	sadd.s32 s23, s2;
	s21 =	sadd.s32 $0x50, s14;
	[dreg:$0x9] =	wrdreg s19  }
0xf: {  	s20 =	sshrl.u32 s14, $0x3;
	s23 =	sadd.s32 $0x11800, s16;
	[dreg:$0xa] =	wrdreg s21  }
0x10: {  	s28 =	simm.s32 $0x2;
	s22 =	sadd.s32 s7, s20;
	[dreg:$0x1a] =	wrdreg s23  }
0x11: {  	s8 =	sadd.s32 $0x15800, s0;
	s15 =	sadd.s32 s3, s20;
	[dreg:$0xb] =	wrdreg s22  }
0x12: {  	s30 =	simm.s32 $0x2C00;
	s24 =	sadd.s32 s8, s20;
	[dreg:$0xc] =	wrdreg s15  }
0x13: {  	s31 =	simm.s32 $0x4;
	s18 =	smax.u32 s6, $0x1;
	[dreg:$0xd] =	wrdreg s24  }
0x14: {  	s9 =	sadd.s32 $0xBA00, s0;
	s19 =	sadd.s32 $0x7800, s16;
	[dreg:$0x15] =	wrdreg s18  }
0x15: {  	s10 =	sadd.s32 s9, s20;
	s20 =	sadd.s32 $0xA000, s16;
	[dreg:$0x16] =	wrdreg s19  }
0x16: {  	s11 =	sshrl.u32 s21, $0x3;
	s21 =	sadd.s32 $0xC800, s16;
	[dreg:$0x17] =	wrdreg s20  }
0x17: {  	s0 =	sadd.s32 $0x1F600, s0;
	s25 =	sadd.s32 s7, s11;
	[dreg:$0x18] =	wrdreg s21  }
0x18: {  	s2 =	sshrl.u32 s2, $0x3;
	s26 =	sadd.s32 s3, s11;
	[dreg:$0xe] =	wrdreg s25  }
0x19: {  	s23 =	simm.s32 $0x50;
	s11 =	sadd.s32 s8, s11;
	[dreg:$0xf] =	wrdreg s26  }
0x1a: {  	s15 =	sadd.s32 $0x4CE, s10;
	s17 =	sadd.s32 $0x4D8, s10;
	[dreg:$0x10] =	wrdreg s11  }
0x1b: {  	s22 =	sadd.s32 $0xF000, s16;
	s24 =	sadd.s32 $0xA0, s14;
	[dreg:$0x12] =	wrdreg s15  }
0x1c: {  	s19 =	simm.s32 $0x2A00;
	s18 =	simm.s32 $0x5;
	[dreg:$0x13] =	wrdreg s17  }
0x1d: {  	s21 =	simm.s32 $0xB;
	s10 =	simm.s32 $0x6;
	[dreg:$0x19] =	wrdreg s22  }
0x1e: {  	s11 =	sshrl.u32 s12, $0x3;
	[dreg:$0x1c] =	wrdreg s24;
	s25 =	sadd.s32 $0xF0, s14  }
0x1f: {  	s26 =	sadd.s32 $0x140, s14;
	s17 =	simm.s32 $0xD;
	s15 =	simm.s32 $0x2D80  }
0x20: {  	s24 =	simm.s32 $0x2980;
	s22 =	simm.s32 $0x1;
	s14 =	simm.s32 $0x2D00  }
0x21: {  	s12 =	simm.s32 $0x0;
	s11 =	sadd.s32 s0, s11;
	[dreg:$0x1d] =	wrdreg s25  }
0x22: {  	s0 =	sadd.s32 s0, s2;
	[dreg:$0x1e] =	wrdreg s26;
	s25 =	simm.s32 $0x2800  }
0x23: {  	s26 =	simm.s32 $0x2C80;
	[dreg:$0x11] =	wrdreg s11;
	s0 =	sadd.s32 $0x27000, s0  }
0x24: {  	v0 =	vimm.f32 $0.0e+00;
	s11 =	simm.s32 $0x3;
	[dreg:$0x14] =	wrdreg s0;
	s0 =	simm.s32 $0xA  }
.LBB2_1:
0x25: {  	[dreg:$0x1f] =	wrdreg s12  }
0x26: {  	s2 =	rddreg [dreg:$0x1];
	s6 =	simm.s32 $0x80;
	s20 =	simm.s32 $0x400  }
0x27: {  	[tilespmem:s5], [sflag:$0xD] =	stream.strided.gather [hbm4b:s2+s6], $0x2780, s20, s6, $0x38;
	[tilespmem:$0x1DE00] =	vst v63  }
0x28: {  	_ =	swait.ge [sflag:s17], $0x2780  }
0x29: {  	[sflag:s17] =	ssyncset.done $0x0  }
0x2a: {  	s2 =	simm.s32 $0x0;
	s6 =	simm.s32 $0x200;
	[sflag:s17] =	ssyncadd.s32 $0xFFFFD880  }
.LBB2_2:
0x2b: {  	p1 =	sne.s32 s6, $0x9E00;
	[tilespmem:s2+$0x2DF0] =	vst v0  }
0x2c: {  	[tilespmem:s2+$0x2D80] =	vst v0  }
0x2d: {  	[tilespmem:s2+$0x2D90] =	vst v0  }
.Ltmp0:
0x2e: {  	[tilespmem:s2+$0x2DA0] =	vst v0;
	(pc) =	sbr.rel @p1 .LBB2_2-.Ltmp0, $4  }
0x2f: {  	[tilespmem:s2+$0x2DB0] =	vst v0  }
0x30: {  	[tilespmem:s2+$0x2DC0] =	vst v0  }
0x31: {  	[tilespmem:s2+$0x2DD0] =	vst v0  }
0x32: {  	[tilespmem:s2+$0x2DE0] =	vst v0;
	s2 =	sshra.s32 s6, $0x2;
	s6 =	sadd.s32 $0x200, s6  }
0x33: {  	[tilespmem:s2+$0x2DF0] =	vst v0  }
0x34: {  	[tilespmem:s2+$0x2D80] =	vst v0  }
0x35: {  	[tilespmem:s2+$0x2D90] =	vst v0  }
0x36: {  	[tilespmem:s2+$0x2DA0] =	vst v0  }
0x37: {  	[tilespmem:s2+$0x2DB0] =	vst v0  }
0x38: {  	[tilespmem:s2+$0x2DC0] =	vst v0  }
0x39: {  	[tilespmem:s2+$0x2DD0] =	vst v0  }
0x3a: {  	[tilespmem:s2+$0x2DE0] =	vst v0  }
0x3b: {  	[spmem:s16] =	stream.linear.scatter [tilespmem:s15], [sflag:$0xD], $0x2800, $0x38;
	[tilespmem:$0x1DE00] =	vst v63  }
0x3c: {  	_ =	swait.ge [sflag:s17], $0x2800  }
0x3d: {  	[sflag:s17] =	ssyncset.done $0x0  }
0x3e: {  	s6 =	rddreg [dreg:$0x8];
	[sflag:s17] =	ssyncadd.s32 $0xFFFFD800  }
0x3f: {  	[spmem:s6] =	stream.linear.scatter [tilespmem:s15], [sflag:$0xD], $0x2800, $0x38;
	[tilespmem:$0x1DE00] =	vst v63  }
0x40: {  	_ =	swait.ge [sflag:s17], $0x2800  }
0x41: {  	[sflag:s17] =	ssyncset.done $0x0  }
0x42: {  	s12 =	rddreg [dreg:$0x9];
	[sflag:s17] =	ssyncadd.s32 $0xFFFFD800  }
0x43: {  	[spmem:s12] =	stream.linear.scatter [tilespmem:s15], [sflag:$0xD], $0x2800, $0x38;
	[tilespmem:$0x1DE00] =	vst v63  }
0x44: {  	_ =	swait.ge [sflag:s17], $0x2800  }
0x45: {  	[sflag:s17] =	ssyncset.done $0x0  }
0x46: {  	s16 =	rddreg [dreg:$0x16];
	[sflag:s17] =	ssyncadd.s32 $0xFFFFD800  }
0x47: {  	[spmem:s16] =	stream.linear.scatter [tilespmem:s15], [sflag:$0xD], $0x2800, $0x38;
	[tilespmem:$0x1DE00] =	vst v63  }
0x48: {  	_ =	swait.ge [sflag:s17], $0x2800  }
0x49: {  	[sflag:s17] =	ssyncset.done $0x0  }
0x4a: {  	s20 =	rddreg [dreg:$0x17];
	[sflag:s17] =	ssyncadd.s32 $0xFFFFD800  }
0x4b: {  	[spmem:s20] =	stream.linear.scatter [tilespmem:s15], [sflag:$0xD], $0x2800, $0x38;
	[tilespmem:$0x1DE00] =	vst v63  }
0x4c: {  	_ =	swait.ge [sflag:s17], $0x2800  }
0x4d: {  	[sflag:s17] =	ssyncset.done $0x0  }
0x4e: {  	s6 =	rddreg [dreg:$0x18];
	[sflag:s17] =	ssyncadd.s32 $0xFFFFD800  }
0x4f: {  	[spmem:s6] =	stream.linear.scatter [tilespmem:s15], [sflag:$0xD], $0x2800, $0x38;
	[tilespmem:$0x1DE00] =	vst v63  }
0x50: {  	_ =	swait.ge [sflag:s17], $0x2800  }
0x51: {  	[sflag:s17] =	ssyncset.done $0x0  }
0x52: {  	s12 =	rddreg [dreg:$0x19];
	[sflag:s17] =	ssyncadd.s32 $0xFFFFD800  }
0x53: {  	[spmem:s12] =	stream.linear.scatter [tilespmem:s15], [sflag:$0xD], $0x2800, $0x38;
	[tilespmem:$0x1DE00] =	vst v63  }
0x54: {  	_ =	swait.ge [sflag:s17], $0x2800  }
0x55: {  	[sflag:s17] =	ssyncset.done $0x0  }
0x56: {  	s16 =	rddreg [dreg:$0x1a];
	[sflag:s17] =	ssyncadd.s32 $0xFFFFD800  }
0x57: {  	[spmem:s16] =	stream.linear.scatter [tilespmem:s15], [sflag:$0xD], $0x2000, $0x38;
	[tilespmem:$0x1DE00] =	vst v63  }
0x58: {  	_ =	swait.ge [sflag:s17], $0x2000  }
0x59: {  	[sflag:s17] =	ssyncset.done $0x0  }
0x5a: {  	s2 =	simm.s32 @!p0 $0x2D80;
	[sflag:s17] =	ssyncadd.s32 $0xFFFFE000  }
0x5b: {  	[spmem:s13] =	stream.linear.scatter @!p0 [tilespmem:s2], [sflag:$0xD], $0x800, $0x38;
	[tilespmem:$0x1DE00] =	vst v63  }
0x5c: {  	s2 =	simm.s32 @!p0 $0xD  }
0x5d: {  	_ =	swait.ge @!p0 [sflag:s2], $0x800  }
0x5e: {  	[sflag:s2] =	ssyncset.done @!p0 $0x0  }
0x5f: {  	[sflag:s2] =	ssyncadd.s32 @!p0 $0xFFFFF800  }
0x60: {  	[bflag:$0x0] =	sbarrier.arrive $0xFFFF  }
0x61: {  	s12 =	simm.s32 $0x2780;
	s2 =	simm.s32 $0x0;
	s6 =	rddreg [dreg:$0xb]  }
0x62: {  	[tilespmem:s12], [sflag:$0x1] =	stream.linear.gather [hbm4b:s6+s2], $0x50, $0x38;
	[tilespmem:$0x1DE00] =	vst v63  }
0x63: {  	s20 =	rddreg [dreg:$0xc]  }
0x64: {  	[tilespmem:s29], [sflag:$0x1] =	stream.linear.gather [hbm4b:s20+s2], $0x50, $0x38;
	[tilespmem:$0x1DE00] =	vst v63  }
0x65: {  	s16 =	simm.s32 $0x2A80;
	s13 =	rddreg [dreg:$0xd]  }
0x66: {  	[tilespmem:s16], [sflag:$0x1] =	stream.linear.gather [hbm4b:s13+s2], $0x50, $0x38;
	[tilespmem:$0x1DE00] =	vst v63  }
0x67: {  	s17 =	rddreg [dreg:$0xe]  }
0x68: {  	[tilespmem:s25], [sflag:$0x2] =	stream.linear.gather [hbm4b:s17+s2], $0x50, $0x38;
	[tilespmem:$0x1DE00] =	vst v63  }
0x69: {  	s20 =	rddreg [dreg:$0xf]  }
0x6a: {  	[tilespmem:s24], [sflag:$0x2] =	stream.linear.gather [hbm4b:s20+s2], $0x50, $0x38;
	[tilespmem:$0x1DE00] =	vst v63  }
0x6b: {  	s29 =	simm.s32 $0x2B00;
	s24 =	rddreg [dreg:$0x10]  }
0x6c: {  	[tilespmem:s29], [sflag:$0x2] =	stream.linear.gather [hbm4b:s24+s2], $0x50, $0x38;
	[tilespmem:$0x1DE00] =	vst v63  }
0x6d: {  	_ =	swait.ge [sflag:s22], $0x50  }
0x6e: {  	[sflag:s22] =	ssyncset.done $0x0  }
0x6f: {  	[sflag:s22] =	ssyncadd.s32 $0xFFFFFFB0  }
0x70: {  	_ =	swait.ge [sflag:s22], $0x50  }
0x71: {  	[sflag:s22] =	ssyncset.done $0x0  }
0x72: {  	[sflag:s22] =	ssyncadd.s32 $0xFFFFFFB0  }
0x73: {  	_ =	swait.ge [sflag:s22], $0x50  }
0x74: {  	[sflag:s22] =	ssyncset.done $0x0  }
0x75: {  	s6 =	simm.s32 $0x0;
	s20 =	simm.s32 $0x2780;
	[sflag:s22] =	ssyncadd.s32 $0xFFFFFFB0  }
0x76: {  	[tilespmem:s15], [sflag:$0x4] =	stream.indirect.gather [hbm4b:s1+s23], $0x80, s12, s23, $0xb8;
	[tilespmem:$0x1DE00] =	vst v63  }
.LBB2_4:
0x77: {  	p1 =	seq.s32 s6, $0x0  }
0x78: {  	s13 =	simm.s32 @!p1 $0xC  }
0x79: {  	s24 =	smul.u32 $0xF0, s6;
	_ =	swait.ge @!p1 [sflag:s13], $0x2800  }
0x7a: {  	s12 =	rddreg [dreg:$0x1c]  }
0x7b: {  	s12 =	sadd.s32 s24, s12  }
0x7c: {  	[sflag:s13] =	ssyncset.done @!p1 $0x0;
	s12 =	sshrl.u32 s12, $0x3  }
0x7d: {  	s16 =	simm.s32 $0x2880;
	[sflag:s13] =	ssyncadd.s32 @!p1 $0xFFFFD800;
	s29 =	sadd.s32 s7, s12  }
0x7e: {  	[tilespmem:s16], [sflag:$0x3] =	stream.linear.gather [hbm4b:s29+s5], $0x50, $0x38;
	[tilespmem:$0x1DE00] =	vst v63  }
0x7f: {  	s17 =	sadd.s32 s3, s12  }
0x80: {  	[tilespmem:s19], [sflag:$0x3] =	stream.linear.gather [hbm4b:s17+s5], $0x50, $0x38;
	[tilespmem:$0x1DE00] =	vst v63  }
0x81: {  	s29 =	simm.s32 $0x2B80;
	s19 =	sadd.s32 s8, s12  }
0x82: {  	[tilespmem:s29], [sflag:$0x3] =	stream.linear.gather [hbm4b:s19+s5], $0x50, $0x38;
	[tilespmem:$0x1DE00] =	vst v63  }
0x83: {  	_ =	swait.ge [sflag:s28], $0x50  }
0x84: {  	[sflag:s28] =	ssyncset.done $0x0  }
0x85: {  	[sflag:s28] =	ssyncadd.s32 $0xFFFFFFB0  }
0x86: {  	_ =	swait.ge [sflag:s28], $0x50  }
0x87: {  	[sflag:s28] =	ssyncset.done $0x0  }
0x88: {  	[sflag:s28] =	ssyncadd.s32 $0xFFFFFFB0  }
0x89: {  	_ =	swait.ge [sflag:s28], $0x50  }
0x8a: {  	[sflag:s28] =	ssyncset.done $0x0  }
0x8b: {  	s13 =	simm.s32 @!p1 $0x7;
	s16 =	simm.s32 $0x5580;
	[sflag:s28] =	ssyncadd.s32 $0xFFFFFFB0  }
0x8c: {  	[tilespmem:s16], [sflag:$0x5] =	stream.indirect.gather [hbm4b:s1+s23], $0x80, s25, s23, $0xb8;
	[tilespmem:$0x1DE00] =	vst v63  }
0x8d: {  	_ =	swait.ge @!p1 [sflag:s13], $0x50  }
0x8e: {  	[sflag:s13] =	ssyncset.done @!p1 $0x0  }
0x8f: {  	[sflag:s13] =	ssyncadd.s32 @!p1 $0xFFFFFFB0  }
0x90: {  	v1 =	vld [tilespmem:$0x2900];
	_ =	sdelay $0x5  }
0x91: {  	v2 =	vld [tilespmem:$0x2A80]  }
0x92: {  	v3 =	vld [tilespmem:$0x2910]  }
0x93: {  	v1 =	vld.idx.msk [tilespmem:v1+s2+$0x0], $0xffff;
	_ =	sdelay $0x4  }
0x94: {  	v1 =	vmul.f32 v1, v2;
	_ =	sdelay $0x1  }
0x95: {  	[tilespmem:$0x2C00] =	vst v1;
	v1 =	vld [tilespmem:$0x2A90]  }
0x96: {  	v2 =	vld.idx.msk [tilespmem:v3+s2+$0x0], $0xffff  }
0x97: {  	v3 =	vld [tilespmem:$0x2920];
	_ =	sdelay $0x4  }
0x98: {  	v1 =	vmul.f32 v2, v1;
	_ =	sdelay $0x1  }
0x99: {  	[tilespmem:$0x2C10] =	vst v1;
	v1 =	vld [tilespmem:$0x2AA0]  }
0x9a: {  	v2 =	vld.idx.msk [tilespmem:v3+s2+$0x0], $0xffff  }
0x9b: {  	v3 =	vld [tilespmem:$0x2930];
	_ =	sdelay $0x4  }
0x9c: {  	v1 =	vmul.f32 v2, v1;
	_ =	sdelay $0x1  }
0x9d: {  	[tilespmem:$0x2C20] =	vst v1;
	v1 =	vld [tilespmem:$0x2AB0]  }
0x9e: {  	v2 =	vld.idx.msk [tilespmem:v3+s2+$0x0], $0xffff  }
0x9f: {  	v3 =	vld [tilespmem:$0x2940];
	_ =	sdelay $0x4  }
0xa0: {  	v1 =	vmul.f32 v2, v1;
	_ =	sdelay $0x1  }
0xa1: {  	[tilespmem:$0x2C30] =	vst v1;
	v1 =	vld [tilespmem:$0x2AC0]  }
0xa2: {  	v2 =	vld.idx.msk [tilespmem:v3+s2+$0x0], $0xffff;
	_ =	sdelay $0x3  }
0xa3: {  	s19 =	rddreg [dreg:$0x6];
	v3 =	vmov s2  }
0xa4: {  	s17 =	simm.s32 $0x2;
	s16 =	sadd.s32 s19, s24;
	v1 =	vmul.f32 v2, v1;
	v2 =	vand.u32 $0xFFFFFFFC, v3  }
0xa5: {  	s25 =	sshrl.u32 s16, $0x3;
	v3 =	vmov s17;
	v2 =	vbroadcast v2, $0x0  }
0xa6: {  	s13 =	sadd.s32 s9, s25;
	v3 =	vand.u32 $0xFFFFFFFE, v3;
	[tilespmem:$0x2C40] =	vst v1  }
0xa7: {  	v1 =	vbroadcast v3, $0x0;
	[hbm4b:s13+s2] =	stream.linear.scatter [tilespmem:s30], [sflag:$0x7], $0x50, $0x38;
	[tilespmem:$0x1DE00] =	vst v63  }
0xa8: {  	_ =	swait.ge [sflag:s31], $0x2800  }
0xa9: {  	[sflag:s31] =	ssyncset.done $0x0  }
0xaa: {  	[sflag:s31] =	ssyncadd.s32 $0xFFFFD800  }
0xab: {  	s25 =	simm.s32 $0x2E80;
	v3 =	vld.idx.msk [tilespmem:v2+s30+$0x0], $0xffff  }
0xac: {  	s29 =	simm.s32 $0x1;
	v4 =	vld [tilespmem:s25+$0x70]  }
0xad: {  	v2 =	vld.idx.msk [tilespmem:v1+s30+$0x0], $0xffff;
	v1 =	vmov s29  }
0xae: {  	v5 =	vld [tilespmem:s25+$0xFFFFFF00];
	v1 =	vand.u32 $0xFFFFFFFD, v1  }
0xaf: {  	v6 =	vld [tilespmem:s25+$0xFFFFFF10];
	v1 =	vbroadcast v1, $0x0  }
0xb0: {  	v7 =	vld [tilespmem:s25+$0xFFFFFF20]  }
0xb1: {  	v8 =	vld [tilespmem:s25+$0xFFFFFF30]  }
0xb2: {  	v9 =	vld [tilespmem:s25+$0xFFFFFF40]  }
0xb3: {  	v10 =	vld [tilespmem:s25+$0xFFFFFF50]  }
0xb4: {  	v11 =	vld [tilespmem:s25+$0xFFFFFF60];
	v5 =	vmul.f32 v5, v3  }
0xb5: {  	v12 =	vld.idx.msk [tilespmem:v1+s30+$0x0], $0xffff;
	v1 =	vmul.f32 v4, v2  }
0xb6: {  	[tilespmem:s25+$0xFFFFFF00] =	vst v5;
	v5 =	vld [tilespmem:s25+$0xFFFFFF70];
	v4 =	vmul.f32 v6, v3  }
0xb7: {  	v6 =	vld [tilespmem:s25+$0xFFFFFF80];
	[tilespmem:s25+$0x70] =	vst v1;
	v1 =	vmul.f32 v7, v3  }
0xb8: {  	s16 =	simm.s32 $0x3;
	[tilespmem:s25+$0xFFFFFF10] =	vst v4;
	v4 =	vmul.f32 v8, v3;
	v7 =	vld [tilespmem:s25+$0xFFFFFF90]  }
0xb9: {  	v8 =	vmov s16;
	[tilespmem:s25+$0xFFFFFF20] =	vst v1;
	v1 =	vmul.f32 v9, v3;
	v9 =	vld [tilespmem:s25+$0xFFFFFFA0]  }
0xba: {  	[tilespmem:s25+$0xFFFFFF30] =	vst v4;
	v4 =	vmul.f32 v10, v3;
	v10 =	vld [tilespmem:s25+$0xFFFFFFB0]  }
0xbb: {  	[tilespmem:s25+$0xFFFFFF40] =	vst v1;
	v1 =	vmul.f32 v11, v3;
	v11 =	vld [tilespmem:s25+$0xFFFFFFC0]  }
0xbc: {  	[tilespmem:s25+$0xFFFFFF50] =	vst v4;
	v4 =	vmul.f32 v6, v12;
	v6 =	vld [tilespmem:s25+$0xFFFFFFD0]  }
0xbd: {  	v3 =	vmul.f32 v5, v3;
	v5 =	vld [tilespmem:s25+$0xFFFFFFE0];
	[tilespmem:s25+$0xFFFFFF60] =	vst v1  }
0xbe: {  	v7 =	vmul.f32 v7, v12;
	v1 =	vld.idx.msk [tilespmem:v8+s30+$0x0], $0xffff;
	[tilespmem:s25+$0xFFFFFF80] =	vst v4  }
0xbf: {  	[tilespmem:s25+$0xFFFFFF70] =	vst v3;
	v4 =	vld [tilespmem:s25+$0xFFFFFFF0];
	v3 =	vmul.f32 v9, v12  }
0xc0: {  	v8 =	vld [tilespmem:s25+$0x0];
	[tilespmem:s25+$0xFFFFFF90] =	vst v7;
	v7 =	vmul.f32 v10, v12  }
0xc1: {  	v9 =	vld [tilespmem:s25+$0x10];
	[tilespmem:s25+$0xFFFFFFA0] =	vst v3;
	v3 =	vmul.f32 v11, v12  }
0xc2: {  	[tilespmem:s25+$0xFFFFFFB0] =	vst v7;
	v6 =	vmul.f32 v6, v12;
	v7 =	vld [tilespmem:s25+$0x20]  }
0xc3: {  	v10 =	vld [tilespmem:s25+$0x30];
	[tilespmem:s25+$0xFFFFFFC0] =	vst v3;
	v3 =	vmul.f32 v5, v12  }
0xc4: {  	v11 =	vld [tilespmem:s25+$0x40];
	[tilespmem:s25+$0xFFFFFFD0] =	vst v6;
	v5 =	vmul.f32 v4, v12  }
0xc5: {  	v6 =	vmul.f32 v8, v2;
	v4 =	vld [tilespmem:s25+$0x50];
	[tilespmem:s25+$0xFFFFFFE0] =	vst v3  }
0xc6: {  	s17 =	simm.s32 $0x4;
	v9 =	vmul.f32 v9, v2;
	[tilespmem:s25+$0xFFFFFFF0] =	vst v5;
	v3 =	vld [tilespmem:s25+$0x60]  }
0xc7: {  	s29 =	simm.s32 $0x5;
	v8 =	vld [tilespmem:s25+$0x80];
	v5 =	vmov s17;
	[tilespmem:s25+$0x0] =	vst v6;
	v13 =	vmul.f32 v7, v2  }
0xc8: {  	s19 =	simm.s32 $0x7;
	v12 =	vmov s29;
	v10 =	vmul.f32 v10, v2;
	v6 =	vand.u32 $0xFFFFFFFC, v5;
	[tilespmem:s25+$0x10] =	vst v9;
	v7 =	vld [tilespmem:s25+$0x90]  }
0xc9: {  	s13 =	simm.s32 $0x2E80;
	s16 =	simm.s32 $0x8;
	s17 =	simm.s32 $0x6;
	v5 =	vmov s19;
	v11 =	vmul.f32 v11, v2;
	v9 =	vld [tilespmem:s25+$0xA0];
	v6 =	vbroadcast v6, $0x0;
	[tilespmem:s25+$0x20] =	vst v13  }
.LBB2_5:
0xca: {  	p2 =	slt.u32 s16, $0x4C;
	v12 =	vand.u32 $0xFFFFFFFD, v12;
	v13 =	vmov s17;
	[tilespmem:s25+$0x30] =	vst v10;
	v4 =	vmul.f32 v4, v2;
	v10 =	vld [tilespmem:s25+$0xB0]  }
0xcb: {  	v12 =	vbroadcast v12, $0x0;
	v13 =	vand.u32 $0xFFFFFFFE, v13;
	[tilespmem:s25+$0x40] =	vst v11;
	v2 =	vmul.f32 v3, v2;
	v3 =	vld [tilespmem:s25+$0xC0]  }
0xcc: {  	v11 =	vbroadcast v13, $0x0;
	[tilespmem:s25+$0x50] =	vst v4;
	v4 =	vmul.f32 v8, v1;
	v8 =	vld [tilespmem:s25+$0xD0]  }
0xcd: {  	[tilespmem:s25+$0x60] =	vst v2;
	v2 =	vmul.f32 v7, v1;
	v7 =	vld [tilespmem:s25+$0xE0]  }
0xce: {  	[tilespmem:s25+$0x80] =	vst v4;
	v4 =	vmul.f32 v9, v1;
	v9 =	vld [tilespmem:s25+$0xF0]  }
0xcf: {  	v5 =	vld.idx.msk [tilespmem:v5+s30+$0x0], $0xffff;
	[tilespmem:s25+$0x90] =	vst v2;
	v2 =	vmul.f32 v10, v1  }
0xd0: {  	v6 =	vld.idx.msk [tilespmem:v6+s30+$0x0], $0xffff;
	[tilespmem:s25+$0xA0] =	vst v4;
	v3 =	vmul.f32 v3, v1  }
0xd1: {  	v4 =	vld.idx.msk [tilespmem:v12+s30+$0x0], $0xffff;
	[tilespmem:s25+$0xB0] =	vst v2;
	v8 =	vmul.f32 v8, v1  }
0xd2: {  	s25 =	sadd.s32 $0x200, s25;
	v2 =	vld.idx.msk [tilespmem:v11+s30+$0x0], $0xffff;
	[tilespmem:s13+$0xC0] =	vst v3;
	v3 =	vmul.f32 v7, v1  }
0xd3: {  	v7 =	vld [tilespmem:s25+$0x70];
	[tilespmem:s13+$0xD0] =	vst v8;
	v9 =	vmul.f32 v9, v1  }
0xd4: {  	v8 =	vld [tilespmem:s25+$0xFFFFFF00];
	[tilespmem:s13+$0xE0] =	vst v3  }
0xd5: {  	v1 =	vmov v5;
	v3 =	vld [tilespmem:s25+$0xFFFFFF10];
	[tilespmem:s13+$0xF0] =	vst v9;
	s13 =	smov.u32 s25  }
0xd6: {  	v5 =	vld [tilespmem:s25+$0xFFFFFF20]  }
0xd7: {  	v9 =	vld [tilespmem:s25+$0xFFFFFF30]  }
0xd8: {  	v10 =	vld [tilespmem:s25+$0xFFFFFF40];
	v7 =	vmul.f32 v7, v2  }
0xd9: {  	v8 =	vmul.f32 v8, v6;
	v11 =	vld [tilespmem:s25+$0xFFFFFF50]  }
0xda: {  	v3 =	vmul.f32 v3, v6;
	v12 =	vld [tilespmem:s25+$0xFFFFFF60];
	[tilespmem:s25+$0x70] =	vst v7  }
0xdb: {  	[tilespmem:s25+$0xFFFFFF00] =	vst v8;
	v5 =	vmul.f32 v5, v6;
	v7 =	vld [tilespmem:s25+$0xFFFFFF70]  }
0xdc: {  	[tilespmem:s25+$0xFFFFFF10] =	vst v3;
	v3 =	vmul.f32 v9, v6;
	v8 =	vld [tilespmem:s25+$0xFFFFFF80]  }
0xdd: {  	[tilespmem:s25+$0xFFFFFF20] =	vst v5;
	v5 =	vmul.f32 v10, v6;
	v9 =	vld [tilespmem:s25+$0xFFFFFF90]  }
0xde: {  	[tilespmem:s25+$0xFFFFFF30] =	vst v3;
	v3 =	vmul.f32 v11, v6;
	v10 =	vld [tilespmem:s25+$0xFFFFFFA0]  }
0xdf: {  	[tilespmem:s25+$0xFFFFFF40] =	vst v5;
	v5 =	vmul.f32 v12, v6;
	v11 =	vld [tilespmem:s25+$0xFFFFFFB0]  }
0xe0: {  	[tilespmem:s25+$0xFFFFFF50] =	vst v3;
	v3 =	vmul.f32 v7, v6;
	v6 =	vld [tilespmem:s25+$0xFFFFFFC0]  }
0xe1: {  	[tilespmem:s25+$0xFFFFFF60] =	vst v5;
	v5 =	vmul.f32 v8, v4;
	v7 =	vld [tilespmem:s25+$0xFFFFFFD0]  }
0xe2: {  	[tilespmem:s25+$0xFFFFFF70] =	vst v3;
	v3 =	vmul.f32 v9, v4;
	v8 =	vld [tilespmem:s25+$0xFFFFFFE0]  }
0xe3: {  	[tilespmem:s25+$0xFFFFFF80] =	vst v5;
	v5 =	vmul.f32 v10, v4;
	v9 =	vld [tilespmem:s25+$0xFFFFFFF0]  }
0xe4: {  	[tilespmem:s25+$0xFFFFFF90] =	vst v3;
	v3 =	vmul.f32 v11, v4;
	v10 =	vld [tilespmem:s25+$0x0]  }
0xe5: {  	[tilespmem:s25+$0xFFFFFFA0] =	vst v5;
	v5 =	vmul.f32 v6, v4;
	v6 =	vld [tilespmem:s25+$0x10]  }
0xe6: {  	[tilespmem:s25+$0xFFFFFFB0] =	vst v3;
	v3 =	vmul.f32 v7, v4;
	v7 =	vld [tilespmem:s25+$0x20]  }
0xe7: {  	[tilespmem:s25+$0xFFFFFFC0] =	vst v5;
	v5 =	vmul.f32 v8, v4;
	v11 =	vld [tilespmem:s25+$0x30]  }
0xe8: {  	[tilespmem:s25+$0xFFFFFFD0] =	vst v3;
	v3 =	vmul.f32 v9, v4;
	v9 =	vld [tilespmem:s25+$0x40]  }
.Ltmp1:
0xe9: {  	[tilespmem:s25+$0xFFFFFFE0] =	vst v5;
	v5 =	vmul.f32 v10, v2;
	v4 =	vld [tilespmem:s25+$0x50];
	(pc) =	sbr.rel @p2 .LBB2_5-.Ltmp1, $4  }
0xea: {  	[tilespmem:s25+$0xFFFFFFF0] =	vst v3;
	v6 =	vmul.f32 v6, v2;
	v3 =	vld [tilespmem:s25+$0x60]  }
0xeb: {  	s17 =	sadd.s32 $0x3, s16;
	v10 =	vmov s16;
	[tilespmem:s25+$0x0] =	vst v5;
	v13 =	vmul.f32 v7, v2;
	v8 =	vld [tilespmem:s25+$0x80]  }
0xec: {  	s19 =	sadd.s32 $0x1, s16;
	v12 =	vand.u32 $0xFFFFFFFC, v10;
	v5 =	vmov s17;
	[tilespmem:s25+$0x10] =	vst v6;
	v10 =	vmul.f32 v11, v2;
	v7 =	vld [tilespmem:s25+$0x90]  }
0xed: {  	s17 =	sadd.s32 $0x2, s16;
	s16 =	sadd.s32 $0x4, s16;
	v6 =	vbroadcast v12, $0x0;
	v12 =	vmov s19;
	[tilespmem:s25+$0x20] =	vst v13;
	v11 =	vmul.f32 v9, v2;
	v9 =	vld [tilespmem:s25+$0xA0]  }
0xee: {  	v13 =	vld [tilespmem:s25+$0xB0]  }
0xef: {  	v15 =	vld [tilespmem:s25+$0xC0]  }
0xf0: {  	v14 =	vmov s17;
	v16 =	vld [tilespmem:s25+$0xD0]  }
0xf1: {  	v17 =	vld [tilespmem:s25+$0xE0];
	[tilespmem:s25+$0x30] =	vst v10;
	v4 =	vmul.f32 v4, v2;
	v14 =	vand.u32 $0xFFFFFFFE, v14  }
0xf2: {  	v12 =	vand.u32 $0xFFFFFFFD, v12;
	v5 =	vld.idx.msk [tilespmem:v5+s30+$0x0], $0xffff;
	[tilespmem:s25+$0x40] =	vst v11;
	v2 =	vmul.f32 v3, v2;
	v14 =	vbroadcast v14, $0x0  }
0xf3: {  	s16 =	sadd.s32 $0x200, s25;
	v12 =	vbroadcast v12, $0x0;
	v3 =	vld.idx.msk [tilespmem:v6+s30+$0x0], $0xffff;
	v8 =	vmul.f32 v8, v1;
	[tilespmem:s25+$0x50] =	vst v4  }
0xf4: {  	v10 =	vld [tilespmem:s16+$0xFFFFFF00];
	v4 =	vmul.f32 v7, v1;
	[tilespmem:s25+$0x60] =	vst v2  }
0xf5: {  	[tilespmem:s25+$0x80] =	vst v8;
	v8 =	vld [tilespmem:s25+$0xF0];
	v2 =	vmul.f32 v9, v1  }
0xf6: {  	v11 =	vld [tilespmem:s16+$0xFFFFFF10];
	[tilespmem:s25+$0x90] =	vst v4;
	v4 =	vmul.f32 v13, v1  }
0xf7: {  	v9 =	vld [tilespmem:s16+$0x70];
	[tilespmem:s25+$0xA0] =	vst v2;
	v2 =	vmul.f32 v15, v1  }
0xf8: {  	[tilespmem:s25+$0xB0] =	vst v4;
	v4 =	vmul.f32 v16, v1;
	v7 =	vld.idx.msk [tilespmem:v14+s30+$0x0], $0xffff  }
0xf9: {  	v6 =	vld.idx.msk [tilespmem:v12+s30+$0x0], $0xffff;
	[tilespmem:s13+$0xC0] =	vst v2;
	v2 =	vmul.f32 v17, v1  }
0xfa: {  	v12 =	vld [tilespmem:s16+$0xFFFFFF20];
	[tilespmem:s13+$0xD0] =	vst v4;
	v1 =	vmul.f32 v8, v1  }
0xfb: {  	v4 =	vld [tilespmem:s16+$0xFFFFFF30];
	[tilespmem:s13+$0xE0] =	vst v2  }
0xfc: {  	v2 =	vld [tilespmem:s16+$0xFFFFFF40];
	[tilespmem:s13+$0xF0] =	vst v1;
	v1 =	vmul.f32 v10, v3  }
0xfd: {  	v8 =	vmul.f32 v9, v7;
	v9 =	vld [tilespmem:s16+$0xFFFFFF50]  }
0xfe: {  	v10 =	vmul.f32 v11, v3;
	v11 =	vld [tilespmem:s16+$0xFFFFFF60];
	[tilespmem:s16+$0xFFFFFF00] =	vst v1  }
0xff: {  	v1 =	vmul.f32 v12, v3;
	[tilespmem:s16+$0x70] =	vst v8;
	v8 =	vld [tilespmem:s16+$0xFFFFFF70]  }
0x100: {  	[tilespmem:s16+$0xFFFFFF10] =	vst v10;
	v10 =	vld [tilespmem:s16+$0xFFFFFF80];
	v4 =	vmul.f32 v4, v3  }
0x101: {  	[tilespmem:s16+$0xFFFFFF20] =	vst v1;
	v1 =	vmul.f32 v2, v3;
	v2 =	vld [tilespmem:s16+$0xFFFFFF90]  }
0x102: {  	[tilespmem:s16+$0xFFFFFF30] =	vst v4;
	v4 =	vmul.f32 v9, v3;
	v9 =	vld [tilespmem:s16+$0xFFFFFFA0]  }
0x103: {  	[tilespmem:s16+$0xFFFFFF40] =	vst v1;
	v1 =	vmul.f32 v11, v3;
	v11 =	vld [tilespmem:s16+$0xFFFFFFB0]  }
0x104: {  	[tilespmem:s16+$0xFFFFFF50] =	vst v4;
	v3 =	vmul.f32 v8, v3;
	v4 =	vld [tilespmem:s16+$0xFFFFFFC0]  }
0x105: {  	[tilespmem:s16+$0xFFFFFF60] =	vst v1;
	v1 =	vmul.f32 v10, v6;
	v8 =	vld [tilespmem:s16+$0xFFFFFFD0]  }
0x106: {  	v2 =	vmul.f32 v2, v6;
	[tilespmem:s16+$0xFFFFFF70] =	vst v3;
	v3 =	vld [tilespmem:s16+$0xFFFFFFE0]  }
0x107: {  	[tilespmem:s16+$0xFFFFFF80] =	vst v1;
	v1 =	vmul.f32 v9, v6;
	v9 =	vld [tilespmem:s16+$0xFFFFFFF0]  }
0x108: {  	v10 =	vld [tilespmem:s16+$0x0];
	[tilespmem:s16+$0xFFFFFF90] =	vst v2;
	v2 =	vmul.f32 v11, v6  }
0x109: {  	[tilespmem:s16+$0xFFFFFFA0] =	vst v1;
	v1 =	vmul.f32 v4, v6;
	v4 =	vld [tilespmem:s16+$0x10]  }
0x10a: {  	[tilespmem:s16+$0xFFFFFFB0] =	vst v2;
	v2 =	vmul.f32 v8, v6;
	v8 =	vld [tilespmem:s16+$0x20]  }
0x10b: {  	[tilespmem:s16+$0xFFFFFFC0] =	vst v1;
	v1 =	vmul.f32 v3, v6;
	v3 =	vld [tilespmem:s16+$0x30]  }
0x10c: {  	[tilespmem:s16+$0xFFFFFFD0] =	vst v2;
	v2 =	vmul.f32 v9, v6;
	v6 =	vld [tilespmem:s16+$0x40]  }
0x10d: {  	v9 =	vld [tilespmem:s16+$0x50];
	[tilespmem:s16+$0xFFFFFFE0] =	vst v1;
	v1 =	vmul.f32 v10, v7  }
0x10e: {  	[tilespmem:s16+$0xFFFFFFF0] =	vst v2;
	v2 =	vmul.f32 v4, v7;
	v4 =	vld [tilespmem:s16+$0x60]  }
0x10f: {  	[tilespmem:s16+$0x0] =	vst v1;
	v1 =	vmul.f32 v8, v7;
	v8 =	vld [tilespmem:s16+$0x80]  }
0x110: {  	[tilespmem:s16+$0x10] =	vst v2;
	v2 =	vmul.f32 v3, v7;
	v3 =	vld [tilespmem:s16+$0x90]  }
0x111: {  	[tilespmem:s16+$0x20] =	vst v1;
	v1 =	vmul.f32 v6, v7;
	v6 =	vld [tilespmem:s16+$0xA0]  }
0x112: {  	[tilespmem:s16+$0x30] =	vst v2;
	v2 =	vmul.f32 v9, v7;
	v9 =	vld [tilespmem:s16+$0xB0]  }
0x113: {  	[tilespmem:s16+$0x40] =	vst v1;
	v1 =	vmul.f32 v4, v7;
	v4 =	vld [tilespmem:s16+$0xC0]  }
0x114: {  	v7 =	vld [tilespmem:s16+$0xD0];
	[tilespmem:s16+$0x50] =	vst v2;
	v2 =	vmul.f32 v8, v5  }
0x115: {  	[tilespmem:s16+$0x60] =	vst v1;
	v1 =	vmul.f32 v3, v5;
	v3 =	vld [tilespmem:s16+$0xE0]  }
0x116: {  	[tilespmem:s16+$0x80] =	vst v2;
	v2 =	vmul.f32 v6, v5;
	v6 =	vld [tilespmem:s16+$0xF0]  }
0x117: {  	[tilespmem:s16+$0x90] =	vst v1;
	v1 =	vmul.f32 v9, v5  }
0x118: {  	[tilespmem:s16+$0xA0] =	vst v2;
	v2 =	vmul.f32 v4, v5  }
0x119: {  	[tilespmem:s16+$0xB0] =	vst v1;
	v1 =	vmul.f32 v7, v5  }
0x11a: {  	[tilespmem:s16+$0xC0] =	vst v2;
	v2 =	vmul.f32 v3, v5  }
0x11b: {  	[tilespmem:s16+$0xD0] =	vst v1;
	v1 =	vmul.f32 v6, v5  }
0x11c: {  	[tilespmem:s16+$0xE0] =	vst v2  }
0x11d: {  	s17 =	simm.s32 $0x2900;
	[tilespmem:s16+$0xF0] =	vst v1  }
0x11e: {  	[spmem:s4] =	stream.indirect.scatter.add.f32 [tilespmem:s15], [sflag:$0xA], $0x80, s17, s23, $0xb8;
	[tilespmem:$0x1DE00] =	vst v63  }
0x11f: {  	_ =	swait.ge [sflag:s0], $0x2800  }
0x120: {  	s19 =	rddreg [dreg:$0x1d]  }
0x121: {  	s13 =	sadd.s32 s24, s19  }
0x122: {  	[sflag:s0] =	ssyncset.done $0x0;
	s13 =	sshrl.u32 s13, $0x3  }
0x123: {  	[sflag:s0] =	ssyncadd.s32 $0xFFFFD800;
	s25 =	sadd.s32 s7, s13  }
0x124: {  	[tilespmem:s20], [sflag:$0x1] =	stream.linear.gather [hbm4b:s25+s5], $0x50, $0x38;
	[tilespmem:$0x1DE00] =	vst v63  }
0x125: {  	s19 =	sadd.s32 s3, s13  }
0x126: {  	[tilespmem:s17], [sflag:$0x1] =	stream.linear.gather [hbm4b:s19+s5], $0x50, $0x38;
	[tilespmem:$0x1DE00] =	vst v63  }
0x127: {  	s13 =	sadd.s32 s8, s13;
	s25 =	simm.s32 $0x2A80  }
0x128: {  	[tilespmem:s25], [sflag:$0x1] =	stream.linear.gather [hbm4b:s13+s5], $0x50, $0x38;
	[tilespmem:$0x1DE00] =	vst v63  }
0x129: {  	_ =	swait.ge [sflag:s11], $0x50  }
0x12a: {  	[sflag:s11] =	ssyncset.done $0x0  }
0x12b: {  	[sflag:s11] =	ssyncadd.s32 $0xFFFFFFB0  }
0x12c: {  	_ =	swait.ge [sflag:s11], $0x50  }
0x12d: {  	[sflag:s11] =	ssyncset.done $0x0  }
0x12e: {  	[sflag:s11] =	ssyncadd.s32 $0xFFFFFFB0  }
0x12f: {  	_ =	swait.ge [sflag:s11], $0x50  }
0x130: {  	s17 =	simm.s32 $0x2880;
	[sflag:s11] =	ssyncset.done $0x0  }
0x131: {  	s19 =	simm.s32 $0x7D80;
	s13 =	simm.s32 @!p1 $0x8;
	[sflag:s11] =	ssyncadd.s32 $0xFFFFFFB0  }
0x132: {  	[tilespmem:s19], [sflag:$0x6] =	stream.indirect.gather [hbm4b:s1+s23], $0x80, s17, s23, $0xb8;
	[tilespmem:$0x1DE00] =	vst v63  }
0x133: {  	_ =	swait.ge @!p1 [sflag:s13], $0x50  }
0x134: {  	[sflag:s13] =	ssyncset.done @!p1 $0x0  }
0x135: {  	[sflag:s13] =	ssyncadd.s32 @!p1 $0xFFFFFFB0  }
0x136: {  	v1 =	vld [tilespmem:$0x2980];
	_ =	sdelay $0x5  }
0x137: {  	v2 =	vld [tilespmem:$0x2B00]  }
0x138: {  	s13 =	simm.s32 $0x0;
	v3 =	vld [tilespmem:$0x2990]  }
0x139: {  	v1 =	vld.idx.msk [tilespmem:v1+s13+$0x0], $0xffff;
	_ =	sdelay $0x4  }
0x13a: {  	v1 =	vmul.f32 v1, v2;
	_ =	sdelay $0x1  }
0x13b: {  	[tilespmem:$0x2C80] =	vst v1;
	v1 =	vld [tilespmem:$0x2B10]  }
0x13c: {  	v2 =	vld.idx.msk [tilespmem:v3+s13+$0x0], $0xffff  }
0x13d: {  	v3 =	vld [tilespmem:$0x29A0];
	_ =	sdelay $0x4  }
0x13e: {  	v1 =	vmul.f32 v2, v1;
	_ =	sdelay $0x1  }
0x13f: {  	[tilespmem:$0x2C90] =	vst v1;
	v1 =	vld [tilespmem:$0x2B20]  }
0x140: {  	v2 =	vld.idx.msk [tilespmem:v3+s13+$0x0], $0xffff  }
0x141: {  	v3 =	vld [tilespmem:$0x29B0];
	_ =	sdelay $0x4  }
0x142: {  	v1 =	vmul.f32 v2, v1;
	_ =	sdelay $0x1  }
0x143: {  	[tilespmem:$0x2CA0] =	vst v1;
	v1 =	vld [tilespmem:$0x2B30]  }
0x144: {  	v2 =	vld.idx.msk [tilespmem:v3+s13+$0x0], $0xffff  }
0x145: {  	v3 =	vld [tilespmem:$0x29C0];
	_ =	sdelay $0x4  }
0x146: {  	v1 =	vmul.f32 v2, v1;
	_ =	sdelay $0x1  }
0x147: {  	[tilespmem:$0x2CB0] =	vst v1;
	v1 =	vld [tilespmem:$0x2B40]  }
0x148: {  	v2 =	vld.idx.msk [tilespmem:v3+s13+$0x0], $0xffff;
	_ =	sdelay $0x3  }
0x149: {  	s19 =	rddreg [dreg:$0xa];
	v3 =	vmov s13  }
0x14a: {  	s25 =	simm.s32 $0x2;
	s17 =	sadd.s32 s24, s19;
	v1 =	vmul.f32 v2, v1;
	v2 =	vand.u32 $0xFFFFFFFC, v3  }
0x14b: {  	v3 =	vmov s25;
	s25 =	sshrl.u32 s17, $0x3;
	v2 =	vbroadcast v2, $0x0  }
0x14c: {  	v3 =	vand.u32 $0xFFFFFFFE, v3;
	s16 =	sadd.s32 s9, s25;
	[tilespmem:$0x2CC0] =	vst v1  }
0x14d: {  	v1 =	vbroadcast v3, $0x0;
	[hbm4b:s16+s13] =	stream.linear.scatter [tilespmem:s26], [sflag:$0x8], $0x50, $0x38;
	[tilespmem:$0x1DE00] =	vst v63  }
0x14e: {  	_ =	swait.ge [sflag:s18], $0x2800  }
0x14f: {  	[sflag:s18] =	ssyncset.done $0x0  }
0x150: {  	[sflag:s18] =	ssyncadd.s32 $0xFFFFD800  }
0x151: {  	s25 =	simm.s32 $0x5680;
	v3 =	vld.idx.msk [tilespmem:v2+s26+$0x0], $0xffff  }
0x152: {  	s17 =	simm.s32 $0x1;
	v4 =	vld [tilespmem:s25+$0x70]  }
0x153: {  	v2 =	vld.idx.msk [tilespmem:v1+s26+$0x0], $0xffff;
	v1 =	vmov s17  }
0x154: {  	v5 =	vld [tilespmem:s25+$0xFFFFFF00];
	v1 =	vand.u32 $0xFFFFFFFD, v1  }
0x155: {  	v6 =	vld [tilespmem:s25+$0xFFFFFF10];
	v1 =	vbroadcast v1, $0x0  }
0x156: {  	v7 =	vld [tilespmem:s25+$0xFFFFFF20]  }
0x157: {  	v8 =	vld [tilespmem:s25+$0xFFFFFF30]  }
0x158: {  	v9 =	vld [tilespmem:s25+$0xFFFFFF40]  }
0x159: {  	v10 =	vld [tilespmem:s25+$0xFFFFFF50]  }
0x15a: {  	v11 =	vld [tilespmem:s25+$0xFFFFFF60];
	v5 =	vmul.f32 v5, v3  }
0x15b: {  	v12 =	vld.idx.msk [tilespmem:v1+s26+$0x0], $0xffff;
	v1 =	vmul.f32 v4, v2  }
0x15c: {  	[tilespmem:s25+$0xFFFFFF00] =	vst v5;
	v5 =	vld [tilespmem:s25+$0xFFFFFF70];
	v4 =	vmul.f32 v6, v3  }
0x15d: {  	v6 =	vld [tilespmem:s25+$0xFFFFFF80];
	[tilespmem:s25+$0x70] =	vst v1;
	v1 =	vmul.f32 v7, v3  }
0x15e: {  	s19 =	simm.s32 $0x3;
	[tilespmem:s25+$0xFFFFFF10] =	vst v4;
	v4 =	vmul.f32 v8, v3;
	v7 =	vld [tilespmem:s25+$0xFFFFFF90]  }
0x15f: {  	v8 =	vmov s19;
	[tilespmem:s25+$0xFFFFFF20] =	vst v1;
	v1 =	vmul.f32 v9, v3;
	v9 =	vld [tilespmem:s25+$0xFFFFFFA0]  }
0x160: {  	[tilespmem:s25+$0xFFFFFF30] =	vst v4;
	v4 =	vmul.f32 v10, v3;
	v10 =	vld [tilespmem:s25+$0xFFFFFFB0]  }
0x161: {  	[tilespmem:s25+$0xFFFFFF40] =	vst v1;
	v1 =	vmul.f32 v11, v3;
	v11 =	vld [tilespmem:s25+$0xFFFFFFC0]  }
0x162: {  	[tilespmem:s25+$0xFFFFFF50] =	vst v4;
	v4 =	vmul.f32 v6, v12;
	v6 =	vld [tilespmem:s25+$0xFFFFFFD0]  }
0x163: {  	v3 =	vmul.f32 v5, v3;
	v5 =	vld [tilespmem:s25+$0xFFFFFFE0];
	[tilespmem:s25+$0xFFFFFF60] =	vst v1  }
0x164: {  	v7 =	vmul.f32 v7, v12;
	v1 =	vld.idx.msk [tilespmem:v8+s26+$0x0], $0xffff;
	[tilespmem:s25+$0xFFFFFF80] =	vst v4  }
0x165: {  	[tilespmem:s25+$0xFFFFFF70] =	vst v3;
	v4 =	vld [tilespmem:s25+$0xFFFFFFF0];
	v3 =	vmul.f32 v9, v12  }
0x166: {  	v8 =	vld [tilespmem:s25+$0x0];
	[tilespmem:s25+$0xFFFFFF90] =	vst v7;
	v7 =	vmul.f32 v10, v12  }
0x167: {  	v9 =	vld [tilespmem:s25+$0x10];
	[tilespmem:s25+$0xFFFFFFA0] =	vst v3;
	v3 =	vmul.f32 v11, v12  }
0x168: {  	[tilespmem:s25+$0xFFFFFFB0] =	vst v7;
	v6 =	vmul.f32 v6, v12;
	v7 =	vld [tilespmem:s25+$0x20]  }
0x169: {  	v10 =	vld [tilespmem:s25+$0x30];
	[tilespmem:s25+$0xFFFFFFC0] =	vst v3;
	v3 =	vmul.f32 v5, v12  }
0x16a: {  	v11 =	vld [tilespmem:s25+$0x40];
	[tilespmem:s25+$0xFFFFFFD0] =	vst v6;
	v5 =	vmul.f32 v4, v12  }
0x16b: {  	v6 =	vmul.f32 v8, v2;
	v4 =	vld [tilespmem:s25+$0x50];
	[tilespmem:s25+$0xFFFFFFE0] =	vst v3  }
0x16c: {  	s16 =	simm.s32 $0x4;
	v9 =	vmul.f32 v9, v2;
	[tilespmem:s25+$0xFFFFFFF0] =	vst v5;
	v3 =	vld [tilespmem:s25+$0x60]  }
0x16d: {  	s19 =	simm.s32 $0x5;
	v8 =	vld [tilespmem:s25+$0x80];
	v5 =	vmov s16;
	[tilespmem:s25+$0x0] =	vst v6;
	v13 =	vmul.f32 v7, v2  }
0x16e: {  	s29 =	simm.s32 $0x2900;
	s17 =	simm.s32 $0x7;
	v12 =	vmov s19;
	v10 =	vmul.f32 v10, v2;
	v6 =	vand.u32 $0xFFFFFFFC, v5;
	[tilespmem:s25+$0x10] =	vst v9;
	v7 =	vld [tilespmem:s25+$0x90]  }
0x16f: {  	s13 =	simm.s32 $0x5680;
	s16 =	simm.s32 $0x8;
	v5 =	vmov s17;
	s17 =	simm.s32 $0x6;
	v11 =	vmul.f32 v11, v2;
	v9 =	vld [tilespmem:s25+$0xA0];
	v6 =	vbroadcast v6, $0x0;
	[tilespmem:s25+$0x20] =	vst v13  }
.LBB2_7:
0x170: {  	p2 =	slt.u32 s16, $0x4C;
	v12 =	vand.u32 $0xFFFFFFFD, v12;
	v13 =	vmov s17;
	[tilespmem:s25+$0x30] =	vst v10;
	v4 =	vmul.f32 v4, v2;
	v10 =	vld [tilespmem:s25+$0xB0]  }
0x171: {  	v12 =	vbroadcast v12, $0x0;
	v13 =	vand.u32 $0xFFFFFFFE, v13;
	[tilespmem:s25+$0x40] =	vst v11;
	v2 =	vmul.f32 v3, v2;
	v3 =	vld [tilespmem:s25+$0xC0]  }
0x172: {  	v11 =	vbroadcast v13, $0x0;
	[tilespmem:s25+$0x50] =	vst v4;
	v4 =	vmul.f32 v8, v1;
	v8 =	vld [tilespmem:s25+$0xD0]  }
0x173: {  	[tilespmem:s25+$0x60] =	vst v2;
	v2 =	vmul.f32 v7, v1;
	v7 =	vld [tilespmem:s25+$0xE0]  }
0x174: {  	[tilespmem:s25+$0x80] =	vst v4;
	v4 =	vmul.f32 v9, v1;
	v9 =	vld [tilespmem:s25+$0xF0]  }
0x175: {  	v5 =	vld.idx.msk [tilespmem:v5+s26+$0x0], $0xffff;
	[tilespmem:s25+$0x90] =	vst v2;
	v2 =	vmul.f32 v10, v1  }
0x176: {  	v6 =	vld.idx.msk [tilespmem:v6+s26+$0x0], $0xffff;
	[tilespmem:s25+$0xA0] =	vst v4;
	v3 =	vmul.f32 v3, v1  }
0x177: {  	v4 =	vld.idx.msk [tilespmem:v12+s26+$0x0], $0xffff;
	[tilespmem:s25+$0xB0] =	vst v2;
	v8 =	vmul.f32 v8, v1  }
0x178: {  	s25 =	sadd.s32 $0x200, s25;
	v2 =	vld.idx.msk [tilespmem:v11+s26+$0x0], $0xffff;
	[tilespmem:s13+$0xC0] =	vst v3;
	v3 =	vmul.f32 v7, v1  }
0x179: {  	v7 =	vld [tilespmem:s25+$0x70];
	[tilespmem:s13+$0xD0] =	vst v8;
	v9 =	vmul.f32 v9, v1  }
0x17a: {  	v8 =	vld [tilespmem:s25+$0xFFFFFF00];
	[tilespmem:s13+$0xE0] =	vst v3  }
0x17b: {  	v1 =	vmov v5;
	v3 =	vld [tilespmem:s25+$0xFFFFFF10];
	[tilespmem:s13+$0xF0] =	vst v9;
	s13 =	smov.u32 s25  }
0x17c: {  	v5 =	vld [tilespmem:s25+$0xFFFFFF20]  }
0x17d: {  	v9 =	vld [tilespmem:s25+$0xFFFFFF30]  }
0x17e: {  	v10 =	vld [tilespmem:s25+$0xFFFFFF40];
	v7 =	vmul.f32 v7, v2  }
0x17f: {  	v8 =	vmul.f32 v8, v6;
	v11 =	vld [tilespmem:s25+$0xFFFFFF50]  }
0x180: {  	v3 =	vmul.f32 v3, v6;
	v12 =	vld [tilespmem:s25+$0xFFFFFF60];
	[tilespmem:s25+$0x70] =	vst v7  }
0x181: {  	[tilespmem:s25+$0xFFFFFF00] =	vst v8;
	v5 =	vmul.f32 v5, v6;
	v7 =	vld [tilespmem:s25+$0xFFFFFF70]  }
0x182: {  	[tilespmem:s25+$0xFFFFFF10] =	vst v3;
	v3 =	vmul.f32 v9, v6;
	v8 =	vld [tilespmem:s25+$0xFFFFFF80]  }
0x183: {  	[tilespmem:s25+$0xFFFFFF20] =	vst v5;
	v5 =	vmul.f32 v10, v6;
	v9 =	vld [tilespmem:s25+$0xFFFFFF90]  }
0x184: {  	[tilespmem:s25+$0xFFFFFF30] =	vst v3;
	v3 =	vmul.f32 v11, v6;
	v10 =	vld [tilespmem:s25+$0xFFFFFFA0]  }
0x185: {  	[tilespmem:s25+$0xFFFFFF40] =	vst v5;
	v5 =	vmul.f32 v12, v6;
	v11 =	vld [tilespmem:s25+$0xFFFFFFB0]  }
0x186: {  	[tilespmem:s25+$0xFFFFFF50] =	vst v3;
	v3 =	vmul.f32 v7, v6;
	v6 =	vld [tilespmem:s25+$0xFFFFFFC0]  }
0x187: {  	[tilespmem:s25+$0xFFFFFF60] =	vst v5;
	v5 =	vmul.f32 v8, v4;
	v7 =	vld [tilespmem:s25+$0xFFFFFFD0]  }
0x188: {  	[tilespmem:s25+$0xFFFFFF70] =	vst v3;
	v3 =	vmul.f32 v9, v4;
	v8 =	vld [tilespmem:s25+$0xFFFFFFE0]  }
0x189: {  	[tilespmem:s25+$0xFFFFFF80] =	vst v5;
	v5 =	vmul.f32 v10, v4;
	v9 =	vld [tilespmem:s25+$0xFFFFFFF0]  }
0x18a: {  	[tilespmem:s25+$0xFFFFFF90] =	vst v3;
	v3 =	vmul.f32 v11, v4;
	v10 =	vld [tilespmem:s25+$0x0]  }
0x18b: {  	[tilespmem:s25+$0xFFFFFFA0] =	vst v5;
	v5 =	vmul.f32 v6, v4;
	v6 =	vld [tilespmem:s25+$0x10]  }
0x18c: {  	[tilespmem:s25+$0xFFFFFFB0] =	vst v3;
	v3 =	vmul.f32 v7, v4;
	v7 =	vld [tilespmem:s25+$0x20]  }
0x18d: {  	[tilespmem:s25+$0xFFFFFFC0] =	vst v5;
	v5 =	vmul.f32 v8, v4;
	v11 =	vld [tilespmem:s25+$0x30]  }
0x18e: {  	[tilespmem:s25+$0xFFFFFFD0] =	vst v3;
	v3 =	vmul.f32 v9, v4;
	v9 =	vld [tilespmem:s25+$0x40]  }
.Ltmp2:
0x18f: {  	[tilespmem:s25+$0xFFFFFFE0] =	vst v5;
	v5 =	vmul.f32 v10, v2;
	v4 =	vld [tilespmem:s25+$0x50];
	(pc) =	sbr.rel @p2 .LBB2_7-.Ltmp2, $4  }
0x190: {  	[tilespmem:s25+$0xFFFFFFF0] =	vst v3;
	v6 =	vmul.f32 v6, v2;
	v3 =	vld [tilespmem:s25+$0x60]  }
0x191: {  	s17 =	sadd.s32 $0x3, s16;
	v10 =	vmov s16;
	[tilespmem:s25+$0x0] =	vst v5;
	v13 =	vmul.f32 v7, v2;
	v8 =	vld [tilespmem:s25+$0x80]  }
0x192: {  	s19 =	sadd.s32 $0x1, s16;
	v12 =	vand.u32 $0xFFFFFFFC, v10;
	v5 =	vmov s17;
	[tilespmem:s25+$0x10] =	vst v6;
	v10 =	vmul.f32 v11, v2;
	v7 =	vld [tilespmem:s25+$0x90]  }
0x193: {  	s17 =	sadd.s32 $0x2, s16;
	s16 =	sadd.s32 $0x4, s16;
	v6 =	vbroadcast v12, $0x0;
	v12 =	vmov s19;
	[tilespmem:s25+$0x20] =	vst v13;
	v11 =	vmul.f32 v9, v2;
	v9 =	vld [tilespmem:s25+$0xA0]  }
0x194: {  	v13 =	vld [tilespmem:s25+$0xB0]  }
0x195: {  	v15 =	vld [tilespmem:s25+$0xC0]  }
0x196: {  	v14 =	vmov s17;
	v16 =	vld [tilespmem:s25+$0xD0]  }
0x197: {  	v17 =	vld [tilespmem:s25+$0xE0];
	[tilespmem:s25+$0x30] =	vst v10;
	v4 =	vmul.f32 v4, v2;
	v14 =	vand.u32 $0xFFFFFFFE, v14  }
0x198: {  	v12 =	vand.u32 $0xFFFFFFFD, v12;
	v5 =	vld.idx.msk [tilespmem:v5+s26+$0x0], $0xffff;
	[tilespmem:s25+$0x40] =	vst v11;
	v2 =	vmul.f32 v3, v2;
	v14 =	vbroadcast v14, $0x0  }
0x199: {  	s16 =	sadd.s32 $0x200, s25;
	v12 =	vbroadcast v12, $0x0;
	v3 =	vld.idx.msk [tilespmem:v6+s26+$0x0], $0xffff;
	v8 =	vmul.f32 v8, v1;
	[tilespmem:s25+$0x50] =	vst v4  }
0x19a: {  	v10 =	vld [tilespmem:s16+$0xFFFFFF00];
	v4 =	vmul.f32 v7, v1;
	[tilespmem:s25+$0x60] =	vst v2  }
0x19b: {  	[tilespmem:s25+$0x80] =	vst v8;
	v8 =	vld [tilespmem:s25+$0xF0];
	v2 =	vmul.f32 v9, v1  }
0x19c: {  	v11 =	vld [tilespmem:s16+$0xFFFFFF10];
	[tilespmem:s25+$0x90] =	vst v4;
	v4 =	vmul.f32 v13, v1  }
0x19d: {  	v9 =	vld [tilespmem:s16+$0x70];
	[tilespmem:s25+$0xA0] =	vst v2;
	v2 =	vmul.f32 v15, v1  }
0x19e: {  	[tilespmem:s25+$0xB0] =	vst v4;
	v4 =	vmul.f32 v16, v1;
	v7 =	vld.idx.msk [tilespmem:v14+s26+$0x0], $0xffff  }
0x19f: {  	v6 =	vld.idx.msk [tilespmem:v12+s26+$0x0], $0xffff;
	[tilespmem:s13+$0xC0] =	vst v2;
	v2 =	vmul.f32 v17, v1  }
0x1a0: {  	v12 =	vld [tilespmem:s16+$0xFFFFFF20];
	[tilespmem:s13+$0xD0] =	vst v4;
	v1 =	vmul.f32 v8, v1  }
0x1a1: {  	v4 =	vld [tilespmem:s16+$0xFFFFFF30];
	[tilespmem:s13+$0xE0] =	vst v2  }
0x1a2: {  	v2 =	vld [tilespmem:s16+$0xFFFFFF40];
	[tilespmem:s13+$0xF0] =	vst v1;
	v1 =	vmul.f32 v10, v3  }
0x1a3: {  	v8 =	vmul.f32 v9, v7;
	v9 =	vld [tilespmem:s16+$0xFFFFFF50]  }
0x1a4: {  	v10 =	vmul.f32 v11, v3;
	v11 =	vld [tilespmem:s16+$0xFFFFFF60];
	[tilespmem:s16+$0xFFFFFF00] =	vst v1  }
0x1a5: {  	v1 =	vmul.f32 v12, v3;
	[tilespmem:s16+$0x70] =	vst v8;
	v8 =	vld [tilespmem:s16+$0xFFFFFF70]  }
0x1a6: {  	[tilespmem:s16+$0xFFFFFF10] =	vst v10;
	v10 =	vld [tilespmem:s16+$0xFFFFFF80];
	v4 =	vmul.f32 v4, v3  }
0x1a7: {  	[tilespmem:s16+$0xFFFFFF20] =	vst v1;
	v1 =	vmul.f32 v2, v3;
	v2 =	vld [tilespmem:s16+$0xFFFFFF90]  }
0x1a8: {  	[tilespmem:s16+$0xFFFFFF30] =	vst v4;
	v4 =	vmul.f32 v9, v3;
	v9 =	vld [tilespmem:s16+$0xFFFFFFA0]  }
0x1a9: {  	[tilespmem:s16+$0xFFFFFF40] =	vst v1;
	v1 =	vmul.f32 v11, v3;
	v11 =	vld [tilespmem:s16+$0xFFFFFFB0]  }
0x1aa: {  	[tilespmem:s16+$0xFFFFFF50] =	vst v4;
	v3 =	vmul.f32 v8, v3;
	v4 =	vld [tilespmem:s16+$0xFFFFFFC0]  }
0x1ab: {  	[tilespmem:s16+$0xFFFFFF60] =	vst v1;
	v1 =	vmul.f32 v10, v6;
	v8 =	vld [tilespmem:s16+$0xFFFFFFD0]  }
0x1ac: {  	v2 =	vmul.f32 v2, v6;
	[tilespmem:s16+$0xFFFFFF70] =	vst v3;
	v3 =	vld [tilespmem:s16+$0xFFFFFFE0]  }
0x1ad: {  	[tilespmem:s16+$0xFFFFFF80] =	vst v1;
	v1 =	vmul.f32 v9, v6;
	v9 =	vld [tilespmem:s16+$0xFFFFFFF0]  }
0x1ae: {  	v10 =	vld [tilespmem:s16+$0x0];
	[tilespmem:s16+$0xFFFFFF90] =	vst v2;
	v2 =	vmul.f32 v11, v6  }
0x1af: {  	[tilespmem:s16+$0xFFFFFFA0] =	vst v1;
	v1 =	vmul.f32 v4, v6;
	v4 =	vld [tilespmem:s16+$0x10]  }
0x1b0: {  	[tilespmem:s16+$0xFFFFFFB0] =	vst v2;
	v2 =	vmul.f32 v8, v6;
	v8 =	vld [tilespmem:s16+$0x20]  }
0x1b1: {  	[tilespmem:s16+$0xFFFFFFC0] =	vst v1;
	v1 =	vmul.f32 v3, v6;
	v3 =	vld [tilespmem:s16+$0x30]  }
0x1b2: {  	[tilespmem:s16+$0xFFFFFFD0] =	vst v2;
	v2 =	vmul.f32 v9, v6;
	v6 =	vld [tilespmem:s16+$0x40]  }
0x1b3: {  	v9 =	vld [tilespmem:s16+$0x50];
	[tilespmem:s16+$0xFFFFFFE0] =	vst v1;
	v1 =	vmul.f32 v10, v7  }
0x1b4: {  	[tilespmem:s16+$0xFFFFFFF0] =	vst v2;
	v2 =	vmul.f32 v4, v7;
	v4 =	vld [tilespmem:s16+$0x60]  }
0x1b5: {  	[tilespmem:s16+$0x0] =	vst v1;
	v1 =	vmul.f32 v8, v7;
	v8 =	vld [tilespmem:s16+$0x80]  }
0x1b6: {  	[tilespmem:s16+$0x10] =	vst v2;
	v2 =	vmul.f32 v3, v7;
	v3 =	vld [tilespmem:s16+$0x90]  }
0x1b7: {  	[tilespmem:s16+$0x20] =	vst v1;
	v1 =	vmul.f32 v6, v7;
	v6 =	vld [tilespmem:s16+$0xA0]  }
0x1b8: {  	[tilespmem:s16+$0x30] =	vst v2;
	v2 =	vmul.f32 v9, v7;
	v9 =	vld [tilespmem:s16+$0xB0]  }
0x1b9: {  	[tilespmem:s16+$0x40] =	vst v1;
	v1 =	vmul.f32 v4, v7;
	v4 =	vld [tilespmem:s16+$0xC0]  }
0x1ba: {  	v7 =	vld [tilespmem:s16+$0xD0];
	[tilespmem:s16+$0x50] =	vst v2;
	v2 =	vmul.f32 v8, v5  }
0x1bb: {  	[tilespmem:s16+$0x60] =	vst v1;
	v1 =	vmul.f32 v3, v5;
	v3 =	vld [tilespmem:s16+$0xE0]  }
0x1bc: {  	[tilespmem:s16+$0x80] =	vst v2;
	v2 =	vmul.f32 v6, v5;
	v6 =	vld [tilespmem:s16+$0xF0]  }
0x1bd: {  	[tilespmem:s16+$0x90] =	vst v1;
	v1 =	vmul.f32 v9, v5  }
0x1be: {  	[tilespmem:s16+$0xA0] =	vst v2;
	v2 =	vmul.f32 v4, v5  }
0x1bf: {  	[tilespmem:s16+$0xB0] =	vst v1;
	v1 =	vmul.f32 v7, v5  }
0x1c0: {  	[tilespmem:s16+$0xC0] =	vst v2;
	v2 =	vmul.f32 v3, v5  }
0x1c1: {  	[tilespmem:s16+$0xD0] =	vst v1;
	v1 =	vmul.f32 v6, v5  }
0x1c2: {  	[tilespmem:s16+$0xE0] =	vst v2  }
0x1c3: {  	s17 =	simm.s32 $0x2980;
	[tilespmem:s16+$0xF0] =	vst v1;
	s16 =	simm.s32 $0x5580  }
0x1c4: {  	[spmem:s4] =	stream.indirect.scatter.add.f32 [tilespmem:s16], [sflag:$0xB], $0x80, s17, s23, $0xb8;
	[tilespmem:$0x1DE00] =	vst v63  }
0x1c5: {  	_ =	swait.ge [sflag:s21], $0x2800  }
0x1c6: {  	s19 =	rddreg [dreg:$0x1e]  }
0x1c7: {  	s13 =	sadd.s32 s24, s19  }
0x1c8: {  	[sflag:s21] =	ssyncset.done $0x0;
	s13 =	sshrl.u32 s13, $0x3  }
0x1c9: {  	s25 =	simm.s32 $0x2800;
	[sflag:s21] =	ssyncadd.s32 $0xFFFFD800;
	s24 =	sadd.s32 s7, s13  }
0x1ca: {  	[tilespmem:s25], [sflag:$0x2] =	stream.linear.gather [hbm4b:s24+s5], $0x50, $0x38;
	[tilespmem:$0x1DE00] =	vst v63  }
0x1cb: {  	s19 =	sadd.s32 s3, s13  }
0x1cc: {  	[tilespmem:s17], [sflag:$0x2] =	stream.linear.gather [hbm4b:s19+s5], $0x50, $0x38;
	[tilespmem:$0x1DE00] =	vst v63  }
0x1cd: {  	s13 =	sadd.s32 s8, s13;
	s19 =	simm.s32 $0x2B00  }
0x1ce: {  	[tilespmem:s19], [sflag:$0x2] =	stream.linear.gather [hbm4b:s13+s5], $0x50, $0x38;
	[tilespmem:$0x1DE00] =	vst v63  }
0x1cf: {  	_ =	swait.ge [sflag:s22], $0x50  }
0x1d0: {  	[sflag:s22] =	ssyncset.done $0x0  }
0x1d1: {  	[sflag:s22] =	ssyncadd.s32 $0xFFFFFFB0  }
0x1d2: {  	_ =	swait.ge [sflag:s22], $0x50  }
0x1d3: {  	[sflag:s22] =	ssyncset.done $0x0  }
0x1d4: {  	[sflag:s22] =	ssyncadd.s32 $0xFFFFFFB0  }
0x1d5: {  	_ =	swait.ge [sflag:s22], $0x50  }
0x1d6: {  	[sflag:s22] =	ssyncset.done $0x0  }
0x1d7: {  	s13 =	simm.s32 @!p1 $0x9;
	[sflag:s22] =	ssyncadd.s32 $0xFFFFFFB0  }
0x1d8: {  	[tilespmem:s15], [sflag:$0x4] =	stream.indirect.gather [hbm4b:s1+s23], $0x80, s20, s23, $0xb8;
	[tilespmem:$0x1DE00] =	vst v63  }
0x1d9: {  	_ =	swait.ge @!p1 [sflag:s13], $0x50  }
0x1da: {  	[sflag:s13] =	ssyncset.done @!p1 $0x0  }
0x1db: {  	[sflag:s13] =	ssyncadd.s32 @!p1 $0xFFFFFFB0  }
0x1dc: {  	v1 =	vld [tilespmem:$0x2A00];
	_ =	sdelay $0x5  }
0x1dd: {  	v2 =	vld [tilespmem:$0x2B80]  }
0x1de: {  	s17 =	simm.s32 $0x0;
	v3 =	vld [tilespmem:$0x2A10]  }
0x1df: {  	v1 =	vld.idx.msk [tilespmem:v1+s17+$0x0], $0xffff;
	_ =	sdelay $0x4  }
0x1e0: {  	v1 =	vmul.f32 v1, v2;
	_ =	sdelay $0x1  }
0x1e1: {  	[tilespmem:$0x2D00] =	vst v1;
	v1 =	vld [tilespmem:$0x2B90]  }
0x1e2: {  	v2 =	vld.idx.msk [tilespmem:v3+s17+$0x0], $0xffff  }
0x1e3: {  	v3 =	vld [tilespmem:$0x2A20];
	_ =	sdelay $0x4  }
0x1e4: {  	v1 =	vmul.f32 v2, v1;
	_ =	sdelay $0x1  }
0x1e5: {  	[tilespmem:$0x2D10] =	vst v1;
	v1 =	vld [tilespmem:$0x2BA0]  }
0x1e6: {  	v2 =	vld.idx.msk [tilespmem:v3+s17+$0x0], $0xffff  }
0x1e7: {  	v3 =	vld [tilespmem:$0x2A30];
	_ =	sdelay $0x4  }
0x1e8: {  	v1 =	vmul.f32 v2, v1;
	_ =	sdelay $0x1  }
0x1e9: {  	[tilespmem:$0x2D20] =	vst v1;
	v1 =	vld [tilespmem:$0x2BB0]  }
0x1ea: {  	v2 =	vld.idx.msk [tilespmem:v3+s17+$0x0], $0xffff  }
0x1eb: {  	v3 =	vld [tilespmem:$0x2A40];
	_ =	sdelay $0x4  }
0x1ec: {  	v1 =	vmul.f32 v2, v1;
	_ =	sdelay $0x1  }
0x1ed: {  	[tilespmem:$0x2D30] =	vst v1;
	v1 =	vld [tilespmem:$0x2BC0]  }
0x1ee: {  	v2 =	vld.idx.msk [tilespmem:v3+s17+$0x0], $0xffff;
	_ =	sdelay $0x3  }
0x1ef: {  	v3 =	vmov s17  }
0x1f0: {  	s19 =	simm.s32 $0x2;
	v1 =	vmul.f32 v2, v1;
	v2 =	vand.u32 $0xFFFFFFFC, v3  }
0x1f1: {  	v3 =	vmov s19;
	v2 =	vbroadcast v2, $0x0  }
0x1f2: {  	s12 =	sadd.s32 s9, s12;
	v3 =	vand.u32 $0xFFFFFFFE, v3;
	[tilespmem:$0x2D40] =	vst v1  }
0x1f3: {  	v1 =	vbroadcast v3, $0x0;
	[hbm4b:s12+s17] =	stream.linear.scatter [tilespmem:s14], [sflag:$0x9], $0x50, $0x38;
	[tilespmem:$0x1DE00] =	vst v63  }
0x1f4: {  	_ =	swait.ge [sflag:s10], $0x2800  }
0x1f5: {  	[sflag:s10] =	ssyncset.done $0x0  }
0x1f6: {  	[sflag:s10] =	ssyncadd.s32 $0xFFFFD800  }
0x1f7: {  	s12 =	simm.s32 $0x7E80;
	v3 =	vld.idx.msk [tilespmem:v2+s14+$0x0], $0xffff  }
0x1f8: {  	s17 =	simm.s32 $0x1;
	v4 =	vld [tilespmem:s12+$0x70]  }
0x1f9: {  	v2 =	vld.idx.msk [tilespmem:v1+s14+$0x0], $0xffff;
	v1 =	vmov s17  }
0x1fa: {  	v5 =	vld [tilespmem:s12+$0xFFFFFF00];
	v1 =	vand.u32 $0xFFFFFFFD, v1  }
0x1fb: {  	v6 =	vld [tilespmem:s12+$0xFFFFFF10];
	v1 =	vbroadcast v1, $0x0  }
0x1fc: {  	v7 =	vld [tilespmem:s12+$0xFFFFFF20]  }
0x1fd: {  	v8 =	vld [tilespmem:s12+$0xFFFFFF30]  }
0x1fe: {  	v9 =	vld [tilespmem:s12+$0xFFFFFF40]  }
0x1ff: {  	v10 =	vld [tilespmem:s12+$0xFFFFFF50]  }
0x200: {  	v11 =	vld [tilespmem:s12+$0xFFFFFF60];
	v5 =	vmul.f32 v5, v3  }
0x201: {  	v12 =	vld.idx.msk [tilespmem:v1+s14+$0x0], $0xffff;
	v1 =	vmul.f32 v4, v2  }
0x202: {  	[tilespmem:s12+$0xFFFFFF00] =	vst v5;
	v5 =	vld [tilespmem:s12+$0xFFFFFF70];
	v4 =	vmul.f32 v6, v3  }
0x203: {  	v6 =	vld [tilespmem:s12+$0xFFFFFF80];
	[tilespmem:s12+$0x70] =	vst v1;
	v1 =	vmul.f32 v7, v3  }
0x204: {  	s19 =	simm.s32 $0x3;
	[tilespmem:s12+$0xFFFFFF10] =	vst v4;
	v4 =	vmul.f32 v8, v3;
	v7 =	vld [tilespmem:s12+$0xFFFFFF90]  }
0x205: {  	v8 =	vmov s19;
	[tilespmem:s12+$0xFFFFFF20] =	vst v1;
	v1 =	vmul.f32 v9, v3;
	v9 =	vld [tilespmem:s12+$0xFFFFFFA0]  }
0x206: {  	[tilespmem:s12+$0xFFFFFF30] =	vst v4;
	v4 =	vmul.f32 v10, v3;
	v10 =	vld [tilespmem:s12+$0xFFFFFFB0]  }
0x207: {  	[tilespmem:s12+$0xFFFFFF40] =	vst v1;
	v1 =	vmul.f32 v11, v3;
	v11 =	vld [tilespmem:s12+$0xFFFFFFC0]  }
0x208: {  	[tilespmem:s12+$0xFFFFFF50] =	vst v4;
	v4 =	vmul.f32 v6, v12;
	v6 =	vld [tilespmem:s12+$0xFFFFFFD0]  }
0x209: {  	v3 =	vmul.f32 v5, v3;
	v5 =	vld [tilespmem:s12+$0xFFFFFFE0];
	[tilespmem:s12+$0xFFFFFF60] =	vst v1  }
0x20a: {  	v7 =	vmul.f32 v7, v12;
	v1 =	vld.idx.msk [tilespmem:v8+s14+$0x0], $0xffff;
	[tilespmem:s12+$0xFFFFFF80] =	vst v4  }
0x20b: {  	[tilespmem:s12+$0xFFFFFF70] =	vst v3;
	v4 =	vld [tilespmem:s12+$0xFFFFFFF0];
	v3 =	vmul.f32 v9, v12  }
0x20c: {  	v8 =	vld [tilespmem:s12+$0x0];
	[tilespmem:s12+$0xFFFFFF90] =	vst v7;
	v7 =	vmul.f32 v10, v12  }
0x20d: {  	v9 =	vld [tilespmem:s12+$0x10];
	[tilespmem:s12+$0xFFFFFFA0] =	vst v3;
	v3 =	vmul.f32 v11, v12  }
0x20e: {  	[tilespmem:s12+$0xFFFFFFB0] =	vst v7;
	v6 =	vmul.f32 v6, v12;
	v7 =	vld [tilespmem:s12+$0x20]  }
0x20f: {  	v10 =	vld [tilespmem:s12+$0x30];
	[tilespmem:s12+$0xFFFFFFC0] =	vst v3;
	v3 =	vmul.f32 v5, v12  }
0x210: {  	v11 =	vld [tilespmem:s12+$0x40];
	[tilespmem:s12+$0xFFFFFFD0] =	vst v6;
	v5 =	vmul.f32 v4, v12  }
0x211: {  	v6 =	vmul.f32 v8, v2;
	v4 =	vld [tilespmem:s12+$0x50];
	[tilespmem:s12+$0xFFFFFFE0] =	vst v3  }
0x212: {  	s16 =	simm.s32 $0x4;
	v9 =	vmul.f32 v9, v2;
	[tilespmem:s12+$0xFFFFFFF0] =	vst v5;
	v3 =	vld [tilespmem:s12+$0x60]  }
0x213: {  	s19 =	simm.s32 $0x5;
	v8 =	vld [tilespmem:s12+$0x80];
	v5 =	vmov s16;
	[tilespmem:s12+$0x0] =	vst v6;
	v13 =	vmul.f32 v7, v2  }
0x214: {  	s24 =	simm.s32 $0x2980;
	s17 =	simm.s32 $0x7;
	v12 =	vmov s19;
	v10 =	vmul.f32 v10, v2;
	v6 =	vand.u32 $0xFFFFFFFC, v5;
	[tilespmem:s12+$0x10] =	vst v9;
	v7 =	vld [tilespmem:s12+$0x90]  }
0x215: {  	s13 =	simm.s32 $0x7E80;
	s16 =	simm.s32 $0x8;
	v5 =	vmov s17;
	s17 =	simm.s32 $0x6;
	v11 =	vmul.f32 v11, v2;
	v9 =	vld [tilespmem:s12+$0xA0];
	v6 =	vbroadcast v6, $0x0;
	[tilespmem:s12+$0x20] =	vst v13  }
.LBB2_9:
0x216: {  	p1 =	slt.u32 s16, $0x4C;
	v12 =	vand.u32 $0xFFFFFFFD, v12;
	v13 =	vmov s17;
	[tilespmem:s12+$0x30] =	vst v10;
	v4 =	vmul.f32 v4, v2;
	v10 =	vld [tilespmem:s12+$0xB0]  }
0x217: {  	v12 =	vbroadcast v12, $0x0;
	v13 =	vand.u32 $0xFFFFFFFE, v13;
	[tilespmem:s12+$0x40] =	vst v11;
	v2 =	vmul.f32 v3, v2;
	v3 =	vld [tilespmem:s12+$0xC0]  }
0x218: {  	v11 =	vbroadcast v13, $0x0;
	[tilespmem:s12+$0x50] =	vst v4;
	v4 =	vmul.f32 v8, v1;
	v8 =	vld [tilespmem:s12+$0xD0]  }
0x219: {  	[tilespmem:s12+$0x60] =	vst v2;
	v2 =	vmul.f32 v7, v1;
	v7 =	vld [tilespmem:s12+$0xE0]  }
0x21a: {  	[tilespmem:s12+$0x80] =	vst v4;
	v4 =	vmul.f32 v9, v1;
	v9 =	vld [tilespmem:s12+$0xF0]  }
0x21b: {  	v5 =	vld.idx.msk [tilespmem:v5+s14+$0x0], $0xffff;
	[tilespmem:s12+$0x90] =	vst v2;
	v2 =	vmul.f32 v10, v1  }
0x21c: {  	v6 =	vld.idx.msk [tilespmem:v6+s14+$0x0], $0xffff;
	[tilespmem:s12+$0xA0] =	vst v4;
	v3 =	vmul.f32 v3, v1  }
0x21d: {  	v4 =	vld.idx.msk [tilespmem:v12+s14+$0x0], $0xffff;
	[tilespmem:s12+$0xB0] =	vst v2;
	v8 =	vmul.f32 v8, v1  }
0x21e: {  	s12 =	sadd.s32 $0x200, s12;
	v2 =	vld.idx.msk [tilespmem:v11+s14+$0x0], $0xffff;
	[tilespmem:s13+$0xC0] =	vst v3;
	v3 =	vmul.f32 v7, v1  }
0x21f: {  	v7 =	vld [tilespmem:s12+$0x70];
	[tilespmem:s13+$0xD0] =	vst v8;
	v9 =	vmul.f32 v9, v1  }
0x220: {  	v8 =	vld [tilespmem:s12+$0xFFFFFF00];
	[tilespmem:s13+$0xE0] =	vst v3  }
0x221: {  	v1 =	vmov v5;
	v3 =	vld [tilespmem:s12+$0xFFFFFF10];
	[tilespmem:s13+$0xF0] =	vst v9;
	s13 =	smov.u32 s12  }
0x222: {  	v5 =	vld [tilespmem:s12+$0xFFFFFF20]  }
0x223: {  	v9 =	vld [tilespmem:s12+$0xFFFFFF30]  }
0x224: {  	v10 =	vld [tilespmem:s12+$0xFFFFFF40];
	v7 =	vmul.f32 v7, v2  }
0x225: {  	v8 =	vmul.f32 v8, v6;
	v11 =	vld [tilespmem:s12+$0xFFFFFF50]  }
0x226: {  	v3 =	vmul.f32 v3, v6;
	v12 =	vld [tilespmem:s12+$0xFFFFFF60];
	[tilespmem:s12+$0x70] =	vst v7  }
0x227: {  	[tilespmem:s12+$0xFFFFFF00] =	vst v8;
	v5 =	vmul.f32 v5, v6;
	v7 =	vld [tilespmem:s12+$0xFFFFFF70]  }
0x228: {  	[tilespmem:s12+$0xFFFFFF10] =	vst v3;
	v3 =	vmul.f32 v9, v6;
	v8 =	vld [tilespmem:s12+$0xFFFFFF80]  }
0x229: {  	[tilespmem:s12+$0xFFFFFF20] =	vst v5;
	v5 =	vmul.f32 v10, v6;
	v9 =	vld [tilespmem:s12+$0xFFFFFF90]  }
0x22a: {  	[tilespmem:s12+$0xFFFFFF30] =	vst v3;
	v3 =	vmul.f32 v11, v6;
	v10 =	vld [tilespmem:s12+$0xFFFFFFA0]  }
0x22b: {  	[tilespmem:s12+$0xFFFFFF40] =	vst v5;
	v5 =	vmul.f32 v12, v6;
	v11 =	vld [tilespmem:s12+$0xFFFFFFB0]  }
0x22c: {  	[tilespmem:s12+$0xFFFFFF50] =	vst v3;
	v3 =	vmul.f32 v7, v6;
	v6 =	vld [tilespmem:s12+$0xFFFFFFC0]  }
0x22d: {  	[tilespmem:s12+$0xFFFFFF60] =	vst v5;
	v5 =	vmul.f32 v8, v4;
	v7 =	vld [tilespmem:s12+$0xFFFFFFD0]  }
0x22e: {  	[tilespmem:s12+$0xFFFFFF70] =	vst v3;
	v3 =	vmul.f32 v9, v4;
	v8 =	vld [tilespmem:s12+$0xFFFFFFE0]  }
0x22f: {  	[tilespmem:s12+$0xFFFFFF80] =	vst v5;
	v5 =	vmul.f32 v10, v4;
	v9 =	vld [tilespmem:s12+$0xFFFFFFF0]  }
0x230: {  	[tilespmem:s12+$0xFFFFFF90] =	vst v3;
	v3 =	vmul.f32 v11, v4;
	v10 =	vld [tilespmem:s12+$0x0]  }
0x231: {  	[tilespmem:s12+$0xFFFFFFA0] =	vst v5;
	v5 =	vmul.f32 v6, v4;
	v6 =	vld [tilespmem:s12+$0x10]  }
0x232: {  	[tilespmem:s12+$0xFFFFFFB0] =	vst v3;
	v3 =	vmul.f32 v7, v4;
	v7 =	vld [tilespmem:s12+$0x20]  }
0x233: {  	[tilespmem:s12+$0xFFFFFFC0] =	vst v5;
	v5 =	vmul.f32 v8, v4;
	v11 =	vld [tilespmem:s12+$0x30]  }
0x234: {  	[tilespmem:s12+$0xFFFFFFD0] =	vst v3;
	v3 =	vmul.f32 v9, v4;
	v9 =	vld [tilespmem:s12+$0x40]  }
.Ltmp3:
0x235: {  	[tilespmem:s12+$0xFFFFFFE0] =	vst v5;
	v5 =	vmul.f32 v10, v2;
	v4 =	vld [tilespmem:s12+$0x50];
	(pc) =	sbr.rel @p1 .LBB2_9-.Ltmp3, $4  }
0x236: {  	[tilespmem:s12+$0xFFFFFFF0] =	vst v3;
	v6 =	vmul.f32 v6, v2;
	v3 =	vld [tilespmem:s12+$0x60]  }
0x237: {  	s17 =	sadd.s32 $0x3, s16;
	v10 =	vmov s16;
	[tilespmem:s12+$0x0] =	vst v5;
	v13 =	vmul.f32 v7, v2;
	v8 =	vld [tilespmem:s12+$0x80]  }
0x238: {  	s19 =	sadd.s32 $0x1, s16;
	v12 =	vand.u32 $0xFFFFFFFC, v10;
	v5 =	vmov s17;
	[tilespmem:s12+$0x10] =	vst v6;
	v10 =	vmul.f32 v11, v2;
	v7 =	vld [tilespmem:s12+$0x90]  }
0x239: {  	s17 =	sadd.s32 $0x2, s16;
	s16 =	sadd.s32 $0x4, s16;
	v6 =	vbroadcast v12, $0x0;
	v12 =	vmov s19;
	[tilespmem:s12+$0x20] =	vst v13;
	v11 =	vmul.f32 v9, v2;
	v9 =	vld [tilespmem:s12+$0xA0]  }
0x23a: {  	v13 =	vld [tilespmem:s12+$0xB0]  }
0x23b: {  	v15 =	vld [tilespmem:s12+$0xC0]  }
0x23c: {  	v16 =	vld [tilespmem:s12+$0xD0]  }
0x23d: {  	v17 =	vld [tilespmem:s12+$0xE0]  }
0x23e: {  	v29 =	vld [tilespmem:s12+$0xF0];
	[tilespmem:s12+$0x30] =	vst v10;
	v4 =	vmul.f32 v4, v2  }
0x23f: {  	v5 =	vld.idx.msk [tilespmem:v5+s14+$0x0], $0xffff;
	[tilespmem:s12+$0x40] =	vst v11;
	v2 =	vmul.f32 v3, v2  }
0x240: {  	s16 =	sadd.s32 $0x200, s12;
	v3 =	vld.idx.msk [tilespmem:v6+s14+$0x0], $0xffff;
	v8 =	vmul.f32 v8, v1;
	[tilespmem:s12+$0x50] =	vst v4  }
0x241: {  	v14 =	vmov s17;
	v34 =	vld [tilespmem:s16+$0x70];
	v30 =	vmul.f32 v7, v1;
	[tilespmem:s12+$0x60] =	vst v2  }
0x242: {  	v14 =	vand.u32 $0xFFFFFFFE, v14;
	v35 =	vld [tilespmem:s16+$0xFFFFFF00];
	[tilespmem:s12+$0x80] =	vst v8;
	v2 =	vmul.f32 v9, v1  }
0x243: {  	v37 =	vld [tilespmem:s16+$0xFFFFFF10];
	v14 =	vbroadcast v14, $0x0;
	[tilespmem:s12+$0x90] =	vst v30;
	v33 =	vmul.f32 v13, v1  }
0x244: {  	v38 =	vld [tilespmem:s16+$0xFFFFFF20];
	[tilespmem:s12+$0xA0] =	vst v2;
	v2 =	vmul.f32 v15, v1  }
0x245: {  	v12 =	vand.u32 $0xFFFFFFFD, v12;
	v39 =	vld [tilespmem:s16+$0xFFFFFF30];
	v36 =	vmul.f32 v16, v1;
	[tilespmem:s12+$0xB0] =	vst v33  }
0x246: {  	v12 =	vbroadcast v12, $0x0;
	v41 =	vld [tilespmem:s16+$0xFFFFFF50];
	[tilespmem:s13+$0xC0] =	vst v2;
	v2 =	vmul.f32 v17, v1  }
0x247: {  	v43 =	vld [tilespmem:s16+$0xFFFFFF60];
	[tilespmem:s13+$0xD0] =	vst v36;
	v1 =	vmul.f32 v29, v1  }
0x248: {  	v42 =	vmul.f32 v37, v3;
	[tilespmem:s13+$0xE0] =	vst v2;
	v2 =	vld [tilespmem:s16+$0xFFFFFF40]  }
0x249: {  	v32 =	vld.idx.msk [tilespmem:v14+s14+$0x0], $0xffff;
	[tilespmem:s13+$0xF0] =	vst v1;
	v1 =	vmul.f32 v35, v3  }
0x24a: {  	v44 =	vld [tilespmem:s16+$0xFFFFFF70];
	v4 =	vmul.f32 v39, v3;
	[tilespmem:s16+$0xFFFFFF10] =	vst v42  }
0x24b: {  	v45 =	vld [tilespmem:s16+$0xFFFFFF80];
	[tilespmem:s16+$0xFFFFFF00] =	vst v1;
	v1 =	vmul.f32 v38, v3  }
0x24c: {  	v46 =	vmul.f32 v41, v3;
	v31 =	vld.idx.msk [tilespmem:v12+s14+$0x0], $0xffff;
	[tilespmem:s16+$0xFFFFFF30] =	vst v4  }
0x24d: {  	[tilespmem:s16+$0xFFFFFF20] =	vst v1;
	v1 =	vmul.f32 v2, v3;
	v2 =	vld [tilespmem:s16+$0xFFFFFF90]  }
0x24e: {  	v47 =	vld [tilespmem:s16+$0xFFFFFFA0];
	[tilespmem:s16+$0xFFFFFF50] =	vst v46;
	v40 =	vmul.f32 v34, v32  }
0x24f: {  	v48 =	vld [tilespmem:s16+$0xFFFFFFB0];
	[tilespmem:s16+$0xFFFFFF40] =	vst v1;
	v1 =	vmul.f32 v43, v3  }
0x250: {  	v49 =	vld [tilespmem:s16+$0xFFFFFFC0];
	[tilespmem:s16+$0x70] =	vst v40;
	v3 =	vmul.f32 v44, v3  }
0x251: {  	v50 =	vld [tilespmem:s16+$0xFFFFFFD0];
	[tilespmem:s16+$0xFFFFFF60] =	vst v1;
	v1 =	vmul.f32 v45, v31  }
0x252: {  	[tilespmem:s16+$0xFFFFFF70] =	vst v3;
	v3 =	vld [tilespmem:s16+$0xFFFFFFE0];
	v2 =	vmul.f32 v2, v31  }
0x253: {  	v51 =	vld [tilespmem:s16+$0xFFFFFFF0];
	[tilespmem:s16+$0xFFFFFF80] =	vst v1;
	v1 =	vmul.f32 v47, v31  }
0x254: {  	v52 =	vld [tilespmem:s16+$0x0];
	[tilespmem:s16+$0xFFFFFF90] =	vst v2;
	v2 =	vmul.f32 v48, v31  }
0x255: {  	v53 =	vld [tilespmem:s16+$0x10];
	[tilespmem:s16+$0xFFFFFFA0] =	vst v1;
	v1 =	vmul.f32 v49, v31  }
0x256: {  	v54 =	vld [tilespmem:s16+$0x20];
	[tilespmem:s16+$0xFFFFFFB0] =	vst v2;
	v2 =	vmul.f32 v50, v31  }
0x257: {  	[tilespmem:s16+$0xFFFFFFC0] =	vst v1;
	v1 =	vmul.f32 v3, v31;
	v3 =	vld [tilespmem:s16+$0x30]  }
0x258: {  	v55 =	vld [tilespmem:s16+$0x40];
	[tilespmem:s16+$0xFFFFFFD0] =	vst v2;
	v2 =	vmul.f32 v51, v31  }
0x259: {  	v56 =	vld [tilespmem:s16+$0x50];
	[tilespmem:s16+$0xFFFFFFE0] =	vst v1;
	v1 =	vmul.f32 v52, v32  }
0x25a: {  	v57 =	vld [tilespmem:s16+$0x60];
	[tilespmem:s16+$0xFFFFFFF0] =	vst v2;
	v2 =	vmul.f32 v53, v32  }
0x25b: {  	v58 =	vld [tilespmem:s16+$0x80];
	[tilespmem:s16+$0x0] =	vst v1;
	v1 =	vmul.f32 v54, v32  }
0x25c: {  	[tilespmem:s16+$0x10] =	vst v2;
	v2 =	vmul.f32 v3, v32;
	v3 =	vld [tilespmem:s16+$0x90]  }
0x25d: {  	v59 =	vld [tilespmem:s16+$0xA0];
	[tilespmem:s16+$0x20] =	vst v1;
	v1 =	vmul.f32 v55, v32  }
0x25e: {  	v60 =	vld [tilespmem:s16+$0xB0];
	[tilespmem:s16+$0x30] =	vst v2;
	v2 =	vmul.f32 v56, v32  }
0x25f: {  	v61 =	vld [tilespmem:s16+$0xC0];
	[tilespmem:s16+$0x40] =	vst v1;
	v1 =	vmul.f32 v57, v32  }
0x260: {  	v62 =	vld [tilespmem:s16+$0xD0];
	[tilespmem:s16+$0x50] =	vst v2;
	v2 =	vmul.f32 v58, v5  }
0x261: {  	[tilespmem:s16+$0x60] =	vst v1;
	v1 =	vmul.f32 v3, v5;
	v3 =	vld [tilespmem:s16+$0xE0]  }
0x262: {  	v63 =	vld [tilespmem:s16+$0xF0];
	[tilespmem:s16+$0x80] =	vst v2;
	v2 =	vmul.f32 v59, v5  }
0x263: {  	[tilespmem:s16+$0x90] =	vst v1;
	v1 =	vmul.f32 v60, v5  }
0x264: {  	s6 =	sadd.s32 $0x1, s6;
	[tilespmem:s16+$0xA0] =	vst v2;
	v2 =	vmul.f32 v61, v5  }
0x265: {  	p1 =	sne.s32 s6, $0x29;
	[tilespmem:s16+$0xB0] =	vst v1;
	v1 =	vmul.f32 v62, v5  }
.Ltmp4:
0x266: {  	[tilespmem:s16+$0xC0] =	vst v2;
	v2 =	vmul.f32 v3, v5;
	(pc) =	sbr.rel @p1 .LBB2_4-.Ltmp4, $4  }
0x267: {  	[tilespmem:s16+$0xD0] =	vst v1;
	v1 =	vmul.f32 v63, v5  }
0x268: {  	[tilespmem:s16+$0xE0] =	vst v2  }
0x269: {  	s19 =	simm.s32 $0x2A00;
	s17 =	simm.s32 $0x7D80;
	[tilespmem:s16+$0xF0] =	vst v1  }
0x26a: {  	[spmem:s4] =	stream.indirect.scatter.add.f32 [tilespmem:s17], [sflag:$0xC], $0x80, s19, s23, $0xb8;
	[tilespmem:$0x1DE00] =	vst v63  }
0x26b: {  	s2 =	simm.s32 $0xC  }
0x26c: {  	_ =	swait.ge [sflag:s2], $0x2800  }
0x26d: {  	[sflag:s2] =	ssyncset.done $0x0  }
0x26e: {  	[sflag:s2] =	ssyncadd.s32 $0xFFFFD800  }
0x26f: {  	_ =	swait.ge [sflag:s28], $0x50  }
0x270: {  	[sflag:s28] =	ssyncset.done $0x0  }
0x271: {  	[sflag:s28] =	ssyncadd.s32 $0xFFFFFFB0  }
0x272: {  	_ =	swait.ge [sflag:s28], $0x50  }
0x273: {  	[sflag:s28] =	ssyncset.done $0x0  }
0x274: {  	[sflag:s28] =	ssyncadd.s32 $0xFFFFFFB0  }
0x275: {  	_ =	swait.ge [sflag:s28], $0x50  }
0x276: {  	[sflag:s28] =	ssyncset.done $0x0  }
0x277: {  	s13 =	simm.s32 $0x5580;
	s20 =	simm.s32 $0x7;
	[sflag:s28] =	ssyncadd.s32 $0xFFFFFFB0  }
0x278: {  	[tilespmem:s13], [sflag:$0x5] =	stream.indirect.gather [hbm4b:s1+s23], $0x80, s25, s23, $0xb8;
	[tilespmem:$0x1DE00] =	vst v63  }
0x279: {  	_ =	swait.ge [sflag:s20], $0x50  }
0x27a: {  	[sflag:s20] =	ssyncset.done $0x0  }
0x27b: {  	[sflag:s20] =	ssyncadd.s32 $0xFFFFFFB0  }
0x27c: {  	v1 =	vld [tilespmem:$0x2900];
	_ =	sdelay $0x5  }
0x27d: {  	v2 =	vld [tilespmem:$0x2A80]  }
0x27e: {  	s16 =	simm.s32 $0x0;
	v3 =	vld [tilespmem:$0x2910]  }
0x27f: {  	v1 =	vld.idx.msk [tilespmem:v1+s16+$0x0], $0xffff;
	_ =	sdelay $0x4  }
0x280: {  	v1 =	vmul.f32 v1, v2;
	_ =	sdelay $0x1  }
0x281: {  	[tilespmem:$0x2C00] =	vst v1;
	v1 =	vld [tilespmem:$0x2A90]  }
0x282: {  	v2 =	vld.idx.msk [tilespmem:v3+s16+$0x0], $0xffff  }
0x283: {  	v3 =	vld [tilespmem:$0x2920];
	_ =	sdelay $0x4  }
0x284: {  	v1 =	vmul.f32 v2, v1;
	_ =	sdelay $0x1  }
0x285: {  	[tilespmem:$0x2C10] =	vst v1;
	v1 =	vld [tilespmem:$0x2AA0]  }
0x286: {  	v2 =	vld.idx.msk [tilespmem:v3+s16+$0x0], $0xffff  }
0x287: {  	v3 =	vld [tilespmem:$0x2930];
	_ =	sdelay $0x4  }
0x288: {  	v1 =	vmul.f32 v2, v1;
	_ =	sdelay $0x1  }
0x289: {  	[tilespmem:$0x2C20] =	vst v1;
	v1 =	vld [tilespmem:$0x2AB0]  }
0x28a: {  	v2 =	vld.idx.msk [tilespmem:v3+s16+$0x0], $0xffff  }
0x28b: {  	v3 =	vld [tilespmem:$0x2940];
	_ =	sdelay $0x4  }
0x28c: {  	v1 =	vmul.f32 v2, v1;
	_ =	sdelay $0x1  }
0x28d: {  	[tilespmem:$0x2C30] =	vst v1;
	v1 =	vld [tilespmem:$0x2AC0]  }
0x28e: {  	v2 =	vld.idx.msk [tilespmem:v3+s16+$0x0], $0xffff;
	_ =	sdelay $0x3  }
0x28f: {  	v3 =	vmov s16  }
0x290: {  	s6 =	simm.s32 $0x2;
	v1 =	vmul.f32 v2, v1;
	v2 =	vand.u32 $0xFFFFFFFC, v3  }
0x291: {  	v3 =	vmov s6;
	v2 =	vbroadcast v2, $0x0  }
0x292: {  	s17 =	rddreg [dreg:$0x12];
	v3 =	vand.u32 $0xFFFFFFFE, v3;
	[tilespmem:$0x2C40] =	vst v1  }
0x293: {  	v1 =	vbroadcast v3, $0x0;
	[hbm4b:s17+s16] =	stream.linear.scatter [tilespmem:s30], [sflag:$0x7], $0x50, $0x38;
	[tilespmem:$0x1DE00] =	vst v63  }
0x294: {  	_ =	swait.ge [sflag:s31], $0x2800  }
0x295: {  	[sflag:s31] =	ssyncset.done $0x0  }
0x296: {  	[sflag:s31] =	ssyncadd.s32 $0xFFFFD800  }
0x297: {  	s2 =	simm.s32 $0x2E80;
	v3 =	vld.idx.msk [tilespmem:v2+s30+$0x0], $0xffff  }
0x298: {  	s12 =	simm.s32 $0x1;
	v4 =	vld [tilespmem:s2+$0x70]  }
0x299: {  	v2 =	vld.idx.msk [tilespmem:v1+s30+$0x0], $0xffff;
	v1 =	vmov s12  }
0x29a: {  	v5 =	vld [tilespmem:s2+$0xFFFFFF00];
	v1 =	vand.u32 $0xFFFFFFFD, v1  }
0x29b: {  	v6 =	vld [tilespmem:s2+$0xFFFFFF10];
	v1 =	vbroadcast v1, $0x0  }
0x29c: {  	v7 =	vld [tilespmem:s2+$0xFFFFFF20]  }
0x29d: {  	v8 =	vld [tilespmem:s2+$0xFFFFFF30]  }
0x29e: {  	v9 =	vld [tilespmem:s2+$0xFFFFFF40]  }
0x29f: {  	v10 =	vld [tilespmem:s2+$0xFFFFFF50]  }
0x2a0: {  	v11 =	vld [tilespmem:s2+$0xFFFFFF60];
	v5 =	vmul.f32 v5, v3  }
0x2a1: {  	v12 =	vld.idx.msk [tilespmem:v1+s30+$0x0], $0xffff;
	v1 =	vmul.f32 v4, v2  }
0x2a2: {  	[tilespmem:s2+$0xFFFFFF00] =	vst v5;
	v5 =	vld [tilespmem:s2+$0xFFFFFF70];
	v4 =	vmul.f32 v6, v3  }
0x2a3: {  	v6 =	vld [tilespmem:s2+$0xFFFFFF80];
	[tilespmem:s2+$0x70] =	vst v1;
	v1 =	vmul.f32 v7, v3  }
0x2a4: {  	s13 =	simm.s32 $0x3;
	[tilespmem:s2+$0xFFFFFF10] =	vst v4;
	v4 =	vmul.f32 v8, v3;
	v7 =	vld [tilespmem:s2+$0xFFFFFF90]  }
0x2a5: {  	v8 =	vmov s13;
	[tilespmem:s2+$0xFFFFFF20] =	vst v1;
	v1 =	vmul.f32 v9, v3;
	v9 =	vld [tilespmem:s2+$0xFFFFFFA0]  }
0x2a6: {  	[tilespmem:s2+$0xFFFFFF30] =	vst v4;
	v4 =	vmul.f32 v10, v3;
	v10 =	vld [tilespmem:s2+$0xFFFFFFB0]  }
0x2a7: {  	[tilespmem:s2+$0xFFFFFF40] =	vst v1;
	v1 =	vmul.f32 v11, v3;
	v11 =	vld [tilespmem:s2+$0xFFFFFFC0]  }
0x2a8: {  	[tilespmem:s2+$0xFFFFFF50] =	vst v4;
	v4 =	vmul.f32 v6, v12;
	v6 =	vld [tilespmem:s2+$0xFFFFFFD0]  }
0x2a9: {  	v3 =	vmul.f32 v5, v3;
	v5 =	vld [tilespmem:s2+$0xFFFFFFE0];
	[tilespmem:s2+$0xFFFFFF60] =	vst v1  }
0x2aa: {  	v7 =	vmul.f32 v7, v12;
	v1 =	vld.idx.msk [tilespmem:v8+s30+$0x0], $0xffff;
	[tilespmem:s2+$0xFFFFFF80] =	vst v4  }
0x2ab: {  	[tilespmem:s2+$0xFFFFFF70] =	vst v3;
	v4 =	vld [tilespmem:s2+$0xFFFFFFF0];
	v3 =	vmul.f32 v9, v12  }
0x2ac: {  	v8 =	vld [tilespmem:s2+$0x0];
	[tilespmem:s2+$0xFFFFFF90] =	vst v7;
	v7 =	vmul.f32 v10, v12  }
0x2ad: {  	v9 =	vld [tilespmem:s2+$0x10];
	[tilespmem:s2+$0xFFFFFFA0] =	vst v3;
	v3 =	vmul.f32 v11, v12  }
0x2ae: {  	[tilespmem:s2+$0xFFFFFFB0] =	vst v7;
	v6 =	vmul.f32 v6, v12;
	v7 =	vld [tilespmem:s2+$0x20]  }
0x2af: {  	v10 =	vld [tilespmem:s2+$0x30];
	[tilespmem:s2+$0xFFFFFFC0] =	vst v3;
	v3 =	vmul.f32 v5, v12  }
0x2b0: {  	v11 =	vld [tilespmem:s2+$0x40];
	[tilespmem:s2+$0xFFFFFFD0] =	vst v6;
	v5 =	vmul.f32 v4, v12  }
0x2b1: {  	v6 =	vmul.f32 v8, v2;
	v4 =	vld [tilespmem:s2+$0x50];
	[tilespmem:s2+$0xFFFFFFE0] =	vst v3  }
0x2b2: {  	s16 =	simm.s32 $0x4;
	v9 =	vmul.f32 v9, v2;
	[tilespmem:s2+$0xFFFFFFF0] =	vst v5;
	v3 =	vld [tilespmem:s2+$0x60]  }
0x2b3: {  	s12 =	simm.s32 $0x5;
	v8 =	vld [tilespmem:s2+$0x80];
	v5 =	vmov s16;
	[tilespmem:s2+$0x0] =	vst v6;
	v13 =	vmul.f32 v7, v2  }
0x2b4: {  	s17 =	simm.s32 $0x7;
	v12 =	vmov s12;
	v10 =	vmul.f32 v10, v2;
	v6 =	vand.u32 $0xFFFFFFFC, v5;
	[tilespmem:s2+$0x10] =	vst v9;
	v7 =	vld [tilespmem:s2+$0x90]  }
0x2b5: {  	s6 =	simm.s32 $0x2E80;
	s13 =	simm.s32 $0x6;
	s12 =	simm.s32 $0x8;
	v5 =	vmov s17;
	v11 =	vmul.f32 v11, v2;
	v9 =	vld [tilespmem:s2+$0xA0];
	v6 =	vbroadcast v6, $0x0;
	[tilespmem:s2+$0x20] =	vst v13  }
.LBB2_12:
0x2b6: {  	p1 =	slt.u32 s12, $0x4C;
	v12 =	vand.u32 $0xFFFFFFFD, v12;
	v13 =	vmov s13;
	[tilespmem:s2+$0x30] =	vst v10;
	v4 =	vmul.f32 v4, v2;
	v10 =	vld [tilespmem:s2+$0xB0]  }
0x2b7: {  	v12 =	vbroadcast v12, $0x0;
	v13 =	vand.u32 $0xFFFFFFFE, v13;
	[tilespmem:s2+$0x40] =	vst v11;
	v2 =	vmul.f32 v3, v2;
	v3 =	vld [tilespmem:s2+$0xC0]  }
0x2b8: {  	v11 =	vbroadcast v13, $0x0;
	[tilespmem:s2+$0x50] =	vst v4;
	v4 =	vmul.f32 v8, v1;
	v8 =	vld [tilespmem:s2+$0xD0]  }
0x2b9: {  	[tilespmem:s2+$0x60] =	vst v2;
	v2 =	vmul.f32 v7, v1;
	v7 =	vld [tilespmem:s2+$0xE0]  }
0x2ba: {  	[tilespmem:s2+$0x80] =	vst v4;
	v4 =	vmul.f32 v9, v1;
	v9 =	vld [tilespmem:s2+$0xF0]  }
0x2bb: {  	v5 =	vld.idx.msk [tilespmem:v5+s30+$0x0], $0xffff;
	[tilespmem:s2+$0x90] =	vst v2;
	v2 =	vmul.f32 v10, v1  }
0x2bc: {  	v6 =	vld.idx.msk [tilespmem:v6+s30+$0x0], $0xffff;
	[tilespmem:s2+$0xA0] =	vst v4;
	v3 =	vmul.f32 v3, v1  }
0x2bd: {  	v4 =	vld.idx.msk [tilespmem:v12+s30+$0x0], $0xffff;
	[tilespmem:s2+$0xB0] =	vst v2;
	v8 =	vmul.f32 v8, v1  }
0x2be: {  	s2 =	sadd.s32 $0x200, s2;
	v2 =	vld.idx.msk [tilespmem:v11+s30+$0x0], $0xffff;
	[tilespmem:s6+$0xC0] =	vst v3;
	v3 =	vmul.f32 v7, v1  }
0x2bf: {  	v7 =	vld [tilespmem:s2+$0x70];
	[tilespmem:s6+$0xD0] =	vst v8;
	v9 =	vmul.f32 v9, v1  }
0x2c0: {  	v8 =	vld [tilespmem:s2+$0xFFFFFF00];
	[tilespmem:s6+$0xE0] =	vst v3  }
0x2c1: {  	v1 =	vmov v5;
	v3 =	vld [tilespmem:s2+$0xFFFFFF10];
	[tilespmem:s6+$0xF0] =	vst v9;
	s6 =	smov.u32 s2  }
0x2c2: {  	v5 =	vld [tilespmem:s2+$0xFFFFFF20]  }
0x2c3: {  	v9 =	vld [tilespmem:s2+$0xFFFFFF30]  }
0x2c4: {  	v10 =	vld [tilespmem:s2+$0xFFFFFF40];
	v7 =	vmul.f32 v7, v2  }
0x2c5: {  	v8 =	vmul.f32 v8, v6;
	v11 =	vld [tilespmem:s2+$0xFFFFFF50]  }
0x2c6: {  	v3 =	vmul.f32 v3, v6;
	v12 =	vld [tilespmem:s2+$0xFFFFFF60];
	[tilespmem:s2+$0x70] =	vst v7  }
0x2c7: {  	[tilespmem:s2+$0xFFFFFF00] =	vst v8;
	v5 =	vmul.f32 v5, v6;
	v7 =	vld [tilespmem:s2+$0xFFFFFF70]  }
0x2c8: {  	[tilespmem:s2+$0xFFFFFF10] =	vst v3;
	v3 =	vmul.f32 v9, v6;
	v8 =	vld [tilespmem:s2+$0xFFFFFF80]  }
0x2c9: {  	[tilespmem:s2+$0xFFFFFF20] =	vst v5;
	v5 =	vmul.f32 v10, v6;
	v9 =	vld [tilespmem:s2+$0xFFFFFF90]  }
0x2ca: {  	[tilespmem:s2+$0xFFFFFF30] =	vst v3;
	v3 =	vmul.f32 v11, v6;
	v10 =	vld [tilespmem:s2+$0xFFFFFFA0]  }
0x2cb: {  	[tilespmem:s2+$0xFFFFFF40] =	vst v5;
	v5 =	vmul.f32 v12, v6;
	v11 =	vld [tilespmem:s2+$0xFFFFFFB0]  }
0x2cc: {  	[tilespmem:s2+$0xFFFFFF50] =	vst v3;
	v3 =	vmul.f32 v7, v6;
	v6 =	vld [tilespmem:s2+$0xFFFFFFC0]  }
0x2cd: {  	[tilespmem:s2+$0xFFFFFF60] =	vst v5;
	v5 =	vmul.f32 v8, v4;
	v7 =	vld [tilespmem:s2+$0xFFFFFFD0]  }
0x2ce: {  	[tilespmem:s2+$0xFFFFFF70] =	vst v3;
	v3 =	vmul.f32 v9, v4;
	v8 =	vld [tilespmem:s2+$0xFFFFFFE0]  }
0x2cf: {  	[tilespmem:s2+$0xFFFFFF80] =	vst v5;
	v5 =	vmul.f32 v10, v4;
	v9 =	vld [tilespmem:s2+$0xFFFFFFF0]  }
0x2d0: {  	[tilespmem:s2+$0xFFFFFF90] =	vst v3;
	v3 =	vmul.f32 v11, v4;
	v10 =	vld [tilespmem:s2+$0x0]  }
0x2d1: {  	[tilespmem:s2+$0xFFFFFFA0] =	vst v5;
	v5 =	vmul.f32 v6, v4;
	v6 =	vld [tilespmem:s2+$0x10]  }
0x2d2: {  	[tilespmem:s2+$0xFFFFFFB0] =	vst v3;
	v3 =	vmul.f32 v7, v4;
	v7 =	vld [tilespmem:s2+$0x20]  }
0x2d3: {  	[tilespmem:s2+$0xFFFFFFC0] =	vst v5;
	v5 =	vmul.f32 v8, v4;
	v11 =	vld [tilespmem:s2+$0x30]  }
0x2d4: {  	[tilespmem:s2+$0xFFFFFFD0] =	vst v3;
	v3 =	vmul.f32 v9, v4;
	v9 =	vld [tilespmem:s2+$0x40]  }
.Ltmp5:
0x2d5: {  	[tilespmem:s2+$0xFFFFFFE0] =	vst v5;
	v5 =	vmul.f32 v10, v2;
	v4 =	vld [tilespmem:s2+$0x50];
	(pc) =	sbr.rel @p1 .LBB2_12-.Ltmp5, $4  }
0x2d6: {  	[tilespmem:s2+$0xFFFFFFF0] =	vst v3;
	v6 =	vmul.f32 v6, v2;
	v3 =	vld [tilespmem:s2+$0x60]  }
0x2d7: {  	s13 =	sadd.s32 $0x3, s12;
	v10 =	vmov s12;
	[tilespmem:s2+$0x0] =	vst v5;
	v13 =	vmul.f32 v7, v2;
	v8 =	vld [tilespmem:s2+$0x80]  }
0x2d8: {  	s16 =	sadd.s32 $0x1, s12;
	v12 =	vand.u32 $0xFFFFFFFC, v10;
	v5 =	vmov s13;
	[tilespmem:s2+$0x10] =	vst v6;
	v10 =	vmul.f32 v11, v2;
	v7 =	vld [tilespmem:s2+$0x90]  }
0x2d9: {  	s13 =	sadd.s32 $0x2, s12;
	s12 =	sadd.s32 $0x4, s12;
	v6 =	vbroadcast v12, $0x0;
	v12 =	vmov s16;
	[tilespmem:s2+$0x20] =	vst v13;
	v11 =	vmul.f32 v9, v2;
	v9 =	vld [tilespmem:s2+$0xA0]  }
0x2da: {  	v13 =	vld [tilespmem:s2+$0xB0]  }
0x2db: {  	v15 =	vld [tilespmem:s2+$0xC0]  }
0x2dc: {  	v14 =	vmov s13;
	v16 =	vld [tilespmem:s2+$0xD0]  }
0x2dd: {  	v17 =	vld [tilespmem:s2+$0xE0];
	[tilespmem:s2+$0x30] =	vst v10;
	v4 =	vmul.f32 v4, v2;
	v14 =	vand.u32 $0xFFFFFFFE, v14  }
0x2de: {  	v12 =	vand.u32 $0xFFFFFFFD, v12;
	v5 =	vld.idx.msk [tilespmem:v5+s30+$0x0], $0xffff;
	[tilespmem:s2+$0x40] =	vst v11;
	v2 =	vmul.f32 v3, v2;
	v14 =	vbroadcast v14, $0x0  }
0x2df: {  	s12 =	sadd.s32 $0x200, s2;
	v12 =	vbroadcast v12, $0x0;
	v3 =	vld.idx.msk [tilespmem:v6+s30+$0x0], $0xffff;
	v8 =	vmul.f32 v8, v1;
	[tilespmem:s2+$0x50] =	vst v4  }
0x2e0: {  	v10 =	vld [tilespmem:s12+$0xFFFFFF00];
	v4 =	vmul.f32 v7, v1;
	[tilespmem:s2+$0x60] =	vst v2  }
0x2e1: {  	[tilespmem:s2+$0x80] =	vst v8;
	v8 =	vld [tilespmem:s2+$0xF0];
	v2 =	vmul.f32 v9, v1  }
0x2e2: {  	v11 =	vld [tilespmem:s12+$0xFFFFFF10];
	[tilespmem:s2+$0x90] =	vst v4;
	v4 =	vmul.f32 v13, v1  }
0x2e3: {  	v9 =	vld [tilespmem:s12+$0x70];
	[tilespmem:s2+$0xA0] =	vst v2;
	v2 =	vmul.f32 v15, v1  }
0x2e4: {  	[tilespmem:s2+$0xB0] =	vst v4;
	v4 =	vmul.f32 v16, v1;
	v7 =	vld.idx.msk [tilespmem:v14+s30+$0x0], $0xffff  }
0x2e5: {  	v6 =	vld.idx.msk [tilespmem:v12+s30+$0x0], $0xffff;
	[tilespmem:s6+$0xC0] =	vst v2;
	v2 =	vmul.f32 v17, v1  }
0x2e6: {  	v12 =	vld [tilespmem:s12+$0xFFFFFF20];
	[tilespmem:s6+$0xD0] =	vst v4;
	v1 =	vmul.f32 v8, v1  }
0x2e7: {  	v4 =	vld [tilespmem:s12+$0xFFFFFF30];
	[tilespmem:s6+$0xE0] =	vst v2  }
0x2e8: {  	v2 =	vld [tilespmem:s12+$0xFFFFFF40];
	[tilespmem:s6+$0xF0] =	vst v1;
	v1 =	vmul.f32 v10, v3  }
0x2e9: {  	v8 =	vmul.f32 v9, v7;
	v9 =	vld [tilespmem:s12+$0xFFFFFF50]  }
0x2ea: {  	v10 =	vmul.f32 v11, v3;
	v11 =	vld [tilespmem:s12+$0xFFFFFF60];
	[tilespmem:s12+$0xFFFFFF00] =	vst v1  }
0x2eb: {  	v1 =	vmul.f32 v12, v3;
	[tilespmem:s12+$0x70] =	vst v8;
	v8 =	vld [tilespmem:s12+$0xFFFFFF70]  }
0x2ec: {  	[tilespmem:s12+$0xFFFFFF10] =	vst v10;
	v10 =	vld [tilespmem:s12+$0xFFFFFF80];
	v4 =	vmul.f32 v4, v3  }
0x2ed: {  	[tilespmem:s12+$0xFFFFFF20] =	vst v1;
	v1 =	vmul.f32 v2, v3;
	v2 =	vld [tilespmem:s12+$0xFFFFFF90]  }
0x2ee: {  	[tilespmem:s12+$0xFFFFFF30] =	vst v4;
	v4 =	vmul.f32 v9, v3;
	v9 =	vld [tilespmem:s12+$0xFFFFFFA0]  }
0x2ef: {  	[tilespmem:s12+$0xFFFFFF40] =	vst v1;
	v1 =	vmul.f32 v11, v3;
	v11 =	vld [tilespmem:s12+$0xFFFFFFB0]  }
0x2f0: {  	[tilespmem:s12+$0xFFFFFF50] =	vst v4;
	v3 =	vmul.f32 v8, v3;
	v4 =	vld [tilespmem:s12+$0xFFFFFFC0]  }
0x2f1: {  	[tilespmem:s12+$0xFFFFFF60] =	vst v1;
	v1 =	vmul.f32 v10, v6;
	v8 =	vld [tilespmem:s12+$0xFFFFFFD0]  }
0x2f2: {  	v2 =	vmul.f32 v2, v6;
	[tilespmem:s12+$0xFFFFFF70] =	vst v3;
	v3 =	vld [tilespmem:s12+$0xFFFFFFE0]  }
0x2f3: {  	[tilespmem:s12+$0xFFFFFF80] =	vst v1;
	v1 =	vmul.f32 v9, v6;
	v9 =	vld [tilespmem:s12+$0xFFFFFFF0]  }
0x2f4: {  	v10 =	vld [tilespmem:s12+$0x0];
	[tilespmem:s12+$0xFFFFFF90] =	vst v2;
	v2 =	vmul.f32 v11, v6  }
0x2f5: {  	[tilespmem:s12+$0xFFFFFFA0] =	vst v1;
	v1 =	vmul.f32 v4, v6;
	v4 =	vld [tilespmem:s12+$0x10]  }
0x2f6: {  	[tilespmem:s12+$0xFFFFFFB0] =	vst v2;
	v2 =	vmul.f32 v8, v6;
	v8 =	vld [tilespmem:s12+$0x20]  }
0x2f7: {  	[tilespmem:s12+$0xFFFFFFC0] =	vst v1;
	v1 =	vmul.f32 v3, v6;
	v3 =	vld [tilespmem:s12+$0x30]  }
0x2f8: {  	[tilespmem:s12+$0xFFFFFFD0] =	vst v2;
	v2 =	vmul.f32 v9, v6;
	v6 =	vld [tilespmem:s12+$0x40]  }
0x2f9: {  	v9 =	vld [tilespmem:s12+$0x50];
	[tilespmem:s12+$0xFFFFFFE0] =	vst v1;
	v1 =	vmul.f32 v10, v7  }
0x2fa: {  	[tilespmem:s12+$0xFFFFFFF0] =	vst v2;
	v2 =	vmul.f32 v4, v7;
	v4 =	vld [tilespmem:s12+$0x60]  }
0x2fb: {  	[tilespmem:s12+$0x0] =	vst v1;
	v1 =	vmul.f32 v8, v7;
	v8 =	vld [tilespmem:s12+$0x80]  }
0x2fc: {  	[tilespmem:s12+$0x10] =	vst v2;
	v2 =	vmul.f32 v3, v7;
	v3 =	vld [tilespmem:s12+$0x90]  }
0x2fd: {  	[tilespmem:s12+$0x20] =	vst v1;
	v1 =	vmul.f32 v6, v7;
	v6 =	vld [tilespmem:s12+$0xA0]  }
0x2fe: {  	[tilespmem:s12+$0x30] =	vst v2;
	v2 =	vmul.f32 v9, v7;
	v9 =	vld [tilespmem:s12+$0xB0]  }
0x2ff: {  	[tilespmem:s12+$0x40] =	vst v1;
	v1 =	vmul.f32 v4, v7;
	v4 =	vld [tilespmem:s12+$0xC0]  }
0x300: {  	v7 =	vld [tilespmem:s12+$0xD0];
	[tilespmem:s12+$0x50] =	vst v2;
	v2 =	vmul.f32 v8, v5  }
0x301: {  	[tilespmem:s12+$0x60] =	vst v1;
	v1 =	vmul.f32 v3, v5;
	v3 =	vld [tilespmem:s12+$0xE0]  }
0x302: {  	[tilespmem:s12+$0x80] =	vst v2;
	v2 =	vmul.f32 v6, v5;
	v6 =	vld [tilespmem:s12+$0xF0]  }
0x303: {  	[tilespmem:s12+$0x90] =	vst v1;
	v1 =	vmul.f32 v9, v5  }
0x304: {  	[tilespmem:s12+$0xA0] =	vst v2;
	v2 =	vmul.f32 v4, v5  }
0x305: {  	[tilespmem:s12+$0xB0] =	vst v1;
	v1 =	vmul.f32 v7, v5  }
0x306: {  	[tilespmem:s12+$0xC0] =	vst v2;
	v2 =	vmul.f32 v3, v5  }
0x307: {  	[tilespmem:s12+$0xD0] =	vst v1;
	v1 =	vmul.f32 v6, v5  }
0x308: {  	[tilespmem:s12+$0xE0] =	vst v2  }
0x309: {  	[tilespmem:s12+$0xF0] =	vst v1  }
0x30a: {  	[spmem:s4] =	stream.indirect.scatter.add.f32 [tilespmem:s15], [sflag:$0xA], $0x80, s29, s23, $0xb8;
	[tilespmem:$0x1DE00] =	vst v63  }
0x30b: {  	_ =	swait.ge [sflag:s0], $0x2800  }
0x30c: {  	[sflag:s0] =	ssyncset.done $0x0  }
0x30d: {  	s6 =	simm.s32 $0x8;
	[sflag:s0] =	ssyncadd.s32 $0xFFFFD800  }
0x30e: {  	_ =	swait.ge [sflag:s6], $0x50  }
0x30f: {  	[sflag:s6] =	ssyncset.done $0x0  }
0x310: {  	[sflag:s6] =	ssyncadd.s32 $0xFFFFFFB0  }
0x311: {  	v1 =	vld [tilespmem:$0x2980];
	_ =	sdelay $0x5  }
0x312: {  	v2 =	vld [tilespmem:$0x2B00]  }
0x313: {  	s12 =	simm.s32 $0x0;
	v3 =	vld [tilespmem:$0x2990]  }
0x314: {  	v1 =	vld.idx.msk [tilespmem:v1+s12+$0x0], $0xffff;
	_ =	sdelay $0x4  }
0x315: {  	v1 =	vmul.f32 v1, v2;
	_ =	sdelay $0x1  }
0x316: {  	[tilespmem:$0x2C80] =	vst v1;
	v1 =	vld [tilespmem:$0x2B10]  }
0x317: {  	v2 =	vld.idx.msk [tilespmem:v3+s12+$0x0], $0xffff  }
0x318: {  	v3 =	vld [tilespmem:$0x29A0];
	_ =	sdelay $0x4  }
0x319: {  	v1 =	vmul.f32 v2, v1;
	_ =	sdelay $0x1  }
0x31a: {  	[tilespmem:$0x2C90] =	vst v1;
	v1 =	vld [tilespmem:$0x2B20]  }
0x31b: {  	v2 =	vld.idx.msk [tilespmem:v3+s12+$0x0], $0xffff  }
0x31c: {  	v3 =	vld [tilespmem:$0x29B0];
	_ =	sdelay $0x4  }
0x31d: {  	v1 =	vmul.f32 v2, v1;
	_ =	sdelay $0x1  }
0x31e: {  	[tilespmem:$0x2CA0] =	vst v1;
	v1 =	vld [tilespmem:$0x2B30]  }
0x31f: {  	v2 =	vld.idx.msk [tilespmem:v3+s12+$0x0], $0xffff  }
0x320: {  	v3 =	vld [tilespmem:$0x29C0];
	_ =	sdelay $0x4  }
0x321: {  	v1 =	vmul.f32 v2, v1;
	_ =	sdelay $0x1  }
0x322: {  	[tilespmem:$0x2CB0] =	vst v1;
	v1 =	vld [tilespmem:$0x2B40]  }
0x323: {  	v2 =	vld.idx.msk [tilespmem:v3+s12+$0x0], $0xffff;
	_ =	sdelay $0x3  }
0x324: {  	v3 =	vmov s12  }
0x325: {  	s13 =	simm.s32 $0x2;
	v1 =	vmul.f32 v2, v1;
	v2 =	vand.u32 $0xFFFFFFFC, v3  }
0x326: {  	v3 =	vmov s13;
	v2 =	vbroadcast v2, $0x0  }
0x327: {  	s16 =	rddreg [dreg:$0x13];
	v3 =	vand.u32 $0xFFFFFFFE, v3;
	[tilespmem:$0x2CC0] =	vst v1  }
0x328: {  	v1 =	vbroadcast v3, $0x0;
	[hbm4b:s16+s12] =	stream.linear.scatter [tilespmem:s26], [sflag:$0x8], $0x50, $0x38;
	[tilespmem:$0x1DE00] =	vst v63  }
0x329: {  	_ =	swait.ge [sflag:s18], $0x2800  }
0x32a: {  	[sflag:s18] =	ssyncset.done $0x0  }
0x32b: {  	[sflag:s18] =	ssyncadd.s32 $0xFFFFD800  }
0x32c: {  	s2 =	simm.s32 $0x5680;
	v3 =	vld.idx.msk [tilespmem:v2+s26+$0x0], $0xffff  }
0x32d: {  	s17 =	simm.s32 $0x1;
	v4 =	vld [tilespmem:s2+$0x70]  }
0x32e: {  	v2 =	vld.idx.msk [tilespmem:v1+s26+$0x0], $0xffff;
	v1 =	vmov s17  }
0x32f: {  	v5 =	vld [tilespmem:s2+$0xFFFFFF00];
	v1 =	vand.u32 $0xFFFFFFFD, v1  }
0x330: {  	v6 =	vld [tilespmem:s2+$0xFFFFFF10];
	v1 =	vbroadcast v1, $0x0  }
0x331: {  	v7 =	vld [tilespmem:s2+$0xFFFFFF20]  }
0x332: {  	v8 =	vld [tilespmem:s2+$0xFFFFFF30]  }
0x333: {  	v9 =	vld [tilespmem:s2+$0xFFFFFF40]  }
0x334: {  	v10 =	vld [tilespmem:s2+$0xFFFFFF50]  }
0x335: {  	v11 =	vld [tilespmem:s2+$0xFFFFFF60];
	v5 =	vmul.f32 v5, v3  }
0x336: {  	v12 =	vld.idx.msk [tilespmem:v1+s26+$0x0], $0xffff;
	v1 =	vmul.f32 v4, v2  }
0x337: {  	[tilespmem:s2+$0xFFFFFF00] =	vst v5;
	v5 =	vld [tilespmem:s2+$0xFFFFFF70];
	v4 =	vmul.f32 v6, v3  }
0x338: {  	v6 =	vld [tilespmem:s2+$0xFFFFFF80];
	[tilespmem:s2+$0x70] =	vst v1;
	v1 =	vmul.f32 v7, v3  }
0x339: {  	s12 =	simm.s32 $0x3;
	[tilespmem:s2+$0xFFFFFF10] =	vst v4;
	v4 =	vmul.f32 v8, v3;
	v7 =	vld [tilespmem:s2+$0xFFFFFF90]  }
0x33a: {  	v8 =	vmov s12;
	[tilespmem:s2+$0xFFFFFF20] =	vst v1;
	v1 =	vmul.f32 v9, v3;
	v9 =	vld [tilespmem:s2+$0xFFFFFFA0]  }
0x33b: {  	[tilespmem:s2+$0xFFFFFF30] =	vst v4;
	v4 =	vmul.f32 v10, v3;
	v10 =	vld [tilespmem:s2+$0xFFFFFFB0]  }
0x33c: {  	[tilespmem:s2+$0xFFFFFF40] =	vst v1;
	v1 =	vmul.f32 v11, v3;
	v11 =	vld [tilespmem:s2+$0xFFFFFFC0]  }
0x33d: {  	[tilespmem:s2+$0xFFFFFF50] =	vst v4;
	v4 =	vmul.f32 v6, v12;
	v6 =	vld [tilespmem:s2+$0xFFFFFFD0]  }
0x33e: {  	v3 =	vmul.f32 v5, v3;
	v5 =	vld [tilespmem:s2+$0xFFFFFFE0];
	[tilespmem:s2+$0xFFFFFF60] =	vst v1  }
0x33f: {  	v7 =	vmul.f32 v7, v12;
	v1 =	vld.idx.msk [tilespmem:v8+s26+$0x0], $0xffff;
	[tilespmem:s2+$0xFFFFFF80] =	vst v4  }
0x340: {  	[tilespmem:s2+$0xFFFFFF70] =	vst v3;
	v4 =	vld [tilespmem:s2+$0xFFFFFFF0];
	v3 =	vmul.f32 v9, v12  }
0x341: {  	v8 =	vld [tilespmem:s2+$0x0];
	[tilespmem:s2+$0xFFFFFF90] =	vst v7;
	v7 =	vmul.f32 v10, v12  }
0x342: {  	v9 =	vld [tilespmem:s2+$0x10];
	[tilespmem:s2+$0xFFFFFFA0] =	vst v3;
	v3 =	vmul.f32 v11, v12  }
0x343: {  	[tilespmem:s2+$0xFFFFFFB0] =	vst v7;
	v6 =	vmul.f32 v6, v12;
	v7 =	vld [tilespmem:s2+$0x20]  }
0x344: {  	v10 =	vld [tilespmem:s2+$0x30];
	[tilespmem:s2+$0xFFFFFFC0] =	vst v3;
	v3 =	vmul.f32 v5, v12  }
0x345: {  	v11 =	vld [tilespmem:s2+$0x40];
	[tilespmem:s2+$0xFFFFFFD0] =	vst v6;
	v5 =	vmul.f32 v4, v12  }
0x346: {  	v6 =	vmul.f32 v8, v2;
	v4 =	vld [tilespmem:s2+$0x50];
	[tilespmem:s2+$0xFFFFFFE0] =	vst v3  }
0x347: {  	s13 =	simm.s32 $0x4;
	v9 =	vmul.f32 v9, v2;
	[tilespmem:s2+$0xFFFFFFF0] =	vst v5;
	v3 =	vld [tilespmem:s2+$0x60]  }
0x348: {  	s17 =	simm.s32 $0x5;
	v8 =	vld [tilespmem:s2+$0x80];
	v5 =	vmov s13;
	[tilespmem:s2+$0x0] =	vst v6;
	v13 =	vmul.f32 v7, v2  }
0x349: {  	s6 =	simm.s32 $0x5680;
	s16 =	simm.s32 $0x7;
	v12 =	vmov s17;
	v10 =	vmul.f32 v10, v2;
	v6 =	vand.u32 $0xFFFFFFFC, v5;
	[tilespmem:s2+$0x10] =	vst v9;
	v7 =	vld [tilespmem:s2+$0x90]  }
0x34a: {  	s12 =	simm.s32 $0x8;
	s17 =	simm.s32 $0xD;
	s13 =	simm.s32 $0x6;
	v5 =	vmov s16;
	v11 =	vmul.f32 v11, v2;
	v9 =	vld [tilespmem:s2+$0xA0];
	v6 =	vbroadcast v6, $0x0;
	[tilespmem:s2+$0x20] =	vst v13  }
.LBB2_14:
0x34b: {  	p1 =	slt.u32 s12, $0x4C;
	v12 =	vand.u32 $0xFFFFFFFD, v12;
	v13 =	vmov s13;
	[tilespmem:s2+$0x30] =	vst v10;
	v4 =	vmul.f32 v4, v2;
	v10 =	vld [tilespmem:s2+$0xB0]  }
0x34c: {  	v12 =	vbroadcast v12, $0x0;
	v13 =	vand.u32 $0xFFFFFFFE, v13;
	[tilespmem:s2+$0x40] =	vst v11;
	v2 =	vmul.f32 v3, v2;
	v3 =	vld [tilespmem:s2+$0xC0]  }
0x34d: {  	v11 =	vbroadcast v13, $0x0;
	[tilespmem:s2+$0x50] =	vst v4;
	v4 =	vmul.f32 v8, v1;
	v8 =	vld [tilespmem:s2+$0xD0]  }
0x34e: {  	[tilespmem:s2+$0x60] =	vst v2;
	v2 =	vmul.f32 v7, v1;
	v7 =	vld [tilespmem:s2+$0xE0]  }
0x34f: {  	[tilespmem:s2+$0x80] =	vst v4;
	v4 =	vmul.f32 v9, v1;
	v9 =	vld [tilespmem:s2+$0xF0]  }
0x350: {  	v5 =	vld.idx.msk [tilespmem:v5+s26+$0x0], $0xffff;
	[tilespmem:s2+$0x90] =	vst v2;
	v2 =	vmul.f32 v10, v1  }
0x351: {  	v6 =	vld.idx.msk [tilespmem:v6+s26+$0x0], $0xffff;
	[tilespmem:s2+$0xA0] =	vst v4;
	v3 =	vmul.f32 v3, v1  }
0x352: {  	v4 =	vld.idx.msk [tilespmem:v12+s26+$0x0], $0xffff;
	[tilespmem:s2+$0xB0] =	vst v2;
	v8 =	vmul.f32 v8, v1  }
0x353: {  	s2 =	sadd.s32 $0x200, s2;
	v2 =	vld.idx.msk [tilespmem:v11+s26+$0x0], $0xffff;
	[tilespmem:s6+$0xC0] =	vst v3;
	v3 =	vmul.f32 v7, v1  }
0x354: {  	v7 =	vld [tilespmem:s2+$0x70];
	[tilespmem:s6+$0xD0] =	vst v8;
	v9 =	vmul.f32 v9, v1  }
0x355: {  	v8 =	vld [tilespmem:s2+$0xFFFFFF00];
	[tilespmem:s6+$0xE0] =	vst v3  }
0x356: {  	v1 =	vmov v5;
	v3 =	vld [tilespmem:s2+$0xFFFFFF10];
	[tilespmem:s6+$0xF0] =	vst v9;
	s6 =	smov.u32 s2  }
0x357: {  	v5 =	vld [tilespmem:s2+$0xFFFFFF20]  }
0x358: {  	v9 =	vld [tilespmem:s2+$0xFFFFFF30]  }
0x359: {  	v10 =	vld [tilespmem:s2+$0xFFFFFF40];
	v7 =	vmul.f32 v7, v2  }
0x35a: {  	v8 =	vmul.f32 v8, v6;
	v11 =	vld [tilespmem:s2+$0xFFFFFF50]  }
0x35b: {  	v3 =	vmul.f32 v3, v6;
	v12 =	vld [tilespmem:s2+$0xFFFFFF60];
	[tilespmem:s2+$0x70] =	vst v7  }
0x35c: {  	[tilespmem:s2+$0xFFFFFF00] =	vst v8;
	v5 =	vmul.f32 v5, v6;
	v7 =	vld [tilespmem:s2+$0xFFFFFF70]  }
0x35d: {  	[tilespmem:s2+$0xFFFFFF10] =	vst v3;
	v3 =	vmul.f32 v9, v6;
	v8 =	vld [tilespmem:s2+$0xFFFFFF80]  }
0x35e: {  	[tilespmem:s2+$0xFFFFFF20] =	vst v5;
	v5 =	vmul.f32 v10, v6;
	v9 =	vld [tilespmem:s2+$0xFFFFFF90]  }
0x35f: {  	[tilespmem:s2+$0xFFFFFF30] =	vst v3;
	v3 =	vmul.f32 v11, v6;
	v10 =	vld [tilespmem:s2+$0xFFFFFFA0]  }
0x360: {  	[tilespmem:s2+$0xFFFFFF40] =	vst v5;
	v5 =	vmul.f32 v12, v6;
	v11 =	vld [tilespmem:s2+$0xFFFFFFB0]  }
0x361: {  	[tilespmem:s2+$0xFFFFFF50] =	vst v3;
	v3 =	vmul.f32 v7, v6;
	v6 =	vld [tilespmem:s2+$0xFFFFFFC0]  }
0x362: {  	[tilespmem:s2+$0xFFFFFF60] =	vst v5;
	v5 =	vmul.f32 v8, v4;
	v7 =	vld [tilespmem:s2+$0xFFFFFFD0]  }
0x363: {  	[tilespmem:s2+$0xFFFFFF70] =	vst v3;
	v3 =	vmul.f32 v9, v4;
	v8 =	vld [tilespmem:s2+$0xFFFFFFE0]  }
0x364: {  	[tilespmem:s2+$0xFFFFFF80] =	vst v5;
	v5 =	vmul.f32 v10, v4;
	v9 =	vld [tilespmem:s2+$0xFFFFFFF0]  }
0x365: {  	[tilespmem:s2+$0xFFFFFF90] =	vst v3;
	v3 =	vmul.f32 v11, v4;
	v10 =	vld [tilespmem:s2+$0x0]  }
0x366: {  	[tilespmem:s2+$0xFFFFFFA0] =	vst v5;
	v5 =	vmul.f32 v6, v4;
	v6 =	vld [tilespmem:s2+$0x10]  }
0x367: {  	[tilespmem:s2+$0xFFFFFFB0] =	vst v3;
	v3 =	vmul.f32 v7, v4;
	v7 =	vld [tilespmem:s2+$0x20]  }
0x368: {  	[tilespmem:s2+$0xFFFFFFC0] =	vst v5;
	v5 =	vmul.f32 v8, v4;
	v11 =	vld [tilespmem:s2+$0x30]  }
0x369: {  	[tilespmem:s2+$0xFFFFFFD0] =	vst v3;
	v3 =	vmul.f32 v9, v4;
	v9 =	vld [tilespmem:s2+$0x40]  }
.Ltmp6:
0x36a: {  	[tilespmem:s2+$0xFFFFFFE0] =	vst v5;
	v5 =	vmul.f32 v10, v2;
	v4 =	vld [tilespmem:s2+$0x50];
	(pc) =	sbr.rel @p1 .LBB2_14-.Ltmp6, $4  }
0x36b: {  	[tilespmem:s2+$0xFFFFFFF0] =	vst v3;
	v6 =	vmul.f32 v6, v2;
	v3 =	vld [tilespmem:s2+$0x60]  }
0x36c: {  	s13 =	sadd.s32 $0x3, s12;
	v10 =	vmov s12;
	[tilespmem:s2+$0x0] =	vst v5;
	v13 =	vmul.f32 v7, v2;
	v8 =	vld [tilespmem:s2+$0x80]  }
0x36d: {  	s16 =	sadd.s32 $0x1, s12;
	v12 =	vand.u32 $0xFFFFFFFC, v10;
	v5 =	vmov s13;
	[tilespmem:s2+$0x10] =	vst v6;
	v10 =	vmul.f32 v11, v2;
	v7 =	vld [tilespmem:s2+$0x90]  }
0x36e: {  	s13 =	sadd.s32 $0x2, s12;
	s12 =	sadd.s32 $0x4, s12;
	v6 =	vbroadcast v12, $0x0;
	v12 =	vmov s16;
	[tilespmem:s2+$0x20] =	vst v13;
	v11 =	vmul.f32 v9, v2;
	v9 =	vld [tilespmem:s2+$0xA0]  }
0x36f: {  	v13 =	vld [tilespmem:s2+$0xB0]  }
0x370: {  	v15 =	vld [tilespmem:s2+$0xC0]  }
0x371: {  	v16 =	vld [tilespmem:s2+$0xD0]  }
0x372: {  	v17 =	vld [tilespmem:s2+$0xE0]  }
0x373: {  	v29 =	vld [tilespmem:s2+$0xF0];
	[tilespmem:s2+$0x30] =	vst v10;
	v4 =	vmul.f32 v4, v2  }
0x374: {  	v5 =	vld.idx.msk [tilespmem:v5+s26+$0x0], $0xffff;
	[tilespmem:s2+$0x40] =	vst v11;
	v2 =	vmul.f32 v3, v2  }
0x375: {  	s12 =	sadd.s32 $0x200, s2;
	v3 =	vld.idx.msk [tilespmem:v6+s26+$0x0], $0xffff;
	v8 =	vmul.f32 v8, v1;
	[tilespmem:s2+$0x50] =	vst v4  }
0x376: {  	v14 =	vmov s13;
	v34 =	vld [tilespmem:s12+$0x70];
	v30 =	vmul.f32 v7, v1;
	[tilespmem:s2+$0x60] =	vst v2  }
0x377: {  	v14 =	vand.u32 $0xFFFFFFFE, v14;
	v35 =	vld [tilespmem:s12+$0xFFFFFF00];
	[tilespmem:s2+$0x80] =	vst v8;
	v2 =	vmul.f32 v9, v1  }
0x378: {  	v37 =	vld [tilespmem:s12+$0xFFFFFF10];
	v14 =	vbroadcast v14, $0x0;
	[tilespmem:s2+$0x90] =	vst v30;
	v33 =	vmul.f32 v13, v1  }
0x379: {  	v38 =	vld [tilespmem:s12+$0xFFFFFF20];
	[tilespmem:s2+$0xA0] =	vst v2;
	v2 =	vmul.f32 v15, v1  }
0x37a: {  	v12 =	vand.u32 $0xFFFFFFFD, v12;
	v39 =	vld [tilespmem:s12+$0xFFFFFF30];
	v36 =	vmul.f32 v16, v1;
	[tilespmem:s2+$0xB0] =	vst v33  }
0x37b: {  	v12 =	vbroadcast v12, $0x0;
	v41 =	vld [tilespmem:s12+$0xFFFFFF50];
	[tilespmem:s6+$0xC0] =	vst v2;
	v2 =	vmul.f32 v17, v1  }
0x37c: {  	v43 =	vld [tilespmem:s12+$0xFFFFFF60];
	[tilespmem:s6+$0xD0] =	vst v36;
	v1 =	vmul.f32 v29, v1  }
0x37d: {  	v42 =	vmul.f32 v37, v3;
	[tilespmem:s6+$0xE0] =	vst v2;
	v2 =	vld [tilespmem:s12+$0xFFFFFF40]  }
0x37e: {  	v32 =	vld.idx.msk [tilespmem:v14+s26+$0x0], $0xffff;
	[tilespmem:s6+$0xF0] =	vst v1;
	v1 =	vmul.f32 v35, v3  }
0x37f: {  	v44 =	vld [tilespmem:s12+$0xFFFFFF70];
	v4 =	vmul.f32 v39, v3;
	[tilespmem:s12+$0xFFFFFF10] =	vst v42  }
0x380: {  	v45 =	vld [tilespmem:s12+$0xFFFFFF80];
	[tilespmem:s12+$0xFFFFFF00] =	vst v1;
	v1 =	vmul.f32 v38, v3  }
0x381: {  	v46 =	vmul.f32 v41, v3;
	v31 =	vld.idx.msk [tilespmem:v12+s26+$0x0], $0xffff;
	[tilespmem:s12+$0xFFFFFF30] =	vst v4  }
0x382: {  	[tilespmem:s12+$0xFFFFFF20] =	vst v1;
	v1 =	vmul.f32 v2, v3;
	v2 =	vld [tilespmem:s12+$0xFFFFFF90]  }
0x383: {  	v47 =	vld [tilespmem:s12+$0xFFFFFFA0];
	[tilespmem:s12+$0xFFFFFF50] =	vst v46;
	v40 =	vmul.f32 v34, v32  }
0x384: {  	v48 =	vld [tilespmem:s12+$0xFFFFFFB0];
	[tilespmem:s12+$0xFFFFFF40] =	vst v1;
	v1 =	vmul.f32 v43, v3  }
0x385: {  	v49 =	vld [tilespmem:s12+$0xFFFFFFC0];
	[tilespmem:s12+$0x70] =	vst v40;
	v3 =	vmul.f32 v44, v3  }
0x386: {  	v50 =	vld [tilespmem:s12+$0xFFFFFFD0];
	[tilespmem:s12+$0xFFFFFF60] =	vst v1;
	v1 =	vmul.f32 v45, v31  }
0x387: {  	[tilespmem:s12+$0xFFFFFF70] =	vst v3;
	v3 =	vld [tilespmem:s12+$0xFFFFFFE0];
	v2 =	vmul.f32 v2, v31  }
0x388: {  	v51 =	vld [tilespmem:s12+$0xFFFFFFF0];
	[tilespmem:s12+$0xFFFFFF80] =	vst v1;
	v1 =	vmul.f32 v47, v31  }
0x389: {  	v52 =	vld [tilespmem:s12+$0x0];
	[tilespmem:s12+$0xFFFFFF90] =	vst v2;
	v2 =	vmul.f32 v48, v31  }
0x38a: {  	v53 =	vld [tilespmem:s12+$0x10];
	[tilespmem:s12+$0xFFFFFFA0] =	vst v1;
	v1 =	vmul.f32 v49, v31  }
0x38b: {  	v54 =	vld [tilespmem:s12+$0x20];
	[tilespmem:s12+$0xFFFFFFB0] =	vst v2;
	v2 =	vmul.f32 v50, v31  }
0x38c: {  	[tilespmem:s12+$0xFFFFFFC0] =	vst v1;
	v1 =	vmul.f32 v3, v31;
	v3 =	vld [tilespmem:s12+$0x30]  }
0x38d: {  	v55 =	vld [tilespmem:s12+$0x40];
	[tilespmem:s12+$0xFFFFFFD0] =	vst v2;
	v2 =	vmul.f32 v51, v31  }
0x38e: {  	v56 =	vld [tilespmem:s12+$0x50];
	[tilespmem:s12+$0xFFFFFFE0] =	vst v1;
	v1 =	vmul.f32 v52, v32  }
0x38f: {  	v57 =	vld [tilespmem:s12+$0x60];
	[tilespmem:s12+$0xFFFFFFF0] =	vst v2;
	v2 =	vmul.f32 v53, v32  }
0x390: {  	v58 =	vld [tilespmem:s12+$0x80];
	[tilespmem:s12+$0x0] =	vst v1;
	v1 =	vmul.f32 v54, v32  }
0x391: {  	[tilespmem:s12+$0x10] =	vst v2;
	v2 =	vmul.f32 v3, v32;
	v3 =	vld [tilespmem:s12+$0x90]  }
0x392: {  	v59 =	vld [tilespmem:s12+$0xA0];
	[tilespmem:s12+$0x20] =	vst v1;
	v1 =	vmul.f32 v55, v32  }
0x393: {  	v60 =	vld [tilespmem:s12+$0xB0];
	[tilespmem:s12+$0x30] =	vst v2;
	v2 =	vmul.f32 v56, v32  }
0x394: {  	v61 =	vld [tilespmem:s12+$0xC0];
	[tilespmem:s12+$0x40] =	vst v1;
	v1 =	vmul.f32 v57, v32  }
0x395: {  	v62 =	vld [tilespmem:s12+$0xD0];
	[tilespmem:s12+$0x50] =	vst v2;
	v2 =	vmul.f32 v58, v5  }
0x396: {  	[tilespmem:s12+$0x60] =	vst v1;
	v1 =	vmul.f32 v3, v5;
	v3 =	vld [tilespmem:s12+$0xE0]  }
0x397: {  	v63 =	vld [tilespmem:s12+$0xF0];
	[tilespmem:s12+$0x80] =	vst v2;
	v2 =	vmul.f32 v59, v5  }
0x398: {  	[tilespmem:s12+$0x90] =	vst v1;
	v1 =	vmul.f32 v60, v5  }
0x399: {  	[tilespmem:s12+$0xA0] =	vst v2;
	v2 =	vmul.f32 v61, v5  }
0x39a: {  	[tilespmem:s12+$0xB0] =	vst v1;
	v1 =	vmul.f32 v62, v5  }
0x39b: {  	[tilespmem:s12+$0xC0] =	vst v2;
	v2 =	vmul.f32 v3, v5  }
0x39c: {  	[tilespmem:s12+$0xD0] =	vst v1;
	v1 =	vmul.f32 v63, v5  }
0x39d: {  	[tilespmem:s12+$0xE0] =	vst v2  }
0x39e: {  	s13 =	simm.s32 $0x5580;
	[tilespmem:s12+$0xF0] =	vst v1  }
0x39f: {  	[spmem:s4] =	stream.indirect.scatter.add.f32 [tilespmem:s13], [sflag:$0xB], $0x80, s24, s23, $0xb8;
	[tilespmem:$0x1DE00] =	vst v63  }
0x3a0: {  	_ =	swait.ge [sflag:s21], $0x2800  }
0x3a1: {  	[sflag:s21] =	ssyncset.done $0x0  }
0x3a2: {  	s16 =	simm.s32 $0x9;
	[sflag:s21] =	ssyncadd.s32 $0xFFFFD800  }
0x3a3: {  	_ =	swait.ge [sflag:s16], $0x50  }
0x3a4: {  	[sflag:s16] =	ssyncset.done $0x0  }
0x3a5: {  	[sflag:s16] =	ssyncadd.s32 $0xFFFFFFB0  }
0x3a6: {  	_ =	swait.ge [sflag:s20], $0x50  }
0x3a7: {  	[sflag:s20] =	ssyncset.done $0x0  }
0x3a8: {  	s6 =	simm.s32 $0x8;
	[sflag:s20] =	ssyncadd.s32 $0xFFFFFFB0  }
0x3a9: {  	_ =	swait.ge [sflag:s6], $0x50  }
0x3aa: {  	[sflag:s6] =	ssyncset.done $0x0  }
0x3ab: {  	[sflag:s6] =	ssyncadd.s32 $0xFFFFFFB0  }
0x3ac: {  	s12 =	stileid.u32;
	[bflag:$0x0] =	sbarrier.arrive $0xFFFF  }
0x3ad: {  	s2 =	sshll.u32 s12, $0x6;
	s16 =	rddreg [dreg:$0x7]  }
0x3ae: {  	s2 =	sor.u32 $0x1C0D, s2;
	s20 =	rddreg [dreg:$0x11];
	s13 =	sshrl.u32 s16, $0x3  }
0x3af: {  	[hbm:s20], [sflag:s2] =	dma.local [spmem:s13], $0x2700  }
0x3b0: {  	_ =	swait.ge [sflag:s17], $0x2700  }
0x3b1: {  	[sflag:s17] =	ssyncset.done $0x0;
	s13 =	rddreg [dreg:$0x1b]  }
0x3b2: {  	s12 =	rddreg [dreg:$0x14];
	[sflag:s17] =	ssyncadd.s32 $0xFFFFD900;
	s6 =	sshrl.u32 @!p0 s13, $0x3  }
0x3b3: {  	[hbm:s12], [sflag:s2] =	dma.local @!p0 [spmem:s6], $0x100  }
0x3b4: {  	s2 =	simm.s32 @!p0 $0xD  }
0x3b5: {  	_ =	swait.ge @!p0 [sflag:s2], $0x100  }
0x3b6: {  	s6 =	rddreg [dreg:$0x1f]  }
0x3b7: {  	s20 =	rddreg [dreg:$0x15];
	s12 =	sadd.s32 $0x1, s6  }
0x3b8: {  	p1 =	sne.s32 s12, s20  }
.Ltmp7:
0x3b9: {  	_ = 	snop;
	(pc) =	sbr.rel @p1 .LBB2_1-.Ltmp7, $3  }
0x3ba: {  	_ =	sdelay $0x1  }
0x3bb: {  	[sflag:s2] =	ssyncset.done @!p0 $0x0  }
0x3bc: {  	[sflag:s2] =	ssyncadd.s32 @!p0 $0xFFFFFF00  }
0x3bd: {  	_ =	sfence.sel $0x180000  }
0x3be: {  	[bflag:$0x0] =	sbarrier.arrive $0xFFFF  }
0x3bf: {  	_ =	strace $0x9000004A  }
0x3c0: {  	s0 =	stileid.u32;
	[bflag:$0x2] =	sbarrier.arrive $0xFFFF  }
0x3c1: {  	p0 =	sne.s32 s0, $0x0;
	s0 =	rddreg [dreg:$0x5]  }
0x3c2: {  	s0 =	sadd.s32 @!p0 $0x100000, s0  }
0x3c3: {  	[sflag:s0] =	ssyncadd.tile.s32 @!p0 $0x1;
	_ =	shalt  }
.Lfunc_end2:
_tile_overlayer_lowered:
.L_overlay_start_2:
0x3c4: {  	(tag) =	ssettag $0x2  }
0x3c5: {  	s0 =	rddreg [dreg:$0x0];
	s2 =	stileid.u32  }
0x3c6: {  	s1 =	rddreg [dreg:$0x1];
	p0 =	sne.s32 s2, $0x0  }
0x3c7: {  	s3 =	rddreg [dreg:$0x2];
	[bflag:$0x3] =	sbarrier.arrive $0xFFFF;
	s2 =	simm.s32 @!p0 $0x1C0D  }
0x3c8: {  	[timem:s3], [sflag:s2] =	dma.local @!p0 [hbm:s0], s1  }
0x3c9: {  	s0 =	simm.s32 @!p0 $0xD  }
0x3ca: {  	_ =	swait.ge @!p0 [sflag:s0], s1  }
0x3cb: {  	s1 =	ssub.s32 @!p0 $0x0, s1;
	[sflag:s0] =	ssyncset.done @!p0 $0x0  }
0x3cc: {  	[sflag:s0] =	ssyncadd.s32 @!p0 s1  }
0x3cd: {  	[bflag:$0x3] =	sbarrier.arrive $0xFFFF  }
0x3ce: {  	_ =	shalt  }

// kernel: kernel.7.cloned.1.call-start
scs
__scs_entry_jumppad:
0x0: {  	(pc) =	sbr.rel $0x88, $3  }
0x1: {  	(tag) =	ssettag $0x0;
	lr =	simm.s32 $0x1  }
0x2: {  	[smem:$0x3F9B] =	sst lr;
	_ =	strace $0xD0000000  }
0x3: {  	_ = 	snop  }
0x4: {  	_ = 	snop  }
0x5: {  	_ = 	snop  }
0x6: {  	_ = 	snop  }
0x7: {  	_ = 	snop  }
__scs_overlays_trampoline_lowered:
0x8: {  	[smem:$0x3FAA] =	sst s0  }
0x9: {  	[smem:$0x3FAB] =	sst s1  }
0xa: {  	[smem:$0x3FAC] =	sst s2  }
0xb: {  	[smem:$0x3FAD] =	sst s3  }
0xc: {  	[smem:$0x3FAE] =	sst s4  }
0xd: {  	[smem:$0x3FAF] =	sst s5  }
0xe: {  	[smem:$0x3FB0] =	sst s6  }
0xf: {  	[smem:$0x3FB1] =	sst s7  }
0x10: {  	[smem:$0x3FB2] =	sst s8  }
0x11: {  	[smem:$0x3FB3] =	sst s9;
	s0 =	simm.s32 @!p0 $0x0  }
0x12: {  	s1 =	sld [smem:$0x3F99];
	s0 =	simm.s32 @p0 $0x1  }
0x13: {  	[smem:$0x3FB4] =	sst s0;
	s0 =	simm.s32 @!p1 $0x0  }
0x14: {  	s2 =	sld [smem:$0x3F98];
	s0 =	simm.s32 @p1 $0x1  }
0x15: {  	[smem:$0x3FB5] =	sst s0;
	s0 =	simm.s32 @!p2 $0x0  }
0x16: {  	s3 =	sld [smem:$0x3FDB];
	s0 =	simm.s32 @p2 $0x1  }
0x17: {  	s4 =	simm.s32 $0x1BF5;
	[smem:$0x3FB7] =	sst s0  }
0x18: {  	s0 =	sld [smem:$0x3F9A];
	_ =	swait.ge [sflag:s4], $0x0  }
0x19: {  	s7 =	sld [smem:$0x3F9B]  }
0x1a: {  	s8 =	sadd.s32 $0xFFFFE003, lr  }
0x1b: {  	s9 =	sadd.s32 $0xFFFFFEF7, lr;
	s5 =	simm.s32 $0xFFFFFFFF;
	p2 =	slt.u32 s8, $0xFFFFF086  }
0x1c: {  	p1 =	slt.u32 s9, $0xF7A;
	s5 =	simm.s32 @!p2 $0x0  }
0x1d: {  	s5 =	simm.s32 @p1 $0x1;
	p0 =	seq.s32 s7, s2  }
0x1e: {  	s7 =	smul.u32 @!p0 $0xF7A, s2;
	p2 =	seq.s32 @!p0 s5, $0x0  }
0x1f: {  	s9 =	smul.u32 $0xF7A, s1;
	s8 =	simm.s32 @!p0 $0x1BF5;
	p2 =	por !p2, p0  }
0x20: {  	[sflag:s8] =	ssyncset.s32 @!p0 $0xFFFFF086;
	s6 =	sadd.s32 @!p0 s3, s7;
	s7 =	simm.s32 @!p0 $0x108  }
0x21: {  	s3 =	sadd.s32 s3, s9;
	s6 =	sadd.s32 @!p0 $0x88, s6;
	s7 =	simm.s32 @p2 $0x1082  }
0x22: {  	[simem:s7], [sflag:s8] =	dma.local @!p0 [hbm:s6], $0xF7A  }
0x23: {  	s9 =	sor.u32 $0xD0000000, s2;
	s6 =	simm.s32 $0x108;
	_ =	swait.ge @!p0 [sflag:s8], $0x0  }
0x24: {  	s3 =	sadd.s32 $0x88, s3;
	s6 =	simm.s32 @!p1 $0x1082;
	[sflag:s4] =	ssyncset.s32 $0xFFFFF086  }
0x25: {  	[simem:s6], [sflag:s4] =	dma.local [hbm:s3], $0xF7A  }
0x26: {  	[smem:$0x3F9B] =	sst s1;
	(tag) =	ssettag s2;
	_ =	strace s9  }
0x27: {  	s1 =	sld [smem:$0x3FAB]  }
0x28: {  	s2 =	sld [smem:$0x3FAC]  }
0x29: {  	s4 =	sld [smem:$0x3FAE]  }
0x2a: {  	p0 =	seq.s32 s5, $0x0;
	s5 =	sld [smem:$0x3FAF]  }
0x2b: {  	s6 =	sld [smem:$0x3FB0]  }
0x2c: {  	s7 =	sld [smem:$0x3FB1]  }
0x2d: {  	s3 =	simm.s32 $0x108;
	s8 =	sld [smem:$0x3FB2]  }
0x2e: {  	s3 =	simm.s32 @!p0 $0x1082;
	s9 =	sld [smem:$0x3FB3]  }
0x2f: {  	lr =	sadd.s32 s0, s3;
	s0 =	sld [smem:$0x3FAA]  }
0x30: {  	s3 =	sld [smem:$0x3FAD]  }
0x31: {  	[smem:$0x3FB6] =	sst s10  }
0x32: {  	s10 =	sld [smem:$0x3FB4];
	_ =	sdelay $0x3  }
0x33: {  	p0 =	seq.s32 s10, $0x1;
	s10 =	sld [smem:$0x3FB6];
	_ =	sdelay $0x3  }
0x34: {  	[smem:$0x3FB6] =	sst s10  }
0x35: {  	s10 =	sld [smem:$0x3FB5];
	_ =	sdelay $0x3  }
0x36: {  	p1 =	seq.s32 s10, $0x1;
	s10 =	sld [smem:$0x3FB6];
	_ =	sdelay $0x3  }
0x37: {  	[smem:$0x3FB6] =	sst s10  }
0x38: {  	s10 =	sld [smem:$0x3FB7]  }
0x39: {  	_ = 	snop;
	(pc) =	sbr.ind lr, $3  }
0x3a: {  	_ = 	snop  }
0x3b: {  	_ = 	snop  }
0x3c: {  	p2 =	seq.s32 s10, $0x1;
	s10 =	sld [smem:$0x3FB6]  }
0x3d: {  	_ =	shalt  }
0x3e: {  	_ =	shalt  }
0x3f: {  	_ =	shalt  }
0x40: {  	_ =	shalt  }
0x41: {  	_ =	shalt  }
0x42: {  	_ =	shalt  }
0x43: {  	_ =	shalt  }
0x44: {  	_ =	shalt  }
0x45: {  	_ =	shalt  }
0x46: {  	_ =	shalt  }
0x47: {  	_ =	shalt  }
0x48: {  	_ =	shalt  }
0x49: {  	_ =	shalt  }
0x4a: {  	_ =	shalt  }
0x4b: {  	_ =	shalt  }
0x4c: {  	_ =	shalt  }
0x4d: {  	_ =	shalt  }
0x4e: {  	_ =	shalt  }
0x4f: {  	_ =	shalt  }
0x50: {  	_ =	shalt  }
0x51: {  	_ =	shalt  }
0x52: {  	_ =	shalt  }
0x53: {  	_ =	shalt  }
0x54: {  	_ =	shalt  }
0x55: {  	_ =	shalt  }
0x56: {  	_ =	shalt  }
0x57: {  	_ =	shalt  }
0x58: {  	_ =	shalt  }
0x59: {  	_ =	shalt  }
0x5a: {  	_ =	shalt  }
0x5b: {  	_ =	shalt  }
0x5c: {  	_ =	shalt  }
0x5d: {  	_ =	shalt  }
0x5e: {  	_ =	shalt  }
0x5f: {  	_ =	shalt  }
0x60: {  	_ =	shalt  }
0x61: {  	_ =	shalt  }
0x62: {  	_ =	shalt  }
0x63: {  	_ =	shalt  }
0x64: {  	_ =	shalt  }
0x65: {  	_ =	shalt  }
0x66: {  	_ =	shalt  }
0x67: {  	_ =	shalt  }
0x68: {  	_ =	shalt  }
0x69: {  	_ =	shalt  }
0x6a: {  	_ =	shalt  }
0x6b: {  	_ =	shalt  }
0x6c: {  	_ =	shalt  }
0x6d: {  	_ =	shalt  }
0x6e: {  	_ =	shalt  }
0x6f: {  	_ =	shalt  }
0x70: {  	_ =	shalt  }
0x71: {  	_ =	shalt  }
0x72: {  	_ =	shalt  }
0x73: {  	_ =	shalt  }
0x74: {  	_ =	shalt  }
0x75: {  	_ =	shalt  }
0x76: {  	_ =	shalt  }
0x77: {  	_ =	shalt  }
0x78: {  	_ =	shalt  }
0x79: {  	_ =	shalt  }
0x7a: {  	_ =	shalt  }
0x7b: {  	_ =	shalt  }
0x7c: {  	_ =	shalt  }
0x7d: {  	_ =	shalt  }
0x7e: {  	_ =	shalt  }
0x7f: {  	_ =	shalt  }
0x80: {  	_ =	shalt  }
0x81: {  	_ =	shalt  }
0x82: {  	_ =	shalt  }
0x83: {  	_ =	shalt  }
0x84: {  	_ =	shalt  }
0x85: {  	_ =	shalt  }
0x86: {  	_ =	shalt  }
0x87: {  	_ =	shalt  }
.Lfunc_end0:
.L_simem_size_0:
called_computation_lowered:
.L_overlay_start_0:
0x88: {  	s2 =	sld [smem:$0x3FD9]  }
0x89: {  	s3 =	sld [smem:$0x3FFE];
	_ =	sdelay $0x1  }
0x8a: {  	s1 =	srdreg.scid  }
0x8b: {  	s0 =	sand.u32 $0x1, s1  }
0x8c: {  	s14 =	sshll.u32 s0, $0xA;
	s2 =	sadd.s32 s3, s2  }
0x8d: {  	s2 =	sadd.s32 s2, s14  }
0x8e: {  	[smem:$0x3FC2] =	sst s2  }
0x8f: {  	_ = 	snop  }
0x90: {  	s2 =	sld [smem:$0x3FD0];
	_ =	sdelay $0x2  }
0x91: {  	s15 =	simm.s32 $0xA;
	s4 =	simm.s32 $0x10  }
0x92: {  	[smem:s4], [sflag:s15] =	dma.local [hbm:s2], $0x1  }
0x93: {  	_ =	swait.eq [sflag:s15], $0x1  }
0x94: {  	[sflag:s15] =	ssyncset.done $0x0  }
0x95: {  	s16 =	sld [smem:$0x11];
	[sflag:s15] =	ssyncadd.s32 $0xFFFFFFFF  }
0x96: {  	s17 =	sld [smem:$0x12];
	(tm) =	ssettm $0x1  }
0x97: {  	s18 =	sld [smem:$0x3FFB];
	_ =	sdelay $0x3  }
0x98: {  	_ =	strace s18  }
0x99: {  	s4 =	sld [smem:$0x3FFC];
	_ =	sdelay $0x3  }
0x9a: {  	_ =	strace s4  }
0x9b: {  	s4 =	sld [smem:$0x3FFD];
	_ =	sdelay $0x3  }
0x9c: {  	_ =	strace s4  }
0x9d: {  	_ =	strace $0x8FFFFFFF  }
0x9e: {  	s19 =	sld [smem:$0x3FDB];
	_ =	sdelay $0x1  }
0x9f: {  	s5 =	simm.s32 $_scs_section_size  }
0xa0: {  	s6 =	simm.s32 $_size__tile_overlayer_lowered;
	s7 =	simm.s32 $_tile_overlayer_lowered  }
0xa1: {  	s22 =	simm.s32 $0x1BFF;
	s21 =	sshll.u32 s7, $0x1;
	s4 =	sadd.s32 s5, s19  }
0xa2: {  	s8 =	simm.s32 $0x0;
	s20 =	sshll.u32 s6, $0x1;
	s6 =	sadd.s32 s21, s4  }
0xa3: {  	[timem:s8], [sflag:s22] =	dma.local [hbm:s6], s20  }
0xa4: {  	_ =	swait.ge [sflag:s22], s20  }
0xa5: {  	s5 =	ssub.s32 $0x0, s20;
	[sflag:s22] =	ssyncset.done $0x0  }
0xa6: {  	[sflag:s22] =	ssyncadd.s32 s5;
	_ =	sdelay $0x1  }
0xa7: {  	s23 =	simm.s32 $0x1B8B  }
0xa8: {  	_ =	swait.ge [sflag:s23], $0x1  }
0xa9: {  	[sflag:s23] =	ssyncset.done $0x0  }
0xaa: {  	s25 =	simm.s32 $0x1B8E;
	s24 =	sld [smem:$0x3FFE];
	[sflag:s23] =	ssyncadd.s32 $0xFFFFFFFF  }
0xab: {  	s26 =	simm.s32 $execute0_lowered;
	[smem:$0x3FD2] =	sst s25  }
0xac: {  	s6 =	sshll.u32 s26, $0x1;
	_ =	strace $0x80000046;
	[dreg:$0x1] =	wrdreg $0xFFFFFFFF  }
0xad: {  	s28 =	simm.s32 $_size_execute0_lowered;
	s4 =	sadd.s32 s4, s6;
	[dreg:$0x0] =	wrdreg $0x0  }
0xae: {  	s6 =	sshll.u32 s28, $0x1;
	[dreg:$0x2] =	wrdreg s4  }
0xaf: {  	[dreg:$0x3] =	wrdreg s6  }
0xb0: {  	[dreg:$0x4] =	wrdreg $0xC0  }
0xb1: {  	_ =	task [dreg:s8], $0x5FFFF  }
0xb2: {  	[dreg:$0x1] =	wrdreg $0xFFFFFFFF  }
0xb3: {  	[dreg:$0x0] =	wrdreg $0x60  }
0xb4: {  	[dreg:$0x2] =	wrdreg s24  }
0xb5: {  	[dreg:$0x3] =	wrdreg s17  }
0xb6: {  	[dreg:$0x4] =	wrdreg s16  }
0xb7: {  	[dreg:$0x5] =	wrdreg $0x9  }
0xb8: {  	_ =	task.clear_ibuf [dreg:s8], $0x6FFFF;
	_ =	strace $0x90000046  }
0xb9: {  	s29 =	simm.s32 $0x9;
	_ =	strace $0x80000048  }
0xba: {  	_ =	swait.ge [sflag:s29], $0x1  }
0xbb: {  	[sflag:s29] =	ssyncadd.s32 $0xFFFFFFFF  }
0xbc: {  	_ =	strace $0x90000048  }
0xbd: {  	_ =	sfence  }
0xbe: {  	s30 =	sld [smem:$0x0];
	_ =	sdelay $0x2  }
0xbf: {  	s31 =	sshll.u32 s1, $0xD;
	s1 =	sshrl.u32 s1, $0x2  }
0xc0: {  	s3 =	sand.u32 $0x4000, s31;
	s1 =	sadd.s32 s1, s30  }
0xc1: {  	s0 =	sor.u32 s3, s0;
	s1 =	sshll.u32 s1, $0x11  }
0xc2: {  	s0 =	sor.u32 s1, s0  }
0xc3: {  	s0 =	sadd.s32 $0x8F2B, s0  }
0xc4: {  	[sflag:s0] =	ssyncadd.remote.s32 $0x1  }
0xc5: {  	_ =	sfence.sel $0xFFFF  }
0xc6: {  	[dreg:$0x0] =	wrdreg $0xFFFFFFFF;
	(pc) =	sbr.abs _section_cstart, $3  }
0xc7: {  	[dreg:$0x1] =	wrdreg $0xFFFFFFFF  }
0xc8: {  	_ =	task.clear_ibuf [dreg:s8], $0x2FFFF;
	_ =	strace $0x9FFFFFFF  }
0xc9: {  	(tm) =	ssettm $0x7FFFFFFF  }
tec
execute0_lowered:
.L_overlay_start_1:
0x0: {  	(tag) =	ssettag $0x1  }
0x1: {  	s6 =	rddreg [dreg:$0x0]  }
0x2: {  	s2 =	rddreg [dreg:$0x1];
	s1 =	srdreg.scid  }
0x3: {  	s0 =	stileid.u32;
	s7 =	rddreg [dreg:$0x2];
	s3 =	simm.s32 $0x0  }
0x4: {  	s12 =	simm.s32 $0x4F00;
	s13 =	simm.s32 $0x7680;
	s14 =	simm.s32 $0xED00  }
0x5: {  	s15 =	simm.s32 $0x1;
	s16 =	simm.s32 $0x9E00;
	s17 =	simm.s32 $0xC580  }
0x6: {  	s18 =	simm.s32 $0x2;
	s5 =	sand.u32 $0x1, s1;
	s4 =	sshll.u32 s0, $0x1  }
0x7: {  	s19 =	simm.s32 $0x0;
	s1 =	rddreg [dreg:$0x3];
	s4 =	sor.u32 s5, s4  }
0x8: {  	[smem:$0x7FF] =	sst s3;
	s9 =	ssub.s32 $0x2, s5;
	s8 =	smul.u32 $0x4E2, s4  }
0x9: {  	_ =	strace $0x80000047;
	s5 =	sadd.s32 $0x1400, s6;
	s31 =	sshrl.u32 s9, $0x1  }
0xa: {  	s4 =	sadd.s32 $0x1600, s6;
	s11 =	ssub.s32 s9, s31;
	s10 =	sadd.s32 s8, s6  }
0xb: {  	s7 =	sadd.s32 s7, s8;
	s6 =	sadd.s32 $0x1C00, s10;
	s8 =	sadd.s32 $0x15800, s10  }
0xc: {  	v0 =	vimm.f32 $0.0e+00;
	s9 =	sadd.s32 $0xBA00, s10;
	s10 =	smax.u32 s11, $0x1;
	s11 =	simm.s32 $0x2780  }
.LBB2_1:
0xd: {  	[tilespmem:s3], [sflag:$0x1] =	stream.linear.gather [hbm4b:s4+s3], $0x2780, $0x38;
	[tilespmem:$0xED80] =	vst v63  }
0xe: {  	_ = 	snop  }
0xf: {  	[tilespmem:s11], [sflag:$0x1] =	stream.linear.gather [hbm4b:s2+s3], $0x2780, $0x38;
	[tilespmem:$0xED80] =	vst v63  }
0x10: {  	_ = 	snop  }
0x11: {  	[tilespmem:s12], [sflag:$0x1] =	stream.linear.gather [hbm4b:s6+s3], $0x2710, $0x38;
	[tilespmem:$0xED80] =	vst v63  }
0x12: {  	_ = 	snop  }
0x13: {  	[tilespmem:s13], [sflag:$0x1] =	stream.linear.gather [hbm4b:s7+s3], $0x2710, $0x38;
	[tilespmem:$0xED80] =	vst v63  }
0x14: {  	_ = 	snop  }
0x15: {  	[tilespmem:s14], [sflag:$0x1] =	stream.linear.gather [hbm4b:s5+s3], $0x80, $0x38;
	[tilespmem:$0xED80] =	vst v63  }
0x16: {  	_ =	swait.ge [sflag:s15], $0x2780  }
0x17: {  	[sflag:s15] =	ssyncset.done $0x0  }
0x18: {  	[sflag:s15] =	ssyncadd.s32 $0xFFFFD880  }
0x19: {  	_ =	swait.ge [sflag:s15], $0x2780  }
0x1a: {  	[sflag:s15] =	ssyncset.done $0x0  }
0x1b: {  	[sflag:s15] =	ssyncadd.s32 $0xFFFFD880  }
0x1c: {  	_ =	swait.ge [sflag:s15], $0x2710  }
0x1d: {  	[sflag:s15] =	ssyncset.done $0x0  }
0x1e: {  	[sflag:s15] =	ssyncadd.s32 $0xFFFFD8F0  }
0x1f: {  	_ =	swait.ge [sflag:s15], $0x2710  }
0x20: {  	[sflag:s15] =	ssyncset.done $0x0  }
0x21: {  	[sflag:s15] =	ssyncadd.s32 $0xFFFFD8F0  }
0x22: {  	_ =	swait.ge [sflag:s15], $0x80  }
0x23: {  	[sflag:s15] =	ssyncset.done $0x0  }
0x24: {  	[sflag:s15] =	ssyncadd.s32 $0xFFFFFF80  }
0x25: {  	s20 =	simm.s32 $0x0;
	v1 =	vld [tilespmem:$0xED00]  }
.LBB2_2:
0x26: {  	p0 =	sne.s32 s20, $0x9C00  }
.Ltmp0:
0x27: {  	_ = 	snop;
	(pc) =	sbr.rel @p0 .LBB2_2-.Ltmp0, $3  }
0x28: {  	_ =	sdelay $0x1  }
0x29: {  	s21 =	sshra.s32 s20, $0x2  }
0x2a: {  	s20 =	sadd.s32 $0x40, s20;
	[tilespmem:s21+$0x9E00] =	vst v0  }
0x2b: {  	s20 =	simm.s32 $0x4F20  }
0x2c: {  	v4 =	vld [tilespmem:s20+$0x10]  }
0x2d: {  	s21 =	simm.s32 $0x76A0;
	v5 =	vld [tilespmem:s20+$0xFFFFFFF0]  }
0x2e: {  	v2 =	vld [tilespmem:s21+$0xFFFFFFE0]  }
0x2f: {  	v3 =	vld [tilespmem:s21+$0x10]  }
0x30: {  	v6 =	vld [tilespmem:s21+$0xFFFFFFF0]  }
0x31: {  	v7 =	vld [tilespmem:s21+$0x0]  }
0x32: {  	v8 =	vld [tilespmem:s20+$0xFFFFFFE0]  }
0x33: {  	v9 =	vld [tilespmem:s20+$0x0]  }
0x34: {  	v10 =	vld.idx.msk [tilespmem:v4+s3+$0x0], $0xffff  }
0x35: {  	v11 =	vld.idx.msk [tilespmem:v5+s3+$0x0], $0xffff  }
0x36: {  	v12 =	vld.idx.msk [tilespmem:v2+s11+$0x0], $0xffff  }
0x37: {  	v13 =	vld.idx.msk [tilespmem:v3+s11+$0x0], $0xffff  }
0x38: {  	v14 =	vld.idx.msk [tilespmem:v6+s11+$0x0], $0xffff  }
0x39: {  	v15 =	vld.idx.msk [tilespmem:v7+s11+$0x0], $0xffff  }
0x3a: {  	v8 =	vld.idx.msk [tilespmem:v8+s3+$0x0], $0xffff  }
0x3b: {  	v16 =	vld.idx.msk [tilespmem:v9+s3+$0x0], $0xffff  }
0x3c: {  	s30 =	simm.s32 $0x4F60  }
0x3d: {  	v17 =	vld [tilespmem:s30+$0x10]  }
0x3e: {  	v18 =	vld [tilespmem:s30+$0xFFFFFFF0];
	v11 =	vadd.f32 v14, v11  }
0x3f: {  	s31 =	simm.s32 $0x76E0;
	v19 =	vld [tilespmem:s30+$0xFFFFFFE0];
	v12 =	vadd.f32 v12, v8  }
0x40: {  	v5 =	vld [tilespmem:s31+$0xFFFFFFE0];
	v15 =	vadd.f32 v15, v16;
	v13 =	vadd.f32 v13, v10;
	v14 =	vmul.f32 $2.000000030e-01, v11  }
0x41: {  	v4 =	vld [tilespmem:s31+$0x10];
	v16 =	vmul.f32 $2.000000030e-01, v12;
	vm0 =	vge.f32 v11, $0.0e+00;
	vm1 =	vge.f32 v12, $0.0e+00  }
0x42: {  	v9 =	vld [tilespmem:s31+$0xFFFFFFF0];
	vm14 =	vge.f32 v15, $0.0e+00;
	v10 =	vsel vm0, v11, v14;
	v11 =	vmul.f32 $2.000000030e-01, v15  }
0x43: {  	v8 =	vld [tilespmem:s31+$0x0];
	v12 =	vsel vm1, v12, v16;
	v16 =	vmul.f32 $2.000000030e-01, v13;
	v20 =	vsub.f32 v10, v1  }
0x44: {  	vm15 =	vge.f32 v13, $0.0e+00;
	v14 =	vld [tilespmem:s30+$0x0];
	v11 =	vsel vm14, v15, v11;
	v15 =	vsub.f32 v12, v1  }
0x45: {  	v10 =	vld.idx.msk [tilespmem:v17+s3+$0x0], $0xffff;
	v13 =	vsel vm15, v13, v16;
	v16 =	vmul.f32 $1.442695020e+00, v20;
	v17 =	vsub.f32 v11, v1  }
0x46: {  	v12 =	vld.idx.msk [tilespmem:v18+s3+$0x0], $0xffff;
	v13 =	vsub.f32 v13, v1;
	v18 =	vmul.f32 $1.442695020e+00, v15  }
0x47: {  	v17 =	vmul.f32 $1.442695020e+00, v17;
	(erf) = vpow2.f32 v16  }
0x48: {  	v63 =	vmul.f32 $1.442695020e+00, v13;
	(erf) = vpow2.f32 v18  }
0x49: {  	v11 =	vld.idx.msk [tilespmem:v5+s11+$0x0], $0xffff;
	(erf) = vpow2.f32 v17  }
0x4a: {  	v15 =	vld.idx.msk [tilespmem:v4+s11+$0x0], $0xffff;
	(erf) = vpow2.f32 v63  }
0x4b: {  	v16 =	vld.idx.msk [tilespmem:v9+s11+$0x0], $0xffff  }
0x4c: {  	v13 =	vld.idx.msk [tilespmem:v8+s11+$0x0], $0xffff  }
0x4d: {  	s22 =	simm.s32 $0x4;
	s23 =	simm.s32 $0x7720;
	v17 =	vld.idx.msk [tilespmem:v19+s3+$0x0], $0xffff  }
0x4e: {  	s24 =	simm.s32 $0x4FA0;
	s20 =	simm.s32 $0xC5A0;
	s21 =	simm.s32 $0xC5A0;
	v14 =	vld.idx.msk [tilespmem:v14+s3+$0x0], $0xffff  }
.LBB2_4:
0x4f: {  	v18 =	vld [tilespmem:s23+$0x10];
	s22 =	sadd.s32 $0x4, s22;
	s20 =	sadd.s32 $0x40, s20  }
0x50: {  	v10 =	vadd.f32 v15, v10;
	v19 =	vld [tilespmem:s24+$0x10];
	p0 =	slt.u32 s22, $0x26C;
	v15 =	vpop (erf)  }
0x51: {  	v12 =	vadd.f32 v16, v12;
	v20 =	vld [tilespmem:s23+$0xFFFFFFE0];
	[tilespmem:s21+$0xFFFFFFF0] =	vst v15;
	v16 =	vpop (erf)  }
0x52: {  	v22 =	vmul.f32 $2.000000030e-01, v10;
	v21 =	vld [tilespmem:s23+$0xFFFFFFF0];
	[tilespmem:s21+$0xFFFFFFE0] =	vst v16;
	v23 =	vpop (erf)  }
0x53: {  	vm0 =	vge.f32 v10, $0.0e+00;
	v11 =	vadd.f32 v11, v17;
	v17 =	vmul.f32 $2.000000030e-01, v12;
	[tilespmem:v6+s16+$0x0] =	vst.idx.add.f32.msk $0xffff, v15;
	v15 =	vpop (erf)  }
0x54: {  	vm1 =	vge.f32 v12, $0.0e+00;
	v13 =	vadd.f32 v13, v14;
	v10 =	vsel vm0, v10, v22;
	v6 =	vmovc v9;
	v24 =	vld [tilespmem:s24+$0xFFFFFFF0];
	[tilespmem:s21+$0x10] =	vst v15  }
0x55: {  	v9 =	vmul.f32 $2.000000030e-01, v11;
	v12 =	vsel vm1, v12, v17;
	v10 =	vsub.f32 v10, v1;
	v14 =	vld [tilespmem:s23+$0x0];
	[tilespmem:s21+$0x0] =	vst v23;
	s21 =	smov.u32 s20  }
0x56: {  	vm0 =	vge.f32 v11, $0.0e+00;
	vm1 =	vge.f32 v13, $0.0e+00;
	v17 =	vmul.f32 $2.000000030e-01, v13;
	[tilespmem:v3+s16+$0x0] =	vst.idx.add.f32.msk $0xffff, v15;
	v3 =	vmovc v4;
	v4 =	vmovc v18  }
0x57: {  	v15 =	vsel vm0, v11, v9;
	v11 =	vsub.f32 v12, v1;
	v18 =	vmul.f32 $1.442695020e+00, v10;
	[tilespmem:v7+s16+$0x0] =	vst.idx.add.f32.msk $0xffff, v23  }
0x58: {  	v10 =	vsub.f32 v15, v1;
	v13 =	vsel vm1, v13, v17;
	[tilespmem:v2+s16+$0x0] =	vst.idx.add.f32.msk $0xffff, v16;
	v2 =	vmov v5  }
0x59: {  	v7 =	vmovc v8;
	v11 =	vmul.f32 $1.442695020e+00, v11;
	v12 =	vsub.f32 v13, v1;
	v5 =	vmovc v20;
	v9 =	vmov v21;
	v17 =	vld [tilespmem:s24+$0xFFFFFFE0]  }
0x5a: {  	v13 =	vmul.f32 $1.442695020e+00, v10;
	v21 =	vld [tilespmem:s24+$0x0];
	v8 =	vmov v14  }
0x5b: {  	v14 =	vmul.f32 $1.442695020e+00, v12;
	v10 =	vld.idx.msk [tilespmem:v19+s3+$0x0], $0xffff;
	(erf) = vpow2.f32 v11  }
0x5c: {  	v12 =	vld.idx.msk [tilespmem:v24+s3+$0x0], $0xffff;
	(erf) = vpow2.f32 v13  }
0x5d: {  	v11 =	vld.idx.msk [tilespmem:v20+s11+$0x0], $0xffff;
	(erf) = vpow2.f32 v14  }
.Ltmp1:
0x5e: {  	v15 =	vld.idx.msk [tilespmem:v4+s11+$0x0], $0xffff;
	(erf) = vpow2.f32 v18;
	(pc) =	sbr.rel @p0 .LBB2_4-.Ltmp1, $4  }
0x5f: {  	v16 =	vld.idx.msk [tilespmem:v9+s11+$0x0], $0xffff  }
0x60: {  	v13 =	vld.idx.msk [tilespmem:v8+s11+$0x0], $0xffff  }
0x61: {  	v17 =	vld.idx.msk [tilespmem:v17+s3+$0x0], $0xffff  }
0x62: {  	s23 =	sadd.s32 $0x40, s23;
	s24 =	sadd.s32 $0x40, s24;
	v14 =	vld.idx.msk [tilespmem:v21+s3+$0x0], $0xffff  }
0x63: {  	_ = 	snop  }
0x64: {  	v12 =	vadd.f32 v16, v12;
	_ =	sdelay $0x1  }
0x65: {  	v11 =	vadd.f32 v11, v17;
	v55 =	vmul.f32 $2.000000030e-01, v12  }
0x66: {  	vm0 =	vge.f32 v12, $0.0e+00;
	v13 =	vadd.f32 v13, v14  }
0x67: {  	v10 =	vadd.f32 v15, v10;
	v57 =	vmul.f32 $2.000000030e-01, v11;
	v12 =	vsel vm0, v12, v55  }
0x68: {  	vm13 =	vge.f32 v11, $0.0e+00;
	v58 =	vmul.f32 $2.000000030e-01, v13;
	v12 =	vsub.f32 v12, v1  }
0x69: {  	v56 =	vmul.f32 $2.000000030e-01, v10;
	vm1 =	vge.f32 v13, $0.0e+00;
	v11 =	vsel vm13, v11, v57  }
0x6a: {  	v11 =	vsub.f32 v11, v1;
	v13 =	vsel vm1, v13, v58;
	v12 =	vmul.f32 $1.442695020e+00, v12  }
0x6b: {  	vm14 =	vge.f32 v10, $0.0e+00;
	v13 =	vsub.f32 v13, v1  }
0x6c: {  	v10 =	vsel vm14, v10, v56;
	v11 =	vmul.f32 $1.442695020e+00, v11;
	(erf) = vpow2.f32 v12  }
0x6d: {  	v59 =	vpop (erf);
	v10 =	vsub.f32 v10, v1;
	v13 =	vmul.f32 $1.442695020e+00, v13  }
0x6e: {  	[tilespmem:s21+$0xFFFFFFF0] =	vst v59;
	v60 =	vpop (erf);
	(erf) = vpow2.f32 v11  }
0x6f: {  	[tilespmem:s21+$0xFFFFFFE0] =	vst v60;
	v10 =	vmul.f32 $1.442695020e+00, v10;
	(erf) = vpow2.f32 v13  }
0x70: {  	v61 =	vpop (erf);
	[tilespmem:v6+s16+$0x0] =	vst.idx.add.f32.msk $0xffff, v59  }
0x71: {  	[tilespmem:s21+$0x0] =	vst v61;
	(erf) = vpow2.f32 v10  }
0x72: {  	v62 =	vpop (erf);
	[tilespmem:v2+s16+$0x0] =	vst.idx.add.f32.msk $0xffff, v60  }
0x73: {  	[tilespmem:s21+$0x10] =	vst v62  }
0x74: {  	[tilespmem:v7+s16+$0x0] =	vst.idx.add.f32.msk $0xffff, v61  }
0x75: {  	s20 =	sadd.s32 $0x40, s20;
	[tilespmem:v3+s16+$0x0] =	vst.idx.add.f32.msk $0xffff, v62;
	v2 =	vpop (erf)  }
0x76: {  	[tilespmem:s20+$0xFFFFFFF0] =	vst v2  }
0x77: {  	v3 =	vpop (erf);
	[tilespmem:v9+s16+$0x0] =	vst.idx.add.f32.msk $0xffff, v2  }
0x78: {  	[tilespmem:s20+$0xFFFFFFE0] =	vst v3;
	v63 =	vpop (erf)  }
0x79: {  	[tilespmem:s20+$0x0] =	vst v63  }
0x7a: {  	v2 =	vpop (erf);
	[tilespmem:v5+s16+$0x0] =	vst.idx.add.f32.msk $0xffff, v3  }
0x7b: {  	[tilespmem:s20+$0x10] =	vst v2  }
0x7c: {  	[tilespmem:v8+s16+$0x0] =	vst.idx.add.f32.msk $0xffff, v63  }
0x7d: {  	[tilespmem:v4+s16+$0x0] =	vst.idx.add.f32.msk $0xffff, v2  }
0x7e: {  	v2 =	vld [tilespmem:$0x7600]  }
0x7f: {  	v3 =	vld [tilespmem:$0x9D80];
	_ =	sdelay $0x6  }
0x80: {  	v2 =	vld.idx.msk [tilespmem:v2+s3+$0x0], $0xffff  }
0x81: {  	v4 =	vld.idx.msk [tilespmem:v3+s11+$0x0], $0xffff;
	_ =	sdelay $0x4  }
0x82: {  	v2 =	vadd.f32 v4, v2;
	_ =	sdelay $0x1  }
0x83: {  	v4 =	vmul.f32 $2.000000030e-01, v2  }
0x84: {  	vm15 =	vge.f32 v2, $0.0e+00  }
0x85: {  	v2 =	vsel vm15, v2, v4  }
0x86: {  	v1 =	vsub.f32 v2, v1;
	_ =	sdelay $0x1  }
0x87: {  	v1 =	vmul.f32 $1.442695020e+00, v1;
	_ =	sdelay $0x1  }
0x88: {  	(erf) = vpow2.f32 v1;
	_ =	sdelay $0x8  }
0x89: {  	v1 =	vpop (erf)  }
0x8a: {  	[tilespmem:$0xEC80] =	vst v1  }
0x8b: {  	[tilespmem:v3+s16+$0x0] =	vst.idx.add.f32.msk $0xffff, v1  }
0x8c: {  	[hbm4b:s8+s3] =	stream.linear.scatter [tilespmem:s17], [sflag:$0x2], $0x2710, $0x38;
	[tilespmem:$0xED80] =	vst v63  }
0x8d: {  	s19 =	sadd.s32 $0x1, s19;
	_ =	swait.ge [sflag:s18], $0x2710  }
0x8e: {  	p0 =	sne.s32 s19, s10;
	[sflag:s18] =	ssyncset.done $0x0  }
.Ltmp2:
0x8f: {  	[sflag:s18] =	ssyncadd.s32 $0xFFFFD8F0;
	(pc) =	sbr.rel @p0 .LBB2_1-.Ltmp2, $4  }
0x90: {  	[hbm4b:s9+s3] =	stream.linear.scatter [tilespmem:s16], [sflag:$0x2], $0x2710, $0x38;
	[tilespmem:$0xED80] =	vst v63  }
0x91: {  	_ =	swait.ge [sflag:s18], $0x2710  }
0x92: {  	[sflag:s18] =	ssyncset.done $0x0  }
0x93: {  	[sflag:s18] =	ssyncadd.s32 $0xFFFFD8F0  }
0x94: {  	_ =	sfence.sel $0x180000  }
0x95: {  	[bflag:$0x0] =	sbarrier.arrive $0xFFFF  }
0x96: {  	p0 =	sne.s32 s0, $0x0;
	_ =	strace $0x90000047  }
0x97: {  	s0 =	sadd.s32 @!p0 $0x100000, s1;
	[bflag:$0x2] =	sbarrier.arrive $0xFFFF  }
0x98: {  	[sflag:s0] =	ssyncadd.tile.s32 @!p0 $0x1;
	_ =	shalt  }
.Lfunc_end2:
_tile_overlayer_lowered:
.L_overlay_start_2:
0x99: {  	(tag) =	ssettag $0x2  }
0x9a: {  	s0 =	rddreg [dreg:$0x0];
	s2 =	stileid.u32  }
0x9b: {  	s1 =	rddreg [dreg:$0x1];
	p0 =	sne.s32 s2, $0x0  }
0x9c: {  	s3 =	rddreg [dreg:$0x2];
	[bflag:$0x3] =	sbarrier.arrive $0xFFFF;
	s2 =	simm.s32 @!p0 $0x1C02  }
0x9d: {  	[timem:s3], [sflag:s2] =	dma.local @!p0 [hbm:s0], s1  }
0x9e: {  	s0 =	simm.s32 @!p0 $0x2  }
0x9f: {  	_ =	swait.ge @!p0 [sflag:s0], s1  }
0xa0: {  	s1 =	ssub.s32 @!p0 $0x0, s1;
	[sflag:s0] =	ssyncset.done @!p0 $0x0  }
0xa1: {  	[sflag:s0] =	ssyncadd.s32 @!p0 s1  }
0xa2: {  	[bflag:$0x3] =	sbarrier.arrive $0xFFFF  }
0xa3: {  	_ =	shalt  }

</sc_bundles>
